<compile_context>
chip_gen: v7x
topology: tpu7x:2x2x1
jax: 0.10.2.dev20260603
libtpu: 0.0.44.dev20260713+nightly
codegen_flags: <defaults>
</compile_context>

<pallas_src>
import functools

import jax
import jax.numpy as jnp
from jax import lax
from jax.experimental import pallas as pl
from jax.experimental.pallas import tpu as pltpu
from jax.experimental.pallas import tpu_sc as plsc

N = 10000
E = 160000
H = 128
D_EDGE = 16

NCORE = 2
NSUB = 16
NW = NCORE * NSUB

CH = 128
NCHUNK = E // CH
CPW = -(-NCHUNK // NW)
ZC = 80
NZCHUNK = N // ZC
ZPW = -(-NZCHUNK // NSUB)

NB = 1000
EB = 3200

_LANES = H // 16

_sc_mesh = lambda: plsc.VectorSubcoreMesh(
    core_axis_name="c", subcore_axis_name="s", num_cores=NCORE, num_subcores=NSUB)



def _sc_gather_body(s_hbm, t_hbm, rc_hbm, g_hbm,
                    rc0, rc1, sb0, tb0, sb1, tb1,
                    semi0, semi1, semg0, semg1, semo0, semo1):
  wid = lax.axis_index("s") * NCORE + lax.axis_index("c")
  rc = (rc0, rc1)
  sb = (sb0, sb1)
  tb = (tb0, tb1)
  semi = (semi0, semi1)
  semg = (semg0, semg1)
  semo = (semo0, semo1)

  def chunk_of(k):
    return wid + k * NW

  def idx_copy(k, b):
    return pltpu.make_async_copy(rc_hbm.at[chunk_of(k)], rc[b], semi[b])

  def gather_copies(k, b):
    return (pltpu.make_async_copy(s_hbm.at[rc[b].at[0]], sb[b], semg[b]),
            pltpu.make_async_copy(t_hbm.at[rc[b].at[1]], tb[b], semg[b]))

  def store_copy(k, b):
    return pltpu.make_async_copy(sb[b], g_hbm.at[pl.ds(chunk_of(k) * CH, CH)],
                                 semo[b])

  def issue_idx(k, b):
    @pl.when(chunk_of(k) < NCHUNK)
    def _():
      idx_copy(k, b).start()

  def issue_gather(k, b):
    @pl.when(chunk_of(k) < NCHUNK)
    def _():
      ca, cb = gather_copies(k, b)
      ca.start()
      cb.start()

  def body(k, b):
    @pl.when(chunk_of(k + 1) < NCHUNK)
    def _():
      idx_copy(k + 1, 1 - b).wait()

    @pl.when((k >= 1) & (chunk_of(k - 1) < NCHUNK))
    def _():
      store_copy(k - 1, 1 - b).wait()

    issue_gather(k + 1, 1 - b)

    @pl.when(chunk_of(k) < NCHUNK)
    def _():
      ca, cb = gather_copies(k, b)
      ca.wait()
      cb.wait()

    issue_idx(k + 2, b)

    @pl.when(chunk_of(k) < NCHUNK)
    def _():
      sbuf = sb[b]
      tbuf = tb[b]

      def addrow(i, carry2):
        for j in range(_LANES):
          sl = pl.ds(j * 16, 16)
          sbuf[i, sl] = sbuf[i, sl] + tbuf[i, sl]
        return carry2

      lax.fori_loop(0, CH, addrow, 0)
      store_copy(k, b).start()

  issue_idx(0, 0)

  @pl.when(chunk_of(0) < NCHUNK)
  def _():
    idx_copy(0, 0).wait()

  issue_gather(0, 0)
  issue_idx(1, 1)

  def outer(j, carry):
    body(2 * j, 0)
    body(2 * j + 1, 1)
    return carry

  lax.fori_loop(0, CPW // 2, outer, 0)

  @pl.when(chunk_of(CPW - 1) < NCHUNK)
  def _():
    store_copy(CPW - 1, (CPW - 1) % 2).wait()


_sc_gather = functools.partial(
    pl.kernel,
    out_type=jax.ShapeDtypeStruct((E, H), jnp.float32),
    mesh=_sc_mesh(),
    scratch_types=[
        pltpu.VMEM((2, CH), jnp.int32),
        pltpu.VMEM((2, CH), jnp.int32),
        pltpu.VMEM((CH, H), jnp.float32),
        pltpu.VMEM((CH, H), jnp.float32),
        pltpu.VMEM((CH, H), jnp.float32),
        pltpu.VMEM((CH, H), jnp.float32),
        pltpu.SemaphoreType.DMA,
        pltpu.SemaphoreType.DMA,
        pltpu.SemaphoreType.DMA,
        pltpu.SemaphoreType.DMA,
        pltpu.SemaphoreType.DMA,
        pltpu.SemaphoreType.DMA,
    ],
)(_sc_gather_body)



def _sc_scatter_body(gm_hbm, rc_hbm, out_hbm,
                     rc0, rc1, rc2, vb0, vb1, vb2, acc,
                     seml0, seml1, seml2, sema0, sema1, sema2, semz):
  cid = lax.axis_index("c")
  sid = lax.axis_index("s")
  wid = sid * NCORE + cid
  rc = (rc0, rc1, rc2)
  vb = (vb0, vb1, vb2)
  seml = (seml0, seml1, seml2)
  sema = (sema0, sema1, sema2)

  def chunk_of(k):
    return wid + k * NW

  def load_copies(k, b):
    c = chunk_of(k)
    return (pltpu.make_async_copy(rc_hbm.at[c], rc[b], seml[b]),
            pltpu.make_async_copy(gm_hbm.at[pl.ds(c * CH, CH)], vb[b],
                                  seml[b]))

  def add_copy(k, b):
    return pltpu.make_async_copy(vb[b], acc.at[rc[b].at[1]], sema[b])

  def issue_load(k, b):
    @pl.when(chunk_of(k) < NCHUNK)
    def _():
      ca, cb = load_copies(k, b)
      ca.start()
      cb.start()

  issue_load(0, 0)
  issue_load(1, 1)

  def zrow(i, carry):
    for j in range(_LANES):
      vb2[i, pl.ds(j * 16, 16)] = jnp.zeros((16,), jnp.float32)
    return carry

  lax.fori_loop(0, ZC, zrow, 0)

  def zchunk(k, carry):
    z = sid + k * NSUB

    @pl.when(z < NZCHUNK)
    def _():
      pltpu.sync_copy(vb2.at[pl.ds(0, ZC)], acc.at[pl.ds(z * ZC, ZC)])

    return carry

  lax.fori_loop(0, ZPW, zchunk, 0)
  plsc.subcore_barrier()

  def step(k, b):
    @pl.when(chunk_of(k) < NCHUNK)
    def _():
      ca, cb = load_copies(k, b)
      ca.wait()
      cb.wait()
      add_copy(k, b).start(add=True)

    @pl.when((k >= 1) & (chunk_of(k - 1) < NCHUNK))
    def _():
      add_copy(k - 1, (b - 1) % 3).wait()

    issue_load(k + 2, (b + 2) % 3)

  def outer(j, carry):
    for b in (0, 1, 2):
      step(3 * j + b, b)
    return carry

  lax.fori_loop(0, (CPW - 1) // 3, outer, 0)
  step(CPW - 1, (CPW - 1) % 3)

  @pl.when(chunk_of(CPW - 1) < NCHUNK)
  def _():
    add_copy(CPW - 1, (CPW - 1) % 3).wait()

  plsc.subcore_barrier()

  def ochunk(k, carry):
    z = sid + k * NSUB

    @pl.when(z < NZCHUNK)
    def _():
      pltpu.async_copy(acc.at[pl.ds(z * ZC, ZC)],
                       out_hbm.at[cid, pl.ds(z * ZC, ZC)], semz)

    return carry

  lax.fori_loop(0, ZPW, ochunk, 0)

  def odrain(k, carry):
    z = sid + k * NSUB

    @pl.when(z < NZCHUNK)
    def _():
      pltpu.make_async_copy(acc.at[pl.ds(z * ZC, ZC)],
                            out_hbm.at[cid, pl.ds(z * ZC, ZC)], semz).wait()

    return carry

  lax.fori_loop(0, ZPW, odrain, 0)


_sc_scatter = functools.partial(
    pl.kernel,
    out_type=jax.ShapeDtypeStruct((NCORE, N, H), jnp.float32),
    mesh=_sc_mesh(),
    scratch_types=[
        pltpu.VMEM((2, CH), jnp.int32),
        pltpu.VMEM((2, CH), jnp.int32),
        pltpu.VMEM((2, CH), jnp.int32),
        pltpu.VMEM((CH, H), jnp.float32),
        pltpu.VMEM((CH, H), jnp.float32),
        pltpu.VMEM((CH, H), jnp.float32),
        pltpu.VMEM_SHARED((N, H), jnp.float32),
        pltpu.SemaphoreType.DMA,
        pltpu.SemaphoreType.DMA,
        pltpu.SemaphoreType.DMA,
        pltpu.SemaphoreType.DMA,
        pltpu.SemaphoreType.DMA,
        pltpu.SemaphoreType.DMA,
        pltpu.SemaphoreType.DMA,
    ],
)(_sc_scatter_body)



def _node_first_body(x_ref, wn_ref, bn_ref, wst_ref, s_ref, t_ref):
  h = jnp.dot(x_ref[...], wn_ref[...], preferred_element_type=jnp.float32)
  h = jnp.maximum(h + bn_ref[...], 0.0)
  st = jnp.dot(h, wst_ref[...], preferred_element_type=jnp.float32)
  s_ref[...] = st[:, :H]
  t_ref[...] = st[:, H:]


def _node_first(x, wn, bn, wst):
  return pl.pallas_call(
      _node_first_body,
      grid=(N // NB,),
      in_specs=[
          pl.BlockSpec((NB, H), lambda i: (i, 0)),
          pl.BlockSpec((H, H), lambda i: (0, 0)),
          pl.BlockSpec((1, H), lambda i: (0, 0)),
          pl.BlockSpec((H, 2 * H), lambda i: (0, 0)),
      ],
      out_specs=[pl.BlockSpec((NB, H), lambda i: (i, 0)),
                 pl.BlockSpec((NB, H), lambda i: (i, 0))],
      out_shape=[jax.ShapeDtypeStruct((N, H), jnp.float32),
                 jax.ShapeDtypeStruct((N, H), jnp.float32)],
  )(x, wn, bn, wst)


def _node_mid_body(p0_ref, p1_ref, wst_ref, s_ref, t_ref):
  h = jnp.maximum(p0_ref[...] + p1_ref[...], 0.0)
  st = jnp.dot(h, wst_ref[...], preferred_element_type=jnp.float32)
  s_ref[...] = st[:, :H]
  t_ref[...] = st[:, H:]


def _node_mid(p0, p1, wst):
  return pl.pallas_call(
      _node_mid_body,
      grid=(N // NB,),
      in_specs=[
          pl.BlockSpec((NB, H), lambda i: (i, 0)),
          pl.BlockSpec((NB, H), lambda i: (i, 0)),
          pl.BlockSpec((H, 2 * H), lambda i: (0, 0)),
      ],
      out_specs=[pl.BlockSpec((NB, H), lambda i: (i, 0)),
                 pl.BlockSpec((NB, H), lambda i: (i, 0))],
      out_shape=[jax.ShapeDtypeStruct((N, H), jnp.float32),
                 jax.ShapeDtypeStruct((N, H), jnp.float32)],
  )(p0, p1, wst)


def _node_head_body(p0_ref, p1_ref, wh_ref, bh_ref, sem_ref, num_ref, ver_ref):
  h = jnp.maximum(p0_ref[...] + p1_ref[...], 0.0)
  o = jnp.dot(h, wh_ref[...], preferred_element_type=jnp.float32) + bh_ref[...]
  sem_ref[...] = o[:, :32]
  num_ref[...] = o[:, 32:37]
  ver_ref[...] = o[:, 37:38]


def _node_head(p0, p1, wh, bh):
  return pl.pallas_call(
      _node_head_body,
      grid=(N // NB,),
      in_specs=[
          pl.BlockSpec((NB, H), lambda i: (i, 0)),
          pl.BlockSpec((NB, H), lambda i: (i, 0)),
          pl.BlockSpec((H, H), lambda i: (0, 0)),
          pl.BlockSpec((1, H), lambda i: (0, 0)),
      ],
      out_specs=[pl.BlockSpec((NB, 32), lambda i: (i, 0)),
                 pl.BlockSpec((NB, 5), lambda i: (i, 0)),
                 pl.BlockSpec((NB, 1), lambda i: (i, 0))],
      out_shape=[jax.ShapeDtypeStruct((N, 32), jnp.float32),
                 jax.ShapeDtypeStruct((N, 5), jnp.float32),
                 jax.ShapeDtypeStruct((N, 1), jnp.float32)],
  )(p0, p1, wh, bh)


def _edge_body(ea_ref, raw_ref, g_ref, we_ref, be_ref, a_ref, mb1_ref,
               w2_ref, mb2_ref, awm_ref, scal_ref, gm_ref):
  e_wide = jnp.dot(ea_ref[...].astype(jnp.bfloat16), we_ref[...],
                   preferred_element_type=jnp.float32)
  e = jnp.maximum(e_wide + be_ref[...], 0.0).astype(jnp.bfloat16).reshape(EB, H)
  inv_t = scal_ref[0]
  awc = scal_ref[1]
  ab = scal_ref[2]
  ct_p = jax.nn.sigmoid(raw_ref[0] * inv_t) * awc + ab
  rr = lax.broadcasted_iota(jnp.int32, (EB, EB // 128), 0) // 128
  cc = lax.broadcasted_iota(jnp.int32, (EB, EB // 128), 1)
  pick = jnp.where(rr == cc, 1.0, 0.0).astype(jnp.float32)
  q = jnp.dot(pick, ct_p, preferred_element_type=jnp.float32)
  lane = lax.broadcasted_iota(jnp.int32, (EB, 128), 1)
  ridx = lax.broadcasted_iota(jnp.int32, (EB, 128), 0) % 128
  ct = jnp.sum(jnp.where(lane == ridx, q, 0.0), axis=1, keepdims=True)
  eb = jnp.dot(e, a_ref[...],
               preferred_element_type=jnp.float32) + mb1_ref[...]
  pre = jnp.maximum(g_ref[...] + eb, 0.0)
  msg = jnp.dot(pre.astype(jnp.bfloat16), w2_ref[...],
                preferred_element_type=jnp.float32) + mb2_ref[...]
  logits = jnp.dot(msg, awm_ref[...],
                   preferred_element_type=jnp.float32) + ct
  gm_ref[...] = msg * jax.nn.sigmoid(logits)


def _edge(ea, raw, g, we, be, a, mb1, w2, mb2, awm, scal):
  return pl.pallas_call(
      _edge_body,
      grid=(E // EB,),
      in_specs=[
          pl.BlockSpec((EB // 8, 128), lambda i: (i, 0)),
          pl.BlockSpec((1, EB // 128, 128), lambda i: (i, 0, 0)),
          pl.BlockSpec((EB, H), lambda i: (i, 0)),
          pl.BlockSpec((H, 8 * H), lambda i: (0, 0)),
          pl.BlockSpec((1, 8 * H), lambda i: (0, 0)),
          pl.BlockSpec((H, H), lambda i: (0, 0)),
          pl.BlockSpec((1, H), lambda i: (0, 0)),
          pl.BlockSpec((H, H), lambda i: (0, 0)),
          pl.BlockSpec((1, H), lambda i: (0, 0)),
          pl.BlockSpec((H, 1), lambda i: (0, 0)),
          pl.BlockSpec(memory_space=pltpu.SMEM),
      ],
      out_specs=pl.BlockSpec((EB, H), lambda i: (i, 0)),
      out_shape=jax.ShapeDtypeStruct((E, H), jnp.float32),
  )(ea, raw, g, we, be, a, mb1, w2, mb2, awm, scal)



def kernel(x, edge_index, edge_attr, raw_vlm_confidence,
           node_proj_w, node_proj_b, edge_proj_w, edge_proj_b, temperature,
           c1_mw1, c1_mb1, c1_mw2, c1_mb2, c1_aw, c1_ab,
           c2_mw1, c2_mb1, c2_mw2, c2_mb2, c2_aw, c2_ab,
           sem_w, sem_b, num_w, num_b, ver_w, ver_b):
  rc = jnp.stack([edge_index[0].reshape(NCHUNK, CH),
                  edge_index[1].reshape(NCHUNK, CH)], axis=1)
  eap = edge_attr.reshape(E // 8, 128)
  rawp = raw_vlm_confidence.reshape(E // EB, EB // 128, 128)

  wst1 = jnp.concatenate([c1_mw1[:H], c1_mw1[H:2 * H]], axis=1)
  wst2 = jnp.concatenate([c2_mw1[:H], c2_mw1[H:2 * H]], axis=1)
  a1 = c1_mw1[2 * H:]
  a2 = c2_mw1[2 * H:]
  scal1 = jnp.stack([1.0 / temperature[0], c1_aw[H, 0], c1_ab[0]])
  scal2 = jnp.stack([1.0 / temperature[0], c2_aw[H, 0], c2_ab[0]])

  we_big = jnp.zeros((H, 8 * H), jnp.float32)
  be_big = jnp.zeros((1, 8 * H), jnp.float32)
  for j in range(8):
    we_big = we_big.at[D_EDGE * j:D_EDGE * (j + 1), H * j:H * (j + 1)].set(
        edge_proj_w)
    be_big = be_big.at[:, H * j:H * (j + 1)].set(edge_proj_b[None, :])
  we_big = we_big.astype(jnp.bfloat16)

  wh = jnp.concatenate(
      [sem_w, num_w, ver_w, jnp.zeros((H, H - 38), jnp.float32)], axis=1)
  bh = jnp.concatenate(
      [sem_b, num_b, ver_b, jnp.zeros((H - 38,), jnp.float32)]).reshape(1, H)

  s1, t1 = _node_first(x, node_proj_w, node_proj_b.reshape(1, H), wst1)
  g1 = _sc_gather(s1, t1, rc)
  gm1 = _edge(eap, rawp, g1, we_big, be_big, a1.astype(jnp.bfloat16),
              c1_mb1.reshape(1, H), c1_mw2.astype(jnp.bfloat16),
              c1_mb2.reshape(1, H), c1_aw[:H], scal1)
  p1 = _sc_scatter(gm1, rc)

  s2, t2 = _node_mid(p1[0], p1[1], wst2)
  g2 = _sc_gather(s2, t2, rc)
  gm2 = _edge(eap, rawp, g2, we_big, be_big, a2.astype(jnp.bfloat16),
              c2_mb1.reshape(1, H), c2_mw2.astype(jnp.bfloat16),
              c2_mb2.reshape(1, H), c2_aw[:H], scal2)
  p2 = _sc_scatter(gm2, rc)

  sem, num, ver = _node_head(p2[0], p2[1], wh, bh)
  return (sem, num, ver)

# --- scband reference (transcript-rebuilt; emitter-appended) ---
"""Pipeline reference for scband-selective-verification-gnn-64063732187193 (READ-ONLY COPY).

The authoritative reference and input builder live on the scoring server;
editing this copy changes nothing except your own understanding.
"""

import jax, jax.numpy as jnp
import numpy as np

N = 10000
E = 160000
D_IN = 128
D_EDGE = 16
H = 128
NC = 32
EPROJ = 128


def setup_inputs(seed: int = 0) -> dict:
    key = jax.random.key(seed)
    ks = jax.random.split(key, 40)
    def nrm(k, shape, scale=0.05):
        return jax.random.normal(k, shape, dtype=jnp.float32) * scale
    inp = {}
    inp["x"] = jax.random.normal(ks[0], (N, D_IN), dtype=jnp.float32)
    inp["edge_index"] = jax.random.randint(ks[1], (2, E), 0, N, dtype=jnp.int32)
    inp["edge_attr"] = jax.random.normal(ks[2], (E, D_EDGE), dtype=jnp.float32)
    inp["raw_vlm_confidence"] = jax.random.normal(ks[3], (E, 1), dtype=jnp.float32)
    # parameters
    inp["node_proj_w"] = nrm(ks[4], (D_IN, H))
    inp["node_proj_b"] = jnp.zeros((H,), jnp.float32)
    inp["edge_proj_w"] = nrm(ks[5], (D_EDGE, EPROJ))
    inp["edge_proj_b"] = jnp.zeros((EPROJ,), jnp.float32)
    inp["temperature"] = jnp.ones((1,), jnp.float32) * 1.5
    # conv1
    inp["c1_mw1"] = nrm(ks[6], (2 * H + EPROJ, H))
    inp["c1_mb1"] = jnp.zeros((H,), jnp.float32)
    inp["c1_mw2"] = nrm(ks[7], (H, H))
    inp["c1_mb2"] = jnp.zeros((H,), jnp.float32)
    inp["c1_aw"] = nrm(ks[8], (H + 1, 1))
    inp["c1_ab"] = jnp.zeros((1,), jnp.float32)
    # conv2
    inp["c2_mw1"] = nrm(ks[9], (2 * H + EPROJ, H))
    inp["c2_mb1"] = jnp.zeros((H,), jnp.float32)
    inp["c2_mw2"] = nrm(ks[10], (H, H))
    inp["c2_mb2"] = jnp.zeros((H,), jnp.float32)
    inp["c2_aw"] = nrm(ks[11], (H + 1, 1))
    inp["c2_ab"] = jnp.zeros((1,), jnp.float32)
    # heads
    inp["sem_w"] = nrm(ks[12], (H, NC))
    inp["sem_b"] = jnp.zeros((NC,), jnp.float32)
    inp["num_w"] = nrm(ks[13], (H, 5))
    inp["num_b"] = jnp.zeros((5,), jnp.float32)
    inp["ver_w"] = nrm(ks[14], (H, 1))
    inp["ver_b"] = jnp.zeros((1,), jnp.float32)
    return inp


def _conv(x, edge_index, e, conf, mw1, mb1, mw2, mb2, aw, ab):
    row = edge_index[0]
    col = edge_index[1]
    src = x[row]
    tgt = x[col]
    msg_input = jnp.concatenate([src, tgt, e], axis=-1)
    h = jnp.maximum(msg_input @ mw1 + mb1, 0.0)
    msg = h @ mw2 + mb2
    attn_input = jnp.concatenate([msg, conf], axis=-1)
    attn_weight = jax.nn.sigmoid(attn_input @ aw + ab)
    gated_msg = msg * attn_weight
    out = jnp.zeros((x.shape[0], msg.shape[1]), dtype=x.dtype).at[col].add(gated_msg)
    return out


def reference(x, edge_index, edge_attr, raw_vlm_confidence,
              node_proj_w, node_proj_b, edge_proj_w, edge_proj_b, temperature,
              c1_mw1, c1_mb1, c1_mw2, c1_mb2, c1_aw, c1_ab,
              c2_mw1, c2_mb1, c2_mw2, c2_mb2, c2_aw, c2_ab,
              sem_w, sem_b, num_w, num_b, ver_w, ver_b):
    h = jnp.maximum(x @ node_proj_w + node_proj_b, 0.0)
    e = jnp.maximum(edge_attr @ edge_proj_w + edge_proj_b, 0.0)
    calibrated = jax.nn.sigmoid(raw_vlm_confidence / temperature)
    h = _conv(h, edge_index, e, calibrated, c1_mw1, c1_mb1, c1_mw2, c1_mb2, c1_aw, c1_ab)
    h = jnp.maximum(h, 0.0)
    h = _conv(h, edge_index, e, calibrated, c2_mw1, c2_mb1, c2_mw2, c2_mb2, c2_aw, c2_ab)
    h = jnp.maximum(h, 0.0)
    sem_logits = h @ sem_w + sem_b
    num_preds = h @ num_w + num_b
    verify_logits = h @ ver_w + ver_b
    return (sem_logits, num_preds, verify_logits)

if __name__ == "__main__":
    import jax
    _d = setup_inputs()
    print(jax.jit(kernel)(*tuple(_d.values())))

</pallas_src>

<mosaic_0001>
#map = affine_map<(d0, d1) -> (0, 0)>
#map1 = affine_map<(d0, d1) -> (0, 0, 0)>
module attributes {stable_mosaic.version = 14 : i64} {
  func.func @_sc_gather_body(%arg0: i32, %arg1: i32, %arg2: memref<10000x128xf32, #tpu.memory_space<hbm>>, %arg3: memref<10000x128xf32, #tpu.memory_space<hbm>>, %arg4: memref<1250x2x128xi32, #tpu.memory_space<hbm>>, %arg5: memref<160000x128xf32, #tpu.memory_space<hbm>>, %arg6: memref<2x128xi32, #tpu.memory_space<vmem>>, %arg7: memref<2x128xi32, #tpu.memory_space<vmem>>, %arg8: memref<128x128xf32, #tpu.memory_space<vmem>>, %arg9: memref<128x128xf32, #tpu.memory_space<vmem>>, %arg10: memref<128x128xf32, #tpu.memory_space<vmem>>, %arg11: memref<128x128xf32, #tpu.memory_space<vmem>>, %arg12: memref<!tpu.dma_semaphore, #tpu.memory_space<semaphore_mem>>, %arg13: memref<!tpu.dma_semaphore, #tpu.memory_space<semaphore_mem>>, %arg14: memref<!tpu.dma_semaphore, #tpu.memory_space<semaphore_mem>>, %arg15: memref<!tpu.dma_semaphore, #tpu.memory_space<semaphore_mem>>, %arg16: memref<!tpu.dma_semaphore, #tpu.memory_space<semaphore_mem>>, %arg17: memref<!tpu.dma_semaphore, #tpu.memory_space<semaphore_mem>>) attributes {dimension_semantics = [#tpu.dimension_semantics<core_parallel>, #tpu.dimension_semantics<subcore_parallel>], iteration_bounds = array<i64: 2, 16>, scalar_prefetch = 0 : i64, scratch_operands = 12 : i64, tpu.core_type = #tpu.core_type<sc_vector_subcore>, window_params = [{transform_indices = #map}, {transform_indices = #map}, {transform_indices = #map1}, {transform_indices = #map}]} {
    %mul3A = arith.constant 2 : i32
    %mul3A_0 = arith.muli %arg1, %mul3A : i32
    %add3A = arith.addi %mul3A_0, %arg0 : i32
    %add3A_1 = arith.constant 0 : i32
    %add3A_2 = arith.addi %add3A, %add3A_1 : i32
    %lt3A = arith.constant 1250 : i32
    %lt3A_3 = arith.cmpi slt, %add3A_2, %lt3A : i32
    %convert_element_type3A = arith.extui %lt3A_3 : i1 to i32
    %cond3A = arith.constant 0 : i32
    %cond3A_4 = arith.cmpi ne, %convert_element_type3A, %cond3A : i32
    scf.if %cond3A_4 {
      %add3A_38 = arith.constant 0 : i32
      %add3A_39 = arith.addi %add3A, %add3A_38 : i32
      %dma_start3A = arith.constant 0 : i32
      %dma_start3A_40 = arith.constant 0 : i32
      %dma_start3A_41 = tpu.memref_slice %arg4[%add3A_39, %dma_start3A, %dma_start3A_40] : memref<1250x2x128xi32, #tpu.memory_space<hbm>> -> memref<1x2x128xi32, #tpu.memory_space<hbm>>
      %dma_start3A_42 = tpu.memref_squeeze %dma_start3A_41 : memref<1x2x128xi32, #tpu.memory_space<hbm>> -> memref<2x128xi32, #tpu.memory_space<hbm>>
      %dma_start3A_43 = arith.constant 0 : i32
      %dma_start3A_44 = arith.constant 0 : i32
      %dma_start3A_45 = tpu.memref_slice %arg4[%add3A_39, %dma_start3A_43, %dma_start3A_44] : memref<1250x2x128xi32, #tpu.memory_space<hbm>> -> memref<1x2x128xi32, #tpu.memory_space<hbm>>
      %dma_start3A_46 = tpu.memref_squeeze %dma_start3A_45 : memref<1x2x128xi32, #tpu.memory_space<hbm>> -> memref<2x128xi32, #tpu.memory_space<hbm>>
      tpu.enqueue_dma source(%dma_start3A_46 : memref<2x128xi32, #tpu.memory_space<hbm>>) target(%arg6 : memref<2x128xi32, #tpu.memory_space<vmem>>) target_semaphore(%arg12 : memref<!tpu.dma_semaphore, #tpu.memory_space<semaphore_mem>>)
    } else {
    }
    %add3A_5 = arith.constant 0 : i32
    %add3A_6 = arith.addi %add3A, %add3A_5 : i32
    %lt3A_7 = arith.constant 1250 : i32
    %lt3A_8 = arith.cmpi slt, %add3A_6, %lt3A_7 : i32
    %convert_element_type3A_9 = arith.extui %lt3A_8 : i1 to i32
    %cond3A_10 = arith.constant 0 : i32
    %cond3A_11 = arith.cmpi ne, %convert_element_type3A_9, %cond3A_10 : i32
    scf.if %cond3A_11 {
      %add3A_38 = arith.constant 0 : i32
      %add3A_39 = arith.addi %add3A, %add3A_38 : i32
      %dma_wait3A = arith.constant 0 : i32
      %dma_wait3A_40 = arith.constant 0 : i32
      %dma_wait3A_41 = tpu.memref_slice %arg4[%add3A_39, %dma_wait3A, %dma_wait3A_40] : memref<1250x2x128xi32, #tpu.memory_space<hbm>> -> memref<1x2x128xi32, #tpu.memory_space<hbm>>
      %dma_wait3A_42 = tpu.memref_squeeze %dma_wait3A_41 : memref<1x2x128xi32, #tpu.memory_space<hbm>> -> memref<2x128xi32, #tpu.memory_space<hbm>>
      %dma_wait3A_43 = arith.constant 0 : i32
      %dma_wait3A_44 = arith.constant 0 : i32
      %dma_wait3A_45 = tpu.memref_slice %arg4[%add3A_39, %dma_wait3A_43, %dma_wait3A_44] : memref<1250x2x128xi32, #tpu.memory_space<hbm>> -> memref<1x2x128xi32, #tpu.memory_space<hbm>>
      %dma_wait3A_46 = tpu.memref_squeeze %dma_wait3A_45 : memref<1x2x128xi32, #tpu.memory_space<hbm>> -> memref<2x128xi32, #tpu.memory_space<hbm>>
      tpu.wait_dma2 semaphore(%arg12 : memref<!tpu.dma_semaphore, #tpu.memory_space<semaphore_mem>>) src(%dma_wait3A_46 : memref<2x128xi32, #tpu.memory_space<hbm>>) dst(%arg6 : memref<2x128xi32, #tpu.memory_space<vmem>>)
    } else {
    }
    %add3A_12 = arith.constant 0 : i32
    %add3A_13 = arith.addi %add3A, %add3A_12 : i32
    %lt3A_14 = arith.constant 1250 : i32
    %lt3A_15 = arith.cmpi slt, %add3A_13, %lt3A_14 : i32
    %convert_element_type3A_16 = arith.extui %lt3A_15 : i1 to i32
    %cond3A_17 = arith.constant 0 : i32
    %cond3A_18 = arith.cmpi ne, %convert_element_type3A_16, %cond3A_17 : i32
    scf.if %cond3A_18 {
      %dma_start3A = arith.constant 0 : i32
      %dma_start3A_38 = arith.constant 0 : i32
      %dma_start3A_39 = tpu.memref_slice %arg6[%dma_start3A, %dma_start3A_38] : memref<2x128xi32, #tpu.memory_space<vmem>> -> memref<1x128xi32, #tpu.memory_space<vmem>>
      %dma_start3A_40 = tpu.memref_squeeze %dma_start3A_39 : memref<1x128xi32, #tpu.memory_space<vmem>> -> memref<128xi32, #tpu.memory_space<vmem>>
      %dma_start3A_41 = arith.constant 0 : i32
      %dma_start3A_42 = arith.constant 0 : i32
      %dma_start3A_43 = tpu.memref_slice %arg2[%dma_start3A_41, %dma_start3A_42] : memref<10000x128xf32, #tpu.memory_space<hbm>> -> memref<10000x128xf32, #tpu.memory_space<hbm>>
      tpu.enqueue_indirect_dma source(%dma_start3A_43 : memref<10000x128xf32, #tpu.memory_space<hbm>>) target(%arg8 : memref<128x128xf32, #tpu.memory_space<vmem>>) offsets(%dma_start3A_40 : memref<128xi32, #tpu.memory_space<vmem>>) semaphore(%arg14 : memref<!tpu.dma_semaphore, #tpu.memory_space<semaphore_mem>>)
      %dma_start3A_44 = arith.constant 1 : i32
      %dma_start3A_45 = arith.constant 0 : i32
      %dma_start3A_46 = tpu.memref_slice %arg6[%dma_start3A_44, %dma_start3A_45] : memref<2x128xi32, #tpu.memory_space<vmem>> -> memref<1x128xi32, #tpu.memory_space<vmem>>
      %dma_start3A_47 = tpu.memref_squeeze %dma_start3A_46 : memref<1x128xi32, #tpu.memory_space<vmem>> -> memref<128xi32, #tpu.memory_space<vmem>>
      %dma_start3A_48 = arith.constant 0 : i32
      %dma_start3A_49 = arith.constant 0 : i32
      %dma_start3A_50 = tpu.memref_slice %arg3[%dma_start3A_48, %dma_start3A_49] : memref<10000x128xf32, #tpu.memory_space<hbm>> -> memref<10000x128xf32, #tpu.memory_space<hbm>>
      tpu.enqueue_indirect_dma source(%dma_start3A_50 : memref<10000x128xf32, #tpu.memory_space<hbm>>) target(%arg9 : memref<128x128xf32, #tpu.memory_space<vmem>>) offsets(%dma_start3A_47 : memref<128xi32, #tpu.memory_space<vmem>>) semaphore(%arg14 : memref<!tpu.dma_semaphore, #tpu.memory_space<semaphore_mem>>)
    } else {
    }
    %add3A_19 = arith.constant 32 : i32
    %add3A_20 = arith.addi %add3A, %add3A_19 : i32
    %lt3A_21 = arith.constant 1250 : i32
    %lt3A_22 = arith.cmpi slt, %add3A_20, %lt3A_21 : i32
    %convert_element_type3A_23 = arith.extui %lt3A_22 : i1 to i32
    %cond3A_24 = arith.constant 0 : i32
    %cond3A_25 = arith.cmpi ne, %convert_element_type3A_23, %cond3A_24 : i32
    scf.if %cond3A_25 {
      %add3A_38 = arith.constant 32 : i32
      %add3A_39 = arith.addi %add3A, %add3A_38 : i32
      %dma_start3A = arith.constant 0 : i32
      %dma_start3A_40 = arith.constant 0 : i32
      %dma_start3A_41 = tpu.memref_slice %arg4[%add3A_39, %dma_start3A, %dma_start3A_40] : memref<1250x2x128xi32, #tpu.memory_space<hbm>> -> memref<1x2x128xi32, #tpu.memory_space<hbm>>
      %dma_start3A_42 = tpu.memref_squeeze %dma_start3A_41 : memref<1x2x128xi32, #tpu.memory_space<hbm>> -> memref<2x128xi32, #tpu.memory_space<hbm>>
      %dma_start3A_43 = arith.constant 0 : i32
      %dma_start3A_44 = arith.constant 0 : i32
      %dma_start3A_45 = tpu.memref_slice %arg4[%add3A_39, %dma_start3A_43, %dma_start3A_44] : memref<1250x2x128xi32, #tpu.memory_space<hbm>> -> memref<1x2x128xi32, #tpu.memory_space<hbm>>
      %dma_start3A_46 = tpu.memref_squeeze %dma_start3A_45 : memref<1x2x128xi32, #tpu.memory_space<hbm>> -> memref<2x128xi32, #tpu.memory_space<hbm>>
      tpu.enqueue_dma source(%dma_start3A_46 : memref<2x128xi32, #tpu.memory_space<hbm>>) target(%arg7 : memref<2x128xi32, #tpu.memory_space<vmem>>) target_semaphore(%arg13 : memref<!tpu.dma_semaphore, #tpu.memory_space<semaphore_mem>>)
    } else {
    }
    %scan3A = arith.constant 0 : i32
    %scan3A_26 = arith.constant 0 : i32
    %scan3A_27 = arith.constant 20 : i32
    %scan3A_28 = arith.addi %scan3A_26, %scan3A_27 : i32
    %scan3A_29 = arith.constant 1 : i32
    scf.for %scan3A_38 = %scan3A_26 to %scan3A_28 step %scan3A_29  : i32 {
      %mul3A_39 = arith.constant 2 : i32
      %mul3A_40 = arith.muli %mul3A_39, %scan3A_38 : i32
      %add3A_41 = arith.constant 1 : i32
      %add3A_42 = arith.addi %mul3A_40, %add3A_41 : i32
      %mul3A_43 = arith.constant 32 : i32
      %mul3A_44 = arith.muli %add3A_42, %mul3A_43 : i32
      %add3A_45 = arith.addi %add3A, %mul3A_44 : i32
      %lt3A_46 = arith.constant 1250 : i32
      %lt3A_47 = arith.cmpi slt, %add3A_45, %lt3A_46 : i32
      %convert_element_type3A_48 = arith.extui %lt3A_47 : i1 to i32
      %cond3A_49 = arith.constant 0 : i32
      %cond3A_50 = arith.cmpi ne, %convert_element_type3A_48, %cond3A_49 : i32
      scf.if %cond3A_50 {
        %add3A_160 = arith.constant 1 : i32
        %add3A_161 = arith.addi %mul3A_40, %add3A_160 : i32
        %mul3A_162 = arith.constant 32 : i32
        %mul3A_163 = arith.muli %add3A_161, %mul3A_162 : i32
        %add3A_164 = arith.addi %add3A, %mul3A_163 : i32
        %dma_wait3A = arith.constant 0 : i32
        %dma_wait3A_165 = arith.constant 0 : i32
        %dma_wait3A_166 = tpu.memref_slice %arg4[%add3A_164, %dma_wait3A, %dma_wait3A_165] : memref<1250x2x128xi32, #tpu.memory_space<hbm>> -> memref<1x2x128xi32, #tpu.memory_space<hbm>>
        %dma_wait3A_167 = tpu.memref_squeeze %dma_wait3A_166 : memref<1x2x128xi32, #tpu.memory_space<hbm>> -> memref<2x128xi32, #tpu.memory_space<hbm>>
        %dma_wait3A_168 = arith.constant 0 : i32
        %dma_wait3A_169 = arith.constant 0 : i32
        %dma_wait3A_170 = tpu.memref_slice %arg4[%add3A_164, %dma_wait3A_168, %dma_wait3A_169] : memref<1250x2x128xi32, #tpu.memory_space<hbm>> -> memref<1x2x128xi32, #tpu.memory_space<hbm>>
        %dma_wait3A_171 = tpu.memref_squeeze %dma_wait3A_170 : memref<1x2x128xi32, #tpu.memory_space<hbm>> -> memref<2x128xi32, #tpu.memory_space<hbm>>
        tpu.wait_dma2 semaphore(%arg13 : memref<!tpu.dma_semaphore, #tpu.memory_space<semaphore_mem>>) src(%dma_wait3A_171 : memref<2x128xi32, #tpu.memory_space<hbm>>) dst(%arg7 : memref<2x128xi32, #tpu.memory_space<vmem>>)
      } else {
      }
      %ge3A = arith.constant 1 : i32
      %ge3A_51 = arith.cmpi sge, %mul3A_40, %ge3A : i32
      %sub3A = arith.constant 1 : i32
      %sub3A_52 = arith.subi %mul3A_40, %sub3A : i32
      %mul3A_53 = arith.constant 32 : i32
      %mul3A_54 = arith.muli %sub3A_52, %mul3A_53 : i32
      %add3A_55 = arith.addi %add3A, %mul3A_54 : i32
      %lt3A_56 = arith.constant 1250 : i32
      %lt3A_57 = arith.cmpi slt, %add3A_55, %lt3A_56 : i32
      %and3A = arith.andi %ge3A_51, %lt3A_57 : i1
      %convert_element_type3A_58 = arith.extui %and3A : i1 to i32
      %cond3A_59 = arith.constant 0 : i32
      %cond3A_60 = arith.cmpi ne, %convert_element_type3A_58, %cond3A_59 : i32
      scf.if %cond3A_60 {
        %sub3A_160 = arith.constant 1 : i32
        %sub3A_161 = arith.subi %mul3A_40, %sub3A_160 : i32
        %mul3A_162 = arith.constant 32 : i32
        %mul3A_163 = arith.muli %sub3A_161, %mul3A_162 : i32
        %add3A_164 = arith.addi %add3A, %mul3A_163 : i32
        %mul3A_165 = arith.constant 128 : i32
        %mul3A_166 = arith.muli %add3A_164, %mul3A_165 : i32
        %dma_wait3A = arith.constant 0 : i32
        %dma_wait3A_167 = tpu.memref_slice %arg5[%mul3A_166, %dma_wait3A] : memref<160000x128xf32, #tpu.memory_space<hbm>> -> memref<128x128xf32, #tpu.memory_space<hbm>>
        %dma_wait3A_168 = arith.constant 0 : i32
        %dma_wait3A_169 = tpu.memref_slice %arg5[%mul3A_166, %dma_wait3A_168] : memref<160000x128xf32, #tpu.memory_space<hbm>> -> memref<128x128xf32, #tpu.memory_space<hbm>>
        tpu.wait_dma2 semaphore(%arg17 : memref<!tpu.dma_semaphore, #tpu.memory_space<semaphore_mem>>) src(%arg10 : memref<128x128xf32, #tpu.memory_space<vmem>>) dst(%dma_wait3A_169 : memref<128x128xf32, #tpu.memory_space<hbm>>)
      } else {
      }
      %add3A_61 = arith.constant 1 : i32
      %add3A_62 = arith.addi %mul3A_40, %add3A_61 : i32
      %mul3A_63 = arith.constant 32 : i32
      %mul3A_64 = arith.muli %add3A_62, %mul3A_63 : i32
      %add3A_65 = arith.addi %add3A, %mul3A_64 : i32
      %lt3A_66 = arith.constant 1250 : i32
      %lt3A_67 = arith.cmpi slt, %add3A_65, %lt3A_66 : i32
      %convert_element_type3A_68 = arith.extui %lt3A_67 : i1 to i32
      %cond3A_69 = arith.constant 0 : i32
      %cond3A_70 = arith.cmpi ne, %convert_element_type3A_68, %cond3A_69 : i32
      scf.if %cond3A_70 {
        %dma_start3A = arith.constant 0 : i32
        %dma_start3A_160 = arith.constant 0 : i32
        %dma_start3A_161 = tpu.memref_slice %arg7[%dma_start3A, %dma_start3A_160] : memref<2x128xi32, #tpu.memory_space<vmem>> -> memref<1x128xi32, #tpu.memory_space<vmem>>
        %dma_start3A_162 = tpu.memref_squeeze %dma_start3A_161 : memref<1x128xi32, #tpu.memory_space<vmem>> -> memref<128xi32, #tpu.memory_space<vmem>>
        %dma_start3A_163 = arith.constant 0 : i32
        %dma_start3A_164 = arith.constant 0 : i32
        %dma_start3A_165 = tpu.memref_slice %arg2[%dma_start3A_163, %dma_start3A_164] : memref<10000x128xf32, #tpu.memory_space<hbm>> -> memref<10000x128xf32, #tpu.memory_space<hbm>>
        tpu.enqueue_indirect_dma source(%dma_start3A_165 : memref<10000x128xf32, #tpu.memory_space<hbm>>) target(%arg10 : memref<128x128xf32, #tpu.memory_space<vmem>>) offsets(%dma_start3A_162 : memref<128xi32, #tpu.memory_space<vmem>>) semaphore(%arg15 : memref<!tpu.dma_semaphore, #tpu.memory_space<semaphore_mem>>)
        %dma_start3A_166 = arith.constant 1 : i32
        %dma_start3A_167 = arith.constant 0 : i32
        %dma_start3A_168 = tpu.memref_slice %arg7[%dma_start3A_166, %dma_start3A_167] : memref<2x128xi32, #tpu.memory_space<vmem>> -> memref<1x128xi32, #tpu.memory_space<vmem>>
        %dma_start3A_169 = tpu.memref_squeeze %dma_start3A_168 : memref<1x128xi32, #tpu.memory_space<vmem>> -> memref<128xi32, #tpu.memory_space<vmem>>
        %dma_start3A_170 = arith.constant 0 : i32
        %dma_start3A_171 = arith.constant 0 : i32
        %dma_start3A_172 = tpu.memref_slice %arg3[%dma_start3A_170, %dma_start3A_171] : memref<10000x128xf32, #tpu.memory_space<hbm>> -> memref<10000x128xf32, #tpu.memory_space<hbm>>
        tpu.enqueue_indirect_dma source(%dma_start3A_172 : memref<10000x128xf32, #tpu.memory_space<hbm>>) target(%arg11 : memref<128x128xf32, #tpu.memory_space<vmem>>) offsets(%dma_start3A_169 : memref<128xi32, #tpu.memory_space<vmem>>) semaphore(%arg15 : memref<!tpu.dma_semaphore, #tpu.memory_space<semaphore_mem>>)
      } else {
      }
      %mul3A_71 = arith.constant 32 : i32
      %mul3A_72 = arith.muli %mul3A_40, %mul3A_71 : i32
      %add3A_73 = arith.addi %add3A, %mul3A_72 : i32
      %lt3A_74 = arith.constant 1250 : i32
      %lt3A_75 = arith.cmpi slt, %add3A_73, %lt3A_74 : i32
      %convert_element_type3A_76 = arith.extui %lt3A_75 : i1 to i32
      %cond3A_77 = arith.constant 0 : i32
      %cond3A_78 = arith.cmpi ne, %convert_element_type3A_76, %cond3A_77 : i32
      scf.if %cond3A_78 {
        %dma_wait3A = arith.constant 0 : i32
        %dma_wait3A_160 = arith.constant 0 : i32
        %dma_wait3A_161 = tpu.memref_slice %arg6[%dma_wait3A, %dma_wait3A_160] : memref<2x128xi32, #tpu.memory_space<vmem>> -> memref<1x128xi32, #tpu.memory_space<vmem>>
        %dma_wait3A_162 = tpu.memref_squeeze %dma_wait3A_161 : memref<1x128xi32, #tpu.memory_space<vmem>> -> memref<128xi32, #tpu.memory_space<vmem>>
        %dma_wait3A_163 = arith.constant 0 : i32
        %dma_wait3A_164 = arith.constant 0 : i32
        %dma_wait3A_165 = tpu.memref_slice %arg2[%dma_wait3A_163, %dma_wait3A_164] : memref<10000x128xf32, #tpu.memory_space<hbm>> -> memref<10000x128xf32, #tpu.memory_space<hbm>>
        tpu.wait_indirect_dma semaphore(%arg14 : memref<!tpu.dma_semaphore, #tpu.memory_space<semaphore_mem>>) src(%dma_wait3A_165 : memref<10000x128xf32, #tpu.memory_space<hbm>>) dst(%arg8 : memref<128x128xf32, #tpu.memory_space<vmem>>)
        %dma_wait3A_166 = arith.constant 1 : i32
        %dma_wait3A_167 = arith.constant 0 : i32
        %dma_wait3A_168 = tpu.memref_slice %arg6[%dma_wait3A_166, %dma_wait3A_167] : memref<2x128xi32, #tpu.memory_space<vmem>> -> memref<1x128xi32, #tpu.memory_space<vmem>>
        %dma_wait3A_169 = tpu.memref_squeeze %dma_wait3A_168 : memref<1x128xi32, #tpu.memory_space<vmem>> -> memref<128xi32, #tpu.memory_space<vmem>>
        %dma_wait3A_170 = arith.constant 0 : i32
        %dma_wait3A_171 = arith.constant 0 : i32
        %dma_wait3A_172 = tpu.memref_slice %arg3[%dma_wait3A_170, %dma_wait3A_171] : memref<10000x128xf32, #tpu.memory_space<hbm>> -> memref<10000x128xf32, #tpu.memory_space<hbm>>
        tpu.wait_indirect_dma semaphore(%arg14 : memref<!tpu.dma_semaphore, #tpu.memory_space<semaphore_mem>>) src(%dma_wait3A_172 : memref<10000x128xf32, #tpu.memory_space<hbm>>) dst(%arg9 : memref<128x128xf32, #tpu.memory_space<vmem>>)
      } else {
      }
      %add3A_79 = arith.constant 2 : i32
      %add3A_80 = arith.addi %mul3A_40, %add3A_79 : i32
      %mul3A_81 = arith.constant 32 : i32
      %mul3A_82 = arith.muli %add3A_80, %mul3A_81 : i32
      %add3A_83 = arith.addi %add3A, %mul3A_82 : i32
      %lt3A_84 = arith.constant 1250 : i32
      %lt3A_85 = arith.cmpi slt, %add3A_83, %lt3A_84 : i32
      %convert_element_type3A_86 = arith.extui %lt3A_85 : i1 to i32
      %cond3A_87 = arith.constant 0 : i32
      %cond3A_88 = arith.cmpi ne, %convert_element_type3A_86, %cond3A_87 : i32
      scf.if %cond3A_88 {
        %mul3A_160 = arith.constant 32 : i32
        %mul3A_161 = arith.muli %add3A_80, %mul3A_160 : i32
        %add3A_162 = arith.addi %add3A, %mul3A_161 : i32
        %dma_start3A = arith.constant 0 : i32
        %dma_start3A_163 = arith.constant 0 : i32
        %dma_start3A_164 = tpu.memref_slice %arg4[%add3A_162, %dma_start3A, %dma_start3A_163] : memref<1250x2x128xi32, #tpu.memory_space<hbm>> -> memref<1x2x128xi32, #tpu.memory_space<hbm>>
        %dma_start3A_165 = tpu.memref_squeeze %dma_start3A_164 : memref<1x2x128xi32, #tpu.memory_space<hbm>> -> memref<2x128xi32, #tpu.memory_space<hbm>>
        %dma_start3A_166 = arith.constant 0 : i32
        %dma_start3A_167 = arith.constant 0 : i32
        %dma_start3A_168 = tpu.memref_slice %arg4[%add3A_162, %dma_start3A_166, %dma_start3A_167] : memref<1250x2x128xi32, #tpu.memory_space<hbm>> -> memref<1x2x128xi32, #tpu.memory_space<hbm>>
        %dma_start3A_169 = tpu.memref_squeeze %dma_start3A_168 : memref<1x2x128xi32, #tpu.memory_space<hbm>> -> memref<2x128xi32, #tpu.memory_space<hbm>>
        tpu.enqueue_dma source(%dma_start3A_169 : memref<2x128xi32, #tpu.memory_space<hbm>>) target(%arg6 : memref<2x128xi32, #tpu.memory_space<vmem>>) target_semaphore(%arg12 : memref<!tpu.dma_semaphore, #tpu.memory_space<semaphore_mem>>)
      } else {
      }
      %mul3A_89 = arith.constant 32 : i32
      %mul3A_90 = arith.muli %mul3A_40, %mul3A_89 : i32
      %add3A_91 = arith.addi %add3A, %mul3A_90 : i32
      %lt3A_92 = arith.constant 1250 : i32
      %lt3A_93 = arith.cmpi slt, %add3A_91, %lt3A_92 : i32
      %convert_element_type3A_94 = arith.extui %lt3A_93 : i1 to i32
      %cond3A_95 = arith.constant 0 : i32
      %cond3A_96 = arith.cmpi ne, %convert_element_type3A_94, %cond3A_95 : i32
      scf.if %cond3A_96 {
        %scan3A_160 = arith.constant 0 : i32
        %scan3A_161 = arith.constant 0 : i32
        %scan3A_162 = arith.constant 128 : i32
        %scan3A_163 = arith.addi %scan3A_161, %scan3A_162 : i32
        %scan3A_164 = arith.constant 1 : i32
        scf.for %scan3A_174 = %scan3A_161 to %scan3A_163 step %scan3A_164  : i32 {
          %get3A = arith.index_cast %scan3A_174 : i32 to index
          %get3A_175 = arith.constant 0 : index
          %get3A_176 = tpu.vector_load %arg8[%get3A, %get3A_175] {strides = array<i32>} : memref<128x128xf32, #tpu.memory_space<vmem>>, vector<1x16xf32>,
          %get3A_177 = vector.shape_cast %get3A_176 : vector<1x16xf32> to vector<16xf32>
          %get3A_178 = arith.index_cast %scan3A_174 : i32 to index
          %get3A_179 = arith.constant 0 : index
          %get3A_180 = tpu.vector_load %arg9[%get3A_178, %get3A_179] {strides = array<i32>} : memref<128x128xf32, #tpu.memory_space<vmem>>, vector<1x16xf32>,
          %get3A_181 = vector.shape_cast %get3A_180 : vector<1x16xf32> to vector<16xf32>
          %add3A_182 = arith.addf %get3A_177, %get3A_181 : vector<16xf32>
          %swap3A = arith.index_cast %scan3A_174 : i32 to index
          %swap3A_183 = arith.constant 0 : index
          %swap3A_184 = tpu.vector_load %arg8[%swap3A, %swap3A_183] {strides = array<i32>} : memref<128x128xf32, #tpu.memory_space<vmem>>, vector<1x16xf32>,
          %swap3A_185 = vector.shape_cast %swap3A_184 : vector<1x16xf32> to vector<16xf32>
          %swap3A_186 = vector.shape_cast %add3A_182 : vector<16xf32> to vector<1x16xf32>
          tpu.vector_store %arg8[%swap3A, %swap3A_183], %swap3A_186 {strides = array<i32>} : memref<128x128xf32, #tpu.memory_space<vmem>>, vector<1x16xf32>,
          %get3A_187 = arith.index_cast %scan3A_174 : i32 to index
          %get3A_188 = arith.constant 16 : index
          %get3A_189 = tpu.vector_load %arg8[%get3A_187, %get3A_188] {strides = array<i32>} : memref<128x128xf32, #tpu.memory_space<vmem>>, vector<1x16xf32>,
          %get3A_190 = vector.shape_cast %get3A_189 : vector<1x16xf32> to vector<16xf32>
          %get3A_191 = arith.index_cast %scan3A_174 : i32 to index
          %get3A_192 = arith.constant 16 : index
          %get3A_193 = tpu.vector_load %arg9[%get3A_191, %get3A_192] {strides = array<i32>} : memref<128x128xf32, #tpu.memory_space<vmem>>, vector<1x16xf32>,
          %get3A_194 = vector.shape_cast %get3A_193 : vector<1x16xf32> to vector<16xf32>
          %add3A_195 = arith.addf %get3A_190, %get3A_194 : vector<16xf32>
          %swap3A_196 = arith.index_cast %scan3A_174 : i32 to index
          %swap3A_197 = arith.constant 16 : index
          %swap3A_198 = tpu.vector_load %arg8[%swap3A_196, %swap3A_197] {strides = array<i32>} : memref<128x128xf32, #tpu.memory_space<vmem>>, vector<1x16xf32>,
          %swap3A_199 = vector.shape_cast %swap3A_198 : vector<1x16xf32> to vector<16xf32>
          %swap3A_200 = vector.shape_cast %add3A_195 : vector<16xf32> to vector<1x16xf32>
          tpu.vector_store %arg8[%swap3A_196, %swap3A_197], %swap3A_200 {strides = array<i32>} : memref<128x128xf32, #tpu.memory_space<vmem>>, vector<1x16xf32>,
          %get3A_201 = arith.index_cast %scan3A_174 : i32 to index
          %get3A_202 = arith.constant 32 : index
          %get3A_203 = tpu.vector_load %arg8[%get3A_201, %get3A_202] {strides = array<i32>} : memref<128x128xf32, #tpu.memory_space<vmem>>, vector<1x16xf32>,
          %get3A_204 = vector.shape_cast %get3A_203 : vector<1x16xf32> to vector<16xf32>
          %get3A_205 = arith.index_cast %scan3A_174 : i32 to index
          %get3A_206 = arith.constant 32 : index
          %get3A_207 = tpu.vector_load %arg9[%get3A_205, %get3A_206] {strides = array<i32>} : memref<128x128xf32, #tpu.memory_space<vmem>>, vector<1x16xf32>,
          %get3A_208 = vector.shape_cast %get3A_207 : vector<1x16xf32> to vector<16xf32>
          %add3A_209 = arith.addf %get3A_204, %get3A_208 : vector<16xf32>
          %swap3A_210 = arith.index_cast %scan3A_174 : i32 to index
          %swap3A_211 = arith.constant 32 : index
          %swap3A_212 = tpu.vector_load %arg8[%swap3A_210, %swap3A_211] {strides = array<i32>} : memref<128x128xf32, #tpu.memory_space<vmem>>, vector<1x16xf32>,
          %swap3A_213 = vector.shape_cast %swap3A_212 : vector<1x16xf32> to vector<16xf32>
          %swap3A_214 = vector.shape_cast %add3A_209 : vector<16xf32> to vector<1x16xf32>
          tpu.vector_store %arg8[%swap3A_210, %swap3A_211], %swap3A_214 {strides = array<i32>} : memref<128x128xf32, #tpu.memory_space<vmem>>, vector<1x16xf32>,
          %get3A_215 = arith.index_cast %scan3A_174 : i32 to index
          %get3A_216 = arith.constant 48 : index
          %get3A_217 = tpu.vector_load %arg8[%get3A_215, %get3A_216] {strides = array<i32>} : memref<128x128xf32, #tpu.memory_space<vmem>>, vector<1x16xf32>,
          %get3A_218 = vector.shape_cast %get3A_217 : vector<1x16xf32> to vector<16xf32>
          %get3A_219 = arith.index_cast %scan3A_174 : i32 to index
          %get3A_220 = arith.constant 48 : index
          %get3A_221 = tpu.vector_load %arg9[%get3A_219, %get3A_220] {strides = array<i32>} : memref<128x128xf32, #tpu.memory_space<vmem>>, vector<1x16xf32>,
          %get3A_222 = vector.shape_cast %get3A_221 : vector<1x16xf32> to vector<16xf32>
          %add3A_223 = arith.addf %get3A_218, %get3A_222 : vector<16xf32>
          %swap3A_224 = arith.index_cast %scan3A_174 : i32 to index
          %swap3A_225 = arith.constant 48 : index
          %swap3A_226 = tpu.vector_load %arg8[%swap3A_224, %swap3A_225] {strides = array<i32>} : memref<128x128xf32, #tpu.memory_space<vmem>>, vector<1x16xf32>,
          %swap3A_227 = vector.shape_cast %swap3A_226 : vector<1x16xf32> to vector<16xf32>
          %swap3A_228 = vector.shape_cast %add3A_223 : vector<16xf32> to vector<1x16xf32>
          tpu.vector_store %arg8[%swap3A_224, %swap3A_225], %swap3A_228 {strides = array<i32>} : memref<128x128xf32, #tpu.memory_space<vmem>>, vector<1x16xf32>,
          %get3A_229 = arith.index_cast %scan3A_174 : i32 to index
          %get3A_230 = arith.constant 64 : index
          %get3A_231 = tpu.vector_load %arg8[%get3A_229, %get3A_230] {strides = array<i32>} : memref<128x128xf32, #tpu.memory_space<vmem>>, vector<1x16xf32>,
          %get3A_232 = vector.shape_cast %get3A_231 : vector<1x16xf32> to vector<16xf32>
          %get3A_233 = arith.index_cast %scan3A_174 : i32 to index
          %get3A_234 = arith.constant 64 : index
          %get3A_235 = tpu.vector_load %arg9[%get3A_233, %get3A_234] {strides = array<i32>} : memref<128x128xf32, #tpu.memory_space<vmem>>, vector<1x16xf32>,
          %get3A_236 = vector.shape_cast %get3A_235 : vector<1x16xf32> to vector<16xf32>
          %add3A_237 = arith.addf %get3A_232, %get3A_236 : vector<16xf32>
          %swap3A_238 = arith.index_cast %scan3A_174 : i32 to index
          %swap3A_239 = arith.constant 64 : index
          %swap3A_240 = tpu.vector_load %arg8[%swap3A_238, %swap3A_239] {strides = array<i32>} : memref<128x128xf32, #tpu.memory_space<vmem>>, vector<1x16xf32>,
          %swap3A_241 = vector.shape_cast %swap3A_240 : vector<1x16xf32> to vector<16xf32>
          %swap3A_242 = vector.shape_cast %add3A_237 : vector<16xf32> to vector<1x16xf32>
          tpu.vector_store %arg8[%swap3A_238, %swap3A_239], %swap3A_242 {strides = array<i32>} : memref<128x128xf32, #tpu.memory_space<vmem>>, vector<1x16xf32>,
          %get3A_243 = arith.index_cast %scan3A_174 : i32 to index
          %get3A_244 = arith.constant 80 : index
          %get3A_245 = tpu.vector_load %arg8[%get3A_243, %get3A_244] {strides = array<i32>} : memref<128x128xf32, #tpu.memory_space<vmem>>, vector<1x16xf32>,
          %get3A_246 = vector.shape_cast %get3A_245 : vector<1x16xf32> to vector<16xf32>
          %get3A_247 = arith.index_cast %scan3A_174 : i32 to index
          %get3A_248 = arith.constant 80 : index
          %get3A_249 = tpu.vector_load %arg9[%get3A_247, %get3A_248] {strides = array<i32>} : memref<128x128xf32, #tpu.memory_space<vmem>>, vector<1x16xf32>,
          %get3A_250 = vector.shape_cast %get3A_249 : vector<1x16xf32> to vector<16xf32>
          %add3A_251 = arith.addf %get3A_246, %get3A_250 : vector<16xf32>
          %swap3A_252 = arith.index_cast %scan3A_174 : i32 to index
          %swap3A_253 = arith.constant 80 : index
          %swap3A_254 = tpu.vector_load %arg8[%swap3A_252, %swap3A_253] {strides = array<i32>} : memref<128x128xf32, #tpu.memory_space<vmem>>, vector<1x16xf32>,
          %swap3A_255 = vector.shape_cast %swap3A_254 : vector<1x16xf32> to vector<16xf32>
          %swap3A_256 = vector.shape_cast %add3A_251 : vector<16xf32> to vector<1x16xf32>
          tpu.vector_store %arg8[%swap3A_252, %swap3A_253], %swap3A_256 {strides = array<i32>} : memref<128x128xf32, #tpu.memory_space<vmem>>, vector<1x16xf32>,
          %get3A_257 = arith.index_cast %scan3A_174 : i32 to index
          %get3A_258 = arith.constant 96 : index
          %get3A_259 = tpu.vector_load %arg8[%get3A_257, %get3A_258] {strides = array<i32>} : memref<128x128xf32, #tpu.memory_space<vmem>>, vector<1x16xf32>,
          %get3A_260 = vector.shape_cast %get3A_259 : vector<1x16xf32> to vector<16xf32>
          %get3A_261 = arith.index_cast %scan3A_174 : i32 to index
          %get3A_262 = arith.constant 96 : index
          %get3A_263 = tpu.vector_load %arg9[%get3A_261, %get3A_262] {strides = array<i32>} : memref<128x128xf32, #tpu.memory_space<vmem>>, vector<1x16xf32>,
          %get3A_264 = vector.shape_cast %get3A_263 : vector<1x16xf32> to vector<16xf32>
          %add3A_265 = arith.addf %get3A_260, %get3A_264 : vector<16xf32>
          %swap3A_266 = arith.index_cast %scan3A_174 : i32 to index
          %swap3A_267 = arith.constant 96 : index
          %swap3A_268 = tpu.vector_load %arg8[%swap3A_266, %swap3A_267] {strides = array<i32>} : memref<128x128xf32, #tpu.memory_space<vmem>>, vector<1x16xf32>,
          %swap3A_269 = vector.shape_cast %swap3A_268 : vector<1x16xf32> to vector<16xf32>
          %swap3A_270 = vector.shape_cast %add3A_265 : vector<16xf32> to vector<1x16xf32>
          tpu.vector_store %arg8[%swap3A_266, %swap3A_267], %swap3A_270 {strides = array<i32>} : memref<128x128xf32, #tpu.memory_space<vmem>>, vector<1x16xf32>,
          %get3A_271 = arith.index_cast %scan3A_174 : i32 to index
          %get3A_272 = arith.constant 112 : index
          %get3A_273 = tpu.vector_load %arg8[%get3A_271, %get3A_272] {strides = array<i32>} : memref<128x128xf32, #tpu.memory_space<vmem>>, vector<1x16xf32>,
          %get3A_274 = vector.shape_cast %get3A_273 : vector<1x16xf32> to vector<16xf32>
          %get3A_275 = arith.index_cast %scan3A_174 : i32 to index
          %get3A_276 = arith.constant 112 : index
          %get3A_277 = tpu.vector_load %arg9[%get3A_275, %get3A_276] {strides = array<i32>} : memref<128x128xf32, #tpu.memory_space<vmem>>, vector<1x16xf32>,
          %get3A_278 = vector.shape_cast %get3A_277 : vector<1x16xf32> to vector<16xf32>
          %add3A_279 = arith.addf %get3A_274, %get3A_278 : vector<16xf32>
          %swap3A_280 = arith.index_cast %scan3A_174 : i32 to index
          %swap3A_281 = arith.constant 112 : index
          %swap3A_282 = tpu.vector_load %arg8[%swap3A_280, %swap3A_281] {strides = array<i32>} : memref<128x128xf32, #tpu.memory_space<vmem>>, vector<1x16xf32>,
          %swap3A_283 = vector.shape_cast %swap3A_282 : vector<1x16xf32> to vector<16xf32>
          %swap3A_284 = vector.shape_cast %add3A_279 : vector<16xf32> to vector<1x16xf32>
          tpu.vector_store %arg8[%swap3A_280, %swap3A_281], %swap3A_284 {strides = array<i32>} : memref<128x128xf32, #tpu.memory_space<vmem>>, vector<1x16xf32>,
        }
        %scan3A_165 = arith.constant 128 : i32
        %mul3A_166 = arith.constant 32 : i32
        %mul3A_167 = arith.muli %mul3A_40, %mul3A_166 : i32
        %add3A_168 = arith.addi %add3A, %mul3A_167 : i32
        %mul3A_169 = arith.constant 128 : i32
        %mul3A_170 = arith.muli %add3A_168, %mul3A_169 : i32
        %dma_start3A = arith.constant 0 : i32
        %dma_start3A_171 = tpu.memref_slice %arg5[%mul3A_170, %dma_start3A] : memref<160000x128xf32, #tpu.memory_space<hbm>> -> memref<128x128xf32, #tpu.memory_space<hbm>>
        %dma_start3A_172 = arith.constant 0 : i32
        %dma_start3A_173 = tpu.memref_slice %arg5[%mul3A_170, %dma_start3A_172] : memref<160000x128xf32, #tpu.memory_space<hbm>> -> memref<128x128xf32, #tpu.memory_space<hbm>>
        tpu.enqueue_dma source(%arg8 : memref<128x128xf32, #tpu.memory_space<vmem>>) target(%dma_start3A_173 : memref<128x128xf32, #tpu.memory_space<hbm>>) target_semaphore(%arg16 : memref<!tpu.dma_semaphore, #tpu.memory_space<semaphore_mem>>)
      } else {
      }
      %mul3A_97 = arith.constant 2 : i32
      %mul3A_98 = arith.muli %mul3A_97, %scan3A_38 : i32
      %add3A_99 = arith.constant 1 : i32
      %add3A_100 = arith.addi %mul3A_98, %add3A_99 : i32
      %add3A_101 = arith.constant 1 : i32
      %add3A_102 = arith.addi %add3A_100, %add3A_101 : i32
      %mul3A_103 = arith.constant 32 : i32
      %mul3A_104 = arith.muli %add3A_102, %mul3A_103 : i32
      %add3A_105 = arith.addi %add3A, %mul3A_104 : i32
      %lt3A_106 = arith.constant 1250 : i32
      %lt3A_107 = arith.cmpi slt, %add3A_105, %lt3A_106 : i32
      %convert_element_type3A_108 = arith.extui %lt3A_107 : i1 to i32
      %cond3A_109 = arith.constant 0 : i32
      %cond3A_110 = arith.cmpi ne, %convert_element_type3A_108, %cond3A_109 : i32
      scf.if %cond3A_110 {
        %add3A_160 = arith.constant 1 : i32
        %add3A_161 = arith.addi %add3A_100, %add3A_160 : i32
        %mul3A_162 = arith.constant 32 : i32
        %mul3A_163 = arith.muli %add3A_161, %mul3A_162 : i32
        %add3A_164 = arith.addi %add3A, %mul3A_163 : i32
        %dma_wait3A = arith.constant 0 : i32
        %dma_wait3A_165 = arith.constant 0 : i32
        %dma_wait3A_166 = tpu.memref_slice %arg4[%add3A_164, %dma_wait3A, %dma_wait3A_165] : memref<1250x2x128xi32, #tpu.memory_space<hbm>> -> memref<1x2x128xi32, #tpu.memory_space<hbm>>
        %dma_wait3A_167 = tpu.memref_squeeze %dma_wait3A_166 : memref<1x2x128xi32, #tpu.memory_space<hbm>> -> memref<2x128xi32, #tpu.memory_space<hbm>>
        %dma_wait3A_168 = arith.constant 0 : i32
        %dma_wait3A_169 = arith.constant 0 : i32
        %dma_wait3A_170 = tpu.memref_slice %arg4[%add3A_164, %dma_wait3A_168, %dma_wait3A_169] : memref<1250x2x128xi32, #tpu.memory_space<hbm>> -> memref<1x2x128xi32, #tpu.memory_space<hbm>>
        %dma_wait3A_171 = tpu.memref_squeeze %dma_wait3A_170 : memref<1x2x128xi32, #tpu.memory_space<hbm>> -> memref<2x128xi32, #tpu.memory_space<hbm>>
        tpu.wait_dma2 semaphore(%arg12 : memref<!tpu.dma_semaphore, #tpu.memory_space<semaphore_mem>>) src(%dma_wait3A_171 : memref<2x128xi32, #tpu.memory_space<hbm>>) dst(%arg6 : memref<2x128xi32, #tpu.memory_space<vmem>>)
      } else {
      }
      %ge3A_111 = arith.constant 1 : i32
      %ge3A_112 = arith.cmpi sge, %add3A_100, %ge3A_111 : i32
      %sub3A_113 = arith.constant 1 : i32
      %sub3A_114 = arith.subi %add3A_100, %sub3A_113 : i32
      %mul3A_115 = arith.constant 32 : i32
      %mul3A_116 = arith.muli %sub3A_114, %mul3A_115 : i32
      %add3A_117 = arith.addi %add3A, %mul3A_116 : i32
      %lt3A_118 = arith.constant 1250 : i32
      %lt3A_119 = arith.cmpi slt, %add3A_117, %lt3A_118 : i32
      %and3A_120 = arith.andi %ge3A_112, %lt3A_119 : i1
      %convert_element_type3A_121 = arith.extui %and3A_120 : i1 to i32
      %cond3A_122 = arith.constant 0 : i32
      %cond3A_123 = arith.cmpi ne, %convert_element_type3A_121, %cond3A_122 : i32
      scf.if %cond3A_123 {
        %sub3A_160 = arith.constant 1 : i32
        %sub3A_161 = arith.subi %add3A_100, %sub3A_160 : i32
        %mul3A_162 = arith.constant 32 : i32
        %mul3A_163 = arith.muli %sub3A_161, %mul3A_162 : i32
        %add3A_164 = arith.addi %add3A, %mul3A_163 : i32
        %mul3A_165 = arith.constant 128 : i32
        %mul3A_166 = arith.muli %add3A_164, %mul3A_165 : i32
        %dma_wait3A = arith.constant 0 : i32
        %dma_wait3A_167 = tpu.memref_slice %arg5[%mul3A_166, %dma_wait3A] : memref<160000x128xf32, #tpu.memory_space<hbm>> -> memref<128x128xf32, #tpu.memory_space<hbm>>
        %dma_wait3A_168 = arith.constant 0 : i32
        %dma_wait3A_169 = tpu.memref_slice %arg5[%mul3A_166, %dma_wait3A_168] : memref<160000x128xf32, #tpu.memory_space<hbm>> -> memref<128x128xf32, #tpu.memory_space<hbm>>
        tpu.wait_dma2 semaphore(%arg16 : memref<!tpu.dma_semaphore, #tpu.memory_space<semaphore_mem>>) src(%arg8 : memref<128x128xf32, #tpu.memory_space<vmem>>) dst(%dma_wait3A_169 : memref<128x128xf32, #tpu.memory_space<hbm>>)
      } else {
      }
      %add3A_124 = arith.constant 1 : i32
      %add3A_125 = arith.addi %add3A_100, %add3A_124 : i32
      %mul3A_126 = arith.constant 32 : i32
      %mul3A_127 = arith.muli %add3A_125, %mul3A_126 : i32
      %add3A_128 = arith.addi %add3A, %mul3A_127 : i32
      %lt3A_129 = arith.constant 1250 : i32
      %lt3A_130 = arith.cmpi slt, %add3A_128, %lt3A_129 : i32
      %convert_element_type3A_131 = arith.extui %lt3A_130 : i1 to i32
      %cond3A_132 = arith.constant 0 : i32
      %cond3A_133 = arith.cmpi ne, %convert_element_type3A_131, %cond3A_132 : i32
      scf.if %cond3A_133 {
        %dma_start3A = arith.constant 0 : i32
        %dma_start3A_160 = arith.constant 0 : i32
        %dma_start3A_161 = tpu.memref_slice %arg6[%dma_start3A, %dma_start3A_160] : memref<2x128xi32, #tpu.memory_space<vmem>> -> memref<1x128xi32, #tpu.memory_space<vmem>>
        %dma_start3A_162 = tpu.memref_squeeze %dma_start3A_161 : memref<1x128xi32, #tpu.memory_space<vmem>> -> memref<128xi32, #tpu.memory_space<vmem>>
        %dma_start3A_163 = arith.constant 0 : i32
        %dma_start3A_164 = arith.constant 0 : i32
        %dma_start3A_165 = tpu.memref_slice %arg2[%dma_start3A_163, %dma_start3A_164] : memref<10000x128xf32, #tpu.memory_space<hbm>> -> memref<10000x128xf32, #tpu.memory_space<hbm>>
        tpu.enqueue_indirect_dma source(%dma_start3A_165 : memref<10000x128xf32, #tpu.memory_space<hbm>>) target(%arg8 : memref<128x128xf32, #tpu.memory_space<vmem>>) offsets(%dma_start3A_162 : memref<128xi32, #tpu.memory_space<vmem>>) semaphore(%arg14 : memref<!tpu.dma_semaphore, #tpu.memory_space<semaphore_mem>>)
        %dma_start3A_166 = arith.constant 1 : i32
        %dma_start3A_167 = arith.constant 0 : i32
        %dma_start3A_168 = tpu.memref_slice %arg6[%dma_start3A_166, %dma_start3A_167] : memref<2x128xi32, #tpu.memory_space<vmem>> -> memref<1x128xi32, #tpu.memory_space<vmem>>
        %dma_start3A_169 = tpu.memref_squeeze %dma_start3A_168 : memref<1x128xi32, #tpu.memory_space<vmem>> -> memref<128xi32, #tpu.memory_space<vmem>>
        %dma_start3A_170 = arith.constant 0 : i32
        %dma_start3A_171 = arith.constant 0 : i32
        %dma_start3A_172 = tpu.memref_slice %arg3[%dma_start3A_170, %dma_start3A_171] : memref<10000x128xf32, #tpu.memory_space<hbm>> -> memref<10000x128xf32, #tpu.memory_space<hbm>>
        tpu.enqueue_indirect_dma source(%dma_start3A_172 : memref<10000x128xf32, #tpu.memory_space<hbm>>) target(%arg9 : memref<128x128xf32, #tpu.memory_space<vmem>>) offsets(%dma_start3A_169 : memref<128xi32, #tpu.memory_space<vmem>>) semaphore(%arg14 : memref<!tpu.dma_semaphore, #tpu.memory_space<semaphore_mem>>)
      } else {
      }
      %mul3A_134 = arith.constant 32 : i32
      %mul3A_135 = arith.muli %add3A_100, %mul3A_134 : i32
      %add3A_136 = arith.addi %add3A, %mul3A_135 : i32
      %lt3A_137 = arith.constant 1250 : i32
      %lt3A_138 = arith.cmpi slt, %add3A_136, %lt3A_137 : i32
      %convert_element_type3A_139 = arith.extui %lt3A_138 : i1 to i32
      %cond3A_140 = arith.constant 0 : i32
      %cond3A_141 = arith.cmpi ne, %convert_element_type3A_139, %cond3A_140 : i32
      scf.if %cond3A_141 {
        %dma_wait3A = arith.constant 0 : i32
        %dma_wait3A_160 = arith.constant 0 : i32
        %dma_wait3A_161 = tpu.memref_slice %arg7[%dma_wait3A, %dma_wait3A_160] : memref<2x128xi32, #tpu.memory_space<vmem>> -> memref<1x128xi32, #tpu.memory_space<vmem>>
        %dma_wait3A_162 = tpu.memref_squeeze %dma_wait3A_161 : memref<1x128xi32, #tpu.memory_space<vmem>> -> memref<128xi32, #tpu.memory_space<vmem>>
        %dma_wait3A_163 = arith.constant 0 : i32
        %dma_wait3A_164 = arith.constant 0 : i32
        %dma_wait3A_165 = tpu.memref_slice %arg2[%dma_wait3A_163, %dma_wait3A_164] : memref<10000x128xf32, #tpu.memory_space<hbm>> -> memref<10000x128xf32, #tpu.memory_space<hbm>>
        tpu.wait_indirect_dma semaphore(%arg15 : memref<!tpu.dma_semaphore, #tpu.memory_space<semaphore_mem>>) src(%dma_wait3A_165 : memref<10000x128xf32, #tpu.memory_space<hbm>>) dst(%arg10 : memref<128x128xf32, #tpu.memory_space<vmem>>)
        %dma_wait3A_166 = arith.constant 1 : i32
        %dma_wait3A_167 = arith.constant 0 : i32
        %dma_wait3A_168 = tpu.memref_slice %arg7[%dma_wait3A_166, %dma_wait3A_167] : memref<2x128xi32, #tpu.memory_space<vmem>> -> memref<1x128xi32, #tpu.memory_space<vmem>>
        %dma_wait3A_169 = tpu.memref_squeeze %dma_wait3A_168 : memref<1x128xi32, #tpu.memory_space<vmem>> -> memref<128xi32, #tpu.memory_space<vmem>>
        %dma_wait3A_170 = arith.constant 0 : i32
        %dma_wait3A_171 = arith.constant 0 : i32
        %dma_wait3A_172 = tpu.memref_slice %arg3[%dma_wait3A_170, %dma_wait3A_171] : memref<10000x128xf32, #tpu.memory_space<hbm>> -> memref<10000x128xf32, #tpu.memory_space<hbm>>
        tpu.wait_indirect_dma semaphore(%arg15 : memref<!tpu.dma_semaphore, #tpu.memory_space<semaphore_mem>>) src(%dma_wait3A_172 : memref<10000x128xf32, #tpu.memory_space<hbm>>) dst(%arg11 : memref<128x128xf32, #tpu.memory_space<vmem>>)
      } else {
      }
      %add3A_142 = arith.constant 2 : i32
      %add3A_143 = arith.addi %add3A_100, %add3A_142 : i32
      %mul3A_144 = arith.constant 32 : i32
      %mul3A_145 = arith.muli %add3A_143, %mul3A_144 : i32
      %add3A_146 = arith.addi %add3A, %mul3A_145 : i32
      %lt3A_147 = arith.constant 1250 : i32
      %lt3A_148 = arith.cmpi slt, %add3A_146, %lt3A_147 : i32
      %convert_element_type3A_149 = arith.extui %lt3A_148 : i1 to i32
      %cond3A_150 = arith.constant 0 : i32
      %cond3A_151 = arith.cmpi ne, %convert_element_type3A_149, %cond3A_150 : i32
      scf.if %cond3A_151 {
        %mul3A_160 = arith.constant 32 : i32
        %mul3A_161 = arith.muli %add3A_143, %mul3A_160 : i32
        %add3A_162 = arith.addi %add3A, %mul3A_161 : i32
        %dma_start3A = arith.constant 0 : i32
        %dma_start3A_163 = arith.constant 0 : i32
        %dma_start3A_164 = tpu.memref_slice %arg4[%add3A_162, %dma_start3A, %dma_start3A_163] : memref<1250x2x128xi32, #tpu.memory_space<hbm>> -> memref<1x2x128xi32, #tpu.memory_space<hbm>>
        %dma_start3A_165 = tpu.memref_squeeze %dma_start3A_164 : memref<1x2x128xi32, #tpu.memory_space<hbm>> -> memref<2x128xi32, #tpu.memory_space<hbm>>
        %dma_start3A_166 = arith.constant 0 : i32
        %dma_start3A_167 = arith.constant 0 : i32
        %dma_start3A_168 = tpu.memref_slice %arg4[%add3A_162, %dma_start3A_166, %dma_start3A_167] : memref<1250x2x128xi32, #tpu.memory_space<hbm>> -> memref<1x2x128xi32, #tpu.memory_space<hbm>>
        %dma_start3A_169 = tpu.memref_squeeze %dma_start3A_168 : memref<1x2x128xi32, #tpu.memory_space<hbm>> -> memref<2x128xi32, #tpu.memory_space<hbm>>
        tpu.enqueue_dma source(%dma_start3A_169 : memref<2x128xi32, #tpu.memory_space<hbm>>) target(%arg7 : memref<2x128xi32, #tpu.memory_space<vmem>>) target_semaphore(%arg13 : memref<!tpu.dma_semaphore, #tpu.memory_space<semaphore_mem>>)
      } else {
      }
      %mul3A_152 = arith.constant 32 : i32
      %mul3A_153 = arith.muli %add3A_100, %mul3A_152 : i32
      %add3A_154 = arith.addi %add3A, %mul3A_153 : i32
      %lt3A_155 = arith.constant 1250 : i32
      %lt3A_156 = arith.cmpi slt, %add3A_154, %lt3A_155 : i32
      %convert_element_type3A_157 = arith.extui %lt3A_156 : i1 to i32
      %cond3A_158 = arith.constant 0 : i32
      %cond3A_159 = arith.cmpi ne, %convert_element_type3A_157, %cond3A_158 : i32
      scf.if %cond3A_159 {
        %scan3A_160 = arith.constant 0 : i32
        %scan3A_161 = arith.constant 0 : i32
        %scan3A_162 = arith.constant 128 : i32
        %scan3A_163 = arith.addi %scan3A_161, %scan3A_162 : i32
        %scan3A_164 = arith.constant 1 : i32
        scf.for %scan3A_174 = %scan3A_161 to %scan3A_163 step %scan3A_164  : i32 {
          %get3A = arith.index_cast %scan3A_174 : i32 to index
          %get3A_175 = arith.constant 0 : index
          %get3A_176 = tpu.vector_load %arg10[%get3A, %get3A_175] {strides = array<i32>} : memref<128x128xf32, #tpu.memory_space<vmem>>, vector<1x16xf32>,
          %get3A_177 = vector.shape_cast %get3A_176 : vector<1x16xf32> to vector<16xf32>
          %get3A_178 = arith.index_cast %scan3A_174 : i32 to index
          %get3A_179 = arith.constant 0 : index
          %get3A_180 = tpu.vector_load %arg11[%get3A_178, %get3A_179] {strides = array<i32>} : memref<128x128xf32, #tpu.memory_space<vmem>>, vector<1x16xf32>,
          %get3A_181 = vector.shape_cast %get3A_180 : vector<1x16xf32> to vector<16xf32>
          %add3A_182 = arith.addf %get3A_177, %get3A_181 : vector<16xf32>
          %swap3A = arith.index_cast %scan3A_174 : i32 to index
          %swap3A_183 = arith.constant 0 : index
          %swap3A_184 = tpu.vector_load %arg10[%swap3A, %swap3A_183] {strides = array<i32>} : memref<128x128xf32, #tpu.memory_space<vmem>>, vector<1x16xf32>,
          %swap3A_185 = vector.shape_cast %swap3A_184 : vector<1x16xf32> to vector<16xf32>
          %swap3A_186 = vector.shape_cast %add3A_182 : vector<16xf32> to vector<1x16xf32>
          tpu.vector_store %arg10[%swap3A, %swap3A_183], %swap3A_186 {strides = array<i32>} : memref<128x128xf32, #tpu.memory_space<vmem>>, vector<1x16xf32>,
          %get3A_187 = arith.index_cast %scan3A_174 : i32 to index
          %get3A_188 = arith.constant 16 : index
          %get3A_189 = tpu.vector_load %arg10[%get3A_187, %get3A_188] {strides = array<i32>} : memref<128x128xf32, #tpu.memory_space<vmem>>, vector<1x16xf32>,
          %get3A_190 = vector.shape_cast %get3A_189 : vector<1x16xf32> to vector<16xf32>
          %get3A_191 = arith.index_cast %scan3A_174 : i32 to index
          %get3A_192 = arith.constant 16 : index
          %get3A_193 = tpu.vector_load %arg11[%get3A_191, %get3A_192] {strides = array<i32>} : memref<128x128xf32, #tpu.memory_space<vmem>>, vector<1x16xf32>,
          %get3A_194 = vector.shape_cast %get3A_193 : vector<1x16xf32> to vector<16xf32>
          %add3A_195 = arith.addf %get3A_190, %get3A_194 : vector<16xf32>
          %swap3A_196 = arith.index_cast %scan3A_174 : i32 to index
          %swap3A_197 = arith.constant 16 : index
          %swap3A_198 = tpu.vector_load %arg10[%swap3A_196, %swap3A_197] {strides = array<i32>} : memref<128x128xf32, #tpu.memory_space<vmem>>, vector<1x16xf32>,
          %swap3A_199 = vector.shape_cast %swap3A_198 : vector<1x16xf32> to vector<16xf32>
          %swap3A_200 = vector.shape_cast %add3A_195 : vector<16xf32> to vector<1x16xf32>
          tpu.vector_store %arg10[%swap3A_196, %swap3A_197], %swap3A_200 {strides = array<i32>} : memref<128x128xf32, #tpu.memory_space<vmem>>, vector<1x16xf32>,
          %get3A_201 = arith.index_cast %scan3A_174 : i32 to index
          %get3A_202 = arith.constant 32 : index
          %get3A_203 = tpu.vector_load %arg10[%get3A_201, %get3A_202] {strides = array<i32>} : memref<128x128xf32, #tpu.memory_space<vmem>>, vector<1x16xf32>,
          %get3A_204 = vector.shape_cast %get3A_203 : vector<1x16xf32> to vector<16xf32>
          %get3A_205 = arith.index_cast %scan3A_174 : i32 to index
          %get3A_206 = arith.constant 32 : index
          %get3A_207 = tpu.vector_load %arg11[%get3A_205, %get3A_206] {strides = array<i32>} : memref<128x128xf32, #tpu.memory_space<vmem>>, vector<1x16xf32>,
          %get3A_208 = vector.shape_cast %get3A_207 : vector<1x16xf32> to vector<16xf32>
          %add3A_209 = arith.addf %get3A_204, %get3A_208 : vector<16xf32>
          %swap3A_210 = arith.index_cast %scan3A_174 : i32 to index
          %swap3A_211 = arith.constant 32 : index
          %swap3A_212 = tpu.vector_load %arg10[%swap3A_210, %swap3A_211] {strides = array<i32>} : memref<128x128xf32, #tpu.memory_space<vmem>>, vector<1x16xf32>,
          %swap3A_213 = vector.shape_cast %swap3A_212 : vector<1x16xf32> to vector<16xf32>
          %swap3A_214 = vector.shape_cast %add3A_209 : vector<16xf32> to vector<1x16xf32>
          tpu.vector_store %arg10[%swap3A_210, %swap3A_211], %swap3A_214 {strides = array<i32>} : memref<128x128xf32, #tpu.memory_space<vmem>>, vector<1x16xf32>,
          %get3A_215 = arith.index_cast %scan3A_174 : i32 to index
          %get3A_216 = arith.constant 48 : index
          %get3A_217 = tpu.vector_load %arg10[%get3A_215, %get3A_216] {strides = array<i32>} : memref<128x128xf32, #tpu.memory_space<vmem>>, vector<1x16xf32>,
          %get3A_218 = vector.shape_cast %get3A_217 : vector<1x16xf32> to vector<16xf32>
          %get3A_219 = arith.index_cast %scan3A_174 : i32 to index
          %get3A_220 = arith.constant 48 : index
          %get3A_221 = tpu.vector_load %arg11[%get3A_219, %get3A_220] {strides = array<i32>} : memref<128x128xf32, #tpu.memory_space<vmem>>, vector<1x16xf32>,
          %get3A_222 = vector.shape_cast %get3A_221 : vector<1x16xf32> to vector<16xf32>
          %add3A_223 = arith.addf %get3A_218, %get3A_222 : vector<16xf32>
          %swap3A_224 = arith.index_cast %scan3A_174 : i32 to index
          %swap3A_225 = arith.constant 48 : index
          %swap3A_226 = tpu.vector_load %arg10[%swap3A_224, %swap3A_225] {strides = array<i32>} : memref<128x128xf32, #tpu.memory_space<vmem>>, vector<1x16xf32>,
          %swap3A_227 = vector.shape_cast %swap3A_226 : vector<1x16xf32> to vector<16xf32>
          %swap3A_228 = vector.shape_cast %add3A_223 : vector<16xf32> to vector<1x16xf32>
          tpu.vector_store %arg10[%swap3A_224, %swap3A_225], %swap3A_228 {strides = array<i32>} : memref<128x128xf32, #tpu.memory_space<vmem>>, vector<1x16xf32>,
          %get3A_229 = arith.index_cast %scan3A_174 : i32 to index
          %get3A_230 = arith.constant 64 : index
          %get3A_231 = tpu.vector_load %arg10[%get3A_229, %get3A_230] {strides = array<i32>} : memref<128x128xf32, #tpu.memory_space<vmem>>, vector<1x16xf32>,
          %get3A_232 = vector.shape_cast %get3A_231 : vector<1x16xf32> to vector<16xf32>
          %get3A_233 = arith.index_cast %scan3A_174 : i32 to index
          %get3A_234 = arith.constant 64 : index
          %get3A_235 = tpu.vector_load %arg11[%get3A_233, %get3A_234] {strides = array<i32>} : memref<128x128xf32, #tpu.memory_space<vmem>>, vector<1x16xf32>,
          %get3A_236 = vector.shape_cast %get3A_235 : vector<1x16xf32> to vector<16xf32>
          %add3A_237 = arith.addf %get3A_232, %get3A_236 : vector<16xf32>
          %swap3A_238 = arith.index_cast %scan3A_174 : i32 to index
          %swap3A_239 = arith.constant 64 : index
          %swap3A_240 = tpu.vector_load %arg10[%swap3A_238, %swap3A_239] {strides = array<i32>} : memref<128x128xf32, #tpu.memory_space<vmem>>, vector<1x16xf32>,
          %swap3A_241 = vector.shape_cast %swap3A_240 : vector<1x16xf32> to vector<16xf32>
          %swap3A_242 = vector.shape_cast %add3A_237 : vector<16xf32> to vector<1x16xf32>
          tpu.vector_store %arg10[%swap3A_238, %swap3A_239], %swap3A_242 {strides = array<i32>} : memref<128x128xf32, #tpu.memory_space<vmem>>, vector<1x16xf32>,
          %get3A_243 = arith.index_cast %scan3A_174 : i32 to index
          %get3A_244 = arith.constant 80 : index
          %get3A_245 = tpu.vector_load %arg10[%get3A_243, %get3A_244] {strides = array<i32>} : memref<128x128xf32, #tpu.memory_space<vmem>>, vector<1x16xf32>,
          %get3A_246 = vector.shape_cast %get3A_245 : vector<1x16xf32> to vector<16xf32>
          %get3A_247 = arith.index_cast %scan3A_174 : i32 to index
          %get3A_248 = arith.constant 80 : index
          %get3A_249 = tpu.vector_load %arg11[%get3A_247, %get3A_248] {strides = array<i32>} : memref<128x128xf32, #tpu.memory_space<vmem>>, vector<1x16xf32>,
          %get3A_250 = vector.shape_cast %get3A_249 : vector<1x16xf32> to vector<16xf32>
          %add3A_251 = arith.addf %get3A_246, %get3A_250 : vector<16xf32>
          %swap3A_252 = arith.index_cast %scan3A_174 : i32 to index
          %swap3A_253 = arith.constant 80 : index
          %swap3A_254 = tpu.vector_load %arg10[%swap3A_252, %swap3A_253] {strides = array<i32>} : memref<128x128xf32, #tpu.memory_space<vmem>>, vector<1x16xf32>,
          %swap3A_255 = vector.shape_cast %swap3A_254 : vector<1x16xf32> to vector<16xf32>
          %swap3A_256 = vector.shape_cast %add3A_251 : vector<16xf32> to vector<1x16xf32>
          tpu.vector_store %arg10[%swap3A_252, %swap3A_253], %swap3A_256 {strides = array<i32>} : memref<128x128xf32, #tpu.memory_space<vmem>>, vector<1x16xf32>,
          %get3A_257 = arith.index_cast %scan3A_174 : i32 to index
          %get3A_258 = arith.constant 96 : index
          %get3A_259 = tpu.vector_load %arg10[%get3A_257, %get3A_258] {strides = array<i32>} : memref<128x128xf32, #tpu.memory_space<vmem>>, vector<1x16xf32>,
          %get3A_260 = vector.shape_cast %get3A_259 : vector<1x16xf32> to vector<16xf32>
          %get3A_261 = arith.index_cast %scan3A_174 : i32 to index
          %get3A_262 = arith.constant 96 : index
          %get3A_263 = tpu.vector_load %arg11[%get3A_261, %get3A_262] {strides = array<i32>} : memref<128x128xf32, #tpu.memory_space<vmem>>, vector<1x16xf32>,
          %get3A_264 = vector.shape_cast %get3A_263 : vector<1x16xf32> to vector<16xf32>
          %add3A_265 = arith.addf %get3A_260, %get3A_264 : vector<16xf32>
          %swap3A_266 = arith.index_cast %scan3A_174 : i32 to index
          %swap3A_267 = arith.constant 96 : index
          %swap3A_268 = tpu.vector_load %arg10[%swap3A_266, %swap3A_267] {strides = array<i32>} : memref<128x128xf32, #tpu.memory_space<vmem>>, vector<1x16xf32>,
          %swap3A_269 = vector.shape_cast %swap3A_268 : vector<1x16xf32> to vector<16xf32>
          %swap3A_270 = vector.shape_cast %add3A_265 : vector<16xf32> to vector<1x16xf32>
          tpu.vector_store %arg10[%swap3A_266, %swap3A_267], %swap3A_270 {strides = array<i32>} : memref<128x128xf32, #tpu.memory_space<vmem>>, vector<1x16xf32>,
          %get3A_271 = arith.index_cast %scan3A_174 : i32 to index
          %get3A_272 = arith.constant 112 : index
          %get3A_273 = tpu.vector_load %arg10[%get3A_271, %get3A_272] {strides = array<i32>} : memref<128x128xf32, #tpu.memory_space<vmem>>, vector<1x16xf32>,
          %get3A_274 = vector.shape_cast %get3A_273 : vector<1x16xf32> to vector<16xf32>
          %get3A_275 = arith.index_cast %scan3A_174 : i32 to index
          %get3A_276 = arith.constant 112 : index
          %get3A_277 = tpu.vector_load %arg11[%get3A_275, %get3A_276] {strides = array<i32>} : memref<128x128xf32, #tpu.memory_space<vmem>>, vector<1x16xf32>,
          %get3A_278 = vector.shape_cast %get3A_277 : vector<1x16xf32> to vector<16xf32>
          %add3A_279 = arith.addf %get3A_274, %get3A_278 : vector<16xf32>
          %swap3A_280 = arith.index_cast %scan3A_174 : i32 to index
          %swap3A_281 = arith.constant 112 : index
          %swap3A_282 = tpu.vector_load %arg10[%swap3A_280, %swap3A_281] {strides = array<i32>} : memref<128x128xf32, #tpu.memory_space<vmem>>, vector<1x16xf32>,
          %swap3A_283 = vector.shape_cast %swap3A_282 : vector<1x16xf32> to vector<16xf32>
          %swap3A_284 = vector.shape_cast %add3A_279 : vector<16xf32> to vector<1x16xf32>
          tpu.vector_store %arg10[%swap3A_280, %swap3A_281], %swap3A_284 {strides = array<i32>} : memref<128x128xf32, #tpu.memory_space<vmem>>, vector<1x16xf32>,
        }
        %scan3A_165 = arith.constant 128 : i32
        %mul3A_166 = arith.constant 32 : i32
        %mul3A_167 = arith.muli %add3A_100, %mul3A_166 : i32
        %add3A_168 = arith.addi %add3A, %mul3A_167 : i32
        %mul3A_169 = arith.constant 128 : i32
        %mul3A_170 = arith.muli %add3A_168, %mul3A_169 : i32
        %dma_start3A = arith.constant 0 : i32
        %dma_start3A_171 = tpu.memref_slice %arg5[%mul3A_170, %dma_start3A] : memref<160000x128xf32, #tpu.memory_space<hbm>> -> memref<128x128xf32, #tpu.memory_space<hbm>>
        %dma_start3A_172 = arith.constant 0 : i32
        %dma_start3A_173 = tpu.memref_slice %arg5[%mul3A_170, %dma_start3A_172] : memref<160000x128xf32, #tpu.memory_space<hbm>> -> memref<128x128xf32, #tpu.memory_space<hbm>>
        tpu.enqueue_dma source(%arg10 : memref<128x128xf32, #tpu.memory_space<vmem>>) target(%dma_start3A_173 : memref<128x128xf32, #tpu.memory_space<hbm>>) target_semaphore(%arg17 : memref<!tpu.dma_semaphore, #tpu.memory_space<semaphore_mem>>)
      } else {
      }
    }
    %scan3A_30 = arith.constant 20 : i32
    %add3A_31 = arith.constant 1248 : i32
    %add3A_32 = arith.addi %add3A, %add3A_31 : i32
    %lt3A_33 = arith.constant 1250 : i32
    %lt3A_34 = arith.cmpi slt, %add3A_32, %lt3A_33 : i32
    %convert_element_type3A_35 = arith.extui %lt3A_34 : i1 to i32
    %cond3A_36 = arith.constant 0 : i32
    %cond3A_37 = arith.cmpi ne, %convert_element_type3A_35, %cond3A_36 : i32
    scf.if %cond3A_37 {
      %add3A_38 = arith.constant 1248 : i32
      %add3A_39 = arith.addi %add3A, %add3A_38 : i32
      %mul3A_40 = arith.constant 128 : i32
      %mul3A_41 = arith.muli %add3A_39, %mul3A_40 : i32
      %dma_wait3A = arith.constant 0 : i32
      %dma_wait3A_42 = tpu.memref_slice %arg5[%mul3A_41, %dma_wait3A] : memref<160000x128xf32, #tpu.memory_space<hbm>> -> memref<128x128xf32, #tpu.memory_space<hbm>>
      %dma_wait3A_43 = arith.constant 0 : i32
      %dma_wait3A_44 = tpu.memref_slice %arg5[%mul3A_41, %dma_wait3A_43] : memref<160000x128xf32, #tpu.memory_space<hbm>> -> memref<128x128xf32, #tpu.memory_space<hbm>>
      tpu.wait_dma2 semaphore(%arg17 : memref<!tpu.dma_semaphore, #tpu.memory_space<semaphore_mem>>) src(%arg10 : memref<128x128xf32, #tpu.memory_space<vmem>>) dst(%dma_wait3A_44 : memref<128x128xf32, #tpu.memory_space<hbm>>)
    } else {
    }
    return
  }
}

#map = affine_map<(d0, d1) -> (0, 0)>
#map1 = affine_map<(d0, d1) -> (0, 0, 0)>
module attributes {stable_mosaic.version = 14 : i64} {
  func.func @_sc_gather_body(%arg0: i32, %arg1: i32, %arg2: memref<10000x128xf32, #tpu.memory_space<hbm>>, %arg3: memref<10000x128xf32, #tpu.memory_space<hbm>>, %arg4: memref<1250x2x128xi32, #tpu.memory_space<hbm>>, %arg5: memref<160000x128xf32, #tpu.memory_space<hbm>>, %arg6: memref<2x128xi32, #tpu.memory_space<vmem>>, %arg7: memref<2x128xi32, #tpu.memory_space<vmem>>, %arg8: memref<128x128xf32, #tpu.memory_space<vmem>>, %arg9: memref<128x128xf32, #tpu.memory_space<vmem>>, %arg10: memref<128x128xf32, #tpu.memory_space<vmem>>, %arg11: memref<128x128xf32, #tpu.memory_space<vmem>>, %arg12: memref<!tpu.dma_semaphore, #tpu.memory_space<semaphore_mem>>, %arg13: memref<!tpu.dma_semaphore, #tpu.memory_space<semaphore_mem>>, %arg14: memref<!tpu.dma_semaphore, #tpu.memory_space<semaphore_mem>>, %arg15: memref<!tpu.dma_semaphore, #tpu.memory_space<semaphore_mem>>, %arg16: memref<!tpu.dma_semaphore, #tpu.memory_space<semaphore_mem>>, %arg17: memref<!tpu.dma_semaphore, #tpu.memory_space<semaphore_mem>>) attributes {dimension_semantics = [#tpu.dimension_semantics<core_parallel>, #tpu.dimension_semantics<subcore_parallel>], iteration_bounds = array<i64: 2, 16>, scalar_prefetch = 0 : i64, scratch_operands = 12 : i64, tpu.core_type = #tpu.core_type<sc_vector_subcore>, window_params = [{transform_indices = #map}, {transform_indices = #map}, {transform_indices = #map1}, {transform_indices = #map}]} {
    %mul3A = arith.constant 2 : i32
    %mul3A_0 = arith.muli %arg1, %mul3A : i32
    %add3A = arith.addi %mul3A_0, %arg0 : i32
    %add3A_1 = arith.constant 0 : i32
    %add3A_2 = arith.addi %add3A, %add3A_1 : i32
    %lt3A = arith.constant 1250 : i32
    %lt3A_3 = arith.cmpi slt, %add3A_2, %lt3A : i32
    %convert_element_type3A = arith.extui %lt3A_3 : i1 to i32
    %cond3A = arith.constant 0 : i32
    %cond3A_4 = arith.cmpi ne, %convert_element_type3A, %cond3A : i32
    scf.if %cond3A_4 {
      %add3A_38 = arith.constant 0 : i32
      %add3A_39 = arith.addi %add3A, %add3A_38 : i32
      %dma_start3A = arith.constant 0 : i32
      %dma_start3A_40 = arith.constant 0 : i32
      %dma_start3A_41 = tpu.memref_slice %arg4[%add3A_39, %dma_start3A, %dma_start3A_40] : memref<1250x2x128xi32, #tpu.memory_space<hbm>> -> memref<1x2x128xi32, #tpu.memory_space<hbm>>
      %dma_start3A_42 = tpu.memref_squeeze %dma_start3A_41 : memref<1x2x128xi32, #tpu.memory_space<hbm>> -> memref<2x128xi32, #tpu.memory_space<hbm>>
      %dma_start3A_43 = arith.constant 0 : i32
      %dma_start3A_44 = arith.constant 0 : i32
      %dma_start3A_45 = tpu.memref_slice %arg4[%add3A_39, %dma_start3A_43, %dma_start3A_44] : memref<1250x2x128xi32, #tpu.memory_space<hbm>> -> memref<1x2x128xi32, #tpu.memory_space<hbm>>
      %dma_start3A_46 = tpu.memref_squeeze %dma_start3A_45 : memref<1x2x128xi32, #tpu.memory_space<hbm>> -> memref<2x128xi32, #tpu.memory_space<hbm>>
      tpu.enqueue_dma source(%dma_start3A_46 : memref<2x128xi32, #tpu.memory_space<hbm>>) target(%arg6 : memref<2x128xi32, #tpu.memory_space<vmem>>) target_semaphore(%arg12 : memref<!tpu.dma_semaphore, #tpu.memory_space<semaphore_mem>>)
    } else {
    }
    %add3A_5 = arith.constant 0 : i32
    %add3A_6 = arith.addi %add3A, %add3A_5 : i32
    %lt3A_7 = arith.constant 1250 : i32
    %lt3A_8 = arith.cmpi slt, %add3A_6, %lt3A_7 : i32
    %convert_element_type3A_9 = arith.extui %lt3A_8 : i1 to i32
    %cond3A_10 = arith.constant 0 : i32
    %cond3A_11 = arith.cmpi ne, %convert_element_type3A_9, %cond3A_10 : i32
    scf.if %cond3A_11 {
      %add3A_38 = arith.constant 0 : i32
      %add3A_39 = arith.addi %add3A, %add3A_38 : i32
      %dma_wait3A = arith.constant 0 : i32
      %dma_wait3A_40 = arith.constant 0 : i32
      %dma_wait3A_41 = tpu.memref_slice %arg4[%add3A_39, %dma_wait3A, %dma_wait3A_40] : memref<1250x2x128xi32, #tpu.memory_space<hbm>> -> memref<1x2x128xi32, #tpu.memory_space<hbm>>
      %dma_wait3A_42 = tpu.memref_squeeze %dma_wait3A_41 : memref<1x2x128xi32, #tpu.memory_space<hbm>> -> memref<2x128xi32, #tpu.memory_space<hbm>>
      %dma_wait3A_43 = arith.constant 0 : i32
      %dma_wait3A_44 = arith.constant 0 : i32
      %dma_wait3A_45 = tpu.memref_slice %arg4[%add3A_39, %dma_wait3A_43, %dma_wait3A_44] : memref<1250x2x128xi32, #tpu.memory_space<hbm>> -> memref<1x2x128xi32, #tpu.memory_space<hbm>>
      %dma_wait3A_46 = tpu.memref_squeeze %dma_wait3A_45 : memref<1x2x128xi32, #tpu.memory_space<hbm>> -> memref<2x128xi32, #tpu.memory_space<hbm>>
      tpu.wait_dma2 semaphore(%arg12 : memref<!tpu.dma_semaphore, #tpu.memory_space<semaphore_mem>>) src(%dma_wait3A_46 : memref<2x128xi32, #tpu.memory_space<hbm>>) dst(%arg6 : memref<2x128xi32, #tpu.memory_space<vmem>>)
    } else {
    }
    %add3A_12 = arith.constant 0 : i32
    %add3A_13 = arith.addi %add3A, %add3A_12 : i32
    %lt3A_14 = arith.constant 1250 : i32
    %lt3A_15 = arith.cmpi slt, %add3A_13, %lt3A_14 : i32
    %convert_element_type3A_16 = arith.extui %lt3A_15 : i1 to i32
    %cond3A_17 = arith.constant 0 : i32
    %cond3A_18 = arith.cmpi ne, %convert_element_type3A_16, %cond3A_17 : i32
    scf.if %cond3A_18 {
      %dma_start3A = arith.constant 0 : i32
      %dma_start3A_38 = arith.constant 0 : i32
      %dma_start3A_39 = tpu.memref_slice %arg6[%dma_start3A, %dma_start3A_38] : memref<2x128xi32, #tpu.memory_space<vmem>> -> memref<1x128xi32, #tpu.memory_space<vmem>>
      %dma_start3A_40 = tpu.memref_squeeze %dma_start3A_39 : memref<1x128xi32, #tpu.memory_space<vmem>> -> memref<128xi32, #tpu.memory_space<vmem>>
      %dma_start3A_41 = arith.constant 0 : i32
      %dma_start3A_42 = arith.constant 0 : i32
      %dma_start3A_43 = tpu.memref_slice %arg2[%dma_start3A_41, %dma_start3A_42] : memref<10000x128xf32, #tpu.memory_space<hbm>> -> memref<10000x128xf32, #tpu.memory_space<hbm>>
      tpu.enqueue_indirect_dma source(%dma_start3A_43 : memref<10000x128xf32, #tpu.memory_space<hbm>>) target(%arg8 : memref<128x128xf32, #tpu.memory_space<vmem>>) offsets(%dma_start3A_40 : memref<128xi32, #tpu.memory_space<vmem>>) semaphore(%arg14 : memref<!tpu.dma_semaphore, #tpu.memory_space<semaphore_mem>>)
      %dma_start3A_44 = arith.constant 1 : i32
      %dma_start3A_45 = arith.constant 0 : i32
      %dma_start3A_46 = tpu.memref_slice %arg6[%dma_start3A_44, %dma_start3A_45] : memref<2x128xi32, #tpu.memory_space<vmem>> -> memref<1x128xi32, #tpu.memory_space<vmem>>
      %dma_start3A_47 = tpu.memref_squeeze %dma_start3A_46 : memref<1x128xi32, #tpu.memory_space<vmem>> -> memref<128xi32, #tpu.memory_space<vmem>>
      %dma_start3A_48 = arith.constant 0 : i32
      %dma_start3A_49 = arith.constant 0 : i32
      %dma_start3A_50 = tpu.memref_slice %arg3[%dma_start3A_48, %dma_start3A_49] : memref<10000x128xf32, #tpu.memory_space<hbm>> -> memref<10000x128xf32, #tpu.memory_space<hbm>>
      tpu.enqueue_indirect_dma source(%dma_start3A_50 : memref<10000x128xf32, #tpu.memory_space<hbm>>) target(%arg9 : memref<128x128xf32, #tpu.memory_space<vmem>>) offsets(%dma_start3A_47 : memref<128xi32, #tpu.memory_space<vmem>>) semaphore(%arg14 : memref<!tpu.dma_semaphore, #tpu.memory_space<semaphore_mem>>)
    } else {
    }
    %add3A_19 = arith.constant 32 : i32
    %add3A_20 = arith.addi %add3A, %add3A_19 : i32
    %lt3A_21 = arith.constant 1250 : i32
    %lt3A_22 = arith.cmpi slt, %add3A_20, %lt3A_21 : i32
    %convert_element_type3A_23 = arith.extui %lt3A_22 : i1 to i32
    %cond3A_24 = arith.constant 0 : i32
    %cond3A_25 = arith.cmpi ne, %convert_element_type3A_23, %cond3A_24 : i32
    scf.if %cond3A_25 {
      %add3A_38 = arith.constant 32 : i32
      %add3A_39 = arith.addi %add3A, %add3A_38 : i32
      %dma_start3A = arith.constant 0 : i32
      %dma_start3A_40 = arith.constant 0 : i32
      %dma_start3A_41 = tpu.memref_slice %arg4[%add3A_39, %dma_start3A, %dma_start3A_40] : memref<1250x2x128xi32, #tpu.memory_space<hbm>> -> memref<1x2x128xi32, #tpu.memory_space<hbm>>
      %dma_start3A_42 = tpu.memref_squeeze %dma_start3A_41 : memref<1x2x128xi32, #tpu.memory_space<hbm>> -> memref<2x128xi32, #tpu.memory_space<hbm>>
      %dma_start3A_43 = arith.constant 0 : i32
      %dma_start3A_44 = arith.constant 0 : i32
      %dma_start3A_45 = tpu.memref_slice %arg4[%add3A_39, %dma_start3A_43, %dma_start3A_44] : memref<1250x2x128xi32, #tpu.memory_space<hbm>> -> memref<1x2x128xi32, #tpu.memory_space<hbm>>
      %dma_start3A_46 = tpu.memref_squeeze %dma_start3A_45 : memref<1x2x128xi32, #tpu.memory_space<hbm>> -> memref<2x128xi32, #tpu.memory_space<hbm>>
      tpu.enqueue_dma source(%dma_start3A_46 : memref<2x128xi32, #tpu.memory_space<hbm>>) target(%arg7 : memref<2x128xi32, #tpu.memory_space<vmem>>) target_semaphore(%arg13 : memref<!tpu.dma_semaphore, #tpu.memory_space<semaphore_mem>>)
    } else {
    }
    %scan3A = arith.constant 0 : i32
    %scan3A_26 = arith.constant 0 : i32
    %scan3A_27 = arith.constant 20 : i32
    %scan3A_28 = arith.addi %scan3A_26, %scan3A_27 : i32
    %scan3A_29 = arith.constant 1 : i32
    scf.for %scan3A_38 = %scan3A_26 to %scan3A_28 step %scan3A_29  : i32 {
      %mul3A_39 = arith.constant 2 : i32
      %mul3A_40 = arith.muli %mul3A_39, %scan3A_38 : i32
      %add3A_41 = arith.constant 1 : i32
      %add3A_42 = arith.addi %mul3A_40, %add3A_41 : i32
      %mul3A_43 = arith.constant 32 : i32
      %mul3A_44 = arith.muli %add3A_42, %mul3A_43 : i32
      %add3A_45 = arith.addi %add3A, %mul3A_44 : i32
      %lt3A_46 = arith.constant 1250 : i32
      %lt3A_47 = arith.cmpi slt, %add3A_45, %lt3A_46 : i32
      %convert_element_type3A_48 = arith.extui %lt3A_47 : i1 to i32
      %cond3A_49 = arith.constant 0 : i32
      %cond3A_50 = arith.cmpi ne, %convert_element_type3A_48, %cond3A_49 : i32
      scf.if %cond3A_50 {
        %add3A_160 = arith.constant 1 : i32
        %add3A_161 = arith.addi %mul3A_40, %add3A_160 : i32
        %mul3A_162 = arith.constant 32 : i32
        %mul3A_163 = arith.muli %add3A_161, %mul3A_162 : i32
        %add3A_164 = arith.addi %add3A, %mul3A_163 : i32
        %dma_wait3A = arith.constant 0 : i32
        %dma_wait3A_165 = arith.constant 0 : i32
        %dma_wait3A_166 = tpu.memref_slice %arg4[%add3A_164, %dma_wait3A, %dma_wait3A_165] : memref<1250x2x128xi32, #tpu.memory_space<hbm>> -> memref<1x2x128xi32, #tpu.memory_space<hbm>>
        %dma_wait3A_167 = tpu.memref_squeeze %dma_wait3A_166 : memref<1x2x128xi32, #tpu.memory_space<hbm>> -> memref<2x128xi32, #tpu.memory_space<hbm>>
        %dma_wait3A_168 = arith.constant 0 : i32
        %dma_wait3A_169 = arith.constant 0 : i32
        %dma_wait3A_170 = tpu.memref_slice %arg4[%add3A_164, %dma_wait3A_168, %dma_wait3A_169] : memref<1250x2x128xi32, #tpu.memory_space<hbm>> -> memref<1x2x128xi32, #tpu.memory_space<hbm>>
        %dma_wait3A_171 = tpu.memref_squeeze %dma_wait3A_170 : memref<1x2x128xi32, #tpu.memory_space<hbm>> -> memref<2x128xi32, #tpu.memory_space<hbm>>
        tpu.wait_dma2 semaphore(%arg13 : memref<!tpu.dma_semaphore, #tpu.memory_space<semaphore_mem>>) src(%dma_wait3A_171 : memref<2x128xi32, #tpu.memory_space<hbm>>) dst(%arg7 : memref<2x128xi32, #tpu.memory_space<vmem>>)
      } else {
      }
      %ge3A = arith.constant 1 : i32
      %ge3A_51 = arith.cmpi sge, %mul3A_40, %ge3A : i32
      %sub3A = arith.constant 1 : i32
      %sub3A_52 = arith.subi %mul3A_40, %sub3A : i32
      %mul3A_53 = arith.constant 32 : i32
      %mul3A_54 = arith.muli %sub3A_52, %mul3A_53 : i32
      %add3A_55 = arith.addi %add3A, %mul3A_54 : i32
      %lt3A_56 = arith.constant 1250 : i32
      %lt3A_57 = arith.cmpi slt, %add3A_55, %lt3A_56 : i32
      %and3A = arith.andi %ge3A_51, %lt3A_57 : i1
      %convert_element_type3A_58 = arith.extui %and3A : i1 to i32
      %cond3A_59 = arith.constant 0 : i32
      %cond3A_60 = arith.cmpi ne, %convert_element_type3A_58, %cond3A_59 : i32
      scf.if %cond3A_60 {
        %sub3A_160 = arith.constant 1 : i32
        %sub3A_161 = arith.subi %mul3A_40, %sub3A_160 : i32
        %mul3A_162 = arith.constant 32 : i32
        %mul3A_163 = arith.muli %sub3A_161, %mul3A_162 : i32
        %add3A_164 = arith.addi %add3A, %mul3A_163 : i32
        %mul3A_165 = arith.constant 128 : i32
        %mul3A_166 = arith.muli %add3A_164, %mul3A_165 : i32
        %dma_wait3A = arith.constant 0 : i32
        %dma_wait3A_167 = tpu.memref_slice %arg5[%mul3A_166, %dma_wait3A] : memref<160000x128xf32, #tpu.memory_space<hbm>> -> memref<128x128xf32, #tpu.memory_space<hbm>>
        %dma_wait3A_168 = arith.constant 0 : i32
        %dma_wait3A_169 = tpu.memref_slice %arg5[%mul3A_166, %dma_wait3A_168] : memref<160000x128xf32, #tpu.memory_space<hbm>> -> memref<128x128xf32, #tpu.memory_space<hbm>>
        tpu.wait_dma2 semaphore(%arg17 : memref<!tpu.dma_semaphore, #tpu.memory_space<semaphore_mem>>) src(%arg10 : memref<128x128xf32, #tpu.memory_space<vmem>>) dst(%dma_wait3A_169 : memref<128x128xf32, #tpu.memory_space<hbm>>)
      } else {
      }
      %add3A_61 = arith.constant 1 : i32
      %add3A_62 = arith.addi %mul3A_40, %add3A_61 : i32
      %mul3A_63 = arith.constant 32 : i32
      %mul3A_64 = arith.muli %add3A_62, %mul3A_63 : i32
      %add3A_65 = arith.addi %add3A, %mul3A_64 : i32
      %lt3A_66 = arith.constant 1250 : i32
      %lt3A_67 = arith.cmpi slt, %add3A_65, %lt3A_66 : i32
      %convert_element_type3A_68 = arith.extui %lt3A_67 : i1 to i32
      %cond3A_69 = arith.constant 0 : i32
      %cond3A_70 = arith.cmpi ne, %convert_element_type3A_68, %cond3A_69 : i32
      scf.if %cond3A_70 {
        %dma_start3A = arith.constant 0 : i32
        %dma_start3A_160 = arith.constant 0 : i32
        %dma_start3A_161 = tpu.memref_slice %arg7[%dma_start3A, %dma_start3A_160] : memref<2x128xi32, #tpu.memory_space<vmem>> -> memref<1x128xi32, #tpu.memory_space<vmem>>
        %dma_start3A_162 = tpu.memref_squeeze %dma_start3A_161 : memref<1x128xi32, #tpu.memory_space<vmem>> -> memref<128xi32, #tpu.memory_space<vmem>>
        %dma_start3A_163 = arith.constant 0 : i32
        %dma_start3A_164 = arith.constant 0 : i32
        %dma_start3A_165 = tpu.memref_slice %arg2[%dma_start3A_163, %dma_start3A_164] : memref<10000x128xf32, #tpu.memory_space<hbm>> -> memref<10000x128xf32, #tpu.memory_space<hbm>>
        tpu.enqueue_indirect_dma source(%dma_start3A_165 : memref<10000x128xf32, #tpu.memory_space<hbm>>) target(%arg10 : memref<128x128xf32, #tpu.memory_space<vmem>>) offsets(%dma_start3A_162 : memref<128xi32, #tpu.memory_space<vmem>>) semaphore(%arg15 : memref<!tpu.dma_semaphore, #tpu.memory_space<semaphore_mem>>)
        %dma_start3A_166 = arith.constant 1 : i32
        %dma_start3A_167 = arith.constant 0 : i32
        %dma_start3A_168 = tpu.memref_slice %arg7[%dma_start3A_166, %dma_start3A_167] : memref<2x128xi32, #tpu.memory_space<vmem>> -> memref<1x128xi32, #tpu.memory_space<vmem>>
        %dma_start3A_169 = tpu.memref_squeeze %dma_start3A_168 : memref<1x128xi32, #tpu.memory_space<vmem>> -> memref<128xi32, #tpu.memory_space<vmem>>
        %dma_start3A_170 = arith.constant 0 : i32
        %dma_start3A_171 = arith.constant 0 : i32
        %dma_start3A_172 = tpu.memref_slice %arg3[%dma_start3A_170, %dma_start3A_171] : memref<10000x128xf32, #tpu.memory_space<hbm>> -> memref<10000x128xf32, #tpu.memory_space<hbm>>
        tpu.enqueue_indirect_dma source(%dma_start3A_172 : memref<10000x128xf32, #tpu.memory_space<hbm>>) target(%arg11 : memref<128x128xf32, #tpu.memory_space<vmem>>) offsets(%dma_start3A_169 : memref<128xi32, #tpu.memory_space<vmem>>) semaphore(%arg15 : memref<!tpu.dma_semaphore, #tpu.memory_space<semaphore_mem>>)
      } else {
      }
      %mul3A_71 = arith.constant 32 : i32
      %mul3A_72 = arith.muli %mul3A_40, %mul3A_71 : i32
      %add3A_73 = arith.addi %add3A, %mul3A_72 : i32
      %lt3A_74 = arith.constant 1250 : i32
      %lt3A_75 = arith.cmpi slt, %add3A_73, %lt3A_74 : i32
      %convert_element_type3A_76 = arith.extui %lt3A_75 : i1 to i32
      %cond3A_77 = arith.constant 0 : i32
      %cond3A_78 = arith.cmpi ne, %convert_element_type3A_76, %cond3A_77 : i32
      scf.if %cond3A_78 {
        %dma_wait3A = arith.constant 0 : i32
        %dma_wait3A_160 = arith.constant 0 : i32
        %dma_wait3A_161 = tpu.memref_slice %arg6[%dma_wait3A, %dma_wait3A_160] : memref<2x128xi32, #tpu.memory_space<vmem>> -> memref<1x128xi32, #tpu.memory_space<vmem>>
        %dma_wait3A_162 = tpu.memref_squeeze %dma_wait3A_161 : memref<1x128xi32, #tpu.memory_space<vmem>> -> memref<128xi32, #tpu.memory_space<vmem>>
        %dma_wait3A_163 = arith.constant 0 : i32
        %dma_wait3A_164 = arith.constant 0 : i32
        %dma_wait3A_165 = tpu.memref_slice %arg2[%dma_wait3A_163, %dma_wait3A_164] : memref<10000x128xf32, #tpu.memory_space<hbm>> -> memref<10000x128xf32, #tpu.memory_space<hbm>>
        tpu.wait_indirect_dma semaphore(%arg14 : memref<!tpu.dma_semaphore, #tpu.memory_space<semaphore_mem>>) src(%dma_wait3A_165 : memref<10000x128xf32, #tpu.memory_space<hbm>>) dst(%arg8 : memref<128x128xf32, #tpu.memory_space<vmem>>)
        %dma_wait3A_166 = arith.constant 1 : i32
        %dma_wait3A_167 = arith.constant 0 : i32
        %dma_wait3A_168 = tpu.memref_slice %arg6[%dma_wait3A_166, %dma_wait3A_167] : memref<2x128xi32, #tpu.memory_space<vmem>> -> memref<1x128xi32, #tpu.memory_space<vmem>>
        %dma_wait3A_169 = tpu.memref_squeeze %dma_wait3A_168 : memref<1x128xi32, #tpu.memory_space<vmem>> -> memref<128xi32, #tpu.memory_space<vmem>>
        %dma_wait3A_170 = arith.constant 0 : i32
        %dma_wait3A_171 = arith.constant 0 : i32
        %dma_wait3A_172 = tpu.memref_slice %arg3[%dma_wait3A_170, %dma_wait3A_171] : memref<10000x128xf32, #tpu.memory_space<hbm>> -> memref<10000x128xf32, #tpu.memory_space<hbm>>
        tpu.wait_indirect_dma semaphore(%arg14 : memref<!tpu.dma_semaphore, #tpu.memory_space<semaphore_mem>>) src(%dma_wait3A_172 : memref<10000x128xf32, #tpu.memory_space<hbm>>) dst(%arg9 : memref<128x128xf32, #tpu.memory_space<vmem>>)
      } else {
      }
      %add3A_79 = arith.constant 2 : i32
      %add3A_80 = arith.addi %mul3A_40, %add3A_79 : i32
      %mul3A_81 = arith.constant 32 : i32
      %mul3A_82 = arith.muli %add3A_80, %mul3A_81 : i32
      %add3A_83 = arith.addi %add3A, %mul3A_82 : i32
      %lt3A_84 = arith.constant 1250 : i32
      %lt3A_85 = arith.cmpi slt, %add3A_83, %lt3A_84 : i32
      %convert_element_type3A_86 = arith.extui %lt3A_85 : i1 to i32
      %cond3A_87 = arith.constant 0 : i32
      %cond3A_88 = arith.cmpi ne, %convert_element_type3A_86, %cond3A_87 : i32
      scf.if %cond3A_88 {
        %mul3A_160 = arith.constant 32 : i32
        %mul3A_161 = arith.muli %add3A_80, %mul3A_160 : i32
        %add3A_162 = arith.addi %add3A, %mul3A_161 : i32
        %dma_start3A = arith.constant 0 : i32
        %dma_start3A_163 = arith.constant 0 : i32
        %dma_start3A_164 = tpu.memref_slice %arg4[%add3A_162, %dma_start3A, %dma_start3A_163] : memref<1250x2x128xi32, #tpu.memory_space<hbm>> -> memref<1x2x128xi32, #tpu.memory_space<hbm>>
        %dma_start3A_165 = tpu.memref_squeeze %dma_start3A_164 : memref<1x2x128xi32, #tpu.memory_space<hbm>> -> memref<2x128xi32, #tpu.memory_space<hbm>>
        %dma_start3A_166 = arith.constant 0 : i32
        %dma_start3A_167 = arith.constant 0 : i32
        %dma_start3A_168 = tpu.memref_slice %arg4[%add3A_162, %dma_start3A_166, %dma_start3A_167] : memref<1250x2x128xi32, #tpu.memory_space<hbm>> -> memref<1x2x128xi32, #tpu.memory_space<hbm>>
        %dma_start3A_169 = tpu.memref_squeeze %dma_start3A_168 : memref<1x2x128xi32, #tpu.memory_space<hbm>> -> memref<2x128xi32, #tpu.memory_space<hbm>>
        tpu.enqueue_dma source(%dma_start3A_169 : memref<2x128xi32, #tpu.memory_space<hbm>>) target(%arg6 : memref<2x128xi32, #tpu.memory_space<vmem>>) target_semaphore(%arg12 : memref<!tpu.dma_semaphore, #tpu.memory_space<semaphore_mem>>)
      } else {
      }
      %mul3A_89 = arith.constant 32 : i32
      %mul3A_90 = arith.muli %mul3A_40, %mul3A_89 : i32
      %add3A_91 = arith.addi %add3A, %mul3A_90 : i32
      %lt3A_92 = arith.constant 1250 : i32
      %lt3A_93 = arith.cmpi slt, %add3A_91, %lt3A_92 : i32
      %convert_element_type3A_94 = arith.extui %lt3A_93 : i1 to i32
      %cond3A_95 = arith.constant 0 : i32
      %cond3A_96 = arith.cmpi ne, %convert_element_type3A_94, %cond3A_95 : i32
      scf.if %cond3A_96 {
        %scan3A_160 = arith.constant 0 : i32
        %scan3A_161 = arith.constant 0 : i32
        %scan3A_162 = arith.constant 128 : i32
        %scan3A_163 = arith.addi %scan3A_161, %scan3A_162 : i32
        %scan3A_164 = arith.constant 1 : i32
        scf.for %scan3A_174 = %scan3A_161 to %scan3A_163 step %scan3A_164  : i32 {
          %get3A = arith.index_cast %scan3A_174 : i32 to index
          %get3A_175 = arith.constant 0 : index
          %get3A_176 = tpu.vector_load %arg8[%get3A, %get3A_175] {strides = array<i32>} : memref<128x128xf32, #tpu.memory_space<vmem>>, vector<1x16xf32>,
          %get3A_177 = vector.shape_cast %get3A_176 : vector<1x16xf32> to vector<16xf32>
          %get3A_178 = arith.index_cast %scan3A_174 : i32 to index
          %get3A_179 = arith.constant 0 : index
          %get3A_180 = tpu.vector_load %arg9[%get3A_178, %get3A_179] {strides = array<i32>} : memref<128x128xf32, #tpu.memory_space<vmem>>, vector<1x16xf32>,
          %get3A_181 = vector.shape_cast %get3A_180 : vector<1x16xf32> to vector<16xf32>
          %add3A_182 = arith.addf %get3A_177, %get3A_181 : vector<16xf32>
          %swap3A = arith.index_cast %scan3A_174 : i32 to index
          %swap3A_183 = arith.constant 0 : index
          %swap3A_184 = tpu.vector_load %arg8[%swap3A, %swap3A_183] {strides = array<i32>} : memref<128x128xf32, #tpu.memory_space<vmem>>, vector<1x16xf32>,
          %swap3A_185 = vector.shape_cast %swap3A_184 : vector<1x16xf32> to vector<16xf32>
          %swap3A_186 = vector.shape_cast %add3A_182 : vector<16xf32> to vector<1x16xf32>
          tpu.vector_store %arg8[%swap3A, %swap3A_183], %swap3A_186 {strides = array<i32>} : memref<128x128xf32, #tpu.memory_space<vmem>>, vector<1x16xf32>,
          %get3A_187 = arith.index_cast %scan3A_174 : i32 to index
          %get3A_188 = arith.constant 16 : index
          %get3A_189 = tpu.vector_load %arg8[%get3A_187, %get3A_188] {strides = array<i32>} : memref<128x128xf32, #tpu.memory_space<vmem>>, vector<1x16xf32>,
          %get3A_190 = vector.shape_cast %get3A_189 : vector<1x16xf32> to vector<16xf32>
          %get3A_191 = arith.index_cast %scan3A_174 : i32 to index
          %get3A_192 = arith.constant 16 : index
          %get3A_193 = tpu.vector_load %arg9[%get3A_191, %get3A_192] {strides = array<i32>} : memref<128x128xf32, #tpu.memory_space<vmem>>, vector<1x16xf32>,
          %get3A_194 = vector.shape_cast %get3A_193 : vector<1x16xf32> to vector<16xf32>
          %add3A_195 = arith.addf %get3A_190, %get3A_194 : vector<16xf32>
          %swap3A_196 = arith.index_cast %scan3A_174 : i32 to index
          %swap3A_197 = arith.constant 16 : index
          %swap3A_198 = tpu.vector_load %arg8[%swap3A_196, %swap3A_197] {strides = array<i32>} : memref<128x128xf32, #tpu.memory_space<vmem>>, vector<1x16xf32>,
          %swap3A_199 = vector.shape_cast %swap3A_198 : vector<1x16xf32> to vector<16xf32>
          %swap3A_200 = vector.shape_cast %add3A_195 : vector<16xf32> to vector<1x16xf32>
          tpu.vector_store %arg8[%swap3A_196, %swap3A_197], %swap3A_200 {strides = array<i32>} : memref<128x128xf32, #tpu.memory_space<vmem>>, vector<1x16xf32>,
          %get3A_201 = arith.index_cast %scan3A_174 : i32 to index
          %get3A_202 = arith.constant 32 : index
          %get3A_203 = tpu.vector_load %arg8[%get3A_201, %get3A_202] {strides = array<i32>} : memref<128x128xf32, #tpu.memory_space<vmem>>, vector<1x16xf32>,
          %get3A_204 = vector.shape_cast %get3A_203 : vector<1x16xf32> to vector<16xf32>
          %get3A_205 = arith.index_cast %scan3A_174 : i32 to index
          %get3A_206 = arith.constant 32 : index
          %get3A_207 = tpu.vector_load %arg9[%get3A_205, %get3A_206] {strides = array<i32>} : memref<128x128xf32, #tpu.memory_space<vmem>>, vector<1x16xf32>,
          %get3A_208 = vector.shape_cast %get3A_207 : vector<1x16xf32> to vector<16xf32>
          %add3A_209 = arith.addf %get3A_204, %get3A_208 : vector<16xf32>
          %swap3A_210 = arith.index_cast %scan3A_174 : i32 to index
          %swap3A_211 = arith.constant 32 : index
          %swap3A_212 = tpu.vector_load %arg8[%swap3A_210, %swap3A_211] {strides = array<i32>} : memref<128x128xf32, #tpu.memory_space<vmem>>, vector<1x16xf32>,
          %swap3A_213 = vector.shape_cast %swap3A_212 : vector<1x16xf32> to vector<16xf32>
          %swap3A_214 = vector.shape_cast %add3A_209 : vector<16xf32> to vector<1x16xf32>
          tpu.vector_store %arg8[%swap3A_210, %swap3A_211], %swap3A_214 {strides = array<i32>} : memref<128x128xf32, #tpu.memory_space<vmem>>, vector<1x16xf32>,
          %get3A_215 = arith.index_cast %scan3A_174 : i32 to index
          %get3A_216 = arith.constant 48 : index
          %get3A_217 = tpu.vector_load %arg8[%get3A_215, %get3A_216] {strides = array<i32>} : memref<128x128xf32, #tpu.memory_space<vmem>>, vector<1x16xf32>,
          %get3A_218 = vector.shape_cast %get3A_217 : vector<1x16xf32> to vector<16xf32>
          %get3A_219 = arith.index_cast %scan3A_174 : i32 to index
          %get3A_220 = arith.constant 48 : index
          %get3A_221 = tpu.vector_load %arg9[%get3A_219, %get3A_220] {strides = array<i32>} : memref<128x128xf32, #tpu.memory_space<vmem>>, vector<1x16xf32>,
          %get3A_222 = vector.shape_cast %get3A_221 : vector<1x16xf32> to vector<16xf32>
          %add3A_223 = arith.addf %get3A_218, %get3A_222 : vector<16xf32>
          %swap3A_224 = arith.index_cast %scan3A_174 : i32 to index
          %swap3A_225 = arith.constant 48 : index
          %swap3A_226 = tpu.vector_load %arg8[%swap3A_224, %swap3A_225] {strides = array<i32>} : memref<128x128xf32, #tpu.memory_space<vmem>>, vector<1x16xf32>,
          %swap3A_227 = vector.shape_cast %swap3A_226 : vector<1x16xf32> to vector<16xf32>
          %swap3A_228 = vector.shape_cast %add3A_223 : vector<16xf32> to vector<1x16xf32>
          tpu.vector_store %arg8[%swap3A_224, %swap3A_225], %swap3A_228 {strides = array<i32>} : memref<128x128xf32, #tpu.memory_space<vmem>>, vector<1x16xf32>,
          %get3A_229 = arith.index_cast %scan3A_174 : i32 to index
          %get3A_230 = arith.constant 64 : index
          %get3A_231 = tpu.vector_load %arg8[%get3A_229, %get3A_230] {strides = array<i32>} : memref<128x128xf32, #tpu.memory_space<vmem>>, vector<1x16xf32>,
          %get3A_232 = vector.shape_cast %get3A_231 : vector<1x16xf32> to vector<16xf32>
          %get3A_233 = arith.index_cast %scan3A_174 : i32 to index
          %get3A_234 = arith.constant 64 : index
          %get3A_235 = tpu.vector_load %arg9[%get3A_233, %get3A_234] {strides = array<i32>} : memref<128x128xf32, #tpu.memory_space<vmem>>, vector<1x16xf32>,
          %get3A_236 = vector.shape_cast %get3A_235 : vector<1x16xf32> to vector<16xf32>
          %add3A_237 = arith.addf %get3A_232, %get3A_236 : vector<16xf32>
          %swap3A_238 = arith.index_cast %scan3A_174 : i32 to index
          %swap3A_239 = arith.constant 64 : index
          %swap3A_240 = tpu.vector_load %arg8[%swap3A_238, %swap3A_239] {strides = array<i32>} : memref<128x128xf32, #tpu.memory_space<vmem>>, vector<1x16xf32>,
          %swap3A_241 = vector.shape_cast %swap3A_240 : vector<1x16xf32> to vector<16xf32>
          %swap3A_242 = vector.shape_cast %add3A_237 : vector<16xf32> to vector<1x16xf32>
          tpu.vector_store %arg8[%swap3A_238, %swap3A_239], %swap3A_242 {strides = array<i32>} : memref<128x128xf32, #tpu.memory_space<vmem>>, vector<1x16xf32>,
          %get3A_243 = arith.index_cast %scan3A_174 : i32 to index
          %get3A_244 = arith.constant 80 : index
          %get3A_245 = tpu.vector_load %arg8[%get3A_243, %get3A_244] {strides = array<i32>} : memref<128x128xf32, #tpu.memory_space<vmem>>, vector<1x16xf32>,
          %get3A_246 = vector.shape_cast %get3A_245 : vector<1x16xf32> to vector<16xf32>
          %get3A_247 = arith.index_cast %scan3A_174 : i32 to index
          %get3A_248 = arith.constant 80 : index
          %get3A_249 = tpu.vector_load %arg9[%get3A_247, %get3A_248] {strides = array<i32>} : memref<128x128xf32, #tpu.memory_space<vmem>>, vector<1x16xf32>,
          %get3A_250 = vector.shape_cast %get3A_249 : vector<1x16xf32> to vector<16xf32>
          %add3A_251 = arith.addf %get3A_246, %get3A_250 : vector<16xf32>
          %swap3A_252 = arith.index_cast %scan3A_174 : i32 to index
          %swap3A_253 = arith.constant 80 : index
          %swap3A_254 = tpu.vector_load %arg8[%swap3A_252, %swap3A_253] {strides = array<i32>} : memref<128x128xf32, #tpu.memory_space<vmem>>, vector<1x16xf32>,
          %swap3A_255 = vector.shape_cast %swap3A_254 : vector<1x16xf32> to vector<16xf32>
          %swap3A_256 = vector.shape_cast %add3A_251 : vector<16xf32> to vector<1x16xf32>
          tpu.vector_store %arg8[%swap3A_252, %swap3A_253], %swap3A_256 {strides = array<i32>} : memref<128x128xf32, #tpu.memory_space<vmem>>, vector<1x16xf32>,
          %get3A_257 = arith.index_cast %scan3A_174 : i32 to index
          %get3A_258 = arith.constant 96 : index
          %get3A_259 = tpu.vector_load %arg8[%get3A_257, %get3A_258] {strides = array<i32>} : memref<128x128xf32, #tpu.memory_space<vmem>>, vector<1x16xf32>,
          %get3A_260 = vector.shape_cast %get3A_259 : vector<1x16xf32> to vector<16xf32>
          %get3A_261 = arith.index_cast %scan3A_174 : i32 to index
          %get3A_262 = arith.constant 96 : index
          %get3A_263 = tpu.vector_load %arg9[%get3A_261, %get3A_262] {strides = array<i32>} : memref<128x128xf32, #tpu.memory_space<vmem>>, vector<1x16xf32>,
          %get3A_264 = vector.shape_cast %get3A_263 : vector<1x16xf32> to vector<16xf32>
          %add3A_265 = arith.addf %get3A_260, %get3A_264 : vector<16xf32>
          %swap3A_266 = arith.index_cast %scan3A_174 : i32 to index
          %swap3A_267 = arith.constant 96 : index
          %swap3A_268 = tpu.vector_load %arg8[%swap3A_266, %swap3A_267] {strides = array<i32>} : memref<128x128xf32, #tpu.memory_space<vmem>>, vector<1x16xf32>,
          %swap3A_269 = vector.shape_cast %swap3A_268 : vector<1x16xf32> to vector<16xf32>
          %swap3A_270 = vector.shape_cast %add3A_265 : vector<16xf32> to vector<1x16xf32>
          tpu.vector_store %arg8[%swap3A_266, %swap3A_267], %swap3A_270 {strides = array<i32>} : memref<128x128xf32, #tpu.memory_space<vmem>>, vector<1x16xf32>,
          %get3A_271 = arith.index_cast %scan3A_174 : i32 to index
          %get3A_272 = arith.constant 112 : index
          %get3A_273 = tpu.vector_load %arg8[%get3A_271, %get3A_272] {strides = array<i32>} : memref<128x128xf32, #tpu.memory_space<vmem>>, vector<1x16xf32>,
          %get3A_274 = vector.shape_cast %get3A_273 : vector<1x16xf32> to vector<16xf32>
          %get3A_275 = arith.index_cast %scan3A_174 : i32 to index
          %get3A_276 = arith.constant 112 : index
          %get3A_277 = tpu.vector_load %arg9[%get3A_275, %get3A_276] {strides = array<i32>} : memref<128x128xf32, #tpu.memory_space<vmem>>, vector<1x16xf32>,
          %get3A_278 = vector.shape_cast %get3A_277 : vector<1x16xf32> to vector<16xf32>
          %add3A_279 = arith.addf %get3A_274, %get3A_278 : vector<16xf32>
          %swap3A_280 = arith.index_cast %scan3A_174 : i32 to index
          %swap3A_281 = arith.constant 112 : index
          %swap3A_282 = tpu.vector_load %arg8[%swap3A_280, %swap3A_281] {strides = array<i32>} : memref<128x128xf32, #tpu.memory_space<vmem>>, vector<1x16xf32>,
          %swap3A_283 = vector.shape_cast %swap3A_282 : vector<1x16xf32> to vector<16xf32>
          %swap3A_284 = vector.shape_cast %add3A_279 : vector<16xf32> to vector<1x16xf32>
          tpu.vector_store %arg8[%swap3A_280, %swap3A_281], %swap3A_284 {strides = array<i32>} : memref<128x128xf32, #tpu.memory_space<vmem>>, vector<1x16xf32>,
        }
        %scan3A_165 = arith.constant 128 : i32
        %mul3A_166 = arith.constant 32 : i32
        %mul3A_167 = arith.muli %mul3A_40, %mul3A_166 : i32
        %add3A_168 = arith.addi %add3A, %mul3A_167 : i32
        %mul3A_169 = arith.constant 128 : i32
        %mul3A_170 = arith.muli %add3A_168, %mul3A_169 : i32
        %dma_start3A = arith.constant 0 : i32
        %dma_start3A_171 = tpu.memref_slice %arg5[%mul3A_170, %dma_start3A] : memref<160000x128xf32, #tpu.memory_space<hbm>> -> memref<128x128xf32, #tpu.memory_space<hbm>>
        %dma_start3A_172 = arith.constant 0 : i32
        %dma_start3A_173 = tpu.memref_slice %arg5[%mul3A_170, %dma_start3A_172] : memref<160000x128xf32, #tpu.memory_space<hbm>> -> memref<128x128xf32, #tpu.memory_space<hbm>>
        tpu.enqueue_dma source(%arg8 : memref<128x128xf32, #tpu.memory_space<vmem>>) target(%dma_start3A_173 : memref<128x128xf32, #tpu.memory_space<hbm>>) target_semaphore(%arg16 : memref<!tpu.dma_semaphore, #tpu.memory_space<semaphore_mem>>)
      } else {
      }
      %mul3A_97 = arith.constant 2 : i32
      %mul3A_98 = arith.muli %mul3A_97, %scan3A_38 : i32
      %add3A_99 = arith.constant 1 : i32
      %add3A_100 = arith.addi %mul3A_98, %add3A_99 : i32
      %add3A_101 = arith.constant 1 : i32
      %add3A_102 = arith.addi %add3A_100, %add3A_101 : i32
      %mul3A_103 = arith.constant 32 : i32
      %mul3A_104 = arith.muli %add3A_102, %mul3A_103 : i32
      %add3A_105 = arith.addi %add3A, %mul3A_104 : i32
      %lt3A_106 = arith.constant 1250 : i32
      %lt3A_107 = arith.cmpi slt, %add3A_105, %lt3A_106 : i32
      %convert_element_type3A_108 = arith.extui %lt3A_107 : i1 to i32
      %cond3A_109 = arith.constant 0 : i32
      %cond3A_110 = arith.cmpi ne, %convert_element_type3A_108, %cond3A_109 : i32
      scf.if %cond3A_110 {
        %add3A_160 = arith.constant 1 : i32
        %add3A_161 = arith.addi %add3A_100, %add3A_160 : i32
        %mul3A_162 = arith.constant 32 : i32
        %mul3A_163 = arith.muli %add3A_161, %mul3A_162 : i32
        %add3A_164 = arith.addi %add3A, %mul3A_163 : i32
        %dma_wait3A = arith.constant 0 : i32
        %dma_wait3A_165 = arith.constant 0 : i32
        %dma_wait3A_166 = tpu.memref_slice %arg4[%add3A_164, %dma_wait3A, %dma_wait3A_165] : memref<1250x2x128xi32, #tpu.memory_space<hbm>> -> memref<1x2x128xi32, #tpu.memory_space<hbm>>
        %dma_wait3A_167 = tpu.memref_squeeze %dma_wait3A_166 : memref<1x2x128xi32, #tpu.memory_space<hbm>> -> memref<2x128xi32, #tpu.memory_space<hbm>>
        %dma_wait3A_168 = arith.constant 0 : i32
        %dma_wait3A_169 = arith.constant 0 : i32
        %dma_wait3A_170 = tpu.memref_slice %arg4[%add3A_164, %dma_wait3A_168, %dma_wait3A_169] : memref<1250x2x128xi32, #tpu.memory_space<hbm>> -> memref<1x2x128xi32, #tpu.memory_space<hbm>>
        %dma_wait3A_171 = tpu.memref_squeeze %dma_wait3A_170 : memref<1x2x128xi32, #tpu.memory_space<hbm>> -> memref<2x128xi32, #tpu.memory_space<hbm>>
        tpu.wait_dma2 semaphore(%arg12 : memref<!tpu.dma_semaphore, #tpu.memory_space<semaphore_mem>>) src(%dma_wait3A_171 : memref<2x128xi32, #tpu.memory_space<hbm>>) dst(%arg6 : memref<2x128xi32, #tpu.memory_space<vmem>>)
      } else {
      }
      %ge3A_111 = arith.constant 1 : i32
      %ge3A_112 = arith.cmpi sge, %add3A_100, %ge3A_111 : i32
      %sub3A_113 = arith.constant 1 : i32
      %sub3A_114 = arith.subi %add3A_100, %sub3A_113 : i32
      %mul3A_115 = arith.constant 32 : i32
      %mul3A_116 = arith.muli %sub3A_114, %mul3A_115 : i32
      %add3A_117 = arith.addi %add3A, %mul3A_116 : i32
      %lt3A_118 = arith.constant 1250 : i32
      %lt3A_119 = arith.cmpi slt, %add3A_117, %lt3A_118 : i32
      %and3A_120 = arith.andi %ge3A_112, %lt3A_119 : i1
      %convert_element_type3A_121 = arith.extui %and3A_120 : i1 to i32
      %cond3A_122 = arith.constant 0 : i32
      %cond3A_123 = arith.cmpi ne, %convert_element_type3A_121, %cond3A_122 : i32
      scf.if %cond3A_123 {
        %sub3A_160 = arith.constant 1 : i32
        %sub3A_161 = arith.subi %add3A_100, %sub3A_160 : i32
        %mul3A_162 = arith.constant 32 : i32
        %mul3A_163 = arith.muli %sub3A_161, %mul3A_162 : i32
        %add3A_164 = arith.addi %add3A, %mul3A_163 : i32
        %mul3A_165 = arith.constant 128 : i32
        %mul3A_166 = arith.muli %add3A_164, %mul3A_165 : i32
        %dma_wait3A = arith.constant 0 : i32
        %dma_wait3A_167 = tpu.memref_slice %arg5[%mul3A_166, %dma_wait3A] : memref<160000x128xf32, #tpu.memory_space<hbm>> -> memref<128x128xf32, #tpu.memory_space<hbm>>
        %dma_wait3A_168 = arith.constant 0 : i32
        %dma_wait3A_169 = tpu.memref_slice %arg5[%mul3A_166, %dma_wait3A_168] : memref<160000x128xf32, #tpu.memory_space<hbm>> -> memref<128x128xf32, #tpu.memory_space<hbm>>
        tpu.wait_dma2 semaphore(%arg16 : memref<!tpu.dma_semaphore, #tpu.memory_space<semaphore_mem>>) src(%arg8 : memref<128x128xf32, #tpu.memory_space<vmem>>) dst(%dma_wait3A_169 : memref<128x128xf32, #tpu.memory_space<hbm>>)
      } else {
      }
      %add3A_124 = arith.constant 1 : i32
      %add3A_125 = arith.addi %add3A_100, %add3A_124 : i32
      %mul3A_126 = arith.constant 32 : i32
      %mul3A_127 = arith.muli %add3A_125, %mul3A_126 : i32
      %add3A_128 = arith.addi %add3A, %mul3A_127 : i32
      %lt3A_129 = arith.constant 1250 : i32
      %lt3A_130 = arith.cmpi slt, %add3A_128, %lt3A_129 : i32
      %convert_element_type3A_131 = arith.extui %lt3A_130 : i1 to i32
      %cond3A_132 = arith.constant 0 : i32
      %cond3A_133 = arith.cmpi ne, %convert_element_type3A_131, %cond3A_132 : i32
      scf.if %cond3A_133 {
        %dma_start3A = arith.constant 0 : i32
        %dma_start3A_160 = arith.constant 0 : i32
        %dma_start3A_161 = tpu.memref_slice %arg6[%dma_start3A, %dma_start3A_160] : memref<2x128xi32, #tpu.memory_space<vmem>> -> memref<1x128xi32, #tpu.memory_space<vmem>>
        %dma_start3A_162 = tpu.memref_squeeze %dma_start3A_161 : memref<1x128xi32, #tpu.memory_space<vmem>> -> memref<128xi32, #tpu.memory_space<vmem>>
        %dma_start3A_163 = arith.constant 0 : i32
        %dma_start3A_164 = arith.constant 0 : i32
        %dma_start3A_165 = tpu.memref_slice %arg2[%dma_start3A_163, %dma_start3A_164] : memref<10000x128xf32, #tpu.memory_space<hbm>> -> memref<10000x128xf32, #tpu.memory_space<hbm>>
        tpu.enqueue_indirect_dma source(%dma_start3A_165 : memref<10000x128xf32, #tpu.memory_space<hbm>>) target(%arg8 : memref<128x128xf32, #tpu.memory_space<vmem>>) offsets(%dma_start3A_162 : memref<128xi32, #tpu.memory_space<vmem>>) semaphore(%arg14 : memref<!tpu.dma_semaphore, #tpu.memory_space<semaphore_mem>>)
        %dma_start3A_166 = arith.constant 1 : i32
        %dma_start3A_167 = arith.constant 0 : i32
        %dma_start3A_168 = tpu.memref_slice %arg6[%dma_start3A_166, %dma_start3A_167] : memref<2x128xi32, #tpu.memory_space<vmem>> -> memref<1x128xi32, #tpu.memory_space<vmem>>
        %dma_start3A_169 = tpu.memref_squeeze %dma_start3A_168 : memref<1x128xi32, #tpu.memory_space<vmem>> -> memref<128xi32, #tpu.memory_space<vmem>>
        %dma_start3A_170 = arith.constant 0 : i32
        %dma_start3A_171 = arith.constant 0 : i32
        %dma_start3A_172 = tpu.memref_slice %arg3[%dma_start3A_170, %dma_start3A_171] : memref<10000x128xf32, #tpu.memory_space<hbm>> -> memref<10000x128xf32, #tpu.memory_space<hbm>>
        tpu.enqueue_indirect_dma source(%dma_start3A_172 : memref<10000x128xf32, #tpu.memory_space<hbm>>) target(%arg9 : memref<128x128xf32, #tpu.memory_space<vmem>>) offsets(%dma_start3A_169 : memref<128xi32, #tpu.memory_space<vmem>>) semaphore(%arg14 : memref<!tpu.dma_semaphore, #tpu.memory_space<semaphore_mem>>)
      } else {
      }
      %mul3A_134 = arith.constant 32 : i32
      %mul3A_135 = arith.muli %add3A_100, %mul3A_134 : i32
      %add3A_136 = arith.addi %add3A, %mul3A_135 : i32
      %lt3A_137 = arith.constant 1250 : i32
      %lt3A_138 = arith.cmpi slt, %add3A_136, %lt3A_137 : i32
      %convert_element_type3A_139 = arith.extui %lt3A_138 : i1 to i32
      %cond3A_140 = arith.constant 0 : i32
      %cond3A_141 = arith.cmpi ne, %convert_element_type3A_139, %cond3A_140 : i32
      scf.if %cond3A_141 {
        %dma_wait3A = arith.constant 0 : i32
        %dma_wait3A_160 = arith.constant 0 : i32
        %dma_wait3A_161 = tpu.memref_slice %arg7[%dma_wait3A, %dma_wait3A_160] : memref<2x128xi32, #tpu.memory_space<vmem>> -> memref<1x128xi32, #tpu.memory_space<vmem>>
        %dma_wait3A_162 = tpu.memref_squeeze %dma_wait3A_161 : memref<1x128xi32, #tpu.memory_space<vmem>> -> memref<128xi32, #tpu.memory_space<vmem>>
        %dma_wait3A_163 = arith.constant 0 : i32
        %dma_wait3A_164 = arith.constant 0 : i32
        %dma_wait3A_165 = tpu.memref_slice %arg2[%dma_wait3A_163, %dma_wait3A_164] : memref<10000x128xf32, #tpu.memory_space<hbm>> -> memref<10000x128xf32, #tpu.memory_space<hbm>>
        tpu.wait_indirect_dma semaphore(%arg15 : memref<!tpu.dma_semaphore, #tpu.memory_space<semaphore_mem>>) src(%dma_wait3A_165 : memref<10000x128xf32, #tpu.memory_space<hbm>>) dst(%arg10 : memref<128x128xf32, #tpu.memory_space<vmem>>)
        %dma_wait3A_166 = arith.constant 1 : i32
        %dma_wait3A_167 = arith.constant 0 : i32
        %dma_wait3A_168 = tpu.memref_slice %arg7[%dma_wait3A_166, %dma_wait3A_167] : memref<2x128xi32, #tpu.memory_space<vmem>> -> memref<1x128xi32, #tpu.memory_space<vmem>>
        %dma_wait3A_169 = tpu.memref_squeeze %dma_wait3A_168 : memref<1x128xi32, #tpu.memory_space<vmem>> -> memref<128xi32, #tpu.memory_space<vmem>>
        %dma_wait3A_170 = arith.constant 0 : i32
        %dma_wait3A_171 = arith.constant 0 : i32
        %dma_wait3A_172 = tpu.memref_slice %arg3[%dma_wait3A_170, %dma_wait3A_171] : memref<10000x128xf32, #tpu.memory_space<hbm>> -> memref<10000x128xf32, #tpu.memory_space<hbm>>
        tpu.wait_indirect_dma semaphore(%arg15 : memref<!tpu.dma_semaphore, #tpu.memory_space<semaphore_mem>>) src(%dma_wait3A_172 : memref<10000x128xf32, #tpu.memory_space<hbm>>) dst(%arg11 : memref<128x128xf32, #tpu.memory_space<vmem>>)
      } else {
      }
      %add3A_142 = arith.constant 2 : i32
      %add3A_143 = arith.addi %add3A_100, %add3A_142 : i32
      %mul3A_144 = arith.constant 32 : i32
      %mul3A_145 = arith.muli %add3A_143, %mul3A_144 : i32
      %add3A_146 = arith.addi %add3A, %mul3A_145 : i32
      %lt3A_147 = arith.constant 1250 : i32
      %lt3A_148 = arith.cmpi slt, %add3A_146, %lt3A_147 : i32
      %convert_element_type3A_149 = arith.extui %lt3A_148 : i1 to i32
      %cond3A_150 = arith.constant 0 : i32
      %cond3A_151 = arith.cmpi ne, %convert_element_type3A_149, %cond3A_150 : i32
      scf.if %cond3A_151 {
        %mul3A_160 = arith.constant 32 : i32
        %mul3A_161 = arith.muli %add3A_143, %mul3A_160 : i32
        %add3A_162 = arith.addi %add3A, %mul3A_161 : i32
        %dma_start3A = arith.constant 0 : i32
        %dma_start3A_163 = arith.constant 0 : i32
        %dma_start3A_164 = tpu.memref_slice %arg4[%add3A_162, %dma_start3A, %dma_start3A_163] : memref<1250x2x128xi32, #tpu.memory_space<hbm>> -> memref<1x2x128xi32, #tpu.memory_space<hbm>>
        %dma_start3A_165 = tpu.memref_squeeze %dma_start3A_164 : memref<1x2x128xi32, #tpu.memory_space<hbm>> -> memref<2x128xi32, #tpu.memory_space<hbm>>
        %dma_start3A_166 = arith.constant 0 : i32
        %dma_start3A_167 = arith.constant 0 : i32
        %dma_start3A_168 = tpu.memref_slice %arg4[%add3A_162, %dma_start3A_166, %dma_start3A_167] : memref<1250x2x128xi32, #tpu.memory_space<hbm>> -> memref<1x2x128xi32, #tpu.memory_space<hbm>>
        %dma_start3A_169 = tpu.memref_squeeze %dma_start3A_168 : memref<1x2x128xi32, #tpu.memory_space<hbm>> -> memref<2x128xi32, #tpu.memory_space<hbm>>
        tpu.enqueue_dma source(%dma_start3A_169 : memref<2x128xi32, #tpu.memory_space<hbm>>) target(%arg7 : memref<2x128xi32, #tpu.memory_space<vmem>>) target_semaphore(%arg13 : memref<!tpu.dma_semaphore, #tpu.memory_space<semaphore_mem>>)
      } else {
      }
      %mul3A_152 = arith.constant 32 : i32
      %mul3A_153 = arith.muli %add3A_100, %mul3A_152 : i32
      %add3A_154 = arith.addi %add3A, %mul3A_153 : i32
      %lt3A_155 = arith.constant 1250 : i32
      %lt3A_156 = arith.cmpi slt, %add3A_154, %lt3A_155 : i32
      %convert_element_type3A_157 = arith.extui %lt3A_156 : i1 to i32
      %cond3A_158 = arith.constant 0 : i32
      %cond3A_159 = arith.cmpi ne, %convert_element_type3A_157, %cond3A_158 : i32
      scf.if %cond3A_159 {
        %scan3A_160 = arith.constant 0 : i32
        %scan3A_161 = arith.constant 0 : i32
        %scan3A_162 = arith.constant 128 : i32
        %scan3A_163 = arith.addi %scan3A_161, %scan3A_162 : i32
        %scan3A_164 = arith.constant 1 : i32
        scf.for %scan3A_174 = %scan3A_161 to %scan3A_163 step %scan3A_164  : i32 {
          %get3A = arith.index_cast %scan3A_174 : i32 to index
          %get3A_175 = arith.constant 0 : index
          %get3A_176 = tpu.vector_load %arg10[%get3A, %get3A_175] {strides = array<i32>} : memref<128x128xf32, #tpu.memory_space<vmem>>, vector<1x16xf32>,
          %get3A_177 = vector.shape_cast %get3A_176 : vector<1x16xf32> to vector<16xf32>
          %get3A_178 = arith.index_cast %scan3A_174 : i32 to index
          %get3A_179 = arith.constant 0 : index
          %get3A_180 = tpu.vector_load %arg11[%get3A_178, %get3A_179] {strides = array<i32>} : memref<128x128xf32, #tpu.memory_space<vmem>>, vector<1x16xf32>,
          %get3A_181 = vector.shape_cast %get3A_180 : vector<1x16xf32> to vector<16xf32>
          %add3A_182 = arith.addf %get3A_177, %get3A_181 : vector<16xf32>
          %swap3A = arith.index_cast %scan3A_174 : i32 to index
          %swap3A_183 = arith.constant 0 : index
          %swap3A_184 = tpu.vector_load %arg10[%swap3A, %swap3A_183] {strides = array<i32>} : memref<128x128xf32, #tpu.memory_space<vmem>>, vector<1x16xf32>,
          %swap3A_185 = vector.shape_cast %swap3A_184 : vector<1x16xf32> to vector<16xf32>
          %swap3A_186 = vector.shape_cast %add3A_182 : vector<16xf32> to vector<1x16xf32>
          tpu.vector_store %arg10[%swap3A, %swap3A_183], %swap3A_186 {strides = array<i32>} : memref<128x128xf32, #tpu.memory_space<vmem>>, vector<1x16xf32>,
          %get3A_187 = arith.index_cast %scan3A_174 : i32 to index
          %get3A_188 = arith.constant 16 : index
          %get3A_189 = tpu.vector_load %arg10[%get3A_187, %get3A_188] {strides = array<i32>} : memref<128x128xf32, #tpu.memory_space<vmem>>, vector<1x16xf32>,
          %get3A_190 = vector.shape_cast %get3A_189 : vector<1x16xf32> to vector<16xf32>
          %get3A_191 = arith.index_cast %scan3A_174 : i32 to index
          %get3A_192 = arith.constant 16 : index
          %get3A_193 = tpu.vector_load %arg11[%get3A_191, %get3A_192] {strides = array<i32>} : memref<128x128xf32, #tpu.memory_space<vmem>>, vector<1x16xf32>,
          %get3A_194 = vector.shape_cast %get3A_193 : vector<1x16xf32> to vector<16xf32>
          %add3A_195 = arith.addf %get3A_190, %get3A_194 : vector<16xf32>
          %swap3A_196 = arith.index_cast %scan3A_174 : i32 to index
          %swap3A_197 = arith.constant 16 : index
          %swap3A_198 = tpu.vector_load %arg10[%swap3A_196, %swap3A_197] {strides = array<i32>} : memref<128x128xf32, #tpu.memory_space<vmem>>, vector<1x16xf32>,
          %swap3A_199 = vector.shape_cast %swap3A_198 : vector<1x16xf32> to vector<16xf32>
          %swap3A_200 = vector.shape_cast %add3A_195 : vector<16xf32> to vector<1x16xf32>
          tpu.vector_store %arg10[%swap3A_196, %swap3A_197], %swap3A_200 {strides = array<i32>} : memref<128x128xf32, #tpu.memory_space<vmem>>, vector<1x16xf32>,
          %get3A_201 = arith.index_cast %scan3A_174 : i32 to index
          %get3A_202 = arith.constant 32 : index
          %get3A_203 = tpu.vector_load %arg10[%get3A_201, %get3A_202] {strides = array<i32>} : memref<128x128xf32, #tpu.memory_space<vmem>>, vector<1x16xf32>,
          %get3A_204 = vector.shape_cast %get3A_203 : vector<1x16xf32> to vector<16xf32>
          %get3A_205 = arith.index_cast %scan3A_174 : i32 to index
          %get3A_206 = arith.constant 32 : index
          %get3A_207 = tpu.vector_load %arg11[%get3A_205, %get3A_206] {strides = array<i32>} : memref<128x128xf32, #tpu.memory_space<vmem>>, vector<1x16xf32>,
          %get3A_208 = vector.shape_cast %get3A_207 : vector<1x16xf32> to vector<16xf32>
          %add3A_209 = arith.addf %get3A_204, %get3A_208 : vector<16xf32>
          %swap3A_210 = arith.index_cast %scan3A_174 : i32 to index
          %swap3A_211 = arith.constant 32 : index
          %swap3A_212 = tpu.vector_load %arg10[%swap3A_210, %swap3A_211] {strides = array<i32>} : memref<128x128xf32, #tpu.memory_space<vmem>>, vector<1x16xf32>,
          %swap3A_213 = vector.shape_cast %swap3A_212 : vector<1x16xf32> to vector<16xf32>
          %swap3A_214 = vector.shape_cast %add3A_209 : vector<16xf32> to vector<1x16xf32>
          tpu.vector_store %arg10[%swap3A_210, %swap3A_211], %swap3A_214 {strides = array<i32>} : memref<128x128xf32, #tpu.memory_space<vmem>>, vector<1x16xf32>,
          %get3A_215 = arith.index_cast %scan3A_174 : i32 to index
          %get3A_216 = arith.constant 48 : index
          %get3A_217 = tpu.vector_load %arg10[%get3A_215, %get3A_216] {strides = array<i32>} : memref<128x128xf32, #tpu.memory_space<vmem>>, vector<1x16xf32>,
          %get3A_218 = vector.shape_cast %get3A_217 : vector<1x16xf32> to vector<16xf32>
          %get3A_219 = arith.index_cast %scan3A_174 : i32 to index
          %get3A_220 = arith.constant 48 : index
          %get3A_221 = tpu.vector_load %arg11[%get3A_219, %get3A_220] {strides = array<i32>} : memref<128x128xf32, #tpu.memory_space<vmem>>, vector<1x16xf32>,
          %get3A_222 = vector.shape_cast %get3A_221 : vector<1x16xf32> to vector<16xf32>
          %add3A_223 = arith.addf %get3A_218, %get3A_222 : vector<16xf32>
          %swap3A_224 = arith.index_cast %scan3A_174 : i32 to index
          %swap3A_225 = arith.constant 48 : index
          %swap3A_226 = tpu.vector_load %arg10[%swap3A_224, %swap3A_225] {strides = array<i32>} : memref<128x128xf32, #tpu.memory_space<vmem>>, vector<1x16xf32>,
          %swap3A_227 = vector.shape_cast %swap3A_226 : vector<1x16xf32> to vector<16xf32>
          %swap3A_228 = vector.shape_cast %add3A_223 : vector<16xf32> to vector<1x16xf32>
          tpu.vector_store %arg10[%swap3A_224, %swap3A_225], %swap3A_228 {strides = array<i32>} : memref<128x128xf32, #tpu.memory_space<vmem>>, vector<1x16xf32>,
          %get3A_229 = arith.index_cast %scan3A_174 : i32 to index
          %get3A_230 = arith.constant 64 : index
          %get3A_231 = tpu.vector_load %arg10[%get3A_229, %get3A_230] {strides = array<i32>} : memref<128x128xf32, #tpu.memory_space<vmem>>, vector<1x16xf32>,
          %get3A_232 = vector.shape_cast %get3A_231 : vector<1x16xf32> to vector<16xf32>
          %get3A_233 = arith.index_cast %scan3A_174 : i32 to index
          %get3A_234 = arith.constant 64 : index
          %get3A_235 = tpu.vector_load %arg11[%get3A_233, %get3A_234] {strides = array<i32>} : memref<128x128xf32, #tpu.memory_space<vmem>>, vector<1x16xf32>,
          %get3A_236 = vector.shape_cast %get3A_235 : vector<1x16xf32> to vector<16xf32>
          %add3A_237 = arith.addf %get3A_232, %get3A_236 : vector<16xf32>
          %swap3A_238 = arith.index_cast %scan3A_174 : i32 to index
          %swap3A_239 = arith.constant 64 : index
          %swap3A_240 = tpu.vector_load %arg10[%swap3A_238, %swap3A_239] {strides = array<i32>} : memref<128x128xf32, #tpu.memory_space<vmem>>, vector<1x16xf32>,
          %swap3A_241 = vector.shape_cast %swap3A_240 : vector<1x16xf32> to vector<16xf32>
          %swap3A_242 = vector.shape_cast %add3A_237 : vector<16xf32> to vector<1x16xf32>
          tpu.vector_store %arg10[%swap3A_238, %swap3A_239], %swap3A_242 {strides = array<i32>} : memref<128x128xf32, #tpu.memory_space<vmem>>, vector<1x16xf32>,
          %get3A_243 = arith.index_cast %scan3A_174 : i32 to index
          %get3A_244 = arith.constant 80 : index
          %get3A_245 = tpu.vector_load %arg10[%get3A_243, %get3A_244] {strides = array<i32>} : memref<128x128xf32, #tpu.memory_space<vmem>>, vector<1x16xf32>,
          %get3A_246 = vector.shape_cast %get3A_245 : vector<1x16xf32> to vector<16xf32>
          %get3A_247 = arith.index_cast %scan3A_174 : i32 to index
          %get3A_248 = arith.constant 80 : index
          %get3A_249 = tpu.vector_load %arg11[%get3A_247, %get3A_248] {strides = array<i32>} : memref<128x128xf32, #tpu.memory_space<vmem>>, vector<1x16xf32>,
          %get3A_250 = vector.shape_cast %get3A_249 : vector<1x16xf32> to vector<16xf32>
          %add3A_251 = arith.addf %get3A_246, %get3A_250 : vector<16xf32>
          %swap3A_252 = arith.index_cast %scan3A_174 : i32 to index
          %swap3A_253 = arith.constant 80 : index
          %swap3A_254 = tpu.vector_load %arg10[%swap3A_252, %swap3A_253] {strides = array<i32>} : memref<128x128xf32, #tpu.memory_space<vmem>>, vector<1x16xf32>,
          %swap3A_255 = vector.shape_cast %swap3A_254 : vector<1x16xf32> to vector<16xf32>
          %swap3A_256 = vector.shape_cast %add3A_251 : vector<16xf32> to vector<1x16xf32>
          tpu.vector_store %arg10[%swap3A_252, %swap3A_253], %swap3A_256 {strides = array<i32>} : memref<128x128xf32, #tpu.memory_space<vmem>>, vector<1x16xf32>,
          %get3A_257 = arith.index_cast %scan3A_174 : i32 to index
          %get3A_258 = arith.constant 96 : index
          %get3A_259 = tpu.vector_load %arg10[%get3A_257, %get3A_258] {strides = array<i32>} : memref<128x128xf32, #tpu.memory_space<vmem>>, vector<1x16xf32>,
          %get3A_260 = vector.shape_cast %get3A_259 : vector<1x16xf32> to vector<16xf32>
          %get3A_261 = arith.index_cast %scan3A_174 : i32 to index
          %get3A_262 = arith.constant 96 : index
          %get3A_263 = tpu.vector_load %arg11[%get3A_261, %get3A_262] {strides = array<i32>} : memref<128x128xf32, #tpu.memory_space<vmem>>, vector<1x16xf32>,
          %get3A_264 = vector.shape_cast %get3A_263 : vector<1x16xf32> to vector<16xf32>
          %add3A_265 = arith.addf %get3A_260, %get3A_264 : vector<16xf32>
          %swap3A_266 = arith.index_cast %scan3A_174 : i32 to index
          %swap3A_267 = arith.constant 96 : index
          %swap3A_268 = tpu.vector_load %arg10[%swap3A_266, %swap3A_267] {strides = array<i32>} : memref<128x128xf32, #tpu.memory_space<vmem>>, vector<1x16xf32>,
          %swap3A_269 = vector.shape_cast %swap3A_268 : vector<1x16xf32> to vector<16xf32>
          %swap3A_270 = vector.shape_cast %add3A_265 : vector<16xf32> to vector<1x16xf32>
          tpu.vector_store %arg10[%swap3A_266, %swap3A_267], %swap3A_270 {strides = array<i32>} : memref<128x128xf32, #tpu.memory_space<vmem>>, vector<1x16xf32>,
          %get3A_271 = arith.index_cast %scan3A_174 : i32 to index
          %get3A_272 = arith.constant 112 : index
          %get3A_273 = tpu.vector_load %arg10[%get3A_271, %get3A_272] {strides = array<i32>} : memref<128x128xf32, #tpu.memory_space<vmem>>, vector<1x16xf32>,
          %get3A_274 = vector.shape_cast %get3A_273 : vector<1x16xf32> to vector<16xf32>
          %get3A_275 = arith.index_cast %scan3A_174 : i32 to index
          %get3A_276 = arith.constant 112 : index
          %get3A_277 = tpu.vector_load %arg11[%get3A_275, %get3A_276] {strides = array<i32>} : memref<128x128xf32, #tpu.memory_space<vmem>>, vector<1x16xf32>,
          %get3A_278 = vector.shape_cast %get3A_277 : vector<1x16xf32> to vector<16xf32>
          %add3A_279 = arith.addf %get3A_274, %get3A_278 : vector<16xf32>
          %swap3A_280 = arith.index_cast %scan3A_174 : i32 to index
          %swap3A_281 = arith.constant 112 : index
          %swap3A_282 = tpu.vector_load %arg10[%swap3A_280, %swap3A_281] {strides = array<i32>} : memref<128x128xf32, #tpu.memory_space<vmem>>, vector<1x16xf32>,
          %swap3A_283 = vector.shape_cast %swap3A_282 : vector<1x16xf32> to vector<16xf32>
          %swap3A_284 = vector.shape_cast %add3A_279 : vector<16xf32> to vector<1x16xf32>
          tpu.vector_store %arg10[%swap3A_280, %swap3A_281], %swap3A_284 {strides = array<i32>} : memref<128x128xf32, #tpu.memory_space<vmem>>, vector<1x16xf32>,
        }
        %scan3A_165 = arith.constant 128 : i32
        %mul3A_166 = arith.constant 32 : i32
        %mul3A_167 = arith.muli %add3A_100, %mul3A_166 : i32
        %add3A_168 = arith.addi %add3A, %mul3A_167 : i32
        %mul3A_169 = arith.constant 128 : i32
        %mul3A_170 = arith.muli %add3A_168, %mul3A_169 : i32
        %dma_start3A = arith.constant 0 : i32
        %dma_start3A_171 = tpu.memref_slice %arg5[%mul3A_170, %dma_start3A] : memref<160000x128xf32, #tpu.memory_space<hbm>> -> memref<128x128xf32, #tpu.memory_space<hbm>>
        %dma_start3A_172 = arith.constant 0 : i32
        %dma_start3A_173 = tpu.memref_slice %arg5[%mul3A_170, %dma_start3A_172] : memref<160000x128xf32, #tpu.memory_space<hbm>> -> memref<128x128xf32, #tpu.memory_space<hbm>>
        tpu.enqueue_dma source(%arg10 : memref<128x128xf32, #tpu.memory_space<vmem>>) target(%dma_start3A_173 : memref<128x128xf32, #tpu.memory_space<hbm>>) target_semaphore(%arg17 : memref<!tpu.dma_semaphore, #tpu.memory_space<semaphore_mem>>)
      } else {
      }
    }
    %scan3A_30 = arith.constant 20 : i32
    %add3A_31 = arith.constant 1248 : i32
    %add3A_32 = arith.addi %add3A, %add3A_31 : i32
    %lt3A_33 = arith.constant 1250 : i32
    %lt3A_34 = arith.cmpi slt, %add3A_32, %lt3A_33 : i32
    %convert_element_type3A_35 = arith.extui %lt3A_34 : i1 to i32
    %cond3A_36 = arith.constant 0 : i32
    %cond3A_37 = arith.cmpi ne, %convert_element_type3A_35, %cond3A_36 : i32
    scf.if %cond3A_37 {
      %add3A_38 = arith.constant 1248 : i32
      %add3A_39 = arith.addi %add3A, %add3A_38 : i32
      %mul3A_40 = arith.constant 128 : i32
      %mul3A_41 = arith.muli %add3A_39, %mul3A_40 : i32
      %dma_wait3A = arith.constant 0 : i32
      %dma_wait3A_42 = tpu.memref_slice %arg5[%mul3A_41, %dma_wait3A] : memref<160000x128xf32, #tpu.memory_space<hbm>> -> memref<128x128xf32, #tpu.memory_space<hbm>>
      %dma_wait3A_43 = arith.constant 0 : i32
      %dma_wait3A_44 = tpu.memref_slice %arg5[%mul3A_41, %dma_wait3A_43] : memref<160000x128xf32, #tpu.memory_space<hbm>> -> memref<128x128xf32, #tpu.memory_space<hbm>>
      tpu.wait_dma2 semaphore(%arg17 : memref<!tpu.dma_semaphore, #tpu.memory_space<semaphore_mem>>) src(%arg10 : memref<128x128xf32, #tpu.memory_space<vmem>>) dst(%dma_wait3A_44 : memref<128x128xf32, #tpu.memory_space<hbm>>)
    } else {
    }
    return
  }
}

#map = affine_map<(d0, d1) -> (0, 0)>
#map1 = affine_map<(d0, d1) -> (0, 0, 0)>
module attributes {stable_mosaic.version = 14 : i64} {
  func.func @_sc_scatter_body(%arg0: i32, %arg1: i32, %arg2: memref<160000x128xf32, #tpu.memory_space<hbm>>, %arg3: memref<1250x2x128xi32, #tpu.memory_space<hbm>>, %arg4: memref<2x10000x128xf32, #tpu.memory_space<hbm>>, %arg5: memref<2x128xi32, #tpu.memory_space<vmem>>, %arg6: memref<2x128xi32, #tpu.memory_space<vmem>>, %arg7: memref<2x128xi32, #tpu.memory_space<vmem>>, %arg8: memref<128x128xf32, #tpu.memory_space<vmem>>, %arg9: memref<128x128xf32, #tpu.memory_space<vmem>>, %arg10: memref<128x128xf32, #tpu.memory_space<vmem>>, %arg11: memref<10000x128xf32, #tpu.memory_space<vmem_shared>>, %arg12: memref<!tpu.dma_semaphore, #tpu.memory_space<semaphore_mem>>, %arg13: memref<!tpu.dma_semaphore, #tpu.memory_space<semaphore_mem>>, %arg14: memref<!tpu.dma_semaphore, #tpu.memory_space<semaphore_mem>>, %arg15: memref<!tpu.dma_semaphore, #tpu.memory_space<semaphore_mem>>, %arg16: memref<!tpu.dma_semaphore, #tpu.memory_space<semaphore_mem>>, %arg17: memref<!tpu.dma_semaphore, #tpu.memory_space<semaphore_mem>>, %arg18: memref<!tpu.dma_semaphore, #tpu.memory_space<semaphore_mem>>) attributes {dimension_semantics = [#tpu.dimension_semantics<core_parallel>, #tpu.dimension_semantics<subcore_parallel>], iteration_bounds = array<i64: 2, 16>, scalar_prefetch = 0 : i64, scratch_operands = 14 : i64, tpu.core_type = #tpu.core_type<sc_vector_subcore>, window_params = [{transform_indices = #map}, {transform_indices = #map1}, {transform_indices = #map1}]} {
    %mul3A = arith.constant 2 : i32
    %mul3A_0 = arith.muli %arg1, %mul3A : i32
    %add3A = arith.addi %mul3A_0, %arg0 : i32
    %add3A_1 = arith.constant 0 : i32
    %add3A_2 = arith.addi %add3A, %add3A_1 : i32
    %lt3A = arith.constant 1250 : i32
    %lt3A_3 = arith.cmpi slt, %add3A_2, %lt3A : i32
    %convert_element_type3A = arith.extui %lt3A_3 : i1 to i32
    %cond3A = arith.constant 0 : i32
    %cond3A_4 = arith.cmpi ne, %convert_element_type3A, %cond3A : i32
    scf.if %cond3A_4 {
      %add3A_71 = arith.constant 0 : i32
      %add3A_72 = arith.addi %add3A, %add3A_71 : i32
      %mul3A_73 = arith.constant 128 : i32
      %mul3A_74 = arith.muli %add3A_72, %mul3A_73 : i32
      %dma_start3A = arith.constant 0 : i32
      %dma_start3A_75 = arith.constant 0 : i32
      %dma_start3A_76 = tpu.memref_slice %arg3[%add3A_72, %dma_start3A, %dma_start3A_75] : memref<1250x2x128xi32, #tpu.memory_space<hbm>> -> memref<1x2x128xi32, #tpu.memory_space<hbm>>
      %dma_start3A_77 = tpu.memref_squeeze %dma_start3A_76 : memref<1x2x128xi32, #tpu.memory_space<hbm>> -> memref<2x128xi32, #tpu.memory_space<hbm>>
      %dma_start3A_78 = arith.constant 0 : i32
      %dma_start3A_79 = arith.constant 0 : i32
      %dma_start3A_80 = tpu.memref_slice %arg3[%add3A_72, %dma_start3A_78, %dma_start3A_79] : memref<1250x2x128xi32, #tpu.memory_space<hbm>> -> memref<1x2x128xi32, #tpu.memory_space<hbm>>
      %dma_start3A_81 = tpu.memref_squeeze %dma_start3A_80 : memref<1x2x128xi32, #tpu.memory_space<hbm>> -> memref<2x128xi32, #tpu.memory_space<hbm>>
      tpu.enqueue_dma source(%dma_start3A_81 : memref<2x128xi32, #tpu.memory_space<hbm>>) target(%arg5 : memref<2x128xi32, #tpu.memory_space<vmem>>) target_semaphore(%arg12 : memref<!tpu.dma_semaphore, #tpu.memory_space<semaphore_mem>>)
      %dma_start3A_82 = arith.constant 0 : i32
      %dma_start3A_83 = tpu.memref_slice %arg2[%mul3A_74, %dma_start3A_82] : memref<160000x128xf32, #tpu.memory_space<hbm>> -> memref<128x128xf32, #tpu.memory_space<hbm>>
      %dma_start3A_84 = arith.constant 0 : i32
      %dma_start3A_85 = tpu.memref_slice %arg2[%mul3A_74, %dma_start3A_84] : memref<160000x128xf32, #tpu.memory_space<hbm>> -> memref<128x128xf32, #tpu.memory_space<hbm>>
      tpu.enqueue_dma source(%dma_start3A_85 : memref<128x128xf32, #tpu.memory_space<hbm>>) target(%arg8 : memref<128x128xf32, #tpu.memory_space<vmem>>) target_semaphore(%arg12 : memref<!tpu.dma_semaphore, #tpu.memory_space<semaphore_mem>>)
    } else {
    }
    %add3A_5 = arith.constant 32 : i32
    %add3A_6 = arith.addi %add3A, %add3A_5 : i32
    %lt3A_7 = arith.constant 1250 : i32
    %lt3A_8 = arith.cmpi slt, %add3A_6, %lt3A_7 : i32
    %convert_element_type3A_9 = arith.extui %lt3A_8 : i1 to i32
    %cond3A_10 = arith.constant 0 : i32
    %cond3A_11 = arith.cmpi ne, %convert_element_type3A_9, %cond3A_10 : i32
    scf.if %cond3A_11 {
      %add3A_71 = arith.constant 32 : i32
      %add3A_72 = arith.addi %add3A, %add3A_71 : i32
      %mul3A_73 = arith.constant 128 : i32
      %mul3A_74 = arith.muli %add3A_72, %mul3A_73 : i32
      %dma_start3A = arith.constant 0 : i32
      %dma_start3A_75 = arith.constant 0 : i32
      %dma_start3A_76 = tpu.memref_slice %arg3[%add3A_72, %dma_start3A, %dma_start3A_75] : memref<1250x2x128xi32, #tpu.memory_space<hbm>> -> memref<1x2x128xi32, #tpu.memory_space<hbm>>
      %dma_start3A_77 = tpu.memref_squeeze %dma_start3A_76 : memref<1x2x128xi32, #tpu.memory_space<hbm>> -> memref<2x128xi32, #tpu.memory_space<hbm>>
      %dma_start3A_78 = arith.constant 0 : i32
      %dma_start3A_79 = arith.constant 0 : i32
      %dma_start3A_80 = tpu.memref_slice %arg3[%add3A_72, %dma_start3A_78, %dma_start3A_79] : memref<1250x2x128xi32, #tpu.memory_space<hbm>> -> memref<1x2x128xi32, #tpu.memory_space<hbm>>
      %dma_start3A_81 = tpu.memref_squeeze %dma_start3A_80 : memref<1x2x128xi32, #tpu.memory_space<hbm>> -> memref<2x128xi32, #tpu.memory_space<hbm>>
      tpu.enqueue_dma source(%dma_start3A_81 : memref<2x128xi32, #tpu.memory_space<hbm>>) target(%arg6 : memref<2x128xi32, #tpu.memory_space<vmem>>) target_semaphore(%arg13 : memref<!tpu.dma_semaphore, #tpu.memory_space<semaphore_mem>>)
      %dma_start3A_82 = arith.constant 0 : i32
      %dma_start3A_83 = tpu.memref_slice %arg2[%mul3A_74, %dma_start3A_82] : memref<160000x128xf32, #tpu.memory_space<hbm>> -> memref<128x128xf32, #tpu.memory_space<hbm>>
      %dma_start3A_84 = arith.constant 0 : i32
      %dma_start3A_85 = tpu.memref_slice %arg2[%mul3A_74, %dma_start3A_84] : memref<160000x128xf32, #tpu.memory_space<hbm>> -> memref<128x128xf32, #tpu.memory_space<hbm>>
      tpu.enqueue_dma source(%dma_start3A_85 : memref<128x128xf32, #tpu.memory_space<hbm>>) target(%arg9 : memref<128x128xf32, #tpu.memory_space<vmem>>) target_semaphore(%arg13 : memref<!tpu.dma_semaphore, #tpu.memory_space<semaphore_mem>>)
    } else {
    }
    %scan3A = arith.constant 0 : i32
    %scan3A_12 = arith.constant 0 : i32
    %scan3A_13 = arith.constant 80 : i32
    %scan3A_14 = arith.addi %scan3A_12, %scan3A_13 : i32
    %scan3A_15 = arith.constant 1 : i32
    scf.for %scan3A_71 = %scan3A_12 to %scan3A_14 step %scan3A_15  : i32 {
      %broadcast_in_dim3A = arith.constant 0.000000e+00 : f32
      %broadcast_in_dim3A_72 = vector.broadcast %broadcast_in_dim3A : f32 to vector<16xf32>
      %swap3A = arith.index_cast %scan3A_71 : i32 to index
      %swap3A_73 = arith.constant 0 : index
      %swap3A_74 = tpu.vector_load %arg10[%swap3A, %swap3A_73] {strides = array<i32>} : memref<128x128xf32, #tpu.memory_space<vmem>>, vector<1x16xf32>,
      %swap3A_75 = vector.shape_cast %swap3A_74 : vector<1x16xf32> to vector<16xf32>
      %swap3A_76 = vector.shape_cast %broadcast_in_dim3A_72 : vector<16xf32> to vector<1x16xf32>
      tpu.vector_store %arg10[%swap3A, %swap3A_73], %swap3A_76 {strides = array<i32>} : memref<128x128xf32, #tpu.memory_space<vmem>>, vector<1x16xf32>,
      %broadcast_in_dim3A_77 = arith.constant 0.000000e+00 : f32
      %broadcast_in_dim3A_78 = vector.broadcast %broadcast_in_dim3A_77 : f32 to vector<16xf32>
      %swap3A_79 = arith.index_cast %scan3A_71 : i32 to index
      %swap3A_80 = arith.constant 16 : index
      %swap3A_81 = tpu.vector_load %arg10[%swap3A_79, %swap3A_80] {strides = array<i32>} : memref<128x128xf32, #tpu.memory_space<vmem>>, vector<1x16xf32>,
      %swap3A_82 = vector.shape_cast %swap3A_81 : vector<1x16xf32> to vector<16xf32>
      %swap3A_83 = vector.shape_cast %broadcast_in_dim3A_78 : vector<16xf32> to vector<1x16xf32>
      tpu.vector_store %arg10[%swap3A_79, %swap3A_80], %swap3A_83 {strides = array<i32>} : memref<128x128xf32, #tpu.memory_space<vmem>>, vector<1x16xf32>,
      %broadcast_in_dim3A_84 = arith.constant 0.000000e+00 : f32
      %broadcast_in_dim3A_85 = vector.broadcast %broadcast_in_dim3A_84 : f32 to vector<16xf32>
      %swap3A_86 = arith.index_cast %scan3A_71 : i32 to index
      %swap3A_87 = arith.constant 32 : index
      %swap3A_88 = tpu.vector_load %arg10[%swap3A_86, %swap3A_87] {strides = array<i32>} : memref<128x128xf32, #tpu.memory_space<vmem>>, vector<1x16xf32>,
      %swap3A_89 = vector.shape_cast %swap3A_88 : vector<1x16xf32> to vector<16xf32>
      %swap3A_90 = vector.shape_cast %broadcast_in_dim3A_85 : vector<16xf32> to vector<1x16xf32>
      tpu.vector_store %arg10[%swap3A_86, %swap3A_87], %swap3A_90 {strides = array<i32>} : memref<128x128xf32, #tpu.memory_space<vmem>>, vector<1x16xf32>,
      %broadcast_in_dim3A_91 = arith.constant 0.000000e+00 : f32
      %broadcast_in_dim3A_92 = vector.broadcast %broadcast_in_dim3A_91 : f32 to vector<16xf32>
      %swap3A_93 = arith.index_cast %scan3A_71 : i32 to index
      %swap3A_94 = arith.constant 48 : index
      %swap3A_95 = tpu.vector_load %arg10[%swap3A_93, %swap3A_94] {strides = array<i32>} : memref<128x128xf32, #tpu.memory_space<vmem>>, vector<1x16xf32>,
      %swap3A_96 = vector.shape_cast %swap3A_95 : vector<1x16xf32> to vector<16xf32>
      %swap3A_97 = vector.shape_cast %broadcast_in_dim3A_92 : vector<16xf32> to vector<1x16xf32>
      tpu.vector_store %arg10[%swap3A_93, %swap3A_94], %swap3A_97 {strides = array<i32>} : memref<128x128xf32, #tpu.memory_space<vmem>>, vector<1x16xf32>,
      %broadcast_in_dim3A_98 = arith.constant 0.000000e+00 : f32
      %broadcast_in_dim3A_99 = vector.broadcast %broadcast_in_dim3A_98 : f32 to vector<16xf32>
      %swap3A_100 = arith.index_cast %scan3A_71 : i32 to index
      %swap3A_101 = arith.constant 64 : index
      %swap3A_102 = tpu.vector_load %arg10[%swap3A_100, %swap3A_101] {strides = array<i32>} : memref<128x128xf32, #tpu.memory_space<vmem>>, vector<1x16xf32>,
      %swap3A_103 = vector.shape_cast %swap3A_102 : vector<1x16xf32> to vector<16xf32>
      %swap3A_104 = vector.shape_cast %broadcast_in_dim3A_99 : vector<16xf32> to vector<1x16xf32>
      tpu.vector_store %arg10[%swap3A_100, %swap3A_101], %swap3A_104 {strides = array<i32>} : memref<128x128xf32, #tpu.memory_space<vmem>>, vector<1x16xf32>,
      %broadcast_in_dim3A_105 = arith.constant 0.000000e+00 : f32
      %broadcast_in_dim3A_106 = vector.broadcast %broadcast_in_dim3A_105 : f32 to vector<16xf32>
      %swap3A_107 = arith.index_cast %scan3A_71 : i32 to index
      %swap3A_108 = arith.constant 80 : index
      %swap3A_109 = tpu.vector_load %arg10[%swap3A_107, %swap3A_108] {strides = array<i32>} : memref<128x128xf32, #tpu.memory_space<vmem>>, vector<1x16xf32>,
      %swap3A_110 = vector.shape_cast %swap3A_109 : vector<1x16xf32> to vector<16xf32>
      %swap3A_111 = vector.shape_cast %broadcast_in_dim3A_106 : vector<16xf32> to vector<1x16xf32>
      tpu.vector_store %arg10[%swap3A_107, %swap3A_108], %swap3A_111 {strides = array<i32>} : memref<128x128xf32, #tpu.memory_space<vmem>>, vector<1x16xf32>,
      %broadcast_in_dim3A_112 = arith.constant 0.000000e+00 : f32
      %broadcast_in_dim3A_113 = vector.broadcast %broadcast_in_dim3A_112 : f32 to vector<16xf32>
      %swap3A_114 = arith.index_cast %scan3A_71 : i32 to index
      %swap3A_115 = arith.constant 96 : index
      %swap3A_116 = tpu.vector_load %arg10[%swap3A_114, %swap3A_115] {strides = array<i32>} : memref<128x128xf32, #tpu.memory_space<vmem>>, vector<1x16xf32>,
      %swap3A_117 = vector.shape_cast %swap3A_116 : vector<1x16xf32> to vector<16xf32>
      %swap3A_118 = vector.shape_cast %broadcast_in_dim3A_113 : vector<16xf32> to vector<1x16xf32>
      tpu.vector_store %arg10[%swap3A_114, %swap3A_115], %swap3A_118 {strides = array<i32>} : memref<128x128xf32, #tpu.memory_space<vmem>>, vector<1x16xf32>,
      %broadcast_in_dim3A_119 = arith.constant 0.000000e+00 : f32
      %broadcast_in_dim3A_120 = vector.broadcast %broadcast_in_dim3A_119 : f32 to vector<16xf32>
      %swap3A_121 = arith.index_cast %scan3A_71 : i32 to index
      %swap3A_122 = arith.constant 112 : index
      %swap3A_123 = tpu.vector_load %arg10[%swap3A_121, %swap3A_122] {strides = array<i32>} : memref<128x128xf32, #tpu.memory_space<vmem>>, vector<1x16xf32>,
      %swap3A_124 = vector.shape_cast %swap3A_123 : vector<1x16xf32> to vector<16xf32>
      %swap3A_125 = vector.shape_cast %broadcast_in_dim3A_120 : vector<16xf32> to vector<1x16xf32>
      tpu.vector_store %arg10[%swap3A_121, %swap3A_122], %swap3A_125 {strides = array<i32>} : memref<128x128xf32, #tpu.memory_space<vmem>>, vector<1x16xf32>,
    }
    %scan3A_16 = arith.constant 80 : i32
    %scan3A_17 = arith.constant 0 : i32
    %scan3A_18 = arith.constant 0 : i32
    %scan3A_19 = arith.constant 8 : i32
    %scan3A_20 = arith.addi %scan3A_18, %scan3A_19 : i32
    %scan3A_21 = arith.constant 1 : i32
    scf.for %scan3A_71 = %scan3A_18 to %scan3A_20 step %scan3A_21  : i32 {
      %mul3A_72 = arith.constant 16 : i32
      %mul3A_73 = arith.muli %scan3A_71, %mul3A_72 : i32
      %add3A_74 = arith.addi %arg1, %mul3A_73 : i32
      %lt3A_75 = arith.constant 125 : i32
      %lt3A_76 = arith.cmpi slt, %add3A_74, %lt3A_75 : i32
      %convert_element_type3A_77 = arith.extui %lt3A_76 : i1 to i32
      %cond3A_78 = arith.constant 0 : i32
      %cond3A_79 = arith.cmpi ne, %convert_element_type3A_77, %cond3A_78 : i32
      scf.if %cond3A_79 {
        %mul3A_80 = arith.constant 80 : i32
        %mul3A_81 = arith.muli %add3A_74, %mul3A_80 : i32
        "tpu.region"() ({
          %run_scoped3A = tpu.sem_alloc : memref<!tpu.dma_semaphore, #tpu.memory_space<semaphore_mem>>
          %dma_start3A = arith.constant 0 : i32
          %dma_start3A_82 = arith.constant 0 : i32
          %dma_start3A_83 = tpu.memref_slice %arg10[%dma_start3A, %dma_start3A_82] : memref<128x128xf32, #tpu.memory_space<vmem>> -> memref<80x128xf32, #tpu.memory_space<vmem>>
          %dma_start3A_84 = arith.constant 0 : i32
          %dma_start3A_85 = tpu.memref_slice %arg11[%mul3A_81, %dma_start3A_84] : memref<10000x128xf32, #tpu.memory_space<vmem_shared>> -> memref<80x128xf32, #tpu.memory_space<vmem_shared>>
          %dma_start3A_86 = arith.constant 0 : i32
          %dma_start3A_87 = tpu.memref_slice %arg11[%mul3A_81, %dma_start3A_86] : memref<10000x128xf32, #tpu.memory_space<vmem_shared>> -> memref<80x128xf32, #tpu.memory_space<vmem_shared>>
          %dma_start3A_88 = arith.constant 0 : i32
          %dma_start3A_89 = arith.constant 0 : i32
          %dma_start3A_90 = tpu.memref_slice %arg10[%dma_start3A_88, %dma_start3A_89] : memref<128x128xf32, #tpu.memory_space<vmem>> -> memref<80x128xf32, #tpu.memory_space<vmem>>
          tpu.enqueue_dma source(%dma_start3A_90 : memref<80x128xf32, #tpu.memory_space<vmem>>) target(%dma_start3A_87 : memref<80x128xf32, #tpu.memory_space<vmem_shared>>) target_semaphore(%run_scoped3A : memref<!tpu.dma_semaphore, #tpu.memory_space<semaphore_mem>>)
          %dma_wait3A = arith.constant 0 : i32
          %dma_wait3A_91 = arith.constant 0 : i32
          %dma_wait3A_92 = tpu.memref_slice %arg10[%dma_wait3A, %dma_wait3A_91] : memref<128x128xf32, #tpu.memory_space<vmem>> -> memref<80x128xf32, #tpu.memory_space<vmem>>
          %dma_wait3A_93 = arith.constant 0 : i32
          %dma_wait3A_94 = tpu.memref_slice %arg11[%mul3A_81, %dma_wait3A_93] : memref<10000x128xf32, #tpu.memory_space<vmem_shared>> -> memref<80x128xf32, #tpu.memory_space<vmem_shared>>
          %dma_wait3A_95 = arith.constant 0 : i32
          %dma_wait3A_96 = tpu.memref_slice %arg11[%mul3A_81, %dma_wait3A_95] : memref<10000x128xf32, #tpu.memory_space<vmem_shared>> -> memref<80x128xf32, #tpu.memory_space<vmem_shared>>
          %dma_wait3A_97 = arith.constant 0 : i32
          %dma_wait3A_98 = arith.constant 0 : i32
          %dma_wait3A_99 = tpu.memref_slice %arg10[%dma_wait3A_97, %dma_wait3A_98] : memref<128x128xf32, #tpu.memory_space<vmem>> -> memref<80x128xf32, #tpu.memory_space<vmem>>
          tpu.wait_dma2 semaphore(%run_scoped3A : memref<!tpu.dma_semaphore, #tpu.memory_space<semaphore_mem>>) src(%dma_wait3A_99 : memref<80x128xf32, #tpu.memory_space<vmem>>) dst(%dma_wait3A_96 : memref<80x128xf32, #tpu.memory_space<vmem_shared>>)
          tpu.yield
        }) : () -> ()
      } else {
      }
    }
    %scan3A_22 = arith.constant 8 : i32
    %barrier3A = arith.constant 0 : index
    tpu.barrier barrier_id(%barrier3A)
    %scan3A_23 = arith.constant 0 : i32
    %scan3A_24 = arith.constant 0 : i32
    %scan3A_25 = arith.constant 13 : i32
    %scan3A_26 = arith.addi %scan3A_24, %scan3A_25 : i32
    %scan3A_27 = arith.constant 1 : i32
    scf.for %scan3A_71 = %scan3A_24 to %scan3A_26 step %scan3A_27  : i32 {
      %mul3A_72 = arith.constant 3 : i32
      %mul3A_73 = arith.muli %mul3A_72, %scan3A_71 : i32
      %add3A_74 = arith.constant 0 : i32
      %add3A_75 = arith.addi %mul3A_73, %add3A_74 : i32
      %mul3A_76 = arith.constant 32 : i32
      %mul3A_77 = arith.muli %add3A_75, %mul3A_76 : i32
      %add3A_78 = arith.addi %add3A, %mul3A_77 : i32
      %lt3A_79 = arith.constant 1250 : i32
      %lt3A_80 = arith.cmpi slt, %add3A_78, %lt3A_79 : i32
      %convert_element_type3A_81 = arith.extui %lt3A_80 : i1 to i32
      %cond3A_82 = arith.constant 0 : i32
      %cond3A_83 = arith.cmpi ne, %convert_element_type3A_81, %cond3A_82 : i32
      scf.if %cond3A_83 {
        %mul3A_175 = arith.constant 32 : i32
        %mul3A_176 = arith.muli %add3A_75, %mul3A_175 : i32
        %add3A_177 = arith.addi %add3A, %mul3A_176 : i32
        %mul3A_178 = arith.constant 128 : i32
        %mul3A_179 = arith.muli %add3A_177, %mul3A_178 : i32
        %dma_wait3A = arith.constant 0 : i32
        %dma_wait3A_180 = arith.constant 0 : i32
        %dma_wait3A_181 = tpu.memref_slice %arg3[%add3A_177, %dma_wait3A, %dma_wait3A_180] : memref<1250x2x128xi32, #tpu.memory_space<hbm>> -> memref<1x2x128xi32, #tpu.memory_space<hbm>>
        %dma_wait3A_182 = tpu.memref_squeeze %dma_wait3A_181 : memref<1x2x128xi32, #tpu.memory_space<hbm>> -> memref<2x128xi32, #tpu.memory_space<hbm>>
        %dma_wait3A_183 = arith.constant 0 : i32
        %dma_wait3A_184 = arith.constant 0 : i32
        %dma_wait3A_185 = tpu.memref_slice %arg3[%add3A_177, %dma_wait3A_183, %dma_wait3A_184] : memref<1250x2x128xi32, #tpu.memory_space<hbm>> -> memref<1x2x128xi32, #tpu.memory_space<hbm>>
        %dma_wait3A_186 = tpu.memref_squeeze %dma_wait3A_185 : memref<1x2x128xi32, #tpu.memory_space<hbm>> -> memref<2x128xi32, #tpu.memory_space<hbm>>
        tpu.wait_dma2 semaphore(%arg12 : memref<!tpu.dma_semaphore, #tpu.memory_space<semaphore_mem>>) src(%dma_wait3A_186 : memref<2x128xi32, #tpu.memory_space<hbm>>) dst(%arg5 : memref<2x128xi32, #tpu.memory_space<vmem>>)
        %dma_wait3A_187 = arith.constant 0 : i32
        %dma_wait3A_188 = tpu.memref_slice %arg2[%mul3A_179, %dma_wait3A_187] : memref<160000x128xf32, #tpu.memory_space<hbm>> -> memref<128x128xf32, #tpu.memory_space<hbm>>
        %dma_wait3A_189 = arith.constant 0 : i32
        %dma_wait3A_190 = tpu.memref_slice %arg2[%mul3A_179, %dma_wait3A_189] : memref<160000x128xf32, #tpu.memory_space<hbm>> -> memref<128x128xf32, #tpu.memory_space<hbm>>
        tpu.wait_dma2 semaphore(%arg12 : memref<!tpu.dma_semaphore, #tpu.memory_space<semaphore_mem>>) src(%dma_wait3A_190 : memref<128x128xf32, #tpu.memory_space<hbm>>) dst(%arg8 : memref<128x128xf32, #tpu.memory_space<vmem>>)
        %dma_start3A = arith.constant 1 : i32
        %dma_start3A_191 = arith.constant 0 : i32
        %dma_start3A_192 = tpu.memref_slice %arg5[%dma_start3A, %dma_start3A_191] : memref<2x128xi32, #tpu.memory_space<vmem>> -> memref<1x128xi32, #tpu.memory_space<vmem>>
        %dma_start3A_193 = tpu.memref_squeeze %dma_start3A_192 : memref<1x128xi32, #tpu.memory_space<vmem>> -> memref<128xi32, #tpu.memory_space<vmem>>
        %dma_start3A_194 = arith.constant 0 : i32
        %dma_start3A_195 = arith.constant 0 : i32
        %dma_start3A_196 = tpu.memref_slice %arg11[%dma_start3A_194, %dma_start3A_195] : memref<10000x128xf32, #tpu.memory_space<vmem_shared>> -> memref<10000x128xf32, #tpu.memory_space<vmem_shared>>
        tpu.enqueue_indirect_dma source(%arg8 : memref<128x128xf32, #tpu.memory_space<vmem>>) target(%dma_start3A_196 : memref<10000x128xf32, #tpu.memory_space<vmem_shared>>) offsets(%dma_start3A_193 : memref<128xi32, #tpu.memory_space<vmem>>) semaphore(%arg15 : memref<!tpu.dma_semaphore, #tpu.memory_space<semaphore_mem>>) {add = true}
      } else {
      }
      %ge3A = arith.constant 1 : i32
      %ge3A_84 = arith.cmpi sge, %add3A_75, %ge3A : i32
      %sub3A = arith.constant 1 : i32
      %sub3A_85 = arith.subi %add3A_75, %sub3A : i32
      %mul3A_86 = arith.constant 32 : i32
      %mul3A_87 = arith.muli %sub3A_85, %mul3A_86 : i32
      %add3A_88 = arith.addi %add3A, %mul3A_87 : i32
      %lt3A_89 = arith.constant 1250 : i32
      %lt3A_90 = arith.cmpi slt, %add3A_88, %lt3A_89 : i32
      %and3A_91 = arith.andi %ge3A_84, %lt3A_90 : i1
      %convert_element_type3A_92 = arith.extui %and3A_91 : i1 to i32
      %cond3A_93 = arith.constant 0 : i32
      %cond3A_94 = arith.cmpi ne, %convert_element_type3A_92, %cond3A_93 : i32
      scf.if %cond3A_94 {
        %sub3A_175 = arith.constant 1 : i32
        %sub3A_176 = arith.subi %add3A_75, %sub3A_175 : i32
        %dma_wait3A = arith.constant 1 : i32
        %dma_wait3A_177 = arith.constant 0 : i32
        %dma_wait3A_178 = tpu.memref_slice %arg7[%dma_wait3A, %dma_wait3A_177] : memref<2x128xi32, #tpu.memory_space<vmem>> -> memref<1x128xi32, #tpu.memory_space<vmem>>
        %dma_wait3A_179 = tpu.memref_squeeze %dma_wait3A_178 : memref<1x128xi32, #tpu.memory_space<vmem>> -> memref<128xi32, #tpu.memory_space<vmem>>
        %dma_wait3A_180 = arith.constant 0 : i32
        %dma_wait3A_181 = arith.constant 0 : i32
        %dma_wait3A_182 = tpu.memref_slice %arg11[%dma_wait3A_180, %dma_wait3A_181] : memref<10000x128xf32, #tpu.memory_space<vmem_shared>> -> memref<10000x128xf32, #tpu.memory_space<vmem_shared>>
        tpu.wait_indirect_dma semaphore(%arg17 : memref<!tpu.dma_semaphore, #tpu.memory_space<semaphore_mem>>) src(%arg10 : memref<128x128xf32, #tpu.memory_space<vmem>>) dst(%dma_wait3A_182 : memref<10000x128xf32, #tpu.memory_space<vmem_shared>>)
      } else {
      }
      %add3A_95 = arith.constant 2 : i32
      %add3A_96 = arith.addi %add3A_75, %add3A_95 : i32
      %mul3A_97 = arith.constant 32 : i32
      %mul3A_98 = arith.muli %add3A_96, %mul3A_97 : i32
      %add3A_99 = arith.addi %add3A, %mul3A_98 : i32
      %lt3A_100 = arith.constant 1250 : i32
      %lt3A_101 = arith.cmpi slt, %add3A_99, %lt3A_100 : i32
      %convert_element_type3A_102 = arith.extui %lt3A_101 : i1 to i32
      %cond3A_103 = arith.constant 0 : i32
      %cond3A_104 = arith.cmpi ne, %convert_element_type3A_102, %cond3A_103 : i32
      scf.if %cond3A_104 {
        %mul3A_175 = arith.constant 32 : i32
        %mul3A_176 = arith.muli %add3A_96, %mul3A_175 : i32
        %add3A_177 = arith.addi %add3A, %mul3A_176 : i32
        %mul3A_178 = arith.constant 128 : i32
        %mul3A_179 = arith.muli %add3A_177, %mul3A_178 : i32
        %dma_start3A = arith.constant 0 : i32
        %dma_start3A_180 = arith.constant 0 : i32
        %dma_start3A_181 = tpu.memref_slice %arg3[%add3A_177, %dma_start3A, %dma_start3A_180] : memref<1250x2x128xi32, #tpu.memory_space<hbm>> -> memref<1x2x128xi32, #tpu.memory_space<hbm>>
        %dma_start3A_182 = tpu.memref_squeeze %dma_start3A_181 : memref<1x2x128xi32, #tpu.memory_space<hbm>> -> memref<2x128xi32, #tpu.memory_space<hbm>>
        %dma_start3A_183 = arith.constant 0 : i32
        %dma_start3A_184 = arith.constant 0 : i32
        %dma_start3A_185 = tpu.memref_slice %arg3[%add3A_177, %dma_start3A_183, %dma_start3A_184] : memref<1250x2x128xi32, #tpu.memory_space<hbm>> -> memref<1x2x128xi32, #tpu.memory_space<hbm>>
        %dma_start3A_186 = tpu.memref_squeeze %dma_start3A_185 : memref<1x2x128xi32, #tpu.memory_space<hbm>> -> memref<2x128xi32, #tpu.memory_space<hbm>>
        tpu.enqueue_dma source(%dma_start3A_186 : memref<2x128xi32, #tpu.memory_space<hbm>>) target(%arg7 : memref<2x128xi32, #tpu.memory_space<vmem>>) target_semaphore(%arg14 : memref<!tpu.dma_semaphore, #tpu.memory_space<semaphore_mem>>)
        %dma_start3A_187 = arith.constant 0 : i32
        %dma_start3A_188 = tpu.memref_slice %arg2[%mul3A_179, %dma_start3A_187] : memref<160000x128xf32, #tpu.memory_space<hbm>> -> memref<128x128xf32, #tpu.memory_space<hbm>>
        %dma_start3A_189 = arith.constant 0 : i32
        %dma_start3A_190 = tpu.memref_slice %arg2[%mul3A_179, %dma_start3A_189] : memref<160000x128xf32, #tpu.memory_space<hbm>> -> memref<128x128xf32, #tpu.memory_space<hbm>>
        tpu.enqueue_dma source(%dma_start3A_190 : memref<128x128xf32, #tpu.memory_space<hbm>>) target(%arg10 : memref<128x128xf32, #tpu.memory_space<vmem>>) target_semaphore(%arg14 : memref<!tpu.dma_semaphore, #tpu.memory_space<semaphore_mem>>)
      } else {
      }
      %mul3A_105 = arith.constant 3 : i32
      %mul3A_106 = arith.muli %mul3A_105, %scan3A_71 : i32
      %add3A_107 = arith.constant 1 : i32
      %add3A_108 = arith.addi %mul3A_106, %add3A_107 : i32
      %mul3A_109 = arith.constant 32 : i32
      %mul3A_110 = arith.muli %add3A_108, %mul3A_109 : i32
      %add3A_111 = arith.addi %add3A, %mul3A_110 : i32
      %lt3A_112 = arith.constant 1250 : i32
      %lt3A_113 = arith.cmpi slt, %add3A_111, %lt3A_112 : i32
      %convert_element_type3A_114 = arith.extui %lt3A_113 : i1 to i32
      %cond3A_115 = arith.constant 0 : i32
      %cond3A_116 = arith.cmpi ne, %convert_element_type3A_114, %cond3A_115 : i32
      scf.if %cond3A_116 {
        %mul3A_175 = arith.constant 32 : i32
        %mul3A_176 = arith.muli %add3A_108, %mul3A_175 : i32
        %add3A_177 = arith.addi %add3A, %mul3A_176 : i32
        %mul3A_178 = arith.constant 128 : i32
        %mul3A_179 = arith.muli %add3A_177, %mul3A_178 : i32
        %dma_wait3A = arith.constant 0 : i32
        %dma_wait3A_180 = arith.constant 0 : i32
        %dma_wait3A_181 = tpu.memref_slice %arg3[%add3A_177, %dma_wait3A, %dma_wait3A_180] : memref<1250x2x128xi32, #tpu.memory_space<hbm>> -> memref<1x2x128xi32, #tpu.memory_space<hbm>>
        %dma_wait3A_182 = tpu.memref_squeeze %dma_wait3A_181 : memref<1x2x128xi32, #tpu.memory_space<hbm>> -> memref<2x128xi32, #tpu.memory_space<hbm>>
        %dma_wait3A_183 = arith.constant 0 : i32
        %dma_wait3A_184 = arith.constant 0 : i32
        %dma_wait3A_185 = tpu.memref_slice %arg3[%add3A_177, %dma_wait3A_183, %dma_wait3A_184] : memref<1250x2x128xi32, #tpu.memory_space<hbm>> -> memref<1x2x128xi32, #tpu.memory_space<hbm>>
        %dma_wait3A_186 = tpu.memref_squeeze %dma_wait3A_185 : memref<1x2x128xi32, #tpu.memory_space<hbm>> -> memref<2x128xi32, #tpu.memory_space<hbm>>
        tpu.wait_dma2 semaphore(%arg13 : memref<!tpu.dma_semaphore, #tpu.memory_space<semaphore_mem>>) src(%dma_wait3A_186 : memref<2x128xi32, #tpu.memory_space<hbm>>) dst(%arg6 : memref<2x128xi32, #tpu.memory_space<vmem>>)
        %dma_wait3A_187 = arith.constant 0 : i32
        %dma_wait3A_188 = tpu.memref_slice %arg2[%mul3A_179, %dma_wait3A_187] : memref<160000x128xf32, #tpu.memory_space<hbm>> -> memref<128x128xf32, #tpu.memory_space<hbm>>
        %dma_wait3A_189 = arith.constant 0 : i32
        %dma_wait3A_190 = tpu.memref_slice %arg2[%mul3A_179, %dma_wait3A_189] : memref<160000x128xf32, #tpu.memory_space<hbm>> -> memref<128x128xf32, #tpu.memory_space<hbm>>
        tpu.wait_dma2 semaphore(%arg13 : memref<!tpu.dma_semaphore, #tpu.memory_space<semaphore_mem>>) src(%dma_wait3A_190 : memref<128x128xf32, #tpu.memory_space<hbm>>) dst(%arg9 : memref<128x128xf32, #tpu.memory_space<vmem>>)
        %dma_start3A = arith.constant 1 : i32
        %dma_start3A_191 = arith.constant 0 : i32
        %dma_start3A_192 = tpu.memref_slice %arg6[%dma_start3A, %dma_start3A_191] : memref<2x128xi32, #tpu.memory_space<vmem>> -> memref<1x128xi32, #tpu.memory_space<vmem>>
        %dma_start3A_193 = tpu.memref_squeeze %dma_start3A_192 : memref<1x128xi32, #tpu.memory_space<vmem>> -> memref<128xi32, #tpu.memory_space<vmem>>
        %dma_start3A_194 = arith.constant 0 : i32
        %dma_start3A_195 = arith.constant 0 : i32
        %dma_start3A_196 = tpu.memref_slice %arg11[%dma_start3A_194, %dma_start3A_195] : memref<10000x128xf32, #tpu.memory_space<vmem_shared>> -> memref<10000x128xf32, #tpu.memory_space<vmem_shared>>
        tpu.enqueue_indirect_dma source(%arg9 : memref<128x128xf32, #tpu.memory_space<vmem>>) target(%dma_start3A_196 : memref<10000x128xf32, #tpu.memory_space<vmem_shared>>) offsets(%dma_start3A_193 : memref<128xi32, #tpu.memory_space<vmem>>) semaphore(%arg16 : memref<!tpu.dma_semaphore, #tpu.memory_space<semaphore_mem>>) {add = true}
      } else {
      }
      %ge3A_117 = arith.constant 1 : i32
      %ge3A_118 = arith.cmpi sge, %add3A_108, %ge3A_117 : i32
      %sub3A_119 = arith.constant 1 : i32
      %sub3A_120 = arith.subi %add3A_108, %sub3A_119 : i32
      %mul3A_121 = arith.constant 32 : i32
      %mul3A_122 = arith.muli %sub3A_120, %mul3A_121 : i32
      %add3A_123 = arith.addi %add3A, %mul3A_122 : i32
      %lt3A_124 = arith.constant 1250 : i32
      %lt3A_125 = arith.cmpi slt, %add3A_123, %lt3A_124 : i32
      %and3A_126 = arith.andi %ge3A_118, %lt3A_125 : i1
      %convert_element_type3A_127 = arith.extui %and3A_126 : i1 to i32
      %cond3A_128 = arith.constant 0 : i32
      %cond3A_129 = arith.cmpi ne, %convert_element_type3A_127, %cond3A_128 : i32
      scf.if %cond3A_129 {
        %sub3A_175 = arith.constant 1 : i32
        %sub3A_176 = arith.subi %add3A_108, %sub3A_175 : i32
        %dma_wait3A = arith.constant 1 : i32
        %dma_wait3A_177 = arith.constant 0 : i32
        %dma_wait3A_178 = tpu.memref_slice %arg5[%dma_wait3A, %dma_wait3A_177] : memref<2x128xi32, #tpu.memory_space<vmem>> -> memref<1x128xi32, #tpu.memory_space<vmem>>
        %dma_wait3A_179 = tpu.memref_squeeze %dma_wait3A_178 : memref<1x128xi32, #tpu.memory_space<vmem>> -> memref<128xi32, #tpu.memory_space<vmem>>
        %dma_wait3A_180 = arith.constant 0 : i32
        %dma_wait3A_181 = arith.constant 0 : i32
        %dma_wait3A_182 = tpu.memref_slice %arg11[%dma_wait3A_180, %dma_wait3A_181] : memref<10000x128xf32, #tpu.memory_space<vmem_shared>> -> memref<10000x128xf32, #tpu.memory_space<vmem_shared>>
        tpu.wait_indirect_dma semaphore(%arg15 : memref<!tpu.dma_semaphore, #tpu.memory_space<semaphore_mem>>) src(%arg8 : memref<128x128xf32, #tpu.memory_space<vmem>>) dst(%dma_wait3A_182 : memref<10000x128xf32, #tpu.memory_space<vmem_shared>>)
      } else {
      }
      %add3A_130 = arith.constant 2 : i32
      %add3A_131 = arith.addi %add3A_108, %add3A_130 : i32
      %mul3A_132 = arith.constant 32 : i32
      %mul3A_133 = arith.muli %add3A_131, %mul3A_132 : i32
      %add3A_134 = arith.addi %add3A, %mul3A_133 : i32
      %lt3A_135 = arith.constant 1250 : i32
      %lt3A_136 = arith.cmpi slt, %add3A_134, %lt3A_135 : i32
      %convert_element_type3A_137 = arith.extui %lt3A_136 : i1 to i32
      %cond3A_138 = arith.constant 0 : i32
      %cond3A_139 = arith.cmpi ne, %convert_element_type3A_137, %cond3A_138 : i32
      scf.if %cond3A_139 {
        %mul3A_175 = arith.constant 32 : i32
        %mul3A_176 = arith.muli %add3A_131, %mul3A_175 : i32
        %add3A_177 = arith.addi %add3A, %mul3A_176 : i32
        %mul3A_178 = arith.constant 128 : i32
        %mul3A_179 = arith.muli %add3A_177, %mul3A_178 : i32
        %dma_start3A = arith.constant 0 : i32
        %dma_start3A_180 = arith.constant 0 : i32
        %dma_start3A_181 = tpu.memref_slice %arg3[%add3A_177, %dma_start3A, %dma_start3A_180] : memref<1250x2x128xi32, #tpu.memory_space<hbm>> -> memref<1x2x128xi32, #tpu.memory_space<hbm>>
        %dma_start3A_182 = tpu.memref_squeeze %dma_start3A_181 : memref<1x2x128xi32, #tpu.memory_space<hbm>> -> memref<2x128xi32, #tpu.memory_space<hbm>>
        %dma_start3A_183 = arith.constant 0 : i32
        %dma_start3A_184 = arith.constant 0 : i32
        %dma_start3A_185 = tpu.memref_slice %arg3[%add3A_177, %dma_start3A_183, %dma_start3A_184] : memref<1250x2x128xi32, #tpu.memory_space<hbm>> -> memref<1x2x128xi32, #tpu.memory_space<hbm>>
        %dma_start3A_186 = tpu.memref_squeeze %dma_start3A_185 : memref<1x2x128xi32, #tpu.memory_space<hbm>> -> memref<2x128xi32, #tpu.memory_space<hbm>>
        tpu.enqueue_dma source(%dma_start3A_186 : memref<2x128xi32, #tpu.memory_space<hbm>>) target(%arg5 : memref<2x128xi32, #tpu.memory_space<vmem>>) target_semaphore(%arg12 : memref<!tpu.dma_semaphore, #tpu.memory_space<semaphore_mem>>)
        %dma_start3A_187 = arith.constant 0 : i32
        %dma_start3A_188 = tpu.memref_slice %arg2[%mul3A_179, %dma_start3A_187] : memref<160000x128xf32, #tpu.memory_space<hbm>> -> memref<128x128xf32, #tpu.memory_space<hbm>>
        %dma_start3A_189 = arith.constant 0 : i32
        %dma_start3A_190 = tpu.memref_slice %arg2[%mul3A_179, %dma_start3A_189] : memref<160000x128xf32, #tpu.memory_space<hbm>> -> memref<128x128xf32, #tpu.memory_space<hbm>>
        tpu.enqueue_dma source(%dma_start3A_190 : memref<128x128xf32, #tpu.memory_space<hbm>>) target(%arg8 : memref<128x128xf32, #tpu.memory_space<vmem>>) target_semaphore(%arg12 : memref<!tpu.dma_semaphore, #tpu.memory_space<semaphore_mem>>)
      } else {
      }
      %mul3A_140 = arith.constant 3 : i32
      %mul3A_141 = arith.muli %mul3A_140, %scan3A_71 : i32
      %add3A_142 = arith.constant 2 : i32
      %add3A_143 = arith.addi %mul3A_141, %add3A_142 : i32
      %mul3A_144 = arith.constant 32 : i32
      %mul3A_145 = arith.muli %add3A_143, %mul3A_144 : i32
      %add3A_146 = arith.addi %add3A, %mul3A_145 : i32
      %lt3A_147 = arith.constant 1250 : i32
      %lt3A_148 = arith.cmpi slt, %add3A_146, %lt3A_147 : i32
      %convert_element_type3A_149 = arith.extui %lt3A_148 : i1 to i32
      %cond3A_150 = arith.constant 0 : i32
      %cond3A_151 = arith.cmpi ne, %convert_element_type3A_149, %cond3A_150 : i32
      scf.if %cond3A_151 {
        %mul3A_175 = arith.constant 32 : i32
        %mul3A_176 = arith.muli %add3A_143, %mul3A_175 : i32
        %add3A_177 = arith.addi %add3A, %mul3A_176 : i32
        %mul3A_178 = arith.constant 128 : i32
        %mul3A_179 = arith.muli %add3A_177, %mul3A_178 : i32
        %dma_wait3A = arith.constant 0 : i32
        %dma_wait3A_180 = arith.constant 0 : i32
        %dma_wait3A_181 = tpu.memref_slice %arg3[%add3A_177, %dma_wait3A, %dma_wait3A_180] : memref<1250x2x128xi32, #tpu.memory_space<hbm>> -> memref<1x2x128xi32, #tpu.memory_space<hbm>>
        %dma_wait3A_182 = tpu.memref_squeeze %dma_wait3A_181 : memref<1x2x128xi32, #tpu.memory_space<hbm>> -> memref<2x128xi32, #tpu.memory_space<hbm>>
        %dma_wait3A_183 = arith.constant 0 : i32
        %dma_wait3A_184 = arith.constant 0 : i32
        %dma_wait3A_185 = tpu.memref_slice %arg3[%add3A_177, %dma_wait3A_183, %dma_wait3A_184] : memref<1250x2x128xi32, #tpu.memory_space<hbm>> -> memref<1x2x128xi32, #tpu.memory_space<hbm>>
        %dma_wait3A_186 = tpu.memref_squeeze %dma_wait3A_185 : memref<1x2x128xi32, #tpu.memory_space<hbm>> -> memref<2x128xi32, #tpu.memory_space<hbm>>
        tpu.wait_dma2 semaphore(%arg14 : memref<!tpu.dma_semaphore, #tpu.memory_space<semaphore_mem>>) src(%dma_wait3A_186 : memref<2x128xi32, #tpu.memory_space<hbm>>) dst(%arg7 : memref<2x128xi32, #tpu.memory_space<vmem>>)
        %dma_wait3A_187 = arith.constant 0 : i32
        %dma_wait3A_188 = tpu.memref_slice %arg2[%mul3A_179, %dma_wait3A_187] : memref<160000x128xf32, #tpu.memory_space<hbm>> -> memref<128x128xf32, #tpu.memory_space<hbm>>
        %dma_wait3A_189 = arith.constant 0 : i32
        %dma_wait3A_190 = tpu.memref_slice %arg2[%mul3A_179, %dma_wait3A_189] : memref<160000x128xf32, #tpu.memory_space<hbm>> -> memref<128x128xf32, #tpu.memory_space<hbm>>
        tpu.wait_dma2 semaphore(%arg14 : memref<!tpu.dma_semaphore, #tpu.memory_space<semaphore_mem>>) src(%dma_wait3A_190 : memref<128x128xf32, #tpu.memory_space<hbm>>) dst(%arg10 : memref<128x128xf32, #tpu.memory_space<vmem>>)
        %dma_start3A = arith.constant 1 : i32
        %dma_start3A_191 = arith.constant 0 : i32
        %dma_start3A_192 = tpu.memref_slice %arg7[%dma_start3A, %dma_start3A_191] : memref<2x128xi32, #tpu.memory_space<vmem>> -> memref<1x128xi32, #tpu.memory_space<vmem>>
        %dma_start3A_193 = tpu.memref_squeeze %dma_start3A_192 : memref<1x128xi32, #tpu.memory_space<vmem>> -> memref<128xi32, #tpu.memory_space<vmem>>
        %dma_start3A_194 = arith.constant 0 : i32
        %dma_start3A_195 = arith.constant 0 : i32
        %dma_start3A_196 = tpu.memref_slice %arg11[%dma_start3A_194, %dma_start3A_195] : memref<10000x128xf32, #tpu.memory_space<vmem_shared>> -> memref<10000x128xf32, #tpu.memory_space<vmem_shared>>
        tpu.enqueue_indirect_dma source(%arg10 : memref<128x128xf32, #tpu.memory_space<vmem>>) target(%dma_start3A_196 : memref<10000x128xf32, #tpu.memory_space<vmem_shared>>) offsets(%dma_start3A_193 : memref<128xi32, #tpu.memory_space<vmem>>) semaphore(%arg17 : memref<!tpu.dma_semaphore, #tpu.memory_space<semaphore_mem>>) {add = true}
      } else {
      }
      %ge3A_152 = arith.constant 1 : i32
      %ge3A_153 = arith.cmpi sge, %add3A_143, %ge3A_152 : i32
      %sub3A_154 = arith.constant 1 : i32
      %sub3A_155 = arith.subi %add3A_143, %sub3A_154 : i32
      %mul3A_156 = arith.constant 32 : i32
      %mul3A_157 = arith.muli %sub3A_155, %mul3A_156 : i32
      %add3A_158 = arith.addi %add3A, %mul3A_157 : i32
      %lt3A_159 = arith.constant 1250 : i32
      %lt3A_160 = arith.cmpi slt, %add3A_158, %lt3A_159 : i32
      %and3A_161 = arith.andi %ge3A_153, %lt3A_160 : i1
      %convert_element_type3A_162 = arith.extui %and3A_161 : i1 to i32
      %cond3A_163 = arith.constant 0 : i32
      %cond3A_164 = arith.cmpi ne, %convert_element_type3A_162, %cond3A_163 : i32
      scf.if %cond3A_164 {
        %sub3A_175 = arith.constant 1 : i32
        %sub3A_176 = arith.subi %add3A_143, %sub3A_175 : i32
        %dma_wait3A = arith.constant 1 : i32
        %dma_wait3A_177 = arith.constant 0 : i32
        %dma_wait3A_178 = tpu.memref_slice %arg6[%dma_wait3A, %dma_wait3A_177] : memref<2x128xi32, #tpu.memory_space<vmem>> -> memref<1x128xi32, #tpu.memory_space<vmem>>
        %dma_wait3A_179 = tpu.memref_squeeze %dma_wait3A_178 : memref<1x128xi32, #tpu.memory_space<vmem>> -> memref<128xi32, #tpu.memory_space<vmem>>
        %dma_wait3A_180 = arith.constant 0 : i32
        %dma_wait3A_181 = arith.constant 0 : i32
        %dma_wait3A_182 = tpu.memref_slice %arg11[%dma_wait3A_180, %dma_wait3A_181] : memref<10000x128xf32, #tpu.memory_space<vmem_shared>> -> memref<10000x128xf32, #tpu.memory_space<vmem_shared>>
        tpu.wait_indirect_dma semaphore(%arg16 : memref<!tpu.dma_semaphore, #tpu.memory_space<semaphore_mem>>) src(%arg9 : memref<128x128xf32, #tpu.memory_space<vmem>>) dst(%dma_wait3A_182 : memref<10000x128xf32, #tpu.memory_space<vmem_shared>>)
      } else {
      }
      %add3A_165 = arith.constant 2 : i32
      %add3A_166 = arith.addi %add3A_143, %add3A_165 : i32
      %mul3A_167 = arith.constant 32 : i32
      %mul3A_168 = arith.muli %add3A_166, %mul3A_167 : i32
      %add3A_169 = arith.addi %add3A, %mul3A_168 : i32
      %lt3A_170 = arith.constant 1250 : i32
      %lt3A_171 = arith.cmpi slt, %add3A_169, %lt3A_170 : i32
      %convert_element_type3A_172 = arith.extui %lt3A_171 : i1 to i32
      %cond3A_173 = arith.constant 0 : i32
      %cond3A_174 = arith.cmpi ne, %convert_element_type3A_172, %cond3A_173 : i32
      scf.if %cond3A_174 {
        %mul3A_175 = arith.constant 32 : i32
        %mul3A_176 = arith.muli %add3A_166, %mul3A_175 : i32
        %add3A_177 = arith.addi %add3A, %mul3A_176 : i32
        %mul3A_178 = arith.constant 128 : i32
        %mul3A_179 = arith.muli %add3A_177, %mul3A_178 : i32
        %dma_start3A = arith.constant 0 : i32
        %dma_start3A_180 = arith.constant 0 : i32
        %dma_start3A_181 = tpu.memref_slice %arg3[%add3A_177, %dma_start3A, %dma_start3A_180] : memref<1250x2x128xi32, #tpu.memory_space<hbm>> -> memref<1x2x128xi32, #tpu.memory_space<hbm>>
        %dma_start3A_182 = tpu.memref_squeeze %dma_start3A_181 : memref<1x2x128xi32, #tpu.memory_space<hbm>> -> memref<2x128xi32, #tpu.memory_space<hbm>>
        %dma_start3A_183 = arith.constant 0 : i32
        %dma_start3A_184 = arith.constant 0 : i32
        %dma_start3A_185 = tpu.memref_slice %arg3[%add3A_177, %dma_start3A_183, %dma_start3A_184] : memref<1250x2x128xi32, #tpu.memory_space<hbm>> -> memref<1x2x128xi32, #tpu.memory_space<hbm>>
        %dma_start3A_186 = tpu.memref_squeeze %dma_start3A_185 : memref<1x2x128xi32, #tpu.memory_space<hbm>> -> memref<2x128xi32, #tpu.memory_space<hbm>>
        tpu.enqueue_dma source(%dma_start3A_186 : memref<2x128xi32, #tpu.memory_space<hbm>>) target(%arg6 : memref<2x128xi32, #tpu.memory_space<vmem>>) target_semaphore(%arg13 : memref<!tpu.dma_semaphore, #tpu.memory_space<semaphore_mem>>)
        %dma_start3A_187 = arith.constant 0 : i32
        %dma_start3A_188 = tpu.memref_slice %arg2[%mul3A_179, %dma_start3A_187] : memref<160000x128xf32, #tpu.memory_space<hbm>> -> memref<128x128xf32, #tpu.memory_space<hbm>>
        %dma_start3A_189 = arith.constant 0 : i32
        %dma_start3A_190 = tpu.memref_slice %arg2[%mul3A_179, %dma_start3A_189] : memref<160000x128xf32, #tpu.memory_space<hbm>> -> memref<128x128xf32, #tpu.memory_space<hbm>>
        tpu.enqueue_dma source(%dma_start3A_190 : memref<128x128xf32, #tpu.memory_space<hbm>>) target(%arg9 : memref<128x128xf32, #tpu.memory_space<vmem>>) target_semaphore(%arg13 : memref<!tpu.dma_semaphore, #tpu.memory_space<semaphore_mem>>)
      } else {
      }
    }
    %scan3A_28 = arith.constant 13 : i32
    %add3A_29 = arith.constant 1248 : i32
    %add3A_30 = arith.addi %add3A, %add3A_29 : i32
    %lt3A_31 = arith.constant 1250 : i32
    %lt3A_32 = arith.cmpi slt, %add3A_30, %lt3A_31 : i32
    %convert_element_type3A_33 = arith.extui %lt3A_32 : i1 to i32
    %cond3A_34 = arith.constant 0 : i32
    %cond3A_35 = arith.cmpi ne, %convert_element_type3A_33, %cond3A_34 : i32
    scf.if %cond3A_35 {
      %add3A_71 = arith.constant 1248 : i32
      %add3A_72 = arith.addi %add3A, %add3A_71 : i32
      %mul3A_73 = arith.constant 128 : i32
      %mul3A_74 = arith.muli %add3A_72, %mul3A_73 : i32
      %dma_wait3A = arith.constant 0 : i32
      %dma_wait3A_75 = arith.constant 0 : i32
      %dma_wait3A_76 = tpu.memref_slice %arg3[%add3A_72, %dma_wait3A, %dma_wait3A_75] : memref<1250x2x128xi32, #tpu.memory_space<hbm>> -> memref<1x2x128xi32, #tpu.memory_space<hbm>>
      %dma_wait3A_77 = tpu.memref_squeeze %dma_wait3A_76 : memref<1x2x128xi32, #tpu.memory_space<hbm>> -> memref<2x128xi32, #tpu.memory_space<hbm>>
      %dma_wait3A_78 = arith.constant 0 : i32
      %dma_wait3A_79 = arith.constant 0 : i32
      %dma_wait3A_80 = tpu.memref_slice %arg3[%add3A_72, %dma_wait3A_78, %dma_wait3A_79] : memref<1250x2x128xi32, #tpu.memory_space<hbm>> -> memref<1x2x128xi32, #tpu.memory_space<hbm>>
      %dma_wait3A_81 = tpu.memref_squeeze %dma_wait3A_80 : memref<1x2x128xi32, #tpu.memory_space<hbm>> -> memref<2x128xi32, #tpu.memory_space<hbm>>
      tpu.wait_dma2 semaphore(%arg12 : memref<!tpu.dma_semaphore, #tpu.memory_space<semaphore_mem>>) src(%dma_wait3A_81 : memref<2x128xi32, #tpu.memory_space<hbm>>) dst(%arg5 : memref<2x128xi32, #tpu.memory_space<vmem>>)
      %dma_wait3A_82 = arith.constant 0 : i32
      %dma_wait3A_83 = tpu.memref_slice %arg2[%mul3A_74, %dma_wait3A_82] : memref<160000x128xf32, #tpu.memory_space<hbm>> -> memref<128x128xf32, #tpu.memory_space<hbm>>
      %dma_wait3A_84 = arith.constant 0 : i32
      %dma_wait3A_85 = tpu.memref_slice %arg2[%mul3A_74, %dma_wait3A_84] : memref<160000x128xf32, #tpu.memory_space<hbm>> -> memref<128x128xf32, #tpu.memory_space<hbm>>
      tpu.wait_dma2 semaphore(%arg12 : memref<!tpu.dma_semaphore, #tpu.memory_space<semaphore_mem>>) src(%dma_wait3A_85 : memref<128x128xf32, #tpu.memory_space<hbm>>) dst(%arg8 : memref<128x128xf32, #tpu.memory_space<vmem>>)
      %dma_start3A = arith.constant 1 : i32
      %dma_start3A_86 = arith.constant 0 : i32
      %dma_start3A_87 = tpu.memref_slice %arg5[%dma_start3A, %dma_start3A_86] : memref<2x128xi32, #tpu.memory_space<vmem>> -> memref<1x128xi32, #tpu.memory_space<vmem>>
      %dma_start3A_88 = tpu.memref_squeeze %dma_start3A_87 : memref<1x128xi32, #tpu.memory_space<vmem>> -> memref<128xi32, #tpu.memory_space<vmem>>
      %dma_start3A_89 = arith.constant 0 : i32
      %dma_start3A_90 = arith.constant 0 : i32
      %dma_start3A_91 = tpu.memref_slice %arg11[%dma_start3A_89, %dma_start3A_90] : memref<10000x128xf32, #tpu.memory_space<vmem_shared>> -> memref<10000x128xf32, #tpu.memory_space<vmem_shared>>
      tpu.enqueue_indirect_dma source(%arg8 : memref<128x128xf32, #tpu.memory_space<vmem>>) target(%dma_start3A_91 : memref<10000x128xf32, #tpu.memory_space<vmem_shared>>) offsets(%dma_start3A_88 : memref<128xi32, #tpu.memory_space<vmem>>) semaphore(%arg15 : memref<!tpu.dma_semaphore, #tpu.memory_space<semaphore_mem>>) {add = true}
    } else {
    }
    %add3A_36 = arith.constant 1216 : i32
    %add3A_37 = arith.addi %add3A, %add3A_36 : i32
    %lt3A_38 = arith.constant 1250 : i32
    %lt3A_39 = arith.cmpi slt, %add3A_37, %lt3A_38 : i32
    %and3A = arith.constant true
    %and3A_40 = arith.andi %and3A, %lt3A_39 : i1
    %convert_element_type3A_41 = arith.extui %and3A_40 : i1 to i32
    %cond3A_42 = arith.constant 0 : i32
    %cond3A_43 = arith.cmpi ne, %convert_element_type3A_41, %cond3A_42 : i32
    scf.if %cond3A_43 {
      %dma_wait3A = arith.constant 1 : i32
      %dma_wait3A_71 = arith.constant 0 : i32
      %dma_wait3A_72 = tpu.memref_slice %arg7[%dma_wait3A, %dma_wait3A_71] : memref<2x128xi32, #tpu.memory_space<vmem>> -> memref<1x128xi32, #tpu.memory_space<vmem>>
      %dma_wait3A_73 = tpu.memref_squeeze %dma_wait3A_72 : memref<1x128xi32, #tpu.memory_space<vmem>> -> memref<128xi32, #tpu.memory_space<vmem>>
      %dma_wait3A_74 = arith.constant 0 : i32
      %dma_wait3A_75 = arith.constant 0 : i32
      %dma_wait3A_76 = tpu.memref_slice %arg11[%dma_wait3A_74, %dma_wait3A_75] : memref<10000x128xf32, #tpu.memory_space<vmem_shared>> -> memref<10000x128xf32, #tpu.memory_space<vmem_shared>>
      tpu.wait_indirect_dma semaphore(%arg17 : memref<!tpu.dma_semaphore, #tpu.memory_space<semaphore_mem>>) src(%arg10 : memref<128x128xf32, #tpu.memory_space<vmem>>) dst(%dma_wait3A_76 : memref<10000x128xf32, #tpu.memory_space<vmem_shared>>)
    } else {
    }
    %add3A_44 = arith.constant 1312 : i32
    %add3A_45 = arith.addi %add3A, %add3A_44 : i32
    %lt3A_46 = arith.constant 1250 : i32
    %lt3A_47 = arith.cmpi slt, %add3A_45, %lt3A_46 : i32
    %convert_element_type3A_48 = arith.extui %lt3A_47 : i1 to i32
    %cond3A_49 = arith.constant 0 : i32
    %cond3A_50 = arith.cmpi ne, %convert_element_type3A_48, %cond3A_49 : i32
    scf.if %cond3A_50 {
      %add3A_71 = arith.constant 1312 : i32
      %add3A_72 = arith.addi %add3A, %add3A_71 : i32
      %mul3A_73 = arith.constant 128 : i32
      %mul3A_74 = arith.muli %add3A_72, %mul3A_73 : i32
      %dma_start3A = arith.constant 0 : i32
      %dma_start3A_75 = arith.constant 0 : i32
      %dma_start3A_76 = tpu.memref_slice %arg3[%add3A_72, %dma_start3A, %dma_start3A_75] : memref<1250x2x128xi32, #tpu.memory_space<hbm>> -> memref<1x2x128xi32, #tpu.memory_space<hbm>>
      %dma_start3A_77 = tpu.memref_squeeze %dma_start3A_76 : memref<1x2x128xi32, #tpu.memory_space<hbm>> -> memref<2x128xi32, #tpu.memory_space<hbm>>
      %dma_start3A_78 = arith.constant 0 : i32
      %dma_start3A_79 = arith.constant 0 : i32
      %dma_start3A_80 = tpu.memref_slice %arg3[%add3A_72, %dma_start3A_78, %dma_start3A_79] : memref<1250x2x128xi32, #tpu.memory_space<hbm>> -> memref<1x2x128xi32, #tpu.memory_space<hbm>>
      %dma_start3A_81 = tpu.memref_squeeze %dma_start3A_80 : memref<1x2x128xi32, #tpu.memory_space<hbm>> -> memref<2x128xi32, #tpu.memory_space<hbm>>
      tpu.enqueue_dma source(%dma_start3A_81 : memref<2x128xi32, #tpu.memory_space<hbm>>) target(%arg7 : memref<2x128xi32, #tpu.memory_space<vmem>>) target_semaphore(%arg14 : memref<!tpu.dma_semaphore, #tpu.memory_space<semaphore_mem>>)
      %dma_start3A_82 = arith.constant 0 : i32
      %dma_start3A_83 = tpu.memref_slice %arg2[%mul3A_74, %dma_start3A_82] : memref<160000x128xf32, #tpu.memory_space<hbm>> -> memref<128x128xf32, #tpu.memory_space<hbm>>
      %dma_start3A_84 = arith.constant 0 : i32
      %dma_start3A_85 = tpu.memref_slice %arg2[%mul3A_74, %dma_start3A_84] : memref<160000x128xf32, #tpu.memory_space<hbm>> -> memref<128x128xf32, #tpu.memory_space<hbm>>
      tpu.enqueue_dma source(%dma_start3A_85 : memref<128x128xf32, #tpu.memory_space<hbm>>) target(%arg10 : memref<128x128xf32, #tpu.memory_space<vmem>>) target_semaphore(%arg14 : memref<!tpu.dma_semaphore, #tpu.memory_space<semaphore_mem>>)
    } else {
    }
    %add3A_51 = arith.constant 1248 : i32
    %add3A_52 = arith.addi %add3A, %add3A_51 : i32
    %lt3A_53 = arith.constant 1250 : i32
    %lt3A_54 = arith.cmpi slt, %add3A_52, %lt3A_53 : i32
    %convert_element_type3A_55 = arith.extui %lt3A_54 : i1 to i32
    %cond3A_56 = arith.constant 0 : i32
    %cond3A_57 = arith.cmpi ne, %convert_element_type3A_55, %cond3A_56 : i32
    scf.if %cond3A_57 {
      %dma_wait3A = arith.constant 1 : i32
      %dma_wait3A_71 = arith.constant 0 : i32
      %dma_wait3A_72 = tpu.memref_slice %arg5[%dma_wait3A, %dma_wait3A_71] : memref<2x128xi32, #tpu.memory_space<vmem>> -> memref<1x128xi32, #tpu.memory_space<vmem>>
      %dma_wait3A_73 = tpu.memref_squeeze %dma_wait3A_72 : memref<1x128xi32, #tpu.memory_space<vmem>> -> memref<128xi32, #tpu.memory_space<vmem>>
      %dma_wait3A_74 = arith.constant 0 : i32
      %dma_wait3A_75 = arith.constant 0 : i32
      %dma_wait3A_76 = tpu.memref_slice %arg11[%dma_wait3A_74, %dma_wait3A_75] : memref<10000x128xf32, #tpu.memory_space<vmem_shared>> -> memref<10000x128xf32, #tpu.memory_space<vmem_shared>>
      tpu.wait_indirect_dma semaphore(%arg15 : memref<!tpu.dma_semaphore, #tpu.memory_space<semaphore_mem>>) src(%arg8 : memref<128x128xf32, #tpu.memory_space<vmem>>) dst(%dma_wait3A_76 : memref<10000x128xf32, #tpu.memory_space<vmem_shared>>)
    } else {
    }
    %barrier3A_58 = arith.constant 0 : index
    tpu.barrier barrier_id(%barrier3A_58)
    %scan3A_59 = arith.constant 0 : i32
    %scan3A_60 = arith.constant 0 : i32
    %scan3A_61 = arith.constant 8 : i32
    %scan3A_62 = arith.addi %scan3A_60, %scan3A_61 : i32
    %scan3A_63 = arith.constant 1 : i32
    scf.for %scan3A_71 = %scan3A_60 to %scan3A_62 step %scan3A_63  : i32 {
      %mul3A_72 = arith.constant 16 : i32
      %mul3A_73 = arith.muli %scan3A_71, %mul3A_72 : i32
      %add3A_74 = arith.addi %arg1, %mul3A_73 : i32
      %lt3A_75 = arith.constant 125 : i32
      %lt3A_76 = arith.cmpi slt, %add3A_74, %lt3A_75 : i32
      %convert_element_type3A_77 = arith.extui %lt3A_76 : i1 to i32
      %cond3A_78 = arith.constant 0 : i32
      %cond3A_79 = arith.cmpi ne, %convert_element_type3A_77, %cond3A_78 : i32
      scf.if %cond3A_79 {
        %mul3A_80 = arith.constant 80 : i32
        %mul3A_81 = arith.muli %add3A_74, %mul3A_80 : i32
        %mul3A_82 = arith.constant 80 : i32
        %mul3A_83 = arith.muli %add3A_74, %mul3A_82 : i32
        %dma_start3A = arith.constant 0 : i32
        %dma_start3A_84 = tpu.memref_slice %arg4[%arg0, %mul3A_83, %dma_start3A] : memref<2x10000x128xf32, #tpu.memory_space<hbm>> -> memref<1x80x128xf32, #tpu.memory_space<hbm>>
        %dma_start3A_85 = tpu.memref_squeeze %dma_start3A_84 : memref<1x80x128xf32, #tpu.memory_space<hbm>> -> memref<80x128xf32, #tpu.memory_space<hbm>>
        %dma_start3A_86 = arith.constant 0 : i32
        %dma_start3A_87 = tpu.memref_slice %arg11[%mul3A_81, %dma_start3A_86] : memref<10000x128xf32, #tpu.memory_space<vmem_shared>> -> memref<80x128xf32, #tpu.memory_space<vmem_shared>>
        tpu.enqueue_dma source(%dma_start3A_87 : memref<80x128xf32, #tpu.memory_space<vmem_shared>>) target(%dma_start3A_85 : memref<80x128xf32, #tpu.memory_space<hbm>>) target_semaphore(%arg18 : memref<!tpu.dma_semaphore, #tpu.memory_space<semaphore_mem>>)
      } else {
      }
    }
    %scan3A_64 = arith.constant 8 : i32
    %scan3A_65 = arith.constant 0 : i32
    %scan3A_66 = arith.constant 0 : i32
    %scan3A_67 = arith.constant 8 : i32
    %scan3A_68 = arith.addi %scan3A_66, %scan3A_67 : i32
    %scan3A_69 = arith.constant 1 : i32
    scf.for %scan3A_71 = %scan3A_66 to %scan3A_68 step %scan3A_69  : i32 {
      %mul3A_72 = arith.constant 16 : i32
      %mul3A_73 = arith.muli %scan3A_71, %mul3A_72 : i32
      %add3A_74 = arith.addi %arg1, %mul3A_73 : i32
      %lt3A_75 = arith.constant 125 : i32
      %lt3A_76 = arith.cmpi slt, %add3A_74, %lt3A_75 : i32
      %convert_element_type3A_77 = arith.extui %lt3A_76 : i1 to i32
      %cond3A_78 = arith.constant 0 : i32
      %cond3A_79 = arith.cmpi ne, %convert_element_type3A_77, %cond3A_78 : i32
      scf.if %cond3A_79 {
        %mul3A_80 = arith.constant 80 : i32
        %mul3A_81 = arith.muli %add3A_74, %mul3A_80 : i32
        %mul3A_82 = arith.constant 80 : i32
        %mul3A_83 = arith.muli %add3A_74, %mul3A_82 : i32
        %dma_wait3A = arith.constant 0 : i32
        %dma_wait3A_84 = tpu.memref_slice %arg4[%arg0, %mul3A_83, %dma_wait3A] : memref<2x10000x128xf32, #tpu.memory_space<hbm>> -> memref<1x80x128xf32, #tpu.memory_space<hbm>>
        %dma_wait3A_85 = tpu.memref_squeeze %dma_wait3A_84 : memref<1x80x128xf32, #tpu.memory_space<hbm>> -> memref<80x128xf32, #tpu.memory_space<hbm>>
        %dma_wait3A_86 = arith.constant 0 : i32
        %dma_wait3A_87 = tpu.memref_slice %arg11[%mul3A_81, %dma_wait3A_86] : memref<10000x128xf32, #tpu.memory_space<vmem_shared>> -> memref<80x128xf32, #tpu.memory_space<vmem_shared>>
        tpu.wait_dma2 semaphore(%arg18 : memref<!tpu.dma_semaphore, #tpu.memory_space<semaphore_mem>>) src(%dma_wait3A_87 : memref<80x128xf32, #tpu.memory_space<vmem_shared>>) dst(%dma_wait3A_85 : memref<80x128xf32, #tpu.memory_space<hbm>>)
      } else {
      }
    }
    %scan3A_70 = arith.constant 8 : i32
    return
  }
}

#map = affine_map<(d0, d1) -> (0, 0)>
#map1 = affine_map<(d0, d1) -> (0, 0, 0)>
module attributes {stable_mosaic.version = 14 : i64} {
  func.func @_sc_scatter_body(%arg0: i32, %arg1: i32, %arg2: memref<160000x128xf32, #tpu.memory_space<hbm>>, %arg3: memref<1250x2x128xi32, #tpu.memory_space<hbm>>, %arg4: memref<2x10000x128xf32, #tpu.memory_space<hbm>>, %arg5: memref<2x128xi32, #tpu.memory_space<vmem>>, %arg6: memref<2x128xi32, #tpu.memory_space<vmem>>, %arg7: memref<2x128xi32, #tpu.memory_space<vmem>>, %arg8: memref<128x128xf32, #tpu.memory_space<vmem>>, %arg9: memref<128x128xf32, #tpu.memory_space<vmem>>, %arg10: memref<128x128xf32, #tpu.memory_space<vmem>>, %arg11: memref<10000x128xf32, #tpu.memory_space<vmem_shared>>, %arg12: memref<!tpu.dma_semaphore, #tpu.memory_space<semaphore_mem>>, %arg13: memref<!tpu.dma_semaphore, #tpu.memory_space<semaphore_mem>>, %arg14: memref<!tpu.dma_semaphore, #tpu.memory_space<semaphore_mem>>, %arg15: memref<!tpu.dma_semaphore, #tpu.memory_space<semaphore_mem>>, %arg16: memref<!tpu.dma_semaphore, #tpu.memory_space<semaphore_mem>>, %arg17: memref<!tpu.dma_semaphore, #tpu.memory_space<semaphore_mem>>, %arg18: memref<!tpu.dma_semaphore, #tpu.memory_space<semaphore_mem>>) attributes {dimension_semantics = [#tpu.dimension_semantics<core_parallel>, #tpu.dimension_semantics<subcore_parallel>], iteration_bounds = array<i64: 2, 16>, scalar_prefetch = 0 : i64, scratch_operands = 14 : i64, tpu.core_type = #tpu.core_type<sc_vector_subcore>, window_params = [{transform_indices = #map}, {transform_indices = #map1}, {transform_indices = #map1}]} {
    %mul3A = arith.constant 2 : i32
    %mul3A_0 = arith.muli %arg1, %mul3A : i32
    %add3A = arith.addi %mul3A_0, %arg0 : i32
    %add3A_1 = arith.constant 0 : i32
    %add3A_2 = arith.addi %add3A, %add3A_1 : i32
    %lt3A = arith.constant 1250 : i32
    %lt3A_3 = arith.cmpi slt, %add3A_2, %lt3A : i32
    %convert_element_type3A = arith.extui %lt3A_3 : i1 to i32
    %cond3A = arith.constant 0 : i32
    %cond3A_4 = arith.cmpi ne, %convert_element_type3A, %cond3A : i32
    scf.if %cond3A_4 {
      %add3A_71 = arith.constant 0 : i32
      %add3A_72 = arith.addi %add3A, %add3A_71 : i32
      %mul3A_73 = arith.constant 128 : i32
      %mul3A_74 = arith.muli %add3A_72, %mul3A_73 : i32
      %dma_start3A = arith.constant 0 : i32
      %dma_start3A_75 = arith.constant 0 : i32
      %dma_start3A_76 = tpu.memref_slice %arg3[%add3A_72, %dma_start3A, %dma_start3A_75] : memref<1250x2x128xi32, #tpu.memory_space<hbm>> -> memref<1x2x128xi32, #tpu.memory_space<hbm>>
      %dma_start3A_77 = tpu.memref_squeeze %dma_start3A_76 : memref<1x2x128xi32, #tpu.memory_space<hbm>> -> memref<2x128xi32, #tpu.memory_space<hbm>>
      %dma_start3A_78 = arith.constant 0 : i32
      %dma_start3A_79 = arith.constant 0 : i32
      %dma_start3A_80 = tpu.memref_slice %arg3[%add3A_72, %dma_start3A_78, %dma_start3A_79] : memref<1250x2x128xi32, #tpu.memory_space<hbm>> -> memref<1x2x128xi32, #tpu.memory_space<hbm>>
      %dma_start3A_81 = tpu.memref_squeeze %dma_start3A_80 : memref<1x2x128xi32, #tpu.memory_space<hbm>> -> memref<2x128xi32, #tpu.memory_space<hbm>>
      tpu.enqueue_dma source(%dma_start3A_81 : memref<2x128xi32, #tpu.memory_space<hbm>>) target(%arg5 : memref<2x128xi32, #tpu.memory_space<vmem>>) target_semaphore(%arg12 : memref<!tpu.dma_semaphore, #tpu.memory_space<semaphore_mem>>)
      %dma_start3A_82 = arith.constant 0 : i32
      %dma_start3A_83 = tpu.memref_slice %arg2[%mul3A_74, %dma_start3A_82] : memref<160000x128xf32, #tpu.memory_space<hbm>> -> memref<128x128xf32, #tpu.memory_space<hbm>>
      %dma_start3A_84 = arith.constant 0 : i32
      %dma_start3A_85 = tpu.memref_slice %arg2[%mul3A_74, %dma_start3A_84] : memref<160000x128xf32, #tpu.memory_space<hbm>> -> memref<128x128xf32, #tpu.memory_space<hbm>>
      tpu.enqueue_dma source(%dma_start3A_85 : memref<128x128xf32, #tpu.memory_space<hbm>>) target(%arg8 : memref<128x128xf32, #tpu.memory_space<vmem>>) target_semaphore(%arg12 : memref<!tpu.dma_semaphore, #tpu.memory_space<semaphore_mem>>)
    } else {
    }
    %add3A_5 = arith.constant 32 : i32
    %add3A_6 = arith.addi %add3A, %add3A_5 : i32
    %lt3A_7 = arith.constant 1250 : i32
    %lt3A_8 = arith.cmpi slt, %add3A_6, %lt3A_7 : i32
    %convert_element_type3A_9 = arith.extui %lt3A_8 : i1 to i32
    %cond3A_10 = arith.constant 0 : i32
    %cond3A_11 = arith.cmpi ne, %convert_element_type3A_9, %cond3A_10 : i32
    scf.if %cond3A_11 {
      %add3A_71 = arith.constant 32 : i32
      %add3A_72 = arith.addi %add3A, %add3A_71 : i32
      %mul3A_73 = arith.constant 128 : i32
      %mul3A_74 = arith.muli %add3A_72, %mul3A_73 : i32
      %dma_start3A = arith.constant 0 : i32
      %dma_start3A_75 = arith.constant 0 : i32
      %dma_start3A_76 = tpu.memref_slice %arg3[%add3A_72, %dma_start3A, %dma_start3A_75] : memref<1250x2x128xi32, #tpu.memory_space<hbm>> -> memref<1x2x128xi32, #tpu.memory_space<hbm>>
      %dma_start3A_77 = tpu.memref_squeeze %dma_start3A_76 : memref<1x2x128xi32, #tpu.memory_space<hbm>> -> memref<2x128xi32, #tpu.memory_space<hbm>>
      %dma_start3A_78 = arith.constant 0 : i32
      %dma_start3A_79 = arith.constant 0 : i32
      %dma_start3A_80 = tpu.memref_slice %arg3[%add3A_72, %dma_start3A_78, %dma_start3A_79] : memref<1250x2x128xi32, #tpu.memory_space<hbm>> -> memref<1x2x128xi32, #tpu.memory_space<hbm>>
      %dma_start3A_81 = tpu.memref_squeeze %dma_start3A_80 : memref<1x2x128xi32, #tpu.memory_space<hbm>> -> memref<2x128xi32, #tpu.memory_space<hbm>>
      tpu.enqueue_dma source(%dma_start3A_81 : memref<2x128xi32, #tpu.memory_space<hbm>>) target(%arg6 : memref<2x128xi32, #tpu.memory_space<vmem>>) target_semaphore(%arg13 : memref<!tpu.dma_semaphore, #tpu.memory_space<semaphore_mem>>)
      %dma_start3A_82 = arith.constant 0 : i32
      %dma_start3A_83 = tpu.memref_slice %arg2[%mul3A_74, %dma_start3A_82] : memref<160000x128xf32, #tpu.memory_space<hbm>> -> memref<128x128xf32, #tpu.memory_space<hbm>>
      %dma_start3A_84 = arith.constant 0 : i32
      %dma_start3A_85 = tpu.memref_slice %arg2[%mul3A_74, %dma_start3A_84] : memref<160000x128xf32, #tpu.memory_space<hbm>> -> memref<128x128xf32, #tpu.memory_space<hbm>>
      tpu.enqueue_dma source(%dma_start3A_85 : memref<128x128xf32, #tpu.memory_space<hbm>>) target(%arg9 : memref<128x128xf32, #tpu.memory_space<vmem>>) target_semaphore(%arg13 : memref<!tpu.dma_semaphore, #tpu.memory_space<semaphore_mem>>)
    } else {
    }
    %scan3A = arith.constant 0 : i32
    %scan3A_12 = arith.constant 0 : i32
    %scan3A_13 = arith.constant 80 : i32
    %scan3A_14 = arith.addi %scan3A_12, %scan3A_13 : i32
    %scan3A_15 = arith.constant 1 : i32
    scf.for %scan3A_71 = %scan3A_12 to %scan3A_14 step %scan3A_15  : i32 {
      %broadcast_in_dim3A = arith.constant 0.000000e+00 : f32
      %broadcast_in_dim3A_72 = vector.broadcast %broadcast_in_dim3A : f32 to vector<16xf32>
      %swap3A = arith.index_cast %scan3A_71 : i32 to index
      %swap3A_73 = arith.constant 0 : index
      %swap3A_74 = tpu.vector_load %arg10[%swap3A, %swap3A_73] {strides = array<i32>} : memref<128x128xf32, #tpu.memory_space<vmem>>, vector<1x16xf32>,
      %swap3A_75 = vector.shape_cast %swap3A_74 : vector<1x16xf32> to vector<16xf32>
      %swap3A_76 = vector.shape_cast %broadcast_in_dim3A_72 : vector<16xf32> to vector<1x16xf32>
      tpu.vector_store %arg10[%swap3A, %swap3A_73], %swap3A_76 {strides = array<i32>} : memref<128x128xf32, #tpu.memory_space<vmem>>, vector<1x16xf32>,
      %broadcast_in_dim3A_77 = arith.constant 0.000000e+00 : f32
      %broadcast_in_dim3A_78 = vector.broadcast %broadcast_in_dim3A_77 : f32 to vector<16xf32>
      %swap3A_79 = arith.index_cast %scan3A_71 : i32 to index
      %swap3A_80 = arith.constant 16 : index
      %swap3A_81 = tpu.vector_load %arg10[%swap3A_79, %swap3A_80] {strides = array<i32>} : memref<128x128xf32, #tpu.memory_space<vmem>>, vector<1x16xf32>,
      %swap3A_82 = vector.shape_cast %swap3A_81 : vector<1x16xf32> to vector<16xf32>
      %swap3A_83 = vector.shape_cast %broadcast_in_dim3A_78 : vector<16xf32> to vector<1x16xf32>
      tpu.vector_store %arg10[%swap3A_79, %swap3A_80], %swap3A_83 {strides = array<i32>} : memref<128x128xf32, #tpu.memory_space<vmem>>, vector<1x16xf32>,
      %broadcast_in_dim3A_84 = arith.constant 0.000000e+00 : f32
      %broadcast_in_dim3A_85 = vector.broadcast %broadcast_in_dim3A_84 : f32 to vector<16xf32>
      %swap3A_86 = arith.index_cast %scan3A_71 : i32 to index
      %swap3A_87 = arith.constant 32 : index
      %swap3A_88 = tpu.vector_load %arg10[%swap3A_86, %swap3A_87] {strides = array<i32>} : memref<128x128xf32, #tpu.memory_space<vmem>>, vector<1x16xf32>,
      %swap3A_89 = vector.shape_cast %swap3A_88 : vector<1x16xf32> to vector<16xf32>
      %swap3A_90 = vector.shape_cast %broadcast_in_dim3A_85 : vector<16xf32> to vector<1x16xf32>
      tpu.vector_store %arg10[%swap3A_86, %swap3A_87], %swap3A_90 {strides = array<i32>} : memref<128x128xf32, #tpu.memory_space<vmem>>, vector<1x16xf32>,
      %broadcast_in_dim3A_91 = arith.constant 0.000000e+00 : f32
      %broadcast_in_dim3A_92 = vector.broadcast %broadcast_in_dim3A_91 : f32 to vector<16xf32>
      %swap3A_93 = arith.index_cast %scan3A_71 : i32 to index
      %swap3A_94 = arith.constant 48 : index
      %swap3A_95 = tpu.vector_load %arg10[%swap3A_93, %swap3A_94] {strides = array<i32>} : memref<128x128xf32, #tpu.memory_space<vmem>>, vector<1x16xf32>,
      %swap3A_96 = vector.shape_cast %swap3A_95 : vector<1x16xf32> to vector<16xf32>
      %swap3A_97 = vector.shape_cast %broadcast_in_dim3A_92 : vector<16xf32> to vector<1x16xf32>
      tpu.vector_store %arg10[%swap3A_93, %swap3A_94], %swap3A_97 {strides = array<i32>} : memref<128x128xf32, #tpu.memory_space<vmem>>, vector<1x16xf32>,
      %broadcast_in_dim3A_98 = arith.constant 0.000000e+00 : f32
      %broadcast_in_dim3A_99 = vector.broadcast %broadcast_in_dim3A_98 : f32 to vector<16xf32>
      %swap3A_100 = arith.index_cast %scan3A_71 : i32 to index
      %swap3A_101 = arith.constant 64 : index
      %swap3A_102 = tpu.vector_load %arg10[%swap3A_100, %swap3A_101] {strides = array<i32>} : memref<128x128xf32, #tpu.memory_space<vmem>>, vector<1x16xf32>,
      %swap3A_103 = vector.shape_cast %swap3A_102 : vector<1x16xf32> to vector<16xf32>
      %swap3A_104 = vector.shape_cast %broadcast_in_dim3A_99 : vector<16xf32> to vector<1x16xf32>
      tpu.vector_store %arg10[%swap3A_100, %swap3A_101], %swap3A_104 {strides = array<i32>} : memref<128x128xf32, #tpu.memory_space<vmem>>, vector<1x16xf32>,
      %broadcast_in_dim3A_105 = arith.constant 0.000000e+00 : f32
      %broadcast_in_dim3A_106 = vector.broadcast %broadcast_in_dim3A_105 : f32 to vector<16xf32>
      %swap3A_107 = arith.index_cast %scan3A_71 : i32 to index
      %swap3A_108 = arith.constant 80 : index
      %swap3A_109 = tpu.vector_load %arg10[%swap3A_107, %swap3A_108] {strides = array<i32>} : memref<128x128xf32, #tpu.memory_space<vmem>>, vector<1x16xf32>,
      %swap3A_110 = vector.shape_cast %swap3A_109 : vector<1x16xf32> to vector<16xf32>
      %swap3A_111 = vector.shape_cast %broadcast_in_dim3A_106 : vector<16xf32> to vector<1x16xf32>
      tpu.vector_store %arg10[%swap3A_107, %swap3A_108], %swap3A_111 {strides = array<i32>} : memref<128x128xf32, #tpu.memory_space<vmem>>, vector<1x16xf32>,
      %broadcast_in_dim3A_112 = arith.constant 0.000000e+00 : f32
      %broadcast_in_dim3A_113 = vector.broadcast %broadcast_in_dim3A_112 : f32 to vector<16xf32>
      %swap3A_114 = arith.index_cast %scan3A_71 : i32 to index
      %swap3A_115 = arith.constant 96 : index
      %swap3A_116 = tpu.vector_load %arg10[%swap3A_114, %swap3A_115] {strides = array<i32>} : memref<128x128xf32, #tpu.memory_space<vmem>>, vector<1x16xf32>,
      %swap3A_117 = vector.shape_cast %swap3A_116 : vector<1x16xf32> to vector<16xf32>
      %swap3A_118 = vector.shape_cast %broadcast_in_dim3A_113 : vector<16xf32> to vector<1x16xf32>
      tpu.vector_store %arg10[%swap3A_114, %swap3A_115], %swap3A_118 {strides = array<i32>} : memref<128x128xf32, #tpu.memory_space<vmem>>, vector<1x16xf32>,
      %broadcast_in_dim3A_119 = arith.constant 0.000000e+00 : f32
      %broadcast_in_dim3A_120 = vector.broadcast %broadcast_in_dim3A_119 : f32 to vector<16xf32>
      %swap3A_121 = arith.index_cast %scan3A_71 : i32 to index
      %swap3A_122 = arith.constant 112 : index
      %swap3A_123 = tpu.vector_load %arg10[%swap3A_121, %swap3A_122] {strides = array<i32>} : memref<128x128xf32, #tpu.memory_space<vmem>>, vector<1x16xf32>,
      %swap3A_124 = vector.shape_cast %swap3A_123 : vector<1x16xf32> to vector<16xf32>
      %swap3A_125 = vector.shape_cast %broadcast_in_dim3A_120 : vector<16xf32> to vector<1x16xf32>
      tpu.vector_store %arg10[%swap3A_121, %swap3A_122], %swap3A_125 {strides = array<i32>} : memref<128x128xf32, #tpu.memory_space<vmem>>, vector<1x16xf32>,
    }
    %scan3A_16 = arith.constant 80 : i32
    %scan3A_17 = arith.constant 0 : i32
    %scan3A_18 = arith.constant 0 : i32
    %scan3A_19 = arith.constant 8 : i32
    %scan3A_20 = arith.addi %scan3A_18, %scan3A_19 : i32
    %scan3A_21 = arith.constant 1 : i32
    scf.for %scan3A_71 = %scan3A_18 to %scan3A_20 step %scan3A_21  : i32 {
      %mul3A_72 = arith.constant 16 : i32
      %mul3A_73 = arith.muli %scan3A_71, %mul3A_72 : i32
      %add3A_74 = arith.addi %arg1, %mul3A_73 : i32
      %lt3A_75 = arith.constant 125 : i32
      %lt3A_76 = arith.cmpi slt, %add3A_74, %lt3A_75 : i32
      %convert_element_type3A_77 = arith.extui %lt3A_76 : i1 to i32
      %cond3A_78 = arith.constant 0 : i32
      %cond3A_79 = arith.cmpi ne, %convert_element_type3A_77, %cond3A_78 : i32
      scf.if %cond3A_79 {
        %mul3A_80 = arith.constant 80 : i32
        %mul3A_81 = arith.muli %add3A_74, %mul3A_80 : i32
        "tpu.region"() ({
          %run_scoped3A = tpu.sem_alloc : memref<!tpu.dma_semaphore, #tpu.memory_space<semaphore_mem>>
          %dma_start3A = arith.constant 0 : i32
          %dma_start3A_82 = arith.constant 0 : i32
          %dma_start3A_83 = tpu.memref_slice %arg10[%dma_start3A, %dma_start3A_82] : memref<128x128xf32, #tpu.memory_space<vmem>> -> memref<80x128xf32, #tpu.memory_space<vmem>>
          %dma_start3A_84 = arith.constant 0 : i32
          %dma_start3A_85 = tpu.memref_slice %arg11[%mul3A_81, %dma_start3A_84] : memref<10000x128xf32, #tpu.memory_space<vmem_shared>> -> memref<80x128xf32, #tpu.memory_space<vmem_shared>>
          %dma_start3A_86 = arith.constant 0 : i32
          %dma_start3A_87 = tpu.memref_slice %arg11[%mul3A_81, %dma_start3A_86] : memref<10000x128xf32, #tpu.memory_space<vmem_shared>> -> memref<80x128xf32, #tpu.memory_space<vmem_shared>>
          %dma_start3A_88 = arith.constant 0 : i32
          %dma_start3A_89 = arith.constant 0 : i32
          %dma_start3A_90 = tpu.memref_slice %arg10[%dma_start3A_88, %dma_start3A_89] : memref<128x128xf32, #tpu.memory_space<vmem>> -> memref<80x128xf32, #tpu.memory_space<vmem>>
          tpu.enqueue_dma source(%dma_start3A_90 : memref<80x128xf32, #tpu.memory_space<vmem>>) target(%dma_start3A_87 : memref<80x128xf32, #tpu.memory_space<vmem_shared>>) target_semaphore(%run_scoped3A : memref<!tpu.dma_semaphore, #tpu.memory_space<semaphore_mem>>)
          %dma_wait3A = arith.constant 0 : i32
          %dma_wait3A_91 = arith.constant 0 : i32
          %dma_wait3A_92 = tpu.memref_slice %arg10[%dma_wait3A, %dma_wait3A_91] : memref<128x128xf32, #tpu.memory_space<vmem>> -> memref<80x128xf32, #tpu.memory_space<vmem>>
          %dma_wait3A_93 = arith.constant 0 : i32
          %dma_wait3A_94 = tpu.memref_slice %arg11[%mul3A_81, %dma_wait3A_93] : memref<10000x128xf32, #tpu.memory_space<vmem_shared>> -> memref<80x128xf32, #tpu.memory_space<vmem_shared>>
          %dma_wait3A_95 = arith.constant 0 : i32
          %dma_wait3A_96 = tpu.memref_slice %arg11[%mul3A_81, %dma_wait3A_95] : memref<10000x128xf32, #tpu.memory_space<vmem_shared>> -> memref<80x128xf32, #tpu.memory_space<vmem_shared>>
          %dma_wait3A_97 = arith.constant 0 : i32
          %dma_wait3A_98 = arith.constant 0 : i32
          %dma_wait3A_99 = tpu.memref_slice %arg10[%dma_wait3A_97, %dma_wait3A_98] : memref<128x128xf32, #tpu.memory_space<vmem>> -> memref<80x128xf32, #tpu.memory_space<vmem>>
          tpu.wait_dma2 semaphore(%run_scoped3A : memref<!tpu.dma_semaphore, #tpu.memory_space<semaphore_mem>>) src(%dma_wait3A_99 : memref<80x128xf32, #tpu.memory_space<vmem>>) dst(%dma_wait3A_96 : memref<80x128xf32, #tpu.memory_space<vmem_shared>>)
          tpu.yield
        }) : () -> ()
      } else {
      }
    }
    %scan3A_22 = arith.constant 8 : i32
    %barrier3A = arith.constant 0 : index
    tpu.barrier barrier_id(%barrier3A)
    %scan3A_23 = arith.constant 0 : i32
    %scan3A_24 = arith.constant 0 : i32
    %scan3A_25 = arith.constant 13 : i32
    %scan3A_26 = arith.addi %scan3A_24, %scan3A_25 : i32
    %scan3A_27 = arith.constant 1 : i32
    scf.for %scan3A_71 = %scan3A_24 to %scan3A_26 step %scan3A_27  : i32 {
      %mul3A_72 = arith.constant 3 : i32
      %mul3A_73 = arith.muli %mul3A_72, %scan3A_71 : i32
      %add3A_74 = arith.constant 0 : i32
      %add3A_75 = arith.addi %mul3A_73, %add3A_74 : i32
      %mul3A_76 = arith.constant 32 : i32
      %mul3A_77 = arith.muli %add3A_75, %mul3A_76 : i32
      %add3A_78 = arith.addi %add3A, %mul3A_77 : i32
      %lt3A_79 = arith.constant 1250 : i32
      %lt3A_80 = arith.cmpi slt, %add3A_78, %lt3A_79 : i32
      %convert_element_type3A_81 = arith.extui %lt3A_80 : i1 to i32
      %cond3A_82 = arith.constant 0 : i32
      %cond3A_83 = arith.cmpi ne, %convert_element_type3A_81, %cond3A_82 : i32
      scf.if %cond3A_83 {
        %mul3A_175 = arith.constant 32 : i32
        %mul3A_176 = arith.muli %add3A_75, %mul3A_175 : i32
        %add3A_177 = arith.addi %add3A, %mul3A_176 : i32
        %mul3A_178 = arith.constant 128 : i32
        %mul3A_179 = arith.muli %add3A_177, %mul3A_178 : i32
        %dma_wait3A = arith.constant 0 : i32
        %dma_wait3A_180 = arith.constant 0 : i32
        %dma_wait3A_181 = tpu.memref_slice %arg3[%add3A_177, %dma_wait3A, %dma_wait3A_180] : memref<1250x2x128xi32, #tpu.memory_space<hbm>> -> memref<1x2x128xi32, #tpu.memory_space<hbm>>
        %dma_wait3A_182 = tpu.memref_squeeze %dma_wait3A_181 : memref<1x2x128xi32, #tpu.memory_space<hbm>> -> memref<2x128xi32, #tpu.memory_space<hbm>>
        %dma_wait3A_183 = arith.constant 0 : i32
        %dma_wait3A_184 = arith.constant 0 : i32
        %dma_wait3A_185 = tpu.memref_slice %arg3[%add3A_177, %dma_wait3A_183, %dma_wait3A_184] : memref<1250x2x128xi32, #tpu.memory_space<hbm>> -> memref<1x2x128xi32, #tpu.memory_space<hbm>>
        %dma_wait3A_186 = tpu.memref_squeeze %dma_wait3A_185 : memref<1x2x128xi32, #tpu.memory_space<hbm>> -> memref<2x128xi32, #tpu.memory_space<hbm>>
        tpu.wait_dma2 semaphore(%arg12 : memref<!tpu.dma_semaphore, #tpu.memory_space<semaphore_mem>>) src(%dma_wait3A_186 : memref<2x128xi32, #tpu.memory_space<hbm>>) dst(%arg5 : memref<2x128xi32, #tpu.memory_space<vmem>>)
        %dma_wait3A_187 = arith.constant 0 : i32
        %dma_wait3A_188 = tpu.memref_slice %arg2[%mul3A_179, %dma_wait3A_187] : memref<160000x128xf32, #tpu.memory_space<hbm>> -> memref<128x128xf32, #tpu.memory_space<hbm>>
        %dma_wait3A_189 = arith.constant 0 : i32
        %dma_wait3A_190 = tpu.memref_slice %arg2[%mul3A_179, %dma_wait3A_189] : memref<160000x128xf32, #tpu.memory_space<hbm>> -> memref<128x128xf32, #tpu.memory_space<hbm>>
        tpu.wait_dma2 semaphore(%arg12 : memref<!tpu.dma_semaphore, #tpu.memory_space<semaphore_mem>>) src(%dma_wait3A_190 : memref<128x128xf32, #tpu.memory_space<hbm>>) dst(%arg8 : memref<128x128xf32, #tpu.memory_space<vmem>>)
        %dma_start3A = arith.constant 1 : i32
        %dma_start3A_191 = arith.constant 0 : i32
        %dma_start3A_192 = tpu.memref_slice %arg5[%dma_start3A, %dma_start3A_191] : memref<2x128xi32, #tpu.memory_space<vmem>> -> memref<1x128xi32, #tpu.memory_space<vmem>>
        %dma_start3A_193 = tpu.memref_squeeze %dma_start3A_192 : memref<1x128xi32, #tpu.memory_space<vmem>> -> memref<128xi32, #tpu.memory_space<vmem>>
        %dma_start3A_194 = arith.constant 0 : i32
        %dma_start3A_195 = arith.constant 0 : i32
        %dma_start3A_196 = tpu.memref_slice %arg11[%dma_start3A_194, %dma_start3A_195] : memref<10000x128xf32, #tpu.memory_space<vmem_shared>> -> memref<10000x128xf32, #tpu.memory_space<vmem_shared>>
        tpu.enqueue_indirect_dma source(%arg8 : memref<128x128xf32, #tpu.memory_space<vmem>>) target(%dma_start3A_196 : memref<10000x128xf32, #tpu.memory_space<vmem_shared>>) offsets(%dma_start3A_193 : memref<128xi32, #tpu.memory_space<vmem>>) semaphore(%arg15 : memref<!tpu.dma_semaphore, #tpu.memory_space<semaphore_mem>>) {add = true}
      } else {
      }
      %ge3A = arith.constant 1 : i32
      %ge3A_84 = arith.cmpi sge, %add3A_75, %ge3A : i32
      %sub3A = arith.constant 1 : i32
      %sub3A_85 = arith.subi %add3A_75, %sub3A : i32
      %mul3A_86 = arith.constant 32 : i32
      %mul3A_87 = arith.muli %sub3A_85, %mul3A_86 : i32
      %add3A_88 = arith.addi %add3A, %mul3A_87 : i32
      %lt3A_89 = arith.constant 1250 : i32
      %lt3A_90 = arith.cmpi slt, %add3A_88, %lt3A_89 : i32
      %and3A_91 = arith.andi %ge3A_84, %lt3A_90 : i1
      %convert_element_type3A_92 = arith.extui %and3A_91 : i1 to i32
      %cond3A_93 = arith.constant 0 : i32
      %cond3A_94 = arith.cmpi ne, %convert_element_type3A_92, %cond3A_93 : i32
      scf.if %cond3A_94 {
        %sub3A_175 = arith.constant 1 : i32
        %sub3A_176 = arith.subi %add3A_75, %sub3A_175 : i32
        %dma_wait3A = arith.constant 1 : i32
        %dma_wait3A_177 = arith.constant 0 : i32
        %dma_wait3A_178 = tpu.memref_slice %arg7[%dma_wait3A, %dma_wait3A_177] : memref<2x128xi32, #tpu.memory_space<vmem>> -> memref<1x128xi32, #tpu.memory_space<vmem>>
        %dma_wait3A_179 = tpu.memref_squeeze %dma_wait3A_178 : memref<1x128xi32, #tpu.memory_space<vmem>> -> memref<128xi32, #tpu.memory_space<vmem>>
        %dma_wait3A_180 = arith.constant 0 : i32
        %dma_wait3A_181 = arith.constant 0 : i32
        %dma_wait3A_182 = tpu.memref_slice %arg11[%dma_wait3A_180, %dma_wait3A_181] : memref<10000x128xf32, #tpu.memory_space<vmem_shared>> -> memref<10000x128xf32, #tpu.memory_space<vmem_shared>>
        tpu.wait_indirect_dma semaphore(%arg17 : memref<!tpu.dma_semaphore, #tpu.memory_space<semaphore_mem>>) src(%arg10 : memref<128x128xf32, #tpu.memory_space<vmem>>) dst(%dma_wait3A_182 : memref<10000x128xf32, #tpu.memory_space<vmem_shared>>)
      } else {
      }
      %add3A_95 = arith.constant 2 : i32
      %add3A_96 = arith.addi %add3A_75, %add3A_95 : i32
      %mul3A_97 = arith.constant 32 : i32
      %mul3A_98 = arith.muli %add3A_96, %mul3A_97 : i32
      %add3A_99 = arith.addi %add3A, %mul3A_98 : i32
      %lt3A_100 = arith.constant 1250 : i32
      %lt3A_101 = arith.cmpi slt, %add3A_99, %lt3A_100 : i32
      %convert_element_type3A_102 = arith.extui %lt3A_101 : i1 to i32
      %cond3A_103 = arith.constant 0 : i32
      %cond3A_104 = arith.cmpi ne, %convert_element_type3A_102, %cond3A_103 : i32
      scf.if %cond3A_104 {
        %mul3A_175 = arith.constant 32 : i32
        %mul3A_176 = arith.muli %add3A_96, %mul3A_175 : i32
        %add3A_177 = arith.addi %add3A, %mul3A_176 : i32
        %mul3A_178 = arith.constant 128 : i32
        %mul3A_179 = arith.muli %add3A_177, %mul3A_178 : i32
        %dma_start3A = arith.constant 0 : i32
        %dma_start3A_180 = arith.constant 0 : i32
        %dma_start3A_181 = tpu.memref_slice %arg3[%add3A_177, %dma_start3A, %dma_start3A_180] : memref<1250x2x128xi32, #tpu.memory_space<hbm>> -> memref<1x2x128xi32, #tpu.memory_space<hbm>>
        %dma_start3A_182 = tpu.memref_squeeze %dma_start3A_181 : memref<1x2x128xi32, #tpu.memory_space<hbm>> -> memref<2x128xi32, #tpu.memory_space<hbm>>
        %dma_start3A_183 = arith.constant 0 : i32
        %dma_start3A_184 = arith.constant 0 : i32
        %dma_start3A_185 = tpu.memref_slice %arg3[%add3A_177, %dma_start3A_183, %dma_start3A_184] : memref<1250x2x128xi32, #tpu.memory_space<hbm>> -> memref<1x2x128xi32, #tpu.memory_space<hbm>>
        %dma_start3A_186 = tpu.memref_squeeze %dma_start3A_185 : memref<1x2x128xi32, #tpu.memory_space<hbm>> -> memref<2x128xi32, #tpu.memory_space<hbm>>
        tpu.enqueue_dma source(%dma_start3A_186 : memref<2x128xi32, #tpu.memory_space<hbm>>) target(%arg7 : memref<2x128xi32, #tpu.memory_space<vmem>>) target_semaphore(%arg14 : memref<!tpu.dma_semaphore, #tpu.memory_space<semaphore_mem>>)
        %dma_start3A_187 = arith.constant 0 : i32
        %dma_start3A_188 = tpu.memref_slice %arg2[%mul3A_179, %dma_start3A_187] : memref<160000x128xf32, #tpu.memory_space<hbm>> -> memref<128x128xf32, #tpu.memory_space<hbm>>
        %dma_start3A_189 = arith.constant 0 : i32
        %dma_start3A_190 = tpu.memref_slice %arg2[%mul3A_179, %dma_start3A_189] : memref<160000x128xf32, #tpu.memory_space<hbm>> -> memref<128x128xf32, #tpu.memory_space<hbm>>
        tpu.enqueue_dma source(%dma_start3A_190 : memref<128x128xf32, #tpu.memory_space<hbm>>) target(%arg10 : memref<128x128xf32, #tpu.memory_space<vmem>>) target_semaphore(%arg14 : memref<!tpu.dma_semaphore, #tpu.memory_space<semaphore_mem>>)
      } else {
      }
      %mul3A_105 = arith.constant 3 : i32
      %mul3A_106 = arith.muli %mul3A_105, %scan3A_71 : i32
      %add3A_107 = arith.constant 1 : i32
      %add3A_108 = arith.addi %mul3A_106, %add3A_107 : i32
      %mul3A_109 = arith.constant 32 : i32
      %mul3A_110 = arith.muli %add3A_108, %mul3A_109 : i32
      %add3A_111 = arith.addi %add3A, %mul3A_110 : i32
      %lt3A_112 = arith.constant 1250 : i32
      %lt3A_113 = arith.cmpi slt, %add3A_111, %lt3A_112 : i32
      %convert_element_type3A_114 = arith.extui %lt3A_113 : i1 to i32
      %cond3A_115 = arith.constant 0 : i32
      %cond3A_116 = arith.cmpi ne, %convert_element_type3A_114, %cond3A_115 : i32
      scf.if %cond3A_116 {
        %mul3A_175 = arith.constant 32 : i32
        %mul3A_176 = arith.muli %add3A_108, %mul3A_175 : i32
        %add3A_177 = arith.addi %add3A, %mul3A_176 : i32
        %mul3A_178 = arith.constant 128 : i32
        %mul3A_179 = arith.muli %add3A_177, %mul3A_178 : i32
        %dma_wait3A = arith.constant 0 : i32
        %dma_wait3A_180 = arith.constant 0 : i32
        %dma_wait3A_181 = tpu.memref_slice %arg3[%add3A_177, %dma_wait3A, %dma_wait3A_180] : memref<1250x2x128xi32, #tpu.memory_space<hbm>> -> memref<1x2x128xi32, #tpu.memory_space<hbm>>
        %dma_wait3A_182 = tpu.memref_squeeze %dma_wait3A_181 : memref<1x2x128xi32, #tpu.memory_space<hbm>> -> memref<2x128xi32, #tpu.memory_space<hbm>>
        %dma_wait3A_183 = arith.constant 0 : i32
        %dma_wait3A_184 = arith.constant 0 : i32
        %dma_wait3A_185 = tpu.memref_slice %arg3[%add3A_177, %dma_wait3A_183, %dma_wait3A_184] : memref<1250x2x128xi32, #tpu.memory_space<hbm>> -> memref<1x2x128xi32, #tpu.memory_space<hbm>>
        %dma_wait3A_186 = tpu.memref_squeeze %dma_wait3A_185 : memref<1x2x128xi32, #tpu.memory_space<hbm>> -> memref<2x128xi32, #tpu.memory_space<hbm>>
        tpu.wait_dma2 semaphore(%arg13 : memref<!tpu.dma_semaphore, #tpu.memory_space<semaphore_mem>>) src(%dma_wait3A_186 : memref<2x128xi32, #tpu.memory_space<hbm>>) dst(%arg6 : memref<2x128xi32, #tpu.memory_space<vmem>>)
        %dma_wait3A_187 = arith.constant 0 : i32
        %dma_wait3A_188 = tpu.memref_slice %arg2[%mul3A_179, %dma_wait3A_187] : memref<160000x128xf32, #tpu.memory_space<hbm>> -> memref<128x128xf32, #tpu.memory_space<hbm>>
        %dma_wait3A_189 = arith.constant 0 : i32
        %dma_wait3A_190 = tpu.memref_slice %arg2[%mul3A_179, %dma_wait3A_189] : memref<160000x128xf32, #tpu.memory_space<hbm>> -> memref<128x128xf32, #tpu.memory_space<hbm>>
        tpu.wait_dma2 semaphore(%arg13 : memref<!tpu.dma_semaphore, #tpu.memory_space<semaphore_mem>>) src(%dma_wait3A_190 : memref<128x128xf32, #tpu.memory_space<hbm>>) dst(%arg9 : memref<128x128xf32, #tpu.memory_space<vmem>>)
        %dma_start3A = arith.constant 1 : i32
        %dma_start3A_191 = arith.constant 0 : i32
        %dma_start3A_192 = tpu.memref_slice %arg6[%dma_start3A, %dma_start3A_191] : memref<2x128xi32, #tpu.memory_space<vmem>> -> memref<1x128xi32, #tpu.memory_space<vmem>>
        %dma_start3A_193 = tpu.memref_squeeze %dma_start3A_192 : memref<1x128xi32, #tpu.memory_space<vmem>> -> memref<128xi32, #tpu.memory_space<vmem>>
        %dma_start3A_194 = arith.constant 0 : i32
        %dma_start3A_195 = arith.constant 0 : i32
        %dma_start3A_196 = tpu.memref_slice %arg11[%dma_start3A_194, %dma_start3A_195] : memref<10000x128xf32, #tpu.memory_space<vmem_shared>> -> memref<10000x128xf32, #tpu.memory_space<vmem_shared>>
        tpu.enqueue_indirect_dma source(%arg9 : memref<128x128xf32, #tpu.memory_space<vmem>>) target(%dma_start3A_196 : memref<10000x128xf32, #tpu.memory_space<vmem_shared>>) offsets(%dma_start3A_193 : memref<128xi32, #tpu.memory_space<vmem>>) semaphore(%arg16 : memref<!tpu.dma_semaphore, #tpu.memory_space<semaphore_mem>>) {add = true}
      } else {
      }
      %ge3A_117 = arith.constant 1 : i32
      %ge3A_118 = arith.cmpi sge, %add3A_108, %ge3A_117 : i32
      %sub3A_119 = arith.constant 1 : i32
      %sub3A_120 = arith.subi %add3A_108, %sub3A_119 : i32
      %mul3A_121 = arith.constant 32 : i32
      %mul3A_122 = arith.muli %sub3A_120, %mul3A_121 : i32
      %add3A_123 = arith.addi %add3A, %mul3A_122 : i32
      %lt3A_124 = arith.constant 1250 : i32
      %lt3A_125 = arith.cmpi slt, %add3A_123, %lt3A_124 : i32
      %and3A_126 = arith.andi %ge3A_118, %lt3A_125 : i1
      %convert_element_type3A_127 = arith.extui %and3A_126 : i1 to i32
      %cond3A_128 = arith.constant 0 : i32
      %cond3A_129 = arith.cmpi ne, %convert_element_type3A_127, %cond3A_128 : i32
      scf.if %cond3A_129 {
        %sub3A_175 = arith.constant 1 : i32
        %sub3A_176 = arith.subi %add3A_108, %sub3A_175 : i32
        %dma_wait3A = arith.constant 1 : i32
        %dma_wait3A_177 = arith.constant 0 : i32
        %dma_wait3A_178 = tpu.memref_slice %arg5[%dma_wait3A, %dma_wait3A_177] : memref<2x128xi32, #tpu.memory_space<vmem>> -> memref<1x128xi32, #tpu.memory_space<vmem>>
        %dma_wait3A_179 = tpu.memref_squeeze %dma_wait3A_178 : memref<1x128xi32, #tpu.memory_space<vmem>> -> memref<128xi32, #tpu.memory_space<vmem>>
        %dma_wait3A_180 = arith.constant 0 : i32
        %dma_wait3A_181 = arith.constant 0 : i32
        %dma_wait3A_182 = tpu.memref_slice %arg11[%dma_wait3A_180, %dma_wait3A_181] : memref<10000x128xf32, #tpu.memory_space<vmem_shared>> -> memref<10000x128xf32, #tpu.memory_space<vmem_shared>>
        tpu.wait_indirect_dma semaphore(%arg15 : memref<!tpu.dma_semaphore, #tpu.memory_space<semaphore_mem>>) src(%arg8 : memref<128x128xf32, #tpu.memory_space<vmem>>) dst(%dma_wait3A_182 : memref<10000x128xf32, #tpu.memory_space<vmem_shared>>)
      } else {
      }
      %add3A_130 = arith.constant 2 : i32
      %add3A_131 = arith.addi %add3A_108, %add3A_130 : i32
      %mul3A_132 = arith.constant 32 : i32
      %mul3A_133 = arith.muli %add3A_131, %mul3A_132 : i32
      %add3A_134 = arith.addi %add3A, %mul3A_133 : i32
      %lt3A_135 = arith.constant 1250 : i32
      %lt3A_136 = arith.cmpi slt, %add3A_134, %lt3A_135 : i32
      %convert_element_type3A_137 = arith.extui %lt3A_136 : i1 to i32
      %cond3A_138 = arith.constant 0 : i32
      %cond3A_139 = arith.cmpi ne, %convert_element_type3A_137, %cond3A_138 : i32
      scf.if %cond3A_139 {
        %mul3A_175 = arith.constant 32 : i32
        %mul3A_176 = arith.muli %add3A_131, %mul3A_175 : i32
        %add3A_177 = arith.addi %add3A, %mul3A_176 : i32
        %mul3A_178 = arith.constant 128 : i32
        %mul3A_179 = arith.muli %add3A_177, %mul3A_178 : i32
        %dma_start3A = arith.constant 0 : i32
        %dma_start3A_180 = arith.constant 0 : i32
        %dma_start3A_181 = tpu.memref_slice %arg3[%add3A_177, %dma_start3A, %dma_start3A_180] : memref<1250x2x128xi32, #tpu.memory_space<hbm>> -> memref<1x2x128xi32, #tpu.memory_space<hbm>>
        %dma_start3A_182 = tpu.memref_squeeze %dma_start3A_181 : memref<1x2x128xi32, #tpu.memory_space<hbm>> -> memref<2x128xi32, #tpu.memory_space<hbm>>
        %dma_start3A_183 = arith.constant 0 : i32
        %dma_start3A_184 = arith.constant 0 : i32
        %dma_start3A_185 = tpu.memref_slice %arg3[%add3A_177, %dma_start3A_183, %dma_start3A_184] : memref<1250x2x128xi32, #tpu.memory_space<hbm>> -> memref<1x2x128xi32, #tpu.memory_space<hbm>>
        %dma_start3A_186 = tpu.memref_squeeze %dma_start3A_185 : memref<1x2x128xi32, #tpu.memory_space<hbm>> -> memref<2x128xi32, #tpu.memory_space<hbm>>
        tpu.enqueue_dma source(%dma_start3A_186 : memref<2x128xi32, #tpu.memory_space<hbm>>) target(%arg5 : memref<2x128xi32, #tpu.memory_space<vmem>>) target_semaphore(%arg12 : memref<!tpu.dma_semaphore, #tpu.memory_space<semaphore_mem>>)
        %dma_start3A_187 = arith.constant 0 : i32
        %dma_start3A_188 = tpu.memref_slice %arg2[%mul3A_179, %dma_start3A_187] : memref<160000x128xf32, #tpu.memory_space<hbm>> -> memref<128x128xf32, #tpu.memory_space<hbm>>
        %dma_start3A_189 = arith.constant 0 : i32
        %dma_start3A_190 = tpu.memref_slice %arg2[%mul3A_179, %dma_start3A_189] : memref<160000x128xf32, #tpu.memory_space<hbm>> -> memref<128x128xf32, #tpu.memory_space<hbm>>
        tpu.enqueue_dma source(%dma_start3A_190 : memref<128x128xf32, #tpu.memory_space<hbm>>) target(%arg8 : memref<128x128xf32, #tpu.memory_space<vmem>>) target_semaphore(%arg12 : memref<!tpu.dma_semaphore, #tpu.memory_space<semaphore_mem>>)
      } else {
      }
      %mul3A_140 = arith.constant 3 : i32
      %mul3A_141 = arith.muli %mul3A_140, %scan3A_71 : i32
      %add3A_142 = arith.constant 2 : i32
      %add3A_143 = arith.addi %mul3A_141, %add3A_142 : i32
      %mul3A_144 = arith.constant 32 : i32
      %mul3A_145 = arith.muli %add3A_143, %mul3A_144 : i32
      %add3A_146 = arith.addi %add3A, %mul3A_145 : i32
      %lt3A_147 = arith.constant 1250 : i32
      %lt3A_148 = arith.cmpi slt, %add3A_146, %lt3A_147 : i32
      %convert_element_type3A_149 = arith.extui %lt3A_148 : i1 to i32
      %cond3A_150 = arith.constant 0 : i32
      %cond3A_151 = arith.cmpi ne, %convert_element_type3A_149, %cond3A_150 : i32
      scf.if %cond3A_151 {
        %mul3A_175 = arith.constant 32 : i32
        %mul3A_176 = arith.muli %add3A_143, %mul3A_175 : i32
        %add3A_177 = arith.addi %add3A, %mul3A_176 : i32
        %mul3A_178 = arith.constant 128 : i32
        %mul3A_179 = arith.muli %add3A_177, %mul3A_178 : i32
        %dma_wait3A = arith.constant 0 : i32
        %dma_wait3A_180 = arith.constant 0 : i32
        %dma_wait3A_181 = tpu.memref_slice %arg3[%add3A_177, %dma_wait3A, %dma_wait3A_180] : memref<1250x2x128xi32, #tpu.memory_space<hbm>> -> memref<1x2x128xi32, #tpu.memory_space<hbm>>
        %dma_wait3A_182 = tpu.memref_squeeze %dma_wait3A_181 : memref<1x2x128xi32, #tpu.memory_space<hbm>> -> memref<2x128xi32, #tpu.memory_space<hbm>>
        %dma_wait3A_183 = arith.constant 0 : i32
        %dma_wait3A_184 = arith.constant 0 : i32
        %dma_wait3A_185 = tpu.memref_slice %arg3[%add3A_177, %dma_wait3A_183, %dma_wait3A_184] : memref<1250x2x128xi32, #tpu.memory_space<hbm>> -> memref<1x2x128xi32, #tpu.memory_space<hbm>>
        %dma_wait3A_186 = tpu.memref_squeeze %dma_wait3A_185 : memref<1x2x128xi32, #tpu.memory_space<hbm>> -> memref<2x128xi32, #tpu.memory_space<hbm>>
        tpu.wait_dma2 semaphore(%arg14 : memref<!tpu.dma_semaphore, #tpu.memory_space<semaphore_mem>>) src(%dma_wait3A_186 : memref<2x128xi32, #tpu.memory_space<hbm>>) dst(%arg7 : memref<2x128xi32, #tpu.memory_space<vmem>>)
        %dma_wait3A_187 = arith.constant 0 : i32
        %dma_wait3A_188 = tpu.memref_slice %arg2[%mul3A_179, %dma_wait3A_187] : memref<160000x128xf32, #tpu.memory_space<hbm>> -> memref<128x128xf32, #tpu.memory_space<hbm>>
        %dma_wait3A_189 = arith.constant 0 : i32
        %dma_wait3A_190 = tpu.memref_slice %arg2[%mul3A_179, %dma_wait3A_189] : memref<160000x128xf32, #tpu.memory_space<hbm>> -> memref<128x128xf32, #tpu.memory_space<hbm>>
        tpu.wait_dma2 semaphore(%arg14 : memref<!tpu.dma_semaphore, #tpu.memory_space<semaphore_mem>>) src(%dma_wait3A_190 : memref<128x128xf32, #tpu.memory_space<hbm>>) dst(%arg10 : memref<128x128xf32, #tpu.memory_space<vmem>>)
        %dma_start3A = arith.constant 1 : i32
        %dma_start3A_191 = arith.constant 0 : i32
        %dma_start3A_192 = tpu.memref_slice %arg7[%dma_start3A, %dma_start3A_191] : memref<2x128xi32, #tpu.memory_space<vmem>> -> memref<1x128xi32, #tpu.memory_space<vmem>>
        %dma_start3A_193 = tpu.memref_squeeze %dma_start3A_192 : memref<1x128xi32, #tpu.memory_space<vmem>> -> memref<128xi32, #tpu.memory_space<vmem>>
        %dma_start3A_194 = arith.constant 0 : i32
        %dma_start3A_195 = arith.constant 0 : i32
        %dma_start3A_196 = tpu.memref_slice %arg11[%dma_start3A_194, %dma_start3A_195] : memref<10000x128xf32, #tpu.memory_space<vmem_shared>> -> memref<10000x128xf32, #tpu.memory_space<vmem_shared>>
        tpu.enqueue_indirect_dma source(%arg10 : memref<128x128xf32, #tpu.memory_space<vmem>>) target(%dma_start3A_196 : memref<10000x128xf32, #tpu.memory_space<vmem_shared>>) offsets(%dma_start3A_193 : memref<128xi32, #tpu.memory_space<vmem>>) semaphore(%arg17 : memref<!tpu.dma_semaphore, #tpu.memory_space<semaphore_mem>>) {add = true}
      } else {
      }
      %ge3A_152 = arith.constant 1 : i32
      %ge3A_153 = arith.cmpi sge, %add3A_143, %ge3A_152 : i32
      %sub3A_154 = arith.constant 1 : i32
      %sub3A_155 = arith.subi %add3A_143, %sub3A_154 : i32
      %mul3A_156 = arith.constant 32 : i32
      %mul3A_157 = arith.muli %sub3A_155, %mul3A_156 : i32
      %add3A_158 = arith.addi %add3A, %mul3A_157 : i32
      %lt3A_159 = arith.constant 1250 : i32
      %lt3A_160 = arith.cmpi slt, %add3A_158, %lt3A_159 : i32
      %and3A_161 = arith.andi %ge3A_153, %lt3A_160 : i1
      %convert_element_type3A_162 = arith.extui %and3A_161 : i1 to i32
      %cond3A_163 = arith.constant 0 : i32
      %cond3A_164 = arith.cmpi ne, %convert_element_type3A_162, %cond3A_163 : i32
      scf.if %cond3A_164 {
        %sub3A_175 = arith.constant 1 : i32
        %sub3A_176 = arith.subi %add3A_143, %sub3A_175 : i32
        %dma_wait3A = arith.constant 1 : i32
        %dma_wait3A_177 = arith.constant 0 : i32
        %dma_wait3A_178 = tpu.memref_slice %arg6[%dma_wait3A, %dma_wait3A_177] : memref<2x128xi32, #tpu.memory_space<vmem>> -> memref<1x128xi32, #tpu.memory_space<vmem>>
        %dma_wait3A_179 = tpu.memref_squeeze %dma_wait3A_178 : memref<1x128xi32, #tpu.memory_space<vmem>> -> memref<128xi32, #tpu.memory_space<vmem>>
        %dma_wait3A_180 = arith.constant 0 : i32
        %dma_wait3A_181 = arith.constant 0 : i32
        %dma_wait3A_182 = tpu.memref_slice %arg11[%dma_wait3A_180, %dma_wait3A_181] : memref<10000x128xf32, #tpu.memory_space<vmem_shared>> -> memref<10000x128xf32, #tpu.memory_space<vmem_shared>>
        tpu.wait_indirect_dma semaphore(%arg16 : memref<!tpu.dma_semaphore, #tpu.memory_space<semaphore_mem>>) src(%arg9 : memref<128x128xf32, #tpu.memory_space<vmem>>) dst(%dma_wait3A_182 : memref<10000x128xf32, #tpu.memory_space<vmem_shared>>)
      } else {
      }
      %add3A_165 = arith.constant 2 : i32
      %add3A_166 = arith.addi %add3A_143, %add3A_165 : i32
      %mul3A_167 = arith.constant 32 : i32
      %mul3A_168 = arith.muli %add3A_166, %mul3A_167 : i32
      %add3A_169 = arith.addi %add3A, %mul3A_168 : i32
      %lt3A_170 = arith.constant 1250 : i32
      %lt3A_171 = arith.cmpi slt, %add3A_169, %lt3A_170 : i32
      %convert_element_type3A_172 = arith.extui %lt3A_171 : i1 to i32
      %cond3A_173 = arith.constant 0 : i32
      %cond3A_174 = arith.cmpi ne, %convert_element_type3A_172, %cond3A_173 : i32
      scf.if %cond3A_174 {
        %mul3A_175 = arith.constant 32 : i32
        %mul3A_176 = arith.muli %add3A_166, %mul3A_175 : i32
        %add3A_177 = arith.addi %add3A, %mul3A_176 : i32
        %mul3A_178 = arith.constant 128 : i32
        %mul3A_179 = arith.muli %add3A_177, %mul3A_178 : i32
        %dma_start3A = arith.constant 0 : i32
        %dma_start3A_180 = arith.constant 0 : i32
        %dma_start3A_181 = tpu.memref_slice %arg3[%add3A_177, %dma_start3A, %dma_start3A_180] : memref<1250x2x128xi32, #tpu.memory_space<hbm>> -> memref<1x2x128xi32, #tpu.memory_space<hbm>>
        %dma_start3A_182 = tpu.memref_squeeze %dma_start3A_181 : memref<1x2x128xi32, #tpu.memory_space<hbm>> -> memref<2x128xi32, #tpu.memory_space<hbm>>
        %dma_start3A_183 = arith.constant 0 : i32
        %dma_start3A_184 = arith.constant 0 : i32
        %dma_start3A_185 = tpu.memref_slice %arg3[%add3A_177, %dma_start3A_183, %dma_start3A_184] : memref<1250x2x128xi32, #tpu.memory_space<hbm>> -> memref<1x2x128xi32, #tpu.memory_space<hbm>>
        %dma_start3A_186 = tpu.memref_squeeze %dma_start3A_185 : memref<1x2x128xi32, #tpu.memory_space<hbm>> -> memref<2x128xi32, #tpu.memory_space<hbm>>
        tpu.enqueue_dma source(%dma_start3A_186 : memref<2x128xi32, #tpu.memory_space<hbm>>) target(%arg6 : memref<2x128xi32, #tpu.memory_space<vmem>>) target_semaphore(%arg13 : memref<!tpu.dma_semaphore, #tpu.memory_space<semaphore_mem>>)
        %dma_start3A_187 = arith.constant 0 : i32
        %dma_start3A_188 = tpu.memref_slice %arg2[%mul3A_179, %dma_start3A_187] : memref<160000x128xf32, #tpu.memory_space<hbm>> -> memref<128x128xf32, #tpu.memory_space<hbm>>
        %dma_start3A_189 = arith.constant 0 : i32
        %dma_start3A_190 = tpu.memref_slice %arg2[%mul3A_179, %dma_start3A_189] : memref<160000x128xf32, #tpu.memory_space<hbm>> -> memref<128x128xf32, #tpu.memory_space<hbm>>
        tpu.enqueue_dma source(%dma_start3A_190 : memref<128x128xf32, #tpu.memory_space<hbm>>) target(%arg9 : memref<128x128xf32, #tpu.memory_space<vmem>>) target_semaphore(%arg13 : memref<!tpu.dma_semaphore, #tpu.memory_space<semaphore_mem>>)
      } else {
      }
    }
    %scan3A_28 = arith.constant 13 : i32
    %add3A_29 = arith.constant 1248 : i32
    %add3A_30 = arith.addi %add3A, %add3A_29 : i32
    %lt3A_31 = arith.constant 1250 : i32
    %lt3A_32 = arith.cmpi slt, %add3A_30, %lt3A_31 : i32
    %convert_element_type3A_33 = arith.extui %lt3A_32 : i1 to i32
    %cond3A_34 = arith.constant 0 : i32
    %cond3A_35 = arith.cmpi ne, %convert_element_type3A_33, %cond3A_34 : i32
    scf.if %cond3A_35 {
      %add3A_71 = arith.constant 1248 : i32
      %add3A_72 = arith.addi %add3A, %add3A_71 : i32
      %mul3A_73 = arith.constant 128 : i32
      %mul3A_74 = arith.muli %add3A_72, %mul3A_73 : i32
      %dma_wait3A = arith.constant 0 : i32
      %dma_wait3A_75 = arith.constant 0 : i32
      %dma_wait3A_76 = tpu.memref_slice %arg3[%add3A_72, %dma_wait3A, %dma_wait3A_75] : memref<1250x2x128xi32, #tpu.memory_space<hbm>> -> memref<1x2x128xi32, #tpu.memory_space<hbm>>
      %dma_wait3A_77 = tpu.memref_squeeze %dma_wait3A_76 : memref<1x2x128xi32, #tpu.memory_space<hbm>> -> memref<2x128xi32, #tpu.memory_space<hbm>>
      %dma_wait3A_78 = arith.constant 0 : i32
      %dma_wait3A_79 = arith.constant 0 : i32
      %dma_wait3A_80 = tpu.memref_slice %arg3[%add3A_72, %dma_wait3A_78, %dma_wait3A_79] : memref<1250x2x128xi32, #tpu.memory_space<hbm>> -> memref<1x2x128xi32, #tpu.memory_space<hbm>>
      %dma_wait3A_81 = tpu.memref_squeeze %dma_wait3A_80 : memref<1x2x128xi32, #tpu.memory_space<hbm>> -> memref<2x128xi32, #tpu.memory_space<hbm>>
      tpu.wait_dma2 semaphore(%arg12 : memref<!tpu.dma_semaphore, #tpu.memory_space<semaphore_mem>>) src(%dma_wait3A_81 : memref<2x128xi32, #tpu.memory_space<hbm>>) dst(%arg5 : memref<2x128xi32, #tpu.memory_space<vmem>>)
      %dma_wait3A_82 = arith.constant 0 : i32
      %dma_wait3A_83 = tpu.memref_slice %arg2[%mul3A_74, %dma_wait3A_82] : memref<160000x128xf32, #tpu.memory_space<hbm>> -> memref<128x128xf32, #tpu.memory_space<hbm>>
      %dma_wait3A_84 = arith.constant 0 : i32
      %dma_wait3A_85 = tpu.memref_slice %arg2[%mul3A_74, %dma_wait3A_84] : memref<160000x128xf32, #tpu.memory_space<hbm>> -> memref<128x128xf32, #tpu.memory_space<hbm>>
      tpu.wait_dma2 semaphore(%arg12 : memref<!tpu.dma_semaphore, #tpu.memory_space<semaphore_mem>>) src(%dma_wait3A_85 : memref<128x128xf32, #tpu.memory_space<hbm>>) dst(%arg8 : memref<128x128xf32, #tpu.memory_space<vmem>>)
      %dma_start3A = arith.constant 1 : i32
      %dma_start3A_86 = arith.constant 0 : i32
      %dma_start3A_87 = tpu.memref_slice %arg5[%dma_start3A, %dma_start3A_86] : memref<2x128xi32, #tpu.memory_space<vmem>> -> memref<1x128xi32, #tpu.memory_space<vmem>>
      %dma_start3A_88 = tpu.memref_squeeze %dma_start3A_87 : memref<1x128xi32, #tpu.memory_space<vmem>> -> memref<128xi32, #tpu.memory_space<vmem>>
      %dma_start3A_89 = arith.constant 0 : i32
      %dma_start3A_90 = arith.constant 0 : i32
      %dma_start3A_91 = tpu.memref_slice %arg11[%dma_start3A_89, %dma_start3A_90] : memref<10000x128xf32, #tpu.memory_space<vmem_shared>> -> memref<10000x128xf32, #tpu.memory_space<vmem_shared>>
      tpu.enqueue_indirect_dma source(%arg8 : memref<128x128xf32, #tpu.memory_space<vmem>>) target(%dma_start3A_91 : memref<10000x128xf32, #tpu.memory_space<vmem_shared>>) offsets(%dma_start3A_88 : memref<128xi32, #tpu.memory_space<vmem>>) semaphore(%arg15 : memref<!tpu.dma_semaphore, #tpu.memory_space<semaphore_mem>>) {add = true}
    } else {
    }
    %add3A_36 = arith.constant 1216 : i32
    %add3A_37 = arith.addi %add3A, %add3A_36 : i32
    %lt3A_38 = arith.constant 1250 : i32
    %lt3A_39 = arith.cmpi slt, %add3A_37, %lt3A_38 : i32
    %and3A = arith.constant true
    %and3A_40 = arith.andi %and3A, %lt3A_39 : i1
    %convert_element_type3A_41 = arith.extui %and3A_40 : i1 to i32
    %cond3A_42 = arith.constant 0 : i32
    %cond3A_43 = arith.cmpi ne, %convert_element_type3A_41, %cond3A_42 : i32
    scf.if %cond3A_43 {
      %dma_wait3A = arith.constant 1 : i32
      %dma_wait3A_71 = arith.constant 0 : i32
      %dma_wait3A_72 = tpu.memref_slice %arg7[%dma_wait3A, %dma_wait3A_71] : memref<2x128xi32, #tpu.memory_space<vmem>> -> memref<1x128xi32, #tpu.memory_space<vmem>>
      %dma_wait3A_73 = tpu.memref_squeeze %dma_wait3A_72 : memref<1x128xi32, #tpu.memory_space<vmem>> -> memref<128xi32, #tpu.memory_space<vmem>>
      %dma_wait3A_74 = arith.constant 0 : i32
      %dma_wait3A_75 = arith.constant 0 : i32
      %dma_wait3A_76 = tpu.memref_slice %arg11[%dma_wait3A_74, %dma_wait3A_75] : memref<10000x128xf32, #tpu.memory_space<vmem_shared>> -> memref<10000x128xf32, #tpu.memory_space<vmem_shared>>
      tpu.wait_indirect_dma semaphore(%arg17 : memref<!tpu.dma_semaphore, #tpu.memory_space<semaphore_mem>>) src(%arg10 : memref<128x128xf32, #tpu.memory_space<vmem>>) dst(%dma_wait3A_76 : memref<10000x128xf32, #tpu.memory_space<vmem_shared>>)
    } else {
    }
    %add3A_44 = arith.constant 1312 : i32
    %add3A_45 = arith.addi %add3A, %add3A_44 : i32
    %lt3A_46 = arith.constant 1250 : i32
    %lt3A_47 = arith.cmpi slt, %add3A_45, %lt3A_46 : i32
    %convert_element_type3A_48 = arith.extui %lt3A_47 : i1 to i32
    %cond3A_49 = arith.constant 0 : i32
    %cond3A_50 = arith.cmpi ne, %convert_element_type3A_48, %cond3A_49 : i32
    scf.if %cond3A_50 {
      %add3A_71 = arith.constant 1312 : i32
      %add3A_72 = arith.addi %add3A, %add3A_71 : i32
      %mul3A_73 = arith.constant 128 : i32
      %mul3A_74 = arith.muli %add3A_72, %mul3A_73 : i32
      %dma_start3A = arith.constant 0 : i32
      %dma_start3A_75 = arith.constant 0 : i32
      %dma_start3A_76 = tpu.memref_slice %arg3[%add3A_72, %dma_start3A, %dma_start3A_75] : memref<1250x2x128xi32, #tpu.memory_space<hbm>> -> memref<1x2x128xi32, #tpu.memory_space<hbm>>
      %dma_start3A_77 = tpu.memref_squeeze %dma_start3A_76 : memref<1x2x128xi32, #tpu.memory_space<hbm>> -> memref<2x128xi32, #tpu.memory_space<hbm>>
      %dma_start3A_78 = arith.constant 0 : i32
      %dma_start3A_79 = arith.constant 0 : i32
      %dma_start3A_80 = tpu.memref_slice %arg3[%add3A_72, %dma_start3A_78, %dma_start3A_79] : memref<1250x2x128xi32, #tpu.memory_space<hbm>> -> memref<1x2x128xi32, #tpu.memory_space<hbm>>
      %dma_start3A_81 = tpu.memref_squeeze %dma_start3A_80 : memref<1x2x128xi32, #tpu.memory_space<hbm>> -> memref<2x128xi32, #tpu.memory_space<hbm>>
      tpu.enqueue_dma source(%dma_start3A_81 : memref<2x128xi32, #tpu.memory_space<hbm>>) target(%arg7 : memref<2x128xi32, #tpu.memory_space<vmem>>) target_semaphore(%arg14 : memref<!tpu.dma_semaphore, #tpu.memory_space<semaphore_mem>>)
      %dma_start3A_82 = arith.constant 0 : i32
      %dma_start3A_83 = tpu.memref_slice %arg2[%mul3A_74, %dma_start3A_82] : memref<160000x128xf32, #tpu.memory_space<hbm>> -> memref<128x128xf32, #tpu.memory_space<hbm>>
      %dma_start3A_84 = arith.constant 0 : i32
      %dma_start3A_85 = tpu.memref_slice %arg2[%mul3A_74, %dma_start3A_84] : memref<160000x128xf32, #tpu.memory_space<hbm>> -> memref<128x128xf32, #tpu.memory_space<hbm>>
      tpu.enqueue_dma source(%dma_start3A_85 : memref<128x128xf32, #tpu.memory_space<hbm>>) target(%arg10 : memref<128x128xf32, #tpu.memory_space<vmem>>) target_semaphore(%arg14 : memref<!tpu.dma_semaphore, #tpu.memory_space<semaphore_mem>>)
    } else {
    }
    %add3A_51 = arith.constant 1248 : i32
    %add3A_52 = arith.addi %add3A, %add3A_51 : i32
    %lt3A_53 = arith.constant 1250 : i32
    %lt3A_54 = arith.cmpi slt, %add3A_52, %lt3A_53 : i32
    %convert_element_type3A_55 = arith.extui %lt3A_54 : i1 to i32
    %cond3A_56 = arith.constant 0 : i32
    %cond3A_57 = arith.cmpi ne, %convert_element_type3A_55, %cond3A_56 : i32
    scf.if %cond3A_57 {
      %dma_wait3A = arith.constant 1 : i32
      %dma_wait3A_71 = arith.constant 0 : i32
      %dma_wait3A_72 = tpu.memref_slice %arg5[%dma_wait3A, %dma_wait3A_71] : memref<2x128xi32, #tpu.memory_space<vmem>> -> memref<1x128xi32, #tpu.memory_space<vmem>>
      %dma_wait3A_73 = tpu.memref_squeeze %dma_wait3A_72 : memref<1x128xi32, #tpu.memory_space<vmem>> -> memref<128xi32, #tpu.memory_space<vmem>>
      %dma_wait3A_74 = arith.constant 0 : i32
      %dma_wait3A_75 = arith.constant 0 : i32
      %dma_wait3A_76 = tpu.memref_slice %arg11[%dma_wait3A_74, %dma_wait3A_75] : memref<10000x128xf32, #tpu.memory_space<vmem_shared>> -> memref<10000x128xf32, #tpu.memory_space<vmem_shared>>
      tpu.wait_indirect_dma semaphore(%arg15 : memref<!tpu.dma_semaphore, #tpu.memory_space<semaphore_mem>>) src(%arg8 : memref<128x128xf32, #tpu.memory_space<vmem>>) dst(%dma_wait3A_76 : memref<10000x128xf32, #tpu.memory_space<vmem_shared>>)
    } else {
    }
    %barrier3A_58 = arith.constant 0 : index
    tpu.barrier barrier_id(%barrier3A_58)
    %scan3A_59 = arith.constant 0 : i32
    %scan3A_60 = arith.constant 0 : i32
    %scan3A_61 = arith.constant 8 : i32
    %scan3A_62 = arith.addi %scan3A_60, %scan3A_61 : i32
    %scan3A_63 = arith.constant 1 : i32
    scf.for %scan3A_71 = %scan3A_60 to %scan3A_62 step %scan3A_63  : i32 {
      %mul3A_72 = arith.constant 16 : i32
      %mul3A_73 = arith.muli %scan3A_71, %mul3A_72 : i32
      %add3A_74 = arith.addi %arg1, %mul3A_73 : i32
      %lt3A_75 = arith.constant 125 : i32
      %lt3A_76 = arith.cmpi slt, %add3A_74, %lt3A_75 : i32
      %convert_element_type3A_77 = arith.extui %lt3A_76 : i1 to i32
      %cond3A_78 = arith.constant 0 : i32
      %cond3A_79 = arith.cmpi ne, %convert_element_type3A_77, %cond3A_78 : i32
      scf.if %cond3A_79 {
        %mul3A_80 = arith.constant 80 : i32
        %mul3A_81 = arith.muli %add3A_74, %mul3A_80 : i32
        %mul3A_82 = arith.constant 80 : i32
        %mul3A_83 = arith.muli %add3A_74, %mul3A_82 : i32
        %dma_start3A = arith.constant 0 : i32
        %dma_start3A_84 = tpu.memref_slice %arg4[%arg0, %mul3A_83, %dma_start3A] : memref<2x10000x128xf32, #tpu.memory_space<hbm>> -> memref<1x80x128xf32, #tpu.memory_space<hbm>>
        %dma_start3A_85 = tpu.memref_squeeze %dma_start3A_84 : memref<1x80x128xf32, #tpu.memory_space<hbm>> -> memref<80x128xf32, #tpu.memory_space<hbm>>
        %dma_start3A_86 = arith.constant 0 : i32
        %dma_start3A_87 = tpu.memref_slice %arg11[%mul3A_81, %dma_start3A_86] : memref<10000x128xf32, #tpu.memory_space<vmem_shared>> -> memref<80x128xf32, #tpu.memory_space<vmem_shared>>
        tpu.enqueue_dma source(%dma_start3A_87 : memref<80x128xf32, #tpu.memory_space<vmem_shared>>) target(%dma_start3A_85 : memref<80x128xf32, #tpu.memory_space<hbm>>) target_semaphore(%arg18 : memref<!tpu.dma_semaphore, #tpu.memory_space<semaphore_mem>>)
      } else {
      }
    }
    %scan3A_64 = arith.constant 8 : i32
    %scan3A_65 = arith.constant 0 : i32
    %scan3A_66 = arith.constant 0 : i32
    %scan3A_67 = arith.constant 8 : i32
    %scan3A_68 = arith.addi %scan3A_66, %scan3A_67 : i32
    %scan3A_69 = arith.constant 1 : i32
    scf.for %scan3A_71 = %scan3A_66 to %scan3A_68 step %scan3A_69  : i32 {
      %mul3A_72 = arith.constant 16 : i32
      %mul3A_73 = arith.muli %scan3A_71, %mul3A_72 : i32
      %add3A_74 = arith.addi %arg1, %mul3A_73 : i32
      %lt3A_75 = arith.constant 125 : i32
      %lt3A_76 = arith.cmpi slt, %add3A_74, %lt3A_75 : i32
      %convert_element_type3A_77 = arith.extui %lt3A_76 : i1 to i32
      %cond3A_78 = arith.constant 0 : i32
      %cond3A_79 = arith.cmpi ne, %convert_element_type3A_77, %cond3A_78 : i32
      scf.if %cond3A_79 {
        %mul3A_80 = arith.constant 80 : i32
        %mul3A_81 = arith.muli %add3A_74, %mul3A_80 : i32
        %mul3A_82 = arith.constant 80 : i32
        %mul3A_83 = arith.muli %add3A_74, %mul3A_82 : i32
        %dma_wait3A = arith.constant 0 : i32
        %dma_wait3A_84 = tpu.memref_slice %arg4[%arg0, %mul3A_83, %dma_wait3A] : memref<2x10000x128xf32, #tpu.memory_space<hbm>> -> memref<1x80x128xf32, #tpu.memory_space<hbm>>
        %dma_wait3A_85 = tpu.memref_squeeze %dma_wait3A_84 : memref<1x80x128xf32, #tpu.memory_space<hbm>> -> memref<80x128xf32, #tpu.memory_space<hbm>>
        %dma_wait3A_86 = arith.constant 0 : i32
        %dma_wait3A_87 = tpu.memref_slice %arg11[%mul3A_81, %dma_wait3A_86] : memref<10000x128xf32, #tpu.memory_space<vmem_shared>> -> memref<80x128xf32, #tpu.memory_space<vmem_shared>>
        tpu.wait_dma2 semaphore(%arg18 : memref<!tpu.dma_semaphore, #tpu.memory_space<semaphore_mem>>) src(%dma_wait3A_87 : memref<80x128xf32, #tpu.memory_space<vmem_shared>>) dst(%dma_wait3A_85 : memref<80x128xf32, #tpu.memory_space<hbm>>)
      } else {
      }
    }
    %scan3A_70 = arith.constant 8 : i32
    return
  }
}

module attributes {stable_mosaic.version = 14 : i64} {
  func.func @_node_first_body(%arg0: i32, %arg1: memref<1000x128xf32, #tpu.memory_space<vmem>>, %arg2: memref<128x128xf32, #tpu.memory_space<vmem>>, %arg3: memref<1x128xf32, #tpu.memory_space<vmem>>, %arg4: memref<128x256xf32, #tpu.memory_space<vmem>>, %arg5: memref<1000x128xf32, #tpu.memory_space<vmem>>, %arg6: memref<1000x128xf32, #tpu.memory_space<vmem>>) attributes {dimension_semantics = [#tpu.dimension_semantics<arbitrary>], iteration_bounds = array<i64: 10>, scalar_prefetch = 0 : i64, scratch_operands = 0 : i64, tpu.core_type = #tpu.core_type<tc>, window_params = [{transform_indices = @transform_0, window_bounds = array<i64: 1000, 128>}, {pipeline_mode = #tpu.pipeline_mode<synchronous>, transform_indices = @transform_1, window_bounds = array<i64: 128, 128>}, {pipeline_mode = #tpu.pipeline_mode<synchronous>, transform_indices = @transform_2, window_bounds = array<i64: 1, 128>}, {pipeline_mode = #tpu.pipeline_mode<synchronous>, transform_indices = @transform_3, window_bounds = array<i64: 128, 256>}, {transform_indices = @transform_4, window_bounds = array<i64: 1000, 128>}, {transform_indices = @transform_5, window_bounds = array<i64: 1000, 128>}]} {
    %get3A = arith.constant 0 : index
    %get3A_0 = arith.constant 0 : index
    %get3A_1 = vector.load %arg1[%get3A, %get3A_0] : memref<1000x128xf32, #tpu.memory_space<vmem>>, vector<1000x128xf32>
    %get3A_2 = arith.constant 0 : index
    %get3A_3 = arith.constant 0 : index
    %get3A_4 = vector.load %arg2[%get3A_2, %get3A_3] : memref<128x128xf32, #tpu.memory_space<vmem>>, vector<128x128xf32>
    %dot_general3A = arith.constant dense<0.000000e+00> : vector<1000x128xf32>
    %dot_general3A_5 = tpu.matmul %get3A_1, %get3A_4, %dot_general3A {dimension_numbers = #tpu.dot_dimension_numbers<[1], [0], [0], [1], [0, 0, 1, 1], [], []>, transpose_lhs_hint = false} : vector<1000x128xf32>, vector<128x128xf32>, vector<1000x128xf32> -> vector<1000x128xf32>
    %get3A_6 = arith.constant 0 : index
    %get3A_7 = arith.constant 0 : index
    %get3A_8 = vector.load %arg3[%get3A_6, %get3A_7] : memref<1x128xf32, #tpu.memory_space<vmem>>, vector<1x128xf32>
    %add3A = vector.broadcast %get3A_8 : vector<1x128xf32> to vector<1000x128xf32>
    %add3A_9 = arith.addf %dot_general3A_5, %add3A : vector<1000x128xf32>
    %max3A = arith.constant 0.000000e+00 : f32
    %max3A_10 = vector.broadcast %max3A : f32 to vector<1000x128xf32>
    %max3A_11 = arith.maximumf %add3A_9, %max3A_10 : vector<1000x128xf32>
    %get3A_12 = arith.constant 0 : index
    %get3A_13 = arith.constant 0 : index
    %get3A_14 = vector.load %arg4[%get3A_12, %get3A_13] : memref<128x256xf32, #tpu.memory_space<vmem>>, vector<128x256xf32>
    %dot_general3A_15 = arith.constant dense<0.000000e+00> : vector<1000x256xf32>
    %dot_general3A_16 = tpu.matmul %max3A_11, %get3A_14, %dot_general3A_15 {dimension_numbers = #tpu.dot_dimension_numbers<[1], [0], [0], [1], [0, 0, 1, 1], [], []>, transpose_lhs_hint = false} : vector<1000x128xf32>, vector<128x256xf32>, vector<1000x256xf32> -> vector<1000x256xf32>
    %slice3A = vector.extract_strided_slice %dot_general3A_16 {offsets = [0, 0], sizes = [1000, 128], strides = [1, 1]} : vector<1000x256xf32> to vector<1000x128xf32>
    %swap3A = arith.constant 0 : index
    %swap3A_17 = arith.constant 0 : index
    %swap3A_18 = vector.load %arg5[%swap3A, %swap3A_17] : memref<1000x128xf32, #tpu.memory_space<vmem>>, vector<1000x128xf32>
    tpu.vector_store %arg5[%swap3A, %swap3A_17], %slice3A {strides = array<i32>} : memref<1000x128xf32, #tpu.memory_space<vmem>>, vector<1000x128xf32>,
    %slice3A_19 = vector.extract_strided_slice %dot_general3A_16 {offsets = [0, 128], sizes = [1000, 128], strides = [1, 1]} : vector<1000x256xf32> to vector<1000x128xf32>
    %swap3A_20 = arith.constant 0 : index
    %swap3A_21 = arith.constant 0 : index
    %swap3A_22 = vector.load %arg6[%swap3A_20, %swap3A_21] : memref<1000x128xf32, #tpu.memory_space<vmem>>, vector<1000x128xf32>
    tpu.vector_store %arg6[%swap3A_20, %swap3A_21], %slice3A_19 {strides = array<i32>} : memref<1000x128xf32, #tpu.memory_space<vmem>>, vector<1000x128xf32>,
    return
  }
  func.func @transform_0(%arg0: i32) -> (i32, i32) {
    %c0_i32 = arith.constant 0 : i32
    %c0_i32_0 = arith.constant 0 : i32
    return %arg0, %c0_i32 : i32, i32
  }
  func.func @transform_1(%arg0: i32) -> (i32, i32) {
    %c0_i32 = arith.constant 0 : i32
    %c0_i32_0 = arith.constant 0 : i32
    %c0_i32_1 = arith.constant 0 : i32
    return %c0_i32, %c0_i32_0 : i32, i32
  }
  func.func @transform_2(%arg0: i32) -> (i32, i32) {
    %c0_i32 = arith.constant 0 : i32
    %c0_i32_0 = arith.constant 0 : i32
    %c0_i32_1 = arith.constant 0 : i32
    return %c0_i32, %c0_i32_0 : i32, i32
  }
  func.func @transform_3(%arg0: i32) -> (i32, i32) {
    %c0_i32 = arith.constant 0 : i32
    %c0_i32_0 = arith.constant 0 : i32
    %c0_i32_1 = arith.constant 0 : i32
    return %c0_i32, %c0_i32_0 : i32, i32
  }
  func.func @transform_4(%arg0: i32) -> (i32, i32) {
    %c0_i32 = arith.constant 0 : i32
    %c0_i32_0 = arith.constant 0 : i32
    return %arg0, %c0_i32 : i32, i32
  }
  func.func @transform_5(%arg0: i32) -> (i32, i32) {
    %c0_i32 = arith.constant 0 : i32
    %c0_i32_0 = arith.constant 0 : i32
    return %arg0, %c0_i32 : i32, i32
  }
}

module attributes {stable_mosaic.version = 14 : i64} {
  func.func @_edge_body(%arg0: i32, %arg1: memref<400x128xf32, #tpu.memory_space<vmem>>, %arg2: memref<1x25x128xf32, #tpu.memory_space<vmem>>, %arg3: memref<3200x128xf32, #tpu.memory_space<vmem>>, %arg4: memref<128x1024xbf16, #tpu.memory_space<vmem>>, %arg5: memref<1x1024xf32, #tpu.memory_space<vmem>>, %arg6: memref<128x128xbf16, #tpu.memory_space<vmem>>, %arg7: memref<1x128xf32, #tpu.memory_space<vmem>>, %arg8: memref<128x128xbf16, #tpu.memory_space<vmem>>, %arg9: memref<1x128xf32, #tpu.memory_space<vmem>>, %arg10: memref<128x1xf32, #tpu.memory_space<vmem>>, %arg11: memref<3xf32, #tpu.memory_space<smem>>, %arg12: memref<3200x128xf32, #tpu.memory_space<vmem>>) attributes {dimension_semantics = [#tpu.dimension_semantics<arbitrary>], iteration_bounds = array<i64: 50>, scalar_prefetch = 0 : i64, scratch_operands = 0 : i64, tpu.core_type = #tpu.core_type<tc>, window_params = [{transform_indices = @transform_0, window_bounds = array<i64: 400, 128>}, {transform_indices = @transform_1, window_bounds = array<i64: 1, 25, 128>}, {transform_indices = @transform_2, window_bounds = array<i64: 3200, 128>}, {pipeline_mode = #tpu.pipeline_mode<synchronous>, transform_indices = @transform_3, window_bounds = array<i64: 128, 1024>}, {pipeline_mode = #tpu.pipeline_mode<synchronous>, transform_indices = @transform_4, window_bounds = array<i64: 1, 1024>}, {pipeline_mode = #tpu.pipeline_mode<synchronous>, transform_indices = @transform_5, window_bounds = array<i64: 128, 128>}, {pipeline_mode = #tpu.pipeline_mode<synchronous>, transform_indices = @transform_6, window_bounds = array<i64: 1, 128>}, {pipeline_mode = #tpu.pipeline_mode<synchronous>, transform_indices = @transform_7, window_bounds = array<i64: 128, 128>}, {pipeline_mode = #tpu.pipeline_mode<synchronous>, transform_indices = @transform_8, window_bounds = array<i64: 1, 128>}, {pipeline_mode = #tpu.pipeline_mode<synchronous>, transform_indices = @transform_9, window_bounds = array<i64: 128, 1>}, {transform_indices = @transform_10, window_bounds = array<i64: 3>}, {transform_indices = @transform_11, window_bounds = array<i64: 3200, 128>}]} {
    %get3A = arith.constant 0 : index
    %get3A_0 = arith.constant 0 : index
    %get3A_1 = vector.load %arg1[%get3A, %get3A_0] : memref<400x128xf32, #tpu.memory_space<vmem>>, vector<400x128xf32>
    %convert_element_type3A = arith.truncf %get3A_1 : vector<400x128xf32> to vector<400x128xbf16>
    %get3A_2 = arith.constant 0 : index
    %get3A_3 = arith.constant 0 : index
    %get3A_4 = vector.load %arg4[%get3A_2, %get3A_3] : memref<128x1024xbf16, #tpu.memory_space<vmem>>, vector<128x1024xbf16>
    %dot_general3A = arith.constant dense<0.000000e+00> : vector<400x1024xf32>
    %dot_general3A_5 = tpu.matmul %convert_element_type3A, %get3A_4, %dot_general3A {dimension_numbers = #tpu.dot_dimension_numbers<[1], [0], [0], [1], [0, 0, 1, 1], [], []>, transpose_lhs_hint = false} : vector<400x128xbf16>, vector<128x1024xbf16>, vector<400x1024xf32> -> vector<400x1024xf32>
    %get3A_6 = arith.constant 0 : index
    %get3A_7 = arith.constant 0 : index
    %get3A_8 = vector.load %arg5[%get3A_6, %get3A_7] : memref<1x1024xf32, #tpu.memory_space<vmem>>, vector<1x1024xf32>
    %add3A = vector.broadcast %get3A_8 : vector<1x1024xf32> to vector<400x1024xf32>
    %add3A_9 = arith.addf %dot_general3A_5, %add3A : vector<400x1024xf32>
    %max3A = arith.constant 0.000000e+00 : f32
    %max3A_10 = vector.broadcast %max3A : f32 to vector<400x1024xf32>
    %max3A_11 = arith.maximumf %add3A_9, %max3A_10 : vector<400x1024xf32>
    %convert_element_type3A_12 = arith.truncf %max3A_11 : vector<400x1024xf32> to vector<400x1024xbf16>
    %reshape3A = vector.shape_cast %convert_element_type3A_12 : vector<400x1024xbf16> to vector<3200x128xbf16>
    %get3A_13 = arith.constant 0 : index
    %get3A_14 = memref.load %arg11[%get3A_13] : memref<3xf32, #tpu.memory_space<smem>>
    %get3A_15 = arith.constant 1 : index
    %get3A_16 = memref.load %arg11[%get3A_15] : memref<3xf32, #tpu.memory_space<smem>>
    %get3A_17 = arith.constant 2 : index
    %get3A_18 = memref.load %arg11[%get3A_17] : memref<3xf32, #tpu.memory_space<smem>>
    %get3A_19 = arith.constant 0 : index
    %get3A_20 = arith.constant 0 : index
    %get3A_21 = arith.constant 0 : index
    %get3A_22 = vector.load %arg2[%get3A_19, %get3A_20, %get3A_21] : memref<1x25x128xf32, #tpu.memory_space<vmem>>, vector<1x25x128xf32>
    %get3A_23 = vector.shape_cast %get3A_22 : vector<1x25x128xf32> to vector<25x128xf32>
    %mul3A = vector.broadcast %get3A_14 : f32 to vector<25x128xf32>
    %mul3A_24 = arith.mulf %get3A_23, %mul3A : vector<25x128xf32>
    %logistic3A = arith.negf %mul3A_24 : vector<25x128xf32>
    %logistic3A_25 = math.exp %logistic3A : vector<25x128xf32>
    %logistic3A_26 = arith.constant 1.000000e+00 : f32
    %logistic3A_27 = vector.broadcast %logistic3A_26 : f32 to vector<25x128xf32>
    %logistic3A_28 = arith.addf %logistic3A_27, %logistic3A_25 : vector<25x128xf32>
    %logistic3A_29 = arith.divf %logistic3A_27, %logistic3A_28 : vector<25x128xf32>
    %mul3A_30 = vector.broadcast %get3A_16 : f32 to vector<25x128xf32>
    %mul3A_31 = arith.mulf %logistic3A_29, %mul3A_30 : vector<25x128xf32>
    %add3A_32 = vector.broadcast %get3A_18 : f32 to vector<25x128xf32>
    %add3A_33 = arith.addf %mul3A_31, %add3A_32 : vector<25x128xf32>
    %iota3A = tpu.iota {dimensions = array<i32: 0>} : vector<3200x25xi32>
    %jit3A = arith.constant 128 : i32
    %div3A = vector.broadcast %jit3A : i32 to vector<3200x25xi32>
    %div3A_34 = arith.divsi %iota3A, %div3A : vector<3200x25xi32>
    %sign3A = arith.constant 0 : i32
    %sign3A_35 = vector.broadcast %sign3A : i32 to vector<3200x25xi32>
    %sign3A_36 = arith.cmpi sgt, %iota3A, %sign3A_35 : vector<3200x25xi32>
    %sign3A_37 = arith.extui %sign3A_36 : vector<3200x25xi1> to vector<3200x25xi32>
    %sign3A_38 = arith.constant 0 : i32
    %sign3A_39 = vector.broadcast %sign3A_38 : i32 to vector<3200x25xi32>
    %sign3A_40 = arith.cmpi slt, %iota3A, %sign3A_39 : vector<3200x25xi32>
    %sign3A_41 = arith.extui %sign3A_40 : vector<3200x25xi1> to vector<3200x25xi32>
    %sign3A_42 = arith.subi %sign3A_37, %sign3A_41 : vector<3200x25xi32>
    %sign3A_43 = arith.constant 0 : i32
    %sign3A_44 = arith.cmpi sgt, %jit3A, %sign3A_43 : i32
    %sign3A_45 = arith.extui %sign3A_44 : i1 to i32
    %sign3A_46 = arith.constant 0 : i32
    %sign3A_47 = arith.cmpi slt, %jit3A, %sign3A_46 : i32
    %sign3A_48 = arith.extui %sign3A_47 : i1 to i32
    %sign3A_49 = arith.subi %sign3A_45, %sign3A_48 : i32
    %ne3A = vector.broadcast %sign3A_49 : i32 to vector<3200x25xi32>
    %ne3A_50 = arith.cmpi ne, %sign3A_42, %ne3A : vector<3200x25xi32>
    %rem3A = vector.broadcast %jit3A : i32 to vector<3200x25xi32>
    %rem3A_51 = arith.remsi %iota3A, %rem3A : vector<3200x25xi32>
    %ne3A_52 = arith.constant 0 : i32
    %ne3A_53 = vector.broadcast %ne3A_52 : i32 to vector<3200x25xi32>
    %ne3A_54 = arith.cmpi ne, %rem3A_51, %ne3A_53 : vector<3200x25xi32>
    %and3A = arith.andi %ne3A_50, %ne3A_54 : vector<3200x25xi1>
    %sub3A = arith.constant 1 : i32
    %sub3A_55 = vector.broadcast %sub3A : i32 to vector<3200x25xi32>
    %sub3A_56 = arith.subi %div3A_34, %sub3A_55 : vector<3200x25xi32>
    %select_n3A = arith.select %and3A, %sub3A_56, %div3A_34 : vector<3200x25xi1>, vector<3200x25xi32>
    %iota3A_57 = tpu.iota {dimensions = array<i32: 1>} : vector<3200x25xi32>
    %eq3A = arith.cmpi eq, %select_n3A, %iota3A_57 : vector<3200x25xi32>
    %jit3A_58 = arith.constant 1.000000e+00 : f32
    %jit3A_59 = arith.constant 0.000000e+00 : f32
    %broadcast_in_dim3A = vector.broadcast %jit3A_58 : f32 to vector<3200x25xf32>
    %broadcast_in_dim3A_60 = vector.broadcast %jit3A_59 : f32 to vector<3200x25xf32>
    %select_n3A_61 = arith.select %eq3A, %broadcast_in_dim3A, %broadcast_in_dim3A_60 : vector<3200x25xi1>, vector<3200x25xf32>
    %dot_general3A_62 = arith.constant dense<0.000000e+00> : vector<3200x128xf32>
    %dot_general3A_63 = tpu.matmul %select_n3A_61, %add3A_33, %dot_general3A_62 {dimension_numbers = #tpu.dot_dimension_numbers<[1], [0], [0], [1], [0, 0, 1, 1], [], []>, transpose_lhs_hint = false} : vector<3200x25xf32>, vector<25x128xf32>, vector<3200x128xf32> -> vector<3200x128xf32>
    %iota3A_64 = tpu.iota {dimensions = array<i32: 1>} : vector<3200x128xi32>
    %iota3A_65 = tpu.iota {dimensions = array<i32: 0>} : vector<3200x128xi32>
    %jit3A_66 = arith.constant 128 : i32
    %eq3A_67 = arith.constant 0 : i32
    %eq3A_68 = arith.cmpi eq, %jit3A_66, %eq3A_67 : i32
    %jit3A_69 = arith.constant 1 : i32
    %select_n3A_70 = arith.select %eq3A_68, %jit3A_69, %jit3A_66 : i32
    %rem3A_71 = vector.broadcast %select_n3A_70 : i32 to vector<3200x128xi32>
    %rem3A_72 = arith.remsi %iota3A_65, %rem3A_71 : vector<3200x128xi32>
    %ne3A_73 = arith.constant 0 : i32
    %ne3A_74 = vector.broadcast %ne3A_73 : i32 to vector<3200x128xi32>
    %ne3A_75 = arith.cmpi ne, %rem3A_72, %ne3A_74 : vector<3200x128xi32>
    %lt3A = arith.constant 0 : i32
    %lt3A_76 = vector.broadcast %lt3A : i32 to vector<3200x128xi32>
    %lt3A_77 = arith.cmpi slt, %rem3A_72, %lt3A_76 : vector<3200x128xi32>
    %lt3A_78 = arith.constant 0 : i32
    %lt3A_79 = arith.cmpi slt, %select_n3A_70, %lt3A_78 : i32
    %ne3A_80 = vector.broadcast %lt3A_79 : i1 to vector<3200x128xi1>
    %ne3A_81 = vector.broadcast %ne3A_80 : vector<3200x128xi1> to vector<3200x128xi1>
    %ne3A_82 = arith.xori %lt3A_77, %ne3A_81 : vector<3200x128xi1>
    %and3A_83 = arith.andi %ne3A_82, %ne3A_75 : vector<3200x128xi1>
    %add3A_84 = vector.broadcast %select_n3A_70 : i32 to vector<3200x128xi32>
    %add3A_85 = arith.addi %rem3A_72, %add3A_84 : vector<3200x128xi32>
    %select_n3A_86 = arith.select %and3A_83, %add3A_85, %rem3A_72 : vector<3200x128xi1>, vector<3200x128xi32>
    %eq3A_87 = arith.cmpi eq, %iota3A_64, %select_n3A_86 : vector<3200x128xi32>
    %jit3A_88 = arith.constant 0.000000e+00 : f32
    %broadcast_in_dim3A_89 = vector.broadcast %jit3A_88 : f32 to vector<3200x128xf32>
    %select_n3A_90 = arith.select %eq3A_87, %dot_general3A_63, %broadcast_in_dim3A_89 : vector<3200x128xi1>, vector<3200x128xf32>
    %reduce_sum3A = arith.constant dense<0.000000e+00> : vector<3200xf32>
    %reduce_sum3A_91 = vector.multi_reduction <add>, %select_n3A_90, %reduce_sum3A [1] : vector<3200x128xf32> to vector<3200xf32>
    %broadcast_in_dim3A_92 = vector.shape_cast %reduce_sum3A_91 : vector<3200xf32> to vector<3200x1xf32>
    %get3A_93 = arith.constant 0 : index
    %get3A_94 = arith.constant 0 : index
    %get3A_95 = vector.load %arg6[%get3A_93, %get3A_94] : memref<128x128xbf16, #tpu.memory_space<vmem>>, vector<128x128xbf16>
    %dot_general3A_96 = arith.constant dense<0.000000e+00> : vector<3200x128xf32>
    %dot_general3A_97 = tpu.matmul %reshape3A, %get3A_95, %dot_general3A_96 {dimension_numbers = #tpu.dot_dimension_numbers<[1], [0], [0], [1], [0, 0, 1, 1], [], []>, transpose_lhs_hint = false} : vector<3200x128xbf16>, vector<128x128xbf16>, vector<3200x128xf32> -> vector<3200x128xf32>
    %get3A_98 = arith.constant 0 : index
    %get3A_99 = arith.constant 0 : index
    %get3A_100 = vector.load %arg7[%get3A_98, %get3A_99] : memref<1x128xf32, #tpu.memory_space<vmem>>, vector<1x128xf32>
    %add3A_101 = vector.broadcast %get3A_100 : vector<1x128xf32> to vector<3200x128xf32>
    %add3A_102 = arith.addf %dot_general3A_97, %add3A_101 : vector<3200x128xf32>
    %get3A_103 = arith.constant 0 : index
    %get3A_104 = arith.constant 0 : index
    %get3A_105 = vector.load %arg3[%get3A_103, %get3A_104] : memref<3200x128xf32, #tpu.memory_space<vmem>>, vector<3200x128xf32>
    %add3A_106 = arith.addf %get3A_105, %add3A_102 : vector<3200x128xf32>
    %max3A_107 = arith.constant 0.000000e+00 : f32
    %max3A_108 = vector.broadcast %max3A_107 : f32 to vector<3200x128xf32>
    %max3A_109 = arith.maximumf %add3A_106, %max3A_108 : vector<3200x128xf32>
    %convert_element_type3A_110 = arith.truncf %max3A_109 : vector<3200x128xf32> to vector<3200x128xbf16>
    %get3A_111 = arith.constant 0 : index
    %get3A_112 = arith.constant 0 : index
    %get3A_113 = vector.load %arg8[%get3A_111, %get3A_112] : memref<128x128xbf16, #tpu.memory_space<vmem>>, vector<128x128xbf16>
    %dot_general3A_114 = arith.constant dense<0.000000e+00> : vector<3200x128xf32>
    %dot_general3A_115 = tpu.matmul %convert_element_type3A_110, %get3A_113, %dot_general3A_114 {dimension_numbers = #tpu.dot_dimension_numbers<[1], [0], [0], [1], [0, 0, 1, 1], [], []>, transpose_lhs_hint = false} : vector<3200x128xbf16>, vector<128x128xbf16>, vector<3200x128xf32> -> vector<3200x128xf32>
    %get3A_116 = arith.constant 0 : index
    %get3A_117 = arith.constant 0 : index
    %get3A_118 = vector.load %arg9[%get3A_116, %get3A_117] : memref<1x128xf32, #tpu.memory_space<vmem>>, vector<1x128xf32>
    %add3A_119 = vector.broadcast %get3A_118 : vector<1x128xf32> to vector<3200x128xf32>
    %add3A_120 = arith.addf %dot_general3A_115, %add3A_119 : vector<3200x128xf32>
    %get3A_121 = arith.constant 0 : index
    %get3A_122 = arith.constant 0 : index
    %get3A_123 = vector.load %arg10[%get3A_121, %get3A_122] : memref<128x1xf32, #tpu.memory_space<vmem>>, vector<128x1xf32>
    %dot_general3A_124 = arith.constant dense<0.000000e+00> : vector<3200x1xf32>
    %dot_general3A_125 = tpu.matmul %add3A_120, %get3A_123, %dot_general3A_124 {dimension_numbers = #tpu.dot_dimension_numbers<[1], [0], [0], [1], [0, 0, 1, 1], [], []>, transpose_lhs_hint = false} : vector<3200x128xf32>, vector<128x1xf32>, vector<3200x1xf32> -> vector<3200x1xf32>
    %add3A_126 = arith.addf %dot_general3A_125, %broadcast_in_dim3A_92 : vector<3200x1xf32>
    %logistic3A_127 = arith.negf %add3A_126 : vector<3200x1xf32>
    %logistic3A_128 = math.exp %logistic3A_127 : vector<3200x1xf32>
    %logistic3A_129 = arith.constant 1.000000e+00 : f32
    %logistic3A_130 = vector.broadcast %logistic3A_129 : f32 to vector<3200x1xf32>
    %logistic3A_131 = arith.addf %logistic3A_130, %logistic3A_128 : vector<3200x1xf32>
    %logistic3A_132 = arith.divf %logistic3A_130, %logistic3A_131 : vector<3200x1xf32>
    %mul3A_133 = vector.broadcast %logistic3A_132 : vector<3200x1xf32> to vector<3200x128xf32>
    %mul3A_134 = arith.mulf %add3A_120, %mul3A_133 : vector<3200x128xf32>
    %swap3A = arith.constant 0 : index
    %swap3A_135 = arith.constant 0 : index
    %swap3A_136 = vector.load %arg12[%swap3A, %swap3A_135] : memref<3200x128xf32, #tpu.memory_space<vmem>>, vector<3200x128xf32>
    tpu.vector_store %arg12[%swap3A, %swap3A_135], %mul3A_134 {strides = array<i32>} : memref<3200x128xf32, #tpu.memory_space<vmem>>, vector<3200x128xf32>,
    return
  }
  func.func @transform_0(%arg0: i32) -> (i32, i32) {
    %c0_i32 = arith.constant 0 : i32
    %c0_i32_0 = arith.constant 0 : i32
    return %arg0, %c0_i32 : i32, i32
  }
  func.func @transform_1(%arg0: i32) -> (i32, i32, i32) {
    %c0_i32 = arith.constant 0 : i32
    %c0_i32_0 = arith.constant 0 : i32
    %c0_i32_1 = arith.constant 0 : i32
    return %arg0, %c0_i32, %c0_i32_0 : i32, i32, i32
  }
  func.func @transform_2(%arg0: i32) -> (i32, i32) {
    %c0_i32 = arith.constant 0 : i32
    %c0_i32_0 = arith.constant 0 : i32
    return %arg0, %c0_i32 : i32, i32
  }
  func.func @transform_3(%arg0: i32) -> (i32, i32) {
    %c0_i32 = arith.constant 0 : i32
    %c0_i32_0 = arith.constant 0 : i32
    %c0_i32_1 = arith.constant 0 : i32
    return %c0_i32, %c0_i32_0 : i32, i32
  }
  func.func @transform_4(%arg0: i32) -> (i32, i32) {
    %c0_i32 = arith.constant 0 : i32
    %c0_i32_0 = arith.constant 0 : i32
    %c0_i32_1 = arith.constant 0 : i32
    return %c0_i32, %c0_i32_0 : i32, i32
  }
  func.func @transform_5(%arg0: i32) -> (i32, i32) {
    %c0_i32 = arith.constant 0 : i32
    %c0_i32_0 = arith.constant 0 : i32
    %c0_i32_1 = arith.constant 0 : i32
    return %c0_i32, %c0_i32_0 : i32, i32
  }
  func.func @transform_6(%arg0: i32) -> (i32, i32) {
    %c0_i32 = arith.constant 0 : i32
    %c0_i32_0 = arith.constant 0 : i32
    %c0_i32_1 = arith.constant 0 : i32
    return %c0_i32, %c0_i32_0 : i32, i32
  }
  func.func @transform_7(%arg0: i32) -> (i32, i32) {
    %c0_i32 = arith.constant 0 : i32
    %c0_i32_0 = arith.constant 0 : i32
    %c0_i32_1 = arith.constant 0 : i32
    return %c0_i32, %c0_i32_0 : i32, i32
  }
  func.func @transform_8(%arg0: i32) -> (i32, i32) {
    %c0_i32 = arith.constant 0 : i32
    %c0_i32_0 = arith.constant 0 : i32
    %c0_i32_1 = arith.constant 0 : i32
    return %c0_i32, %c0_i32_0 : i32, i32
  }
  func.func @transform_9(%arg0: i32) -> (i32, i32) {
    %c0_i32 = arith.constant 0 : i32
    %c0_i32_0 = arith.constant 0 : i32
    %c0_i32_1 = arith.constant 0 : i32
    return %c0_i32, %c0_i32_0 : i32, i32
  }
  func.func @transform_10(%arg0: i32) -> i32 {
    %c0_i32 = arith.constant 0 : i32
    %c0_i32_0 = arith.constant 0 : i32
    return %c0_i32 : i32
  }
  func.func @transform_11(%arg0: i32) -> (i32, i32) {
    %c0_i32 = arith.constant 0 : i32
    %c0_i32_0 = arith.constant 0 : i32
    return %arg0, %c0_i32 : i32, i32
  }
}

module attributes {stable_mosaic.version = 14 : i64} {
  func.func @_node_mid_body(%arg0: i32, %arg1: memref<1000x128xf32, #tpu.memory_space<vmem>>, %arg2: memref<1000x128xf32, #tpu.memory_space<vmem>>, %arg3: memref<128x256xf32, #tpu.memory_space<vmem>>, %arg4: memref<1000x128xf32, #tpu.memory_space<vmem>>, %arg5: memref<1000x128xf32, #tpu.memory_space<vmem>>) attributes {dimension_semantics = [#tpu.dimension_semantics<arbitrary>], iteration_bounds = array<i64: 10>, scalar_prefetch = 0 : i64, scratch_operands = 0 : i64, tpu.core_type = #tpu.core_type<tc>, window_params = [{transform_indices = @transform_0, window_bounds = array<i64: 1000, 128>}, {transform_indices = @transform_1, window_bounds = array<i64: 1000, 128>}, {pipeline_mode = #tpu.pipeline_mode<synchronous>, transform_indices = @transform_2, window_bounds = array<i64: 128, 256>}, {transform_indices = @transform_3, window_bounds = array<i64: 1000, 128>}, {transform_indices = @transform_4, window_bounds = array<i64: 1000, 128>}]} {
    %get3A = arith.constant 0 : index
    %get3A_0 = arith.constant 0 : index
    %get3A_1 = vector.load %arg1[%get3A, %get3A_0] : memref<1000x128xf32, #tpu.memory_space<vmem>>, vector<1000x128xf32>
    %get3A_2 = arith.constant 0 : index
    %get3A_3 = arith.constant 0 : index
    %get3A_4 = vector.load %arg2[%get3A_2, %get3A_3] : memref<1000x128xf32, #tpu.memory_space<vmem>>, vector<1000x128xf32>
    %add3A = arith.addf %get3A_1, %get3A_4 : vector<1000x128xf32>
    %max3A = arith.constant 0.000000e+00 : f32
    %max3A_5 = vector.broadcast %max3A : f32 to vector<1000x128xf32>
    %max3A_6 = arith.maximumf %add3A, %max3A_5 : vector<1000x128xf32>
    %get3A_7 = arith.constant 0 : index
    %get3A_8 = arith.constant 0 : index
    %get3A_9 = vector.load %arg3[%get3A_7, %get3A_8] : memref<128x256xf32, #tpu.memory_space<vmem>>, vector<128x256xf32>
    %dot_general3A = arith.constant dense<0.000000e+00> : vector<1000x256xf32>
    %dot_general3A_10 = tpu.matmul %max3A_6, %get3A_9, %dot_general3A {dimension_numbers = #tpu.dot_dimension_numbers<[1], [0], [0], [1], [0, 0, 1, 1], [], []>, transpose_lhs_hint = false} : vector<1000x128xf32>, vector<128x256xf32>, vector<1000x256xf32> -> vector<1000x256xf32>
    %slice3A = vector.extract_strided_slice %dot_general3A_10 {offsets = [0, 0], sizes = [1000, 128], strides = [1, 1]} : vector<1000x256xf32> to vector<1000x128xf32>
    %swap3A = arith.constant 0 : index
    %swap3A_11 = arith.constant 0 : index
    %swap3A_12 = vector.load %arg4[%swap3A, %swap3A_11] : memref<1000x128xf32, #tpu.memory_space<vmem>>, vector<1000x128xf32>
    tpu.vector_store %arg4[%swap3A, %swap3A_11], %slice3A {strides = array<i32>} : memref<1000x128xf32, #tpu.memory_space<vmem>>, vector<1000x128xf32>,
    %slice3A_13 = vector.extract_strided_slice %dot_general3A_10 {offsets = [0, 128], sizes = [1000, 128], strides = [1, 1]} : vector<1000x256xf32> to vector<1000x128xf32>
    %swap3A_14 = arith.constant 0 : index
    %swap3A_15 = arith.constant 0 : index
    %swap3A_16 = vector.load %arg5[%swap3A_14, %swap3A_15] : memref<1000x128xf32, #tpu.memory_space<vmem>>, vector<1000x128xf32>
    tpu.vector_store %arg5[%swap3A_14, %swap3A_15], %slice3A_13 {strides = array<i32>} : memref<1000x128xf32, #tpu.memory_space<vmem>>, vector<1000x128xf32>,
    return
  }
  func.func @transform_0(%arg0: i32) -> (i32, i32) {
    %c0_i32 = arith.constant 0 : i32
    %c0_i32_0 = arith.constant 0 : i32
    return %arg0, %c0_i32 : i32, i32
  }
  func.func @transform_1(%arg0: i32) -> (i32, i32) {
    %c0_i32 = arith.constant 0 : i32
    %c0_i32_0 = arith.constant 0 : i32
    return %arg0, %c0_i32 : i32, i32
  }
  func.func @transform_2(%arg0: i32) -> (i32, i32) {
    %c0_i32 = arith.constant 0 : i32
    %c0_i32_0 = arith.constant 0 : i32
    %c0_i32_1 = arith.constant 0 : i32
    return %c0_i32, %c0_i32_0 : i32, i32
  }
  func.func @transform_3(%arg0: i32) -> (i32, i32) {
    %c0_i32 = arith.constant 0 : i32
    %c0_i32_0 = arith.constant 0 : i32
    return %arg0, %c0_i32 : i32, i32
  }
  func.func @transform_4(%arg0: i32) -> (i32, i32) {
    %c0_i32 = arith.constant 0 : i32
    %c0_i32_0 = arith.constant 0 : i32
    return %arg0, %c0_i32 : i32, i32
  }
}

module attributes {stable_mosaic.version = 14 : i64} {
  func.func @_node_head_body(%arg0: i32, %arg1: memref<1000x128xf32, #tpu.memory_space<vmem>>, %arg2: memref<1000x128xf32, #tpu.memory_space<vmem>>, %arg3: memref<128x128xf32, #tpu.memory_space<vmem>>, %arg4: memref<1x128xf32, #tpu.memory_space<vmem>>, %arg5: memref<1000x32xf32, #tpu.memory_space<vmem>>, %arg6: memref<1000x5xf32, #tpu.memory_space<vmem>>, %arg7: memref<1000x1xf32, #tpu.memory_space<vmem>>) attributes {dimension_semantics = [#tpu.dimension_semantics<arbitrary>], iteration_bounds = array<i64: 10>, scalar_prefetch = 0 : i64, scratch_operands = 0 : i64, tpu.core_type = #tpu.core_type<tc>, window_params = [{transform_indices = @transform_0, window_bounds = array<i64: 1000, 128>}, {transform_indices = @transform_1, window_bounds = array<i64: 1000, 128>}, {pipeline_mode = #tpu.pipeline_mode<synchronous>, transform_indices = @transform_2, window_bounds = array<i64: 128, 128>}, {pipeline_mode = #tpu.pipeline_mode<synchronous>, transform_indices = @transform_3, window_bounds = array<i64: 1, 128>}, {transform_indices = @transform_4, window_bounds = array<i64: 1000, 32>}, {transform_indices = @transform_5, window_bounds = array<i64: 1000, 5>}, {transform_indices = @transform_6, window_bounds = array<i64: 1000, 1>}]} {
    %get3A = arith.constant 0 : index
    %get3A_0 = arith.constant 0 : index
    %get3A_1 = vector.load %arg1[%get3A, %get3A_0] : memref<1000x128xf32, #tpu.memory_space<vmem>>, vector<1000x128xf32>
    %get3A_2 = arith.constant 0 : index
    %get3A_3 = arith.constant 0 : index
    %get3A_4 = vector.load %arg2[%get3A_2, %get3A_3] : memref<1000x128xf32, #tpu.memory_space<vmem>>, vector<1000x128xf32>
    %add3A = arith.addf %get3A_1, %get3A_4 : vector<1000x128xf32>
    %max3A = arith.constant 0.000000e+00 : f32
    %max3A_5 = vector.broadcast %max3A : f32 to vector<1000x128xf32>
    %max3A_6 = arith.maximumf %add3A, %max3A_5 : vector<1000x128xf32>
    %get3A_7 = arith.constant 0 : index
    %get3A_8 = arith.constant 0 : index
    %get3A_9 = vector.load %arg3[%get3A_7, %get3A_8] : memref<128x128xf32, #tpu.memory_space<vmem>>, vector<128x128xf32>
    %dot_general3A = arith.constant dense<0.000000e+00> : vector<1000x128xf32>
    %dot_general3A_10 = tpu.matmul %max3A_6, %get3A_9, %dot_general3A {dimension_numbers = #tpu.dot_dimension_numbers<[1], [0], [0], [1], [0, 0, 1, 1], [], []>, transpose_lhs_hint = false} : vector<1000x128xf32>, vector<128x128xf32>, vector<1000x128xf32> -> vector<1000x128xf32>
    %get3A_11 = arith.constant 0 : index
    %get3A_12 = arith.constant 0 : index
    %get3A_13 = vector.load %arg4[%get3A_11, %get3A_12] : memref<1x128xf32, #tpu.memory_space<vmem>>, vector<1x128xf32>
    %add3A_14 = vector.broadcast %get3A_13 : vector<1x128xf32> to vector<1000x128xf32>
    %add3A_15 = arith.addf %dot_general3A_10, %add3A_14 : vector<1000x128xf32>
    %slice3A = vector.extract_strided_slice %add3A_15 {offsets = [0, 0], sizes = [1000, 32], strides = [1, 1]} : vector<1000x128xf32> to vector<1000x32xf32>
    %swap3A = arith.constant 0 : index
    %swap3A_16 = arith.constant 0 : index
    %swap3A_17 = vector.load %arg5[%swap3A, %swap3A_16] : memref<1000x32xf32, #tpu.memory_space<vmem>>, vector<1000x32xf32>
    tpu.vector_store %arg5[%swap3A, %swap3A_16], %slice3A {strides = array<i32>} : memref<1000x32xf32, #tpu.memory_space<vmem>>, vector<1000x32xf32>,
    %slice3A_18 = vector.extract_strided_slice %add3A_15 {offsets = [0, 32], sizes = [1000, 5], strides = [1, 1]} : vector<1000x128xf32> to vector<1000x5xf32>
    %swap3A_19 = arith.constant 0 : index
    %swap3A_20 = arith.constant 0 : index
    %swap3A_21 = vector.load %arg6[%swap3A_19, %swap3A_20] : memref<1000x5xf32, #tpu.memory_space<vmem>>, vector<1000x5xf32>
    tpu.vector_store %arg6[%swap3A_19, %swap3A_20], %slice3A_18 {strides = array<i32>} : memref<1000x5xf32, #tpu.memory_space<vmem>>, vector<1000x5xf32>,
    %slice3A_22 = vector.extract_strided_slice %add3A_15 {offsets = [0, 37], sizes = [1000, 1], strides = [1, 1]} : vector<1000x128xf32> to vector<1000x1xf32>
    %swap3A_23 = arith.constant 0 : index
    %swap3A_24 = arith.constant 0 : index
    %swap3A_25 = vector.load %arg7[%swap3A_23, %swap3A_24] : memref<1000x1xf32, #tpu.memory_space<vmem>>, vector<1000x1xf32>
    tpu.vector_store %arg7[%swap3A_23, %swap3A_24], %slice3A_22 {strides = array<i32>} : memref<1000x1xf32, #tpu.memory_space<vmem>>, vector<1000x1xf32>,
    return
  }
  func.func @transform_0(%arg0: i32) -> (i32, i32) {
    %c0_i32 = arith.constant 0 : i32
    %c0_i32_0 = arith.constant 0 : i32
    return %arg0, %c0_i32 : i32, i32
  }
  func.func @transform_1(%arg0: i32) -> (i32, i32) {
    %c0_i32 = arith.constant 0 : i32
    %c0_i32_0 = arith.constant 0 : i32
    return %arg0, %c0_i32 : i32, i32
  }
  func.func @transform_2(%arg0: i32) -> (i32, i32) {
    %c0_i32 = arith.constant 0 : i32
    %c0_i32_0 = arith.constant 0 : i32
    %c0_i32_1 = arith.constant 0 : i32
    return %c0_i32, %c0_i32_0 : i32, i32
  }
  func.func @transform_3(%arg0: i32) -> (i32, i32) {
    %c0_i32 = arith.constant 0 : i32
    %c0_i32_0 = arith.constant 0 : i32
    %c0_i32_1 = arith.constant 0 : i32
    return %c0_i32, %c0_i32_0 : i32, i32
  }
  func.func @transform_4(%arg0: i32) -> (i32, i32) {
    %c0_i32 = arith.constant 0 : i32
    %c0_i32_0 = arith.constant 0 : i32
    return %arg0, %c0_i32 : i32, i32
  }
  func.func @transform_5(%arg0: i32) -> (i32, i32) {
    %c0_i32 = arith.constant 0 : i32
    %c0_i32_0 = arith.constant 0 : i32
    return %arg0, %c0_i32 : i32, i32
  }
  func.func @transform_6(%arg0: i32) -> (i32, i32) {
    %c0_i32 = arith.constant 0 : i32
    %c0_i32_0 = arith.constant 0 : i32
    return %arg0, %c0_i32 : i32, i32
  }
}

</mosaic_0001>

<sc_bundles>
// kernel: kernel.11.cloned.1.call-start
scs
__scs_entry_jumppad:
0x0: {  	(pc) =	sbr.rel $0x88, $3  }
0x1: {  	(tag) =	ssettag $0x0;
	lr =	simm.s32 $0x1  }
0x2: {  	[smem:$0x3F86] =	sst lr;
	_ =	strace $0xD0000000  }
0x3: {  	_ = 	snop  }
0x4: {  	_ = 	snop  }
0x5: {  	_ = 	snop  }
0x6: {  	_ = 	snop  }
0x7: {  	_ = 	snop  }
__scs_overlays_trampoline_lowered:
0x8: {  	[smem:$0x3F95] =	sst s0  }
0x9: {  	[smem:$0x3F96] =	sst s1  }
0xa: {  	[smem:$0x3F97] =	sst s2  }
0xb: {  	[smem:$0x3F98] =	sst s3  }
0xc: {  	[smem:$0x3F99] =	sst s4  }
0xd: {  	[smem:$0x3F9A] =	sst s5  }
0xe: {  	[smem:$0x3F9B] =	sst s6  }
0xf: {  	[smem:$0x3F9C] =	sst s7  }
0x10: {  	[smem:$0x3F9D] =	sst s8  }
0x11: {  	[smem:$0x3F9E] =	sst s9;
	s0 =	simm.s32 @!p0 $0x0  }
0x12: {  	s1 =	sld [smem:$0x3F84];
	s0 =	simm.s32 @p0 $0x1  }
0x13: {  	[smem:$0x3F9F] =	sst s0;
	s0 =	simm.s32 @!p1 $0x0  }
0x14: {  	s2 =	sld [smem:$0x3F83];
	s0 =	simm.s32 @p1 $0x1  }
0x15: {  	[smem:$0x3FA0] =	sst s0;
	s0 =	simm.s32 @!p2 $0x0  }
0x16: {  	s3 =	sld [smem:$0x3FDB];
	s0 =	simm.s32 @p2 $0x1  }
0x17: {  	s4 =	simm.s32 $0x1BF5;
	[smem:$0x3FA2] =	sst s0  }
0x18: {  	s0 =	sld [smem:$0x3F85];
	_ =	swait.ge [sflag:s4], $0x0  }
0x19: {  	s7 =	sld [smem:$0x3F86]  }
0x1a: {  	s8 =	sadd.s32 $0xFFFFE003, lr  }
0x1b: {  	s9 =	sadd.s32 $0xFFFFFEF7, lr;
	s5 =	simm.s32 $0xFFFFFFFF;
	p2 =	slt.u32 s8, $0xFFFFF086  }
0x1c: {  	p1 =	slt.u32 s9, $0xF7A;
	s5 =	simm.s32 @!p2 $0x0  }
0x1d: {  	s5 =	simm.s32 @p1 $0x1;
	p0 =	seq.s32 s7, s2  }
0x1e: {  	s7 =	smul.u32 @!p0 $0xF7A, s2;
	p2 =	seq.s32 @!p0 s5, $0x0  }
0x1f: {  	s9 =	smul.u32 $0xF7A, s1;
	s8 =	simm.s32 @!p0 $0x1BF5;
	p2 =	por !p2, p0  }
0x20: {  	[sflag:s8] =	ssyncset.s32 @!p0 $0xFFFFF086;
	s6 =	sadd.s32 @!p0 s3, s7;
	s7 =	simm.s32 @!p0 $0x108  }
0x21: {  	s3 =	sadd.s32 s3, s9;
	s6 =	sadd.s32 @!p0 $0x88, s6;
	s7 =	simm.s32 @p2 $0x1082  }
0x22: {  	[simem:s7], [sflag:s8] =	dma.local @!p0 [hbm:s6], $0xF7A  }
0x23: {  	s9 =	sor.u32 $0xD0000000, s2;
	s6 =	simm.s32 $0x108;
	_ =	swait.ge @!p0 [sflag:s8], $0x0  }
0x24: {  	s3 =	sadd.s32 $0x88, s3;
	s6 =	simm.s32 @!p1 $0x1082;
	[sflag:s4] =	ssyncset.s32 $0xFFFFF086  }
0x25: {  	[simem:s6], [sflag:s4] =	dma.local [hbm:s3], $0xF7A  }
0x26: {  	[smem:$0x3F86] =	sst s1;
	(tag) =	ssettag s2;
	_ =	strace s9  }
0x27: {  	s1 =	sld [smem:$0x3F96]  }
0x28: {  	s2 =	sld [smem:$0x3F97]  }
0x29: {  	s4 =	sld [smem:$0x3F99]  }
0x2a: {  	p0 =	seq.s32 s5, $0x0;
	s5 =	sld [smem:$0x3F9A]  }
0x2b: {  	s6 =	sld [smem:$0x3F9B]  }
0x2c: {  	s7 =	sld [smem:$0x3F9C]  }
0x2d: {  	s3 =	simm.s32 $0x108;
	s8 =	sld [smem:$0x3F9D]  }
0x2e: {  	s3 =	simm.s32 @!p0 $0x1082;
	s9 =	sld [smem:$0x3F9E]  }
0x2f: {  	lr =	sadd.s32 s0, s3;
	s0 =	sld [smem:$0x3F95]  }
0x30: {  	s3 =	sld [smem:$0x3F98]  }
0x31: {  	[smem:$0x3FA1] =	sst s10  }
0x32: {  	s10 =	sld [smem:$0x3F9F];
	_ =	sdelay $0x3  }
0x33: {  	p0 =	seq.s32 s10, $0x1;
	s10 =	sld [smem:$0x3FA1];
	_ =	sdelay $0x3  }
0x34: {  	[smem:$0x3FA1] =	sst s10  }
0x35: {  	s10 =	sld [smem:$0x3FA0];
	_ =	sdelay $0x3  }
0x36: {  	p1 =	seq.s32 s10, $0x1;
	s10 =	sld [smem:$0x3FA1];
	_ =	sdelay $0x3  }
0x37: {  	[smem:$0x3FA1] =	sst s10  }
0x38: {  	s10 =	sld [smem:$0x3FA2]  }
0x39: {  	_ = 	snop;
	(pc) =	sbr.ind lr, $3  }
0x3a: {  	_ = 	snop  }
0x3b: {  	_ = 	snop  }
0x3c: {  	p2 =	seq.s32 s10, $0x1;
	s10 =	sld [smem:$0x3FA1]  }
0x3d: {  	_ =	shalt  }
0x3e: {  	_ =	shalt  }
0x3f: {  	_ =	shalt  }
0x40: {  	_ =	shalt  }
0x41: {  	_ =	shalt  }
0x42: {  	_ =	shalt  }
0x43: {  	_ =	shalt  }
0x44: {  	_ =	shalt  }
0x45: {  	_ =	shalt  }
0x46: {  	_ =	shalt  }
0x47: {  	_ =	shalt  }
0x48: {  	_ =	shalt  }
0x49: {  	_ =	shalt  }
0x4a: {  	_ =	shalt  }
0x4b: {  	_ =	shalt  }
0x4c: {  	_ =	shalt  }
0x4d: {  	_ =	shalt  }
0x4e: {  	_ =	shalt  }
0x4f: {  	_ =	shalt  }
0x50: {  	_ =	shalt  }
0x51: {  	_ =	shalt  }
0x52: {  	_ =	shalt  }
0x53: {  	_ =	shalt  }
0x54: {  	_ =	shalt  }
0x55: {  	_ =	shalt  }
0x56: {  	_ =	shalt  }
0x57: {  	_ =	shalt  }
0x58: {  	_ =	shalt  }
0x59: {  	_ =	shalt  }
0x5a: {  	_ =	shalt  }
0x5b: {  	_ =	shalt  }
0x5c: {  	_ =	shalt  }
0x5d: {  	_ =	shalt  }
0x5e: {  	_ =	shalt  }
0x5f: {  	_ =	shalt  }
0x60: {  	_ =	shalt  }
0x61: {  	_ =	shalt  }
0x62: {  	_ =	shalt  }
0x63: {  	_ =	shalt  }
0x64: {  	_ =	shalt  }
0x65: {  	_ =	shalt  }
0x66: {  	_ =	shalt  }
0x67: {  	_ =	shalt  }
0x68: {  	_ =	shalt  }
0x69: {  	_ =	shalt  }
0x6a: {  	_ =	shalt  }
0x6b: {  	_ =	shalt  }
0x6c: {  	_ =	shalt  }
0x6d: {  	_ =	shalt  }
0x6e: {  	_ =	shalt  }
0x6f: {  	_ =	shalt  }
0x70: {  	_ =	shalt  }
0x71: {  	_ =	shalt  }
0x72: {  	_ =	shalt  }
0x73: {  	_ =	shalt  }
0x74: {  	_ =	shalt  }
0x75: {  	_ =	shalt  }
0x76: {  	_ =	shalt  }
0x77: {  	_ =	shalt  }
0x78: {  	_ =	shalt  }
0x79: {  	_ =	shalt  }
0x7a: {  	_ =	shalt  }
0x7b: {  	_ =	shalt  }
0x7c: {  	_ =	shalt  }
0x7d: {  	_ =	shalt  }
0x7e: {  	_ =	shalt  }
0x7f: {  	_ =	shalt  }
0x80: {  	_ =	shalt  }
0x81: {  	_ =	shalt  }
0x82: {  	_ =	shalt  }
0x83: {  	_ =	shalt  }
0x84: {  	_ =	shalt  }
0x85: {  	_ =	shalt  }
0x86: {  	_ =	shalt  }
0x87: {  	_ =	shalt  }
.Lfunc_end0:
.L_simem_size_0:
called_computation_lowered:
.L_overlay_start_0:
0x88: {  	s2 =	sld [smem:$0x3FD9]  }
0x89: {  	s3 =	sld [smem:$0x3FFE];
	_ =	sdelay $0x1  }
0x8a: {  	s1 =	srdreg.scid  }
0x8b: {  	s0 =	sand.u32 $0x1, s1  }
0x8c: {  	s14 =	sshll.u32 s0, $0xA;
	s2 =	sadd.s32 s3, s2  }
0x8d: {  	s2 =	sadd.s32 s2, s14  }
0x8e: {  	[smem:$0x3FAD] =	sst s2  }
0x8f: {  	_ = 	snop  }
0x90: {  	s2 =	sld [smem:$0x3FD0];
	_ =	sdelay $0x2  }
0x91: {  	s15 =	simm.s32 $0xA;
	s4 =	simm.s32 $0x10  }
0x92: {  	[smem:s4], [sflag:s15] =	dma.local [hbm:s2], $0x1  }
0x93: {  	_ =	swait.eq [sflag:s15], $0x1  }
0x94: {  	[sflag:s15] =	ssyncset.done $0x0  }
0x95: {  	[sflag:s15] =	ssyncadd.s32 $0xFFFFFFFF  }
0x96: {  	s16 =	sld [smem:$0x10];
	(tm) =	ssettm $0x1  }
0x97: {  	s17 =	sld [smem:$0x3FFB];
	_ =	sdelay $0x3  }
0x98: {  	_ =	strace s17  }
0x99: {  	s3 =	sld [smem:$0x3FFC];
	_ =	sdelay $0x3  }
0x9a: {  	_ =	strace s3  }
0x9b: {  	s3 =	sld [smem:$0x3FFD];
	_ =	sdelay $0x3  }
0x9c: {  	_ =	strace s3  }
0x9d: {  	_ =	strace $0x8FFFFFFF  }
0x9e: {  	s18 =	sld [smem:$0x3FDB];
	_ =	sdelay $0x1  }
0x9f: {  	s19 =	simm.s32 $_scs_section_size  }
0xa0: {  	s5 =	simm.s32 $_size__tile_overlayer_lowered;
	s6 =	simm.s32 $_tile_overlayer_lowered  }
0xa1: {  	s22 =	simm.s32 $0x1BFF;
	s21 =	sshll.u32 s6, $0x1;
	s3 =	sadd.s32 s19, s18  }
0xa2: {  	s7 =	simm.s32 $0x0;
	s20 =	sshll.u32 s5, $0x1;
	s5 =	sadd.s32 s21, s3  }
0xa3: {  	[timem:s7], [sflag:s22] =	dma.local [hbm:s5], s20  }
0xa4: {  	_ =	swait.ge [sflag:s22], s20  }
0xa5: {  	s4 =	ssub.s32 $0x0, s20;
	[sflag:s22] =	ssyncset.done $0x0  }
0xa6: {  	[sflag:s22] =	ssyncadd.s32 s4;
	_ =	sdelay $0x1  }
0xa7: {  	s23 =	simm.s32 $0x1B8B  }
0xa8: {  	_ =	swait.ge [sflag:s23], $0x1  }
0xa9: {  	[sflag:s23] =	ssyncset.done $0x0  }
0xaa: {  	s25 =	simm.s32 $0x1B8E;
	s24 =	sld [smem:$0x3FFE];
	[sflag:s23] =	ssyncadd.s32 $0xFFFFFFFF  }
0xab: {  	s26 =	simm.s32 $execute0_lowered;
	[smem:$0x3FD2] =	sst s25  }
0xac: {  	s5 =	sshll.u32 s26, $0x1;
	_ =	strace $0x80000046;
	[dreg:$0x1] =	wrdreg $0xFFFFFFFF  }
0xad: {  	s28 =	simm.s32 $_size_execute0_lowered;
	s3 =	sadd.s32 s3, s5;
	[dreg:$0x0] =	wrdreg $0x0  }
0xae: {  	s5 =	sshll.u32 s28, $0x1;
	[dreg:$0x2] =	wrdreg s3  }
0xaf: {  	[dreg:$0x3] =	wrdreg s5  }
0xb0: {  	[dreg:$0x4] =	wrdreg $0xC0  }
0xb1: {  	_ =	task [dreg:s7], $0x5FFFF  }
0xb2: {  	[dreg:$0x1] =	wrdreg $0xFFFFFFFF  }
0xb3: {  	[dreg:$0x0] =	wrdreg $0x60  }
0xb4: {  	[dreg:$0x2] =	wrdreg s24  }
0xb5: {  	[dreg:$0x3] =	wrdreg s16  }
0xb6: {  	[dreg:$0x4] =	wrdreg $0x9  }
0xb7: {  	_ =	task.clear_ibuf [dreg:s7], $0x5FFFF;
	_ =	strace $0x90000046  }
0xb8: {  	s29 =	simm.s32 $0x9;
	_ =	strace $0x80000048  }
0xb9: {  	_ =	swait.ge [sflag:s29], $0x1  }
0xba: {  	[sflag:s29] =	ssyncadd.s32 $0xFFFFFFFF  }
0xbb: {  	_ =	strace $0x90000048  }
0xbc: {  	_ =	sfence  }
0xbd: {  	s30 =	sld [smem:$0x0];
	_ =	sdelay $0x2  }
0xbe: {  	s31 =	sshll.u32 s1, $0xD;
	s1 =	sshrl.u32 s1, $0x2  }
0xbf: {  	s3 =	sand.u32 $0x4000, s31;
	s1 =	sadd.s32 s1, s30  }
0xc0: {  	s0 =	sor.u32 s3, s0;
	s1 =	sshll.u32 s1, $0x11  }
0xc1: {  	s0 =	sor.u32 s1, s0  }
0xc2: {  	s0 =	sadd.s32 $0x8F2B, s0  }
0xc3: {  	[sflag:s0] =	ssyncadd.remote.s32 $0x1  }
0xc4: {  	_ =	sfence.sel $0xFFFF  }
0xc5: {  	[dreg:$0x0] =	wrdreg $0xFFFFFFFF;
	(pc) =	sbr.abs _section_cstart, $3  }
0xc6: {  	[dreg:$0x1] =	wrdreg $0xFFFFFFFF  }
0xc7: {  	_ =	task.clear_ibuf [dreg:s7], $0x2FFFF;
	_ =	strace $0x9FFFFFFF  }
0xc8: {  	(tm) =	ssettm $0x7FFFFFFF  }
0xc9: {  	_ =	shalt  }
tec
execute0_lowered:
.L_overlay_start_1:
0x0: {  	(tag) =	ssettag $0x1  }
0x1: {  	s7 =	rddreg [dreg:$0x0]  }
0x2: {  	s1 =	rddreg [dreg:$0x1]  }
0x3: {  	s0 =	rddreg [dreg:$0x2]  }
0x4: {  	s2 =	simm.s32 $0x0;
	s3 =	srdreg.scid;
	s19 =	stileid.u32  }
0x5: {  	s12 =	simm.s32 $0x1;
	s13 =	simm.s32 $0x80;
	s14 =	simm.s32 $0x200  }
0x6: {  	s15 =	simm.s32 $0x4200;
	s16 =	simm.s32 $0x100;
	s17 =	simm.s32 $0x3  }
0x7: {  	s18 =	simm.s32 $0x8200;
	[smem:$0x7FF] =	sst s2;
	s5 =	sand.u32 $0x1, s3  }
0x8: {  	s31 =	sshll.u32 s19, $0x1;
	s4 =	sadd.s32 $0x5C00, s7;
	p0 =	sne.s32 s19, $0x0  }
.Ltmp0:
0x9: {  	s19 =	simm.s32 $0x0;
	_ =	strace $0x80000047;
	(pc) =	sbr.rel .LBB2_1-.Ltmp0, $4  }
0xa: {  	s3 =	sor.u32 s5, s31;
	s8 =	ssub.s32 $0x2, s5;
	s5 =	sadd.s32 $0x2CE00, s7  }
0xb: {  	s7 =	sadd.s32 $0x54000, s7;
	s6 =	sshll.u32 s3, $0x5;
	s9 =	sshrl.u32 s8, $0x1  }
0xc: {  	s10 =	sor.u32 $0x60, s3;
	s6 =	sadd.s32 s1, s6;
	s11 =	ssub.s32 s8, s9  }
0xd: {  	s9 =	sor.u32 $0x40, s3;
	s8 =	sadd.s32 $0x400, s6;
	s11 =	smax.u32 s11, $0x1  }
.LBB2_9:
0xe: {  	s19 =	sadd.s32 $0x1, s19  }
0xf: {  	p1 =	sne.s32 s19, s11  }
.Ltmp1:
0x10: {  	_ = 	snop;
	(pc) =	sbr.rel @!p1 .LBB2_10-.Ltmp1, $4  }
0x11: {  	s20 =	simm.s32 @!p0 $0x6  }
0x12: {  	_ =	swait.ge @!p0 [sflag:s20], $0x4000  }
0x13: {  	[sflag:s20] =	ssyncset.done @!p0 $0x0  }
0x14: {  	[sflag:s20] =	ssyncadd.s32 @!p0 $0xFFFFC000  }
.LBB2_1:
0x15: {  	[tilespmem:s2], [sflag:$0x1] =	stream.linear.gather [hbm4b:s6+s2], $0x100, $0x38;
	[tilespmem:$0x10200] =	vst v63  }
0x16: {  	_ =	swait.ge [sflag:s12], $0x100  }
0x17: {  	[sflag:s12] =	ssyncset.done $0x0  }
0x18: {  	[sflag:s12] =	ssyncadd.s32 $0xFFFFFF00  }
0x19: {  	[tilespmem:s14], [sflag:$0x3] =	stream.indirect.gather [hbm4b:s4+s13], $0x80, s2, s13, $0xb8;
	[tilespmem:$0x10200] =	vst v63  }
.Ltmp2:
0x1a: {  	_ = 	snop;
	(pc) =	sbr.rel .LBB2_2-.Ltmp2, $4  }
0x1b: {  	_ = 	snop  }
0x1c: {  	[tilespmem:s15], [sflag:$0x3] =	stream.indirect.gather [hbm4b:s5+s13], $0x80, s13, s13, $0xb8;
	[tilespmem:$0x10200] =	vst v63  }
0x1d: {  	s20 =	simm.s32 $0x0  }
0x1e: {  	[tilespmem:s16], [sflag:$0x2] =	stream.linear.gather [hbm4b:s8+s2], $0x100, $0x38;
	[tilespmem:$0x10200] =	vst v63  }
.LBB2_8:
0x1f: {  	s20 =	sadd.s32 $0x1, s20  }
0x20: {  	p1 =	sne.s32 s20, $0x14  }
.Ltmp3:
0x21: {  	_ = 	snop;
	(pc) =	sbr.rel @!p1 .LBB2_9-.Ltmp3, $1  }
0x22: {  	_ =	sdelay $0x3  }
.LBB2_2:
0x23: {  	s22 =	sshll.u32 s20, $0x6  }
0x24: {  	s23 =	sor.u32 s22, s3  }
0x25: {  	s21 =	sor.u32 $0x20, s23  }
0x26: {  	p1 =	sgt.u32 s21, $0x4E1  }
0x27: {  	s24 =	simm.s32 @!p1 $0x2  }
0x28: {  	_ =	swait.ge @!p1 [sflag:s24], $0x100  }
0x29: {  	p2 =	seq.s32 s20, $0x0;
	[sflag:s24] =	ssyncset.done @!p1 $0x0  }
0x2a: {  	[sflag:s24] =	ssyncadd.s32 @!p1 $0xFFFFFF00;
	s24 =	simm.s32 @!p2 $0x6  }
0x2b: {  	_ =	swait.ge @!p2 [sflag:s24], $0x4000  }
0x2c: {  	s25 =	simm.s32 @!p1 $0x100;
	[sflag:s24] =	ssyncset.done @!p2 $0x0  }
0x2d: {  	s26 =	simm.s32 @!p1 $0x8200;
	[sflag:s24] =	ssyncadd.s32 @!p2 $0xFFFFC000;
	s24 =	simm.s32 @!p1 $0x80  }
0x2e: {  	[tilespmem:s26], [sflag:$0x4] =	stream.indirect.gather @!p1 [hbm4b:s4+s24], $0x80, s25, s24, $0xb8;
	[tilespmem:$0x10200] =	vst v63  }
0x2f: {  	s25 =	simm.s32 @!p1 $0x180;
	s26 =	simm.s32 @!p1 $0xC200  }
0x30: {  	[tilespmem:s26], [sflag:$0x4] =	stream.indirect.gather @!p1 [hbm4b:s5+s24], $0x80, s25, s24, $0xb8;
	[tilespmem:$0x10200] =	vst v63  }
0x31: {  	_ =	swait.ge [sflag:s17], $0x4000  }
0x32: {  	[sflag:s17] =	ssyncset.done $0x0  }
0x33: {  	s24 =	sadd.s32 s9, s22;
	[sflag:s17] =	ssyncadd.s32 $0xFFFFC000  }
0x34: {  	p2 =	sgt.u32 s24, $0x4E1;
	_ =	swait.ge [sflag:s17], $0x4000  }
0x35: {  	s25 =	sshll.u32 @!p2 s24, $0x5;
	[sflag:s17] =	ssyncset.done $0x0  }
0x36: {  	s26 =	simm.s32 @!p2 $0x0;
	s25 =	sadd.s32 @!p2 s1, s25;
	[sflag:s17] =	ssyncadd.s32 $0xFFFFC000  }
0x37: {  	[tilespmem:s26], [sflag:$0x1] =	stream.linear.gather @!p2 [hbm4b:s25+s26], $0x100, $0x38;
	[tilespmem:$0x10200] =	vst v63  }
0x38: {  	s25 =	simm.s32 $0x0  }
0x39: {  	v7 =	vld [tilespmem:s25+$0x4200]  }
0x3a: {  	v11 =	vld [tilespmem:s25+$0x4210]  }
0x3b: {  	v5 =	vld [tilespmem:s25+$0x4220]  }
0x3c: {  	v4 =	vld [tilespmem:s25+$0x4230]  }
0x3d: {  	v3 =	vld [tilespmem:s25+$0x4240]  }
0x3e: {  	v2 =	vld [tilespmem:s25+$0x4250]  }
0x3f: {  	v1 =	vld [tilespmem:s25+$0x4260]  }
0x40: {  	v0 =	vld [tilespmem:s25+$0x4270]  }
0x41: {  	v12 =	vld [tilespmem:s25+$0x200]  }
0x42: {  	v13 =	vld [tilespmem:s25+$0x210]  }
0x43: {  	v10 =	vld [tilespmem:s25+$0x220]  }
0x44: {  	v9 =	vld [tilespmem:s25+$0x230]  }
0x45: {  	v8 =	vld [tilespmem:s25+$0x240]  }
0x46: {  	v6 =	vld [tilespmem:s25+$0x250];
	v12 =	vadd.f32 v7, v12  }
0x47: {  	s26 =	simm.s32 $0x200;
	v11 =	vadd.f32 v11, v13;
	v7 =	vld [tilespmem:s25+$0x260]  }
.LBB2_3:
0x48: {  	s28 =	sshra.s32 s26, $0x2;
	p2 =	sne.s32 s26, $0xFE00;
	[tilespmem:s25+$0x200] =	vst v12;
	v5 =	vadd.f32 v5, v10;
	v10 =	vld [tilespmem:s25+$0x270]  }
0x49: {  	v12 =	vld [tilespmem:s28+$0x4200];
	[tilespmem:s25+$0x210] =	vst v11;
	v4 =	vadd.f32 v4, v9  }
0x4a: {  	v11 =	vld [tilespmem:s28+$0x4210];
	[tilespmem:s25+$0x220] =	vst v5;
	v3 =	vadd.f32 v3, v8  }
0x4b: {  	v5 =	vld [tilespmem:s28+$0x4220];
	[tilespmem:s25+$0x230] =	vst v4;
	v2 =	vadd.f32 v2, v6  }
0x4c: {  	v4 =	vld [tilespmem:s28+$0x4230];
	[tilespmem:s25+$0x240] =	vst v3;
	v1 =	vadd.f32 v1, v7  }
0x4d: {  	v3 =	vld [tilespmem:s28+$0x4240];
	[tilespmem:s25+$0x250] =	vst v2;
	v0 =	vadd.f32 v0, v10  }
0x4e: {  	v2 =	vld [tilespmem:s28+$0x4250];
	[tilespmem:s25+$0x260] =	vst v1  }
0x4f: {  	v1 =	vld [tilespmem:s28+$0x4260];
	[tilespmem:s25+$0x270] =	vst v0;
	s25 =	smov.u32 s28  }
0x50: {  	v0 =	vld [tilespmem:s25+$0x4270]  }
0x51: {  	v6 =	vld [tilespmem:s25+$0x200]  }
0x52: {  	v7 =	vld [tilespmem:s25+$0x210]  }
.Ltmp4:
0x53: {  	v10 =	vld [tilespmem:s25+$0x220];
	(pc) =	sbr.rel @p2 .LBB2_3-.Ltmp4, $4  }
0x54: {  	v9 =	vld [tilespmem:s25+$0x230]  }
0x55: {  	v8 =	vld [tilespmem:s25+$0x240]  }
0x56: {  	v12 =	vadd.f32 v12, v6;
	v6 =	vld [tilespmem:s25+$0x250]  }
0x57: {  	s26 =	sadd.s32 $0x200, s26;
	v11 =	vadd.f32 v11, v7;
	v7 =	vld [tilespmem:s25+$0x260]  }
0x58: {  	[tilespmem:s25+$0x200] =	vst v12;
	v5 =	vadd.f32 v5, v10;
	v63 =	vld [tilespmem:s25+$0x270]  }
0x59: {  	[tilespmem:s25+$0x210] =	vst v11;
	v4 =	vadd.f32 v4, v9  }
0x5a: {  	[tilespmem:s25+$0x220] =	vst v5;
	v3 =	vadd.f32 v3, v8  }
0x5b: {  	[tilespmem:s25+$0x230] =	vst v4;
	v2 =	vadd.f32 v2, v6  }
0x5c: {  	[tilespmem:s25+$0x240] =	vst v3;
	v1 =	vadd.f32 v1, v7  }
0x5d: {  	[tilespmem:s25+$0x250] =	vst v2;
	v0 =	vadd.f32 v0, v63  }
0x5e: {  	s23 =	sshll.u32 s23, $0xB;
	[tilespmem:s25+$0x260] =	vst v1  }
0x5f: {  	p2 =	slt.u32 s24, $0x4E2;
	s23 =	sadd.s32 s7, s23;
	[tilespmem:s25+$0x270] =	vst v0  }
0x60: {  	[hbm4b:s23+s2] =	stream.linear.scatter [tilespmem:s14], [sflag:$0x5], $0x4000, $0x38;
	[tilespmem:$0x10200] =	vst v63  }
0x61: {  	s23 =	simm.s32 @p2 $0x1  }
0x62: {  	_ =	swait.ge @p2 [sflag:s23], $0x100  }
0x63: {  	[sflag:s23] =	ssyncset.done @p2 $0x0  }
0x64: {  	[sflag:s23] =	ssyncadd.s32 @p2 $0xFFFFFF00;
	s23 =	simm.s32 @p2 $0x5  }
0x65: {  	_ =	swait.ge @p2 [sflag:s23], $0x4000  }
0x66: {  	s24 =	simm.s32 @p2 $0x0;
	[sflag:s23] =	ssyncset.done @p2 $0x0  }
0x67: {  	s25 =	simm.s32 @p2 $0x200;
	[sflag:s23] =	ssyncadd.s32 @p2 $0xFFFFC000;
	s23 =	simm.s32 @p2 $0x80  }
0x68: {  	[tilespmem:s25], [sflag:$0x3] =	stream.indirect.gather @p2 [hbm4b:s4+s23], $0x80, s24, s23, $0xb8;
	[tilespmem:$0x10200] =	vst v63  }
0x69: {  	s24 =	simm.s32 @p2 $0x4200  }
0x6a: {  	[tilespmem:s24], [sflag:$0x3] =	stream.indirect.gather @p2 [hbm4b:s5+s23], $0x80, s23, s23, $0xb8;
	[tilespmem:$0x10200] =	vst v63  }
0x6b: {  	s23 =	simm.s32 @!p2 $0x5  }
0x6c: {  	_ =	swait.ge @!p2 [sflag:s23], $0x4000  }
0x6d: {  	[sflag:s23] =	ssyncset.done @!p2 $0x0  }
0x6e: {  	[sflag:s23] =	ssyncadd.s32 @!p2 $0xFFFFC000;
	s23 =	simm.s32 @!p1 $0x4  }
0x6f: {  	_ =	swait.ge @!p1 [sflag:s23], $0x4000  }
0x70: {  	[sflag:s23] =	ssyncset.done @!p1 $0x0  }
.Ltmp5:
0x71: {  	s22 =	sadd.s32 s10, s22;
	[sflag:s23] =	ssyncadd.s32 @!p1 $0xFFFFC000;
	(pc) =	sbr.rel @p1 .LBB2_8-.Ltmp5, $4  }
0x72: {  	p2 =	sgt.u32 s22, $0x4E1;
	_ =	swait.ge @!p1 [sflag:s23], $0x4000  }
0x73: {  	s22 =	sshll.u32 @!p2 s22, $0x5;
	s24 =	simm.s32 @!p2 $0x100;
	[sflag:s23] =	ssyncset.done @!p1 $0x0  }
0x74: {  	s22 =	sadd.s32 @!p2 s1, s22;
	[sflag:s23] =	ssyncadd.s32 @!p1 $0xFFFFC000;
	s23 =	simm.s32 @!p2 $0x0  }
0x75: {  	[tilespmem:s24], [sflag:$0x2] =	stream.linear.gather @!p2 [hbm4b:s22+s23], $0x100, $0x38;
	[tilespmem:$0x10200] =	vst v63  }
0x76: {  	s22 =	simm.s32 $0x0  }
0x77: {  	v7 =	vld [tilespmem:s22+$0xC200]  }
0x78: {  	v11 =	vld [tilespmem:s22+$0xC210]  }
0x79: {  	v5 =	vld [tilespmem:s22+$0xC220]  }
0x7a: {  	v4 =	vld [tilespmem:s22+$0xC230]  }
0x7b: {  	v3 =	vld [tilespmem:s22+$0xC240]  }
0x7c: {  	v2 =	vld [tilespmem:s22+$0xC250]  }
0x7d: {  	v1 =	vld [tilespmem:s22+$0xC260]  }
0x7e: {  	v0 =	vld [tilespmem:s22+$0xC270]  }
0x7f: {  	v12 =	vld [tilespmem:s22+$0x8200]  }
0x80: {  	v13 =	vld [tilespmem:s22+$0x8210]  }
0x81: {  	v10 =	vld [tilespmem:s22+$0x8220]  }
0x82: {  	v9 =	vld [tilespmem:s22+$0x8230]  }
0x83: {  	v8 =	vld [tilespmem:s22+$0x8240]  }
0x84: {  	v6 =	vld [tilespmem:s22+$0x8250];
	v12 =	vadd.f32 v7, v12  }
0x85: {  	s23 =	simm.s32 $0x200;
	v11 =	vadd.f32 v11, v13;
	v7 =	vld [tilespmem:s22+$0x8260]  }
.LBB2_6:
0x86: {  	s24 =	sshra.s32 s23, $0x2;
	p1 =	sne.s32 s23, $0xFE00;
	[tilespmem:s22+$0x8200] =	vst v12;
	v5 =	vadd.f32 v5, v10;
	v10 =	vld [tilespmem:s22+$0x8270]  }
0x87: {  	v12 =	vld [tilespmem:s24+$0xC200];
	[tilespmem:s22+$0x8210] =	vst v11;
	v4 =	vadd.f32 v4, v9  }
0x88: {  	v11 =	vld [tilespmem:s24+$0xC210];
	[tilespmem:s22+$0x8220] =	vst v5;
	v3 =	vadd.f32 v3, v8  }
0x89: {  	v5 =	vld [tilespmem:s24+$0xC220];
	[tilespmem:s22+$0x8230] =	vst v4;
	v2 =	vadd.f32 v2, v6  }
0x8a: {  	v4 =	vld [tilespmem:s24+$0xC230];
	[tilespmem:s22+$0x8240] =	vst v3;
	v1 =	vadd.f32 v1, v7  }
0x8b: {  	v3 =	vld [tilespmem:s24+$0xC240];
	[tilespmem:s22+$0x8250] =	vst v2;
	v0 =	vadd.f32 v0, v10  }
0x8c: {  	v2 =	vld [tilespmem:s24+$0xC250];
	[tilespmem:s22+$0x8260] =	vst v1  }
0x8d: {  	v1 =	vld [tilespmem:s24+$0xC260];
	[tilespmem:s22+$0x8270] =	vst v0;
	s22 =	smov.u32 s24  }
0x8e: {  	v0 =	vld [tilespmem:s22+$0xC270]  }
0x8f: {  	v6 =	vld [tilespmem:s22+$0x8200]  }
0x90: {  	v7 =	vld [tilespmem:s22+$0x8210]  }
.Ltmp6:
0x91: {  	v10 =	vld [tilespmem:s22+$0x8220];
	(pc) =	sbr.rel @p1 .LBB2_6-.Ltmp6, $4  }
0x92: {  	v9 =	vld [tilespmem:s22+$0x8230]  }
0x93: {  	v8 =	vld [tilespmem:s22+$0x8240]  }
0x94: {  	v12 =	vadd.f32 v12, v6;
	v6 =	vld [tilespmem:s22+$0x8250]  }
0x95: {  	s23 =	sadd.s32 $0x200, s23;
	v11 =	vadd.f32 v11, v7;
	v7 =	vld [tilespmem:s22+$0x8260]  }
0x96: {  	[tilespmem:s22+$0x8200] =	vst v12;
	v5 =	vadd.f32 v5, v10;
	v63 =	vld [tilespmem:s22+$0x8270]  }
0x97: {  	[tilespmem:s22+$0x8210] =	vst v11;
	v4 =	vadd.f32 v4, v9  }
0x98: {  	[tilespmem:s22+$0x8220] =	vst v5;
	v3 =	vadd.f32 v3, v8  }
0x99: {  	[tilespmem:s22+$0x8230] =	vst v4;
	v2 =	vadd.f32 v2, v6  }
.Ltmp7:
0x9a: {  	[tilespmem:s22+$0x8240] =	vst v3;
	v1 =	vadd.f32 v1, v7;
	(pc) =	sbr.rel .LBB2_8-.Ltmp7, $4  }
0x9b: {  	[tilespmem:s22+$0x8250] =	vst v2;
	v0 =	vadd.f32 v0, v63  }
0x9c: {  	s21 =	sshll.u32 s21, $0xB;
	[tilespmem:s22+$0x8260] =	vst v1  }
0x9d: {  	s21 =	sadd.s32 s7, s21;
	[tilespmem:s22+$0x8270] =	vst v0  }
0x9e: {  	[hbm4b:s21+s2] =	stream.linear.scatter [tilespmem:s18], [sflag:$0x6], $0x4000, $0x38;
	[tilespmem:$0x10200] =	vst v63  }
.LBB2_10:
0x9f: {  	_ =	sfence.sel $0x180000  }
0xa0: {  	[bflag:$0x0] =	sbarrier.arrive $0xFFFF  }
0xa1: {  	_ =	strace $0x90000047  }
0xa2: {  	s0 =	sadd.s32 @!p0 $0x100000, s0;
	[bflag:$0x2] =	sbarrier.arrive $0xFFFF  }
0xa3: {  	[sflag:s0] =	ssyncadd.tile.s32 @!p0 $0x1;
	_ =	shalt  }
.Lfunc_end2:
_tile_overlayer_lowered:
.L_overlay_start_2:
0xa4: {  	(tag) =	ssettag $0x2  }
0xa5: {  	s0 =	rddreg [dreg:$0x0];
	s2 =	stileid.u32  }
0xa6: {  	s1 =	rddreg [dreg:$0x1];
	p0 =	sne.s32 s2, $0x0  }
0xa7: {  	s3 =	rddreg [dreg:$0x2];
	[bflag:$0x3] =	sbarrier.arrive $0xFFFF;
	s2 =	simm.s32 @!p0 $0x1C07  }
0xa8: {  	[timem:s3], [sflag:s2] =	dma.local @!p0 [hbm:s0], s1  }
0xa9: {  	s0 =	simm.s32 @!p0 $0x7  }
0xaa: {  	_ =	swait.ge @!p0 [sflag:s0], s1  }
0xab: {  	s1 =	ssub.s32 @!p0 $0x0, s1;
	[sflag:s0] =	ssyncset.done @!p0 $0x0  }
0xac: {  	[sflag:s0] =	ssyncadd.s32 @!p0 s1  }
0xad: {  	[bflag:$0x3] =	sbarrier.arrive $0xFFFF  }
0xae: {  	_ =	shalt  }

// kernel: kernel.14.cloned.1.call-start
scs
__scs_entry_jumppad:
0x0: {  	(pc) =	sbr.rel $0x88, $3  }
0x1: {  	(tag) =	ssettag $0x0;
	lr =	simm.s32 $0x1  }
0x2: {  	[smem:$0x3F86] =	sst lr;
	_ =	strace $0xD0000000  }
0x3: {  	_ = 	snop  }
0x4: {  	_ = 	snop  }
0x5: {  	_ = 	snop  }
0x6: {  	_ = 	snop  }
0x7: {  	_ = 	snop  }
__scs_overlays_trampoline_lowered:
0x8: {  	[smem:$0x3F95] =	sst s0  }
0x9: {  	[smem:$0x3F96] =	sst s1  }
0xa: {  	[smem:$0x3F97] =	sst s2  }
0xb: {  	[smem:$0x3F98] =	sst s3  }
0xc: {  	[smem:$0x3F99] =	sst s4  }
0xd: {  	[smem:$0x3F9A] =	sst s5  }
0xe: {  	[smem:$0x3F9B] =	sst s6  }
0xf: {  	[smem:$0x3F9C] =	sst s7  }
0x10: {  	[smem:$0x3F9D] =	sst s8  }
0x11: {  	[smem:$0x3F9E] =	sst s9;
	s0 =	simm.s32 @!p0 $0x0  }
0x12: {  	s1 =	sld [smem:$0x3F84];
	s0 =	simm.s32 @p0 $0x1  }
0x13: {  	[smem:$0x3F9F] =	sst s0;
	s0 =	simm.s32 @!p1 $0x0  }
0x14: {  	s2 =	sld [smem:$0x3F83];
	s0 =	simm.s32 @p1 $0x1  }
0x15: {  	[smem:$0x3FA0] =	sst s0;
	s0 =	simm.s32 @!p2 $0x0  }
0x16: {  	s3 =	sld [smem:$0x3FDB];
	s0 =	simm.s32 @p2 $0x1  }
0x17: {  	s4 =	simm.s32 $0x1BF5;
	[smem:$0x3FA2] =	sst s0  }
0x18: {  	s0 =	sld [smem:$0x3F85];
	_ =	swait.ge [sflag:s4], $0x0  }
0x19: {  	s7 =	sld [smem:$0x3F86]  }
0x1a: {  	s8 =	sadd.s32 $0xFFFFE003, lr  }
0x1b: {  	s9 =	sadd.s32 $0xFFFFFEF7, lr;
	s5 =	simm.s32 $0xFFFFFFFF;
	p2 =	slt.u32 s8, $0xFFFFF086  }
0x1c: {  	p1 =	slt.u32 s9, $0xF7A;
	s5 =	simm.s32 @!p2 $0x0  }
0x1d: {  	s5 =	simm.s32 @p1 $0x1;
	p0 =	seq.s32 s7, s2  }
0x1e: {  	s7 =	smul.u32 @!p0 $0xF7A, s2;
	p2 =	seq.s32 @!p0 s5, $0x0  }
0x1f: {  	s9 =	smul.u32 $0xF7A, s1;
	s8 =	simm.s32 @!p0 $0x1BF5;
	p2 =	por !p2, p0  }
0x20: {  	[sflag:s8] =	ssyncset.s32 @!p0 $0xFFFFF086;
	s6 =	sadd.s32 @!p0 s3, s7;
	s7 =	simm.s32 @!p0 $0x108  }
0x21: {  	s3 =	sadd.s32 s3, s9;
	s6 =	sadd.s32 @!p0 $0x88, s6;
	s7 =	simm.s32 @p2 $0x1082  }
0x22: {  	[simem:s7], [sflag:s8] =	dma.local @!p0 [hbm:s6], $0xF7A  }
0x23: {  	s9 =	sor.u32 $0xD0000000, s2;
	s6 =	simm.s32 $0x108;
	_ =	swait.ge @!p0 [sflag:s8], $0x0  }
0x24: {  	s3 =	sadd.s32 $0x88, s3;
	s6 =	simm.s32 @!p1 $0x1082;
	[sflag:s4] =	ssyncset.s32 $0xFFFFF086  }
0x25: {  	[simem:s6], [sflag:s4] =	dma.local [hbm:s3], $0xF7A  }
0x26: {  	[smem:$0x3F86] =	sst s1;
	(tag) =	ssettag s2;
	_ =	strace s9  }
0x27: {  	s1 =	sld [smem:$0x3F96]  }
0x28: {  	s2 =	sld [smem:$0x3F97]  }
0x29: {  	s4 =	sld [smem:$0x3F99]  }
0x2a: {  	p0 =	seq.s32 s5, $0x0;
	s5 =	sld [smem:$0x3F9A]  }
0x2b: {  	s6 =	sld [smem:$0x3F9B]  }
0x2c: {  	s7 =	sld [smem:$0x3F9C]  }
0x2d: {  	s3 =	simm.s32 $0x108;
	s8 =	sld [smem:$0x3F9D]  }
0x2e: {  	s3 =	simm.s32 @!p0 $0x1082;
	s9 =	sld [smem:$0x3F9E]  }
0x2f: {  	lr =	sadd.s32 s0, s3;
	s0 =	sld [smem:$0x3F95]  }
0x30: {  	s3 =	sld [smem:$0x3F98]  }
0x31: {  	[smem:$0x3FA1] =	sst s10  }
0x32: {  	s10 =	sld [smem:$0x3F9F];
	_ =	sdelay $0x3  }
0x33: {  	p0 =	seq.s32 s10, $0x1;
	s10 =	sld [smem:$0x3FA1];
	_ =	sdelay $0x3  }
0x34: {  	[smem:$0x3FA1] =	sst s10  }
0x35: {  	s10 =	sld [smem:$0x3FA0];
	_ =	sdelay $0x3  }
0x36: {  	p1 =	seq.s32 s10, $0x1;
	s10 =	sld [smem:$0x3FA1];
	_ =	sdelay $0x3  }
0x37: {  	[smem:$0x3FA1] =	sst s10  }
0x38: {  	s10 =	sld [smem:$0x3FA2]  }
0x39: {  	_ = 	snop;
	(pc) =	sbr.ind lr, $3  }
0x3a: {  	_ = 	snop  }
0x3b: {  	_ = 	snop  }
0x3c: {  	p2 =	seq.s32 s10, $0x1;
	s10 =	sld [smem:$0x3FA1]  }
0x3d: {  	_ =	shalt  }
0x3e: {  	_ =	shalt  }
0x3f: {  	_ =	shalt  }
0x40: {  	_ =	shalt  }
0x41: {  	_ =	shalt  }
0x42: {  	_ =	shalt  }
0x43: {  	_ =	shalt  }
0x44: {  	_ =	shalt  }
0x45: {  	_ =	shalt  }
0x46: {  	_ =	shalt  }
0x47: {  	_ =	shalt  }
0x48: {  	_ =	shalt  }
0x49: {  	_ =	shalt  }
0x4a: {  	_ =	shalt  }
0x4b: {  	_ =	shalt  }
0x4c: {  	_ =	shalt  }
0x4d: {  	_ =	shalt  }
0x4e: {  	_ =	shalt  }
0x4f: {  	_ =	shalt  }
0x50: {  	_ =	shalt  }
0x51: {  	_ =	shalt  }
0x52: {  	_ =	shalt  }
0x53: {  	_ =	shalt  }
0x54: {  	_ =	shalt  }
0x55: {  	_ =	shalt  }
0x56: {  	_ =	shalt  }
0x57: {  	_ =	shalt  }
0x58: {  	_ =	shalt  }
0x59: {  	_ =	shalt  }
0x5a: {  	_ =	shalt  }
0x5b: {  	_ =	shalt  }
0x5c: {  	_ =	shalt  }
0x5d: {  	_ =	shalt  }
0x5e: {  	_ =	shalt  }
0x5f: {  	_ =	shalt  }
0x60: {  	_ =	shalt  }
0x61: {  	_ =	shalt  }
0x62: {  	_ =	shalt  }
0x63: {  	_ =	shalt  }
0x64: {  	_ =	shalt  }
0x65: {  	_ =	shalt  }
0x66: {  	_ =	shalt  }
0x67: {  	_ =	shalt  }
0x68: {  	_ =	shalt  }
0x69: {  	_ =	shalt  }
0x6a: {  	_ =	shalt  }
0x6b: {  	_ =	shalt  }
0x6c: {  	_ =	shalt  }
0x6d: {  	_ =	shalt  }
0x6e: {  	_ =	shalt  }
0x6f: {  	_ =	shalt  }
0x70: {  	_ =	shalt  }
0x71: {  	_ =	shalt  }
0x72: {  	_ =	shalt  }
0x73: {  	_ =	shalt  }
0x74: {  	_ =	shalt  }
0x75: {  	_ =	shalt  }
0x76: {  	_ =	shalt  }
0x77: {  	_ =	shalt  }
0x78: {  	_ =	shalt  }
0x79: {  	_ =	shalt  }
0x7a: {  	_ =	shalt  }
0x7b: {  	_ =	shalt  }
0x7c: {  	_ =	shalt  }
0x7d: {  	_ =	shalt  }
0x7e: {  	_ =	shalt  }
0x7f: {  	_ =	shalt  }
0x80: {  	_ =	shalt  }
0x81: {  	_ =	shalt  }
0x82: {  	_ =	shalt  }
0x83: {  	_ =	shalt  }
0x84: {  	_ =	shalt  }
0x85: {  	_ =	shalt  }
0x86: {  	_ =	shalt  }
0x87: {  	_ =	shalt  }
.Lfunc_end0:
.L_simem_size_0:
called_computation.1_lowered:
.L_overlay_start_0:
0x88: {  	s2 =	sld [smem:$0x3FD9]  }
0x89: {  	s3 =	sld [smem:$0x3FFE];
	_ =	sdelay $0x1  }
0x8a: {  	s1 =	srdreg.scid  }
0x8b: {  	s0 =	sand.u32 $0x1, s1  }
0x8c: {  	s14 =	sshll.u32 s0, $0xA;
	s2 =	sadd.s32 s3, s2  }
0x8d: {  	s2 =	sadd.s32 s2, s14  }
0x8e: {  	[smem:$0x3FAD] =	sst s2  }
0x8f: {  	_ = 	snop  }
0x90: {  	s2 =	sld [smem:$0x3FD0];
	_ =	sdelay $0x2  }
0x91: {  	s15 =	simm.s32 $0xA;
	s4 =	simm.s32 $0x10  }
0x92: {  	[smem:s4], [sflag:s15] =	dma.local [hbm:s2], $0x1  }
0x93: {  	_ =	swait.eq [sflag:s15], $0x1  }
0x94: {  	[sflag:s15] =	ssyncset.done $0x0  }
0x95: {  	[sflag:s15] =	ssyncadd.s32 $0xFFFFFFFF  }
0x96: {  	s16 =	sld [smem:$0x10];
	(tm) =	ssettm $0x1  }
0x97: {  	s17 =	sld [smem:$0x3FFB];
	_ =	sdelay $0x3  }
0x98: {  	_ =	strace s17  }
0x99: {  	s3 =	sld [smem:$0x3FFC];
	_ =	sdelay $0x3  }
0x9a: {  	_ =	strace s3  }
0x9b: {  	s3 =	sld [smem:$0x3FFD];
	_ =	sdelay $0x3  }
0x9c: {  	_ =	strace s3  }
0x9d: {  	_ =	strace $0x8FFFFFFF  }
0x9e: {  	s18 =	sld [smem:$0x3FDB];
	_ =	sdelay $0x1  }
0x9f: {  	s19 =	simm.s32 $_scs_section_size  }
0xa0: {  	s5 =	simm.s32 $_size__tile_overlayer_lowered;
	s6 =	simm.s32 $_tile_overlayer_lowered  }
0xa1: {  	s22 =	simm.s32 $0x1BFF;
	s21 =	sshll.u32 s6, $0x1;
	s3 =	sadd.s32 s19, s18  }
0xa2: {  	s7 =	simm.s32 $0x0;
	s20 =	sshll.u32 s5, $0x1;
	s5 =	sadd.s32 s21, s3  }
0xa3: {  	[timem:s7], [sflag:s22] =	dma.local [hbm:s5], s20  }
0xa4: {  	_ =	swait.ge [sflag:s22], s20  }
0xa5: {  	s4 =	ssub.s32 $0x0, s20;
	[sflag:s22] =	ssyncset.done $0x0  }
0xa6: {  	[sflag:s22] =	ssyncadd.s32 s4;
	_ =	sdelay $0x1  }
0xa7: {  	s23 =	simm.s32 $0x1B8B  }
0xa8: {  	_ =	swait.ge [sflag:s23], $0x1  }
0xa9: {  	[sflag:s23] =	ssyncset.done $0x0  }
0xaa: {  	s25 =	simm.s32 $0x1B8E;
	s24 =	sld [smem:$0x3FFE];
	[sflag:s23] =	ssyncadd.s32 $0xFFFFFFFF  }
0xab: {  	s26 =	simm.s32 $execute0_lowered;
	[smem:$0x3FD2] =	sst s25  }
0xac: {  	s5 =	sshll.u32 s26, $0x1;
	_ =	strace $0x80000049;
	[dreg:$0x1] =	wrdreg $0xFFFFFFFF  }
0xad: {  	s28 =	simm.s32 $_size_execute0_lowered;
	s3 =	sadd.s32 s3, s5;
	[dreg:$0x0] =	wrdreg $0x0  }
0xae: {  	s5 =	sshll.u32 s28, $0x1;
	[dreg:$0x2] =	wrdreg s3  }
0xaf: {  	[dreg:$0x3] =	wrdreg s5  }
0xb0: {  	[dreg:$0x4] =	wrdreg $0xC0  }
0xb1: {  	_ =	task [dreg:s7], $0x5FFFF  }
0xb2: {  	[dreg:$0x1] =	wrdreg $0xFFFFFFFF  }
0xb3: {  	[dreg:$0x0] =	wrdreg $0x60  }
0xb4: {  	[dreg:$0x2] =	wrdreg s24  }
0xb5: {  	[dreg:$0x3] =	wrdreg s16  }
0xb6: {  	[dreg:$0x4] =	wrdreg $0xC3000  }
0xb7: {  	[dreg:$0x5] =	wrdreg $0x9  }
0xb8: {  	_ =	task.clear_ibuf [dreg:s7], $0x6FFFF;
	_ =	strace $0x90000049  }
0xb9: {  	s29 =	simm.s32 $0x9;
	_ =	strace $0x8000004B  }
0xba: {  	_ =	swait.ge [sflag:s29], $0x1  }
0xbb: {  	[sflag:s29] =	ssyncadd.s32 $0xFFFFFFFF  }
0xbc: {  	_ =	strace $0x9000004B  }
0xbd: {  	_ =	sfence  }
0xbe: {  	s30 =	sld [smem:$0x0];
	_ =	sdelay $0x2  }
0xbf: {  	s31 =	sshll.u32 s1, $0xD;
	s1 =	sshrl.u32 s1, $0x2  }
0xc0: {  	s3 =	sand.u32 $0x4000, s31;
	s1 =	sadd.s32 s1, s30  }
0xc1: {  	s0 =	sor.u32 s3, s0;
	s1 =	sshll.u32 s1, $0x11  }
0xc2: {  	s0 =	sor.u32 s1, s0  }
0xc3: {  	s0 =	sadd.s32 $0x8F2B, s0  }
0xc4: {  	[sflag:s0] =	ssyncadd.remote.s32 $0x1  }
0xc5: {  	_ =	sfence.sel $0xFFFF  }
0xc6: {  	[dreg:$0x0] =	wrdreg $0xFFFFFFFF;
	(pc) =	sbr.abs _section_cstart, $3  }
0xc7: {  	[dreg:$0x1] =	wrdreg $0xFFFFFFFF  }
0xc8: {  	_ =	task.clear_ibuf [dreg:s7], $0x2FFFF;
	_ =	strace $0x9FFFFFFF  }
0xc9: {  	(tm) =	ssettm $0x7FFFFFFF  }
tec
execute0_lowered:
.L_overlay_start_1:
0x0: {  	(tag) =	ssettag $0x1  }
0x1: {  	s1 =	rddreg [dreg:$0x0]  }
0x2: {  	s12 =	rddreg [dreg:$0x1]  }
0x3: {  	s0 =	simm.s32 $0x0;
	s2 =	srdreg.scid;
	s29 =	simm.s32 $0x300  }
0x4: {  	s31 =	simm.s32 $0x4300;
	[smem:$0x7FF] =	sst s0;
	s4 =	sand.u32 $0x1, s2  }
0x5: {  	s30 =	simm.s32 $0x8;
	s2 =	stileid.u32;
	s14 =	smul.u32 $0x138800, s4  }
0x6: {  	s6 =	sadd.s32 $0x31A400, s1;
	s15 =	sor.u32 $0x10, s2;
	s16 =	smul.u32 $0x2800, s2  }
0x7: {  	s13 =	sadd.s32 $0x5C00, s1;
	s7 =	sor.u32 $0x20, s2;
	s17 =	smul.u32 $0x2800, s15  }
0x8: {  	s24 =	ssub.s32 $0x2, s4;
	s8 =	sor.u32 $0x30, s2;
	s18 =	smul.u32 $0x2800, s7  }
0x9: {  	s25 =	sshll.u32 s2, $0x1;
	s9 =	sor.u32 $0x40, s2;
	s19 =	smul.u32 $0x2800, s8  }
0xa: {  	s10 =	sor.u32 $0x50, s2;
	s11 =	sor.u32 $0x60, s2;
	s20 =	smul.u32 $0x2800, s9  }
0xb: {  	p0 =	sne.s32 s2, $0x0;
	p1 =	sgt.u32 s2, $0xC;
	s21 =	smul.u32 $0x2800, s10  }
0xc: {  	s3 =	sshrl.u32 s24, $0x1;
	s1 =	sor.u32 s4, s25;
	s23 =	smul.u32 $0x2800, s11  }
0xd: {  	s8 =	smul.u32 $0xA000, s8;
	s3 =	ssub.s32 s24, s3;
	s5 =	sshll.u32 s1, $0x5  }
0xe: {  	s22 =	sor.u32 $0x20, s1;
	s16 =	sadd.s32 s14, s16;
	s28 =	sor.u32 $0x80, s1  }
0xf: {  	s5 =	sadd.s32 s12, s5;
	s17 =	sadd.s32 s14, s17;
	s18 =	sadd.s32 s14, s18  }
0x10: {  	s19 =	sadd.s32 s14, s19;
	s20 =	sadd.s32 s14, s20;
	s21 =	sadd.s32 s14, s21  }
0x11: {  	s23 =	sadd.s32 s14, s23;
	s16 =	sshrl.u32 s16, $0x3;
	s3 =	smax.u32 s3, $0x1  }
0x12: {  	[dreg:$0x6] =	wrdreg s5;
	s5 =	sor.u32 $0x70, s2;
	s17 =	sshrl.u32 s17, $0x3  }
0x13: {  	s16 =	sadd.s32 s13, s16;
	s25 =	sshrl.u32 s23, $0x3;
	s23 =	smul.u32 $0xA000, s15  }
0x14: {  	s21 =	sshrl.u32 s21, $0x3;
	s15 =	smul.u32 $0xA000, s9;
	s9 =	simm.s32 $0x8300  }
0x15: {  	s24 =	smul.u32 $0x2800, s5;
	[dreg:$0x7] =	wrdreg s16;
	s26 =	sadd.s32 s13, s17  }
0x16: {  	s17 =	sshrl.u32 s18, $0x3;
	s18 =	sshrl.u32 s19, $0x3;
	s19 =	sshrl.u32 s20, $0x3  }
0x17: {  	p2 =	sgt.u32 s5, $0x7C;
	s5 =	smul.u32 $0xA000, s5;
	[dreg:$0x8] =	wrdreg s26  }
0x18: {  	s16 =	sadd.s32 s13, s17;
	s20 =	sadd.s32 s13, s19;
	s26 =	sshll.u32 s2, $0x6  }
0x19: {  	s17 =	sshll.u32 s1, $0xB;
	s1 =	simm.s32 $0x1;
	[dreg:$0x9] =	wrdreg s16  }
0x1a: {  	s14 =	sadd.s32 s14, s24;
	s24 =	sshll.u32 s22, $0x5;
	[dreg:$0xb] =	wrdreg s20  }
0x1b: {  	s16 =	sadd.s32 s13, s18;
	[dreg:$0xf] =	wrdreg s26;
	s18 =	sshll.u32 s4, $0x5  }
0x1c: {  	s19 =	sadd.s32 s6, s17;
	s20 =	sshll.u32 s22, $0xB;
	s22 =	simm.s32 $0x200  }
0x1d: {  	s4 =	sshll.u32 s4, $0xB;
	[dreg:$0xa] =	wrdreg s16;
	s16 =	sadd.s32 s13, s21  }
0x1e: {  	s14 =	sshrl.u32 s14, $0x3;
	[dreg:$0xc] =	wrdreg s16;
	s16 =	sadd.s32 s13, s25  }
0x1f: {  	s21 =	sshll.u32 s2, $0xC;
	s13 =	sadd.s32 s13, s14;
	[dreg:$0xd] =	wrdreg s16  }
0x20: {  	s25 =	smul.u32 $0xA000, s2;
	[dreg:$0xe] =	wrdreg s13;
	s16 =	sadd.s32 s12, s24  }
0x21: {  	s12 =	sadd.s32 s26, s12;
	s13 =	rddreg [dreg:$0x2];
	s24 =	simm.s32 $0x180  }
0x22: {  	s26 =	smul.u32 $0xA000, s7;
	[dreg:$0x10] =	wrdreg s16;
	s14 =	sadd.s32 s18, s12  }
0x23: {  	s12 =	sadd.s32 s6, s20;
	_ =	strace $0x8000004A;
	[dreg:$0x11] =	wrdreg s19  }
0x24: {  	s6 =	sadd.s32 s21, s6;
	s7 =	sshrl.u32 s25, $0x2;
	[dreg:$0x12] =	wrdreg s12  }
0x25: {  	s16 =	smul.u32 $0xA000, s10;
	s20 =	sshrl.u32 s8, $0x2;
	[dreg:$0x4] =	wrdreg s22  }
0x26: {  	s21 =	smul.u32 $0xA000, s11;
	s8 =	simm.s32 $0x7;
	[dreg:$0x5] =	wrdreg s24  }
0x27: {  	s10 =	simm.s32 $0x0;
	s4 =	sadd.s32 s4, s6;
	[dreg:$0x13] =	wrdreg s3  }
0x28: {  	s17 =	sadd.s32 s7, s13;
	s12 =	sshrl.u32 s23, $0x2;
	s2 =	sshrl.u32 s26, $0x2  }
0x29: {  	s7 =	sshrl.u32 s15, $0x2;
	s20 =	sadd.s32 s20, s13;
	s24 =	sshrl.u32 s5, $0x2  }
0x2a: {  	s3 =	simm.s32 $0x2;
	s5 =	simm.s32 $0x3;
	s6 =	simm.s32 $0x280  }
0x2b: {  	s18 =	sadd.s32 s12, s13;
	s19 =	sadd.s32 s2, s13;
	s26 =	sadd.s32 s7, s13  }
0x2c: {  	s22 =	sshrl.u32 s16, $0x2;
	s23 =	sshrl.u32 s21, $0x2;
	s25 =	sadd.s32 s24, s13  }
0x2d: {  	s16 =	sadd.s32 $0x40000, s4;
	s2 =	sadd.s32 s22, s13;
	[dreg:$0x16] =	wrdreg s25  }
0x2e: {  	s4 =	simm.s32 $0x4;
	[dreg:$0x14] =	wrdreg s2;
	s2 =	sadd.s32 s23, s13  }
0x2f: {  	v0 =	vimm.f32 $0.0e+00;
	s7 =	simm.s32 $0x5;
	[dreg:$0x15] =	wrdreg s2;
	s2 =	simm.s32 $0x80  }
.LBB2_1:
0x30: {  	s11 =	rddreg [dreg:$0x6]  }
0x31: {  	[tilespmem:s0], [sflag:$0x1] =	stream.linear.gather [hbm4b:s11+s0], $0x100, $0x38;
	[tilespmem:$0x1FB80] =	vst v63  }
0x32: {  	s23 =	rddreg [dreg:$0x11]  }
0x33: {  	[tilespmem:s29], [sflag:$0x1] =	stream.linear.gather [hbm4b:s23+s0], $0x4000, $0x38;
	[tilespmem:$0x1FB80] =	vst v63  }
0x34: {  	s24 =	rddreg [dreg:$0x10];
	s12 =	simm.s32 $0x100  }
0x35: {  	[tilespmem:s12], [sflag:$0x2] =	stream.linear.gather [hbm4b:s24+s0], $0x100, $0x38;
	[tilespmem:$0x1FB80] =	vst v63  }
0x36: {  	s25 =	rddreg [dreg:$0x12];
	s11 =	simm.s32 $0x0;
	s12 =	simm.s32 $0x200  }
0x37: {  	[tilespmem:s31], [sflag:$0x2] =	stream.linear.gather [hbm4b:s25+s0], $0x4000, $0x38;
	[tilespmem:$0x1FB80] =	vst v63  }
.LBB2_2:
0x38: {  	p3 =	sne.s32 s12, $0x9E00;
	[tilespmem:s11+$0x8370] =	vst v0  }
0x39: {  	[tilespmem:s11+$0x8300] =	vst v0  }
0x3a: {  	[tilespmem:s11+$0x8310] =	vst v0  }
.Ltmp0:
0x3b: {  	[tilespmem:s11+$0x8320] =	vst v0;
	(pc) =	sbr.rel @p3 .LBB2_2-.Ltmp0, $4  }
0x3c: {  	[tilespmem:s11+$0x8330] =	vst v0  }
0x3d: {  	[tilespmem:s11+$0x8340] =	vst v0  }
0x3e: {  	[tilespmem:s11+$0x8350] =	vst v0  }
0x3f: {  	[tilespmem:s11+$0x8360] =	vst v0;
	s11 =	sshra.s32 s12, $0x2;
	s12 =	sadd.s32 $0x200, s12  }
0x40: {  	[tilespmem:s11+$0x8370] =	vst v0  }
0x41: {  	[tilespmem:s11+$0x8300] =	vst v0  }
0x42: {  	[tilespmem:s11+$0x8310] =	vst v0  }
0x43: {  	[tilespmem:s11+$0x8320] =	vst v0  }
0x44: {  	[tilespmem:s11+$0x8330] =	vst v0  }
0x45: {  	[tilespmem:s11+$0x8340] =	vst v0  }
0x46: {  	[tilespmem:s11+$0x8350] =	vst v0  }
0x47: {  	[tilespmem:s11+$0x8360] =	vst v0  }
0x48: {  	[spmem:s17] =	stream.linear.scatter [tilespmem:s9], [sflag:$0x8], $0x2800, $0x38;
	[tilespmem:$0x1FB80] =	vst v63  }
0x49: {  	_ =	swait.ge [sflag:s30], $0x2800  }
0x4a: {  	[sflag:s30] =	ssyncset.done $0x0  }
0x4b: {  	[sflag:s30] =	ssyncadd.s32 $0xFFFFD800  }
0x4c: {  	[spmem:s18] =	stream.linear.scatter [tilespmem:s9], [sflag:$0x8], $0x2800, $0x38;
	[tilespmem:$0x1FB80] =	vst v63  }
0x4d: {  	_ =	swait.ge [sflag:s30], $0x2800  }
0x4e: {  	[sflag:s30] =	ssyncset.done $0x0  }
0x4f: {  	[sflag:s30] =	ssyncadd.s32 $0xFFFFD800  }
0x50: {  	[spmem:s19] =	stream.linear.scatter [tilespmem:s9], [sflag:$0x8], $0x2800, $0x38;
	[tilespmem:$0x1FB80] =	vst v63  }
0x51: {  	_ =	swait.ge [sflag:s30], $0x2800  }
0x52: {  	[sflag:s30] =	ssyncset.done $0x0  }
0x53: {  	[sflag:s30] =	ssyncadd.s32 $0xFFFFD800  }
0x54: {  	[spmem:s20] =	stream.linear.scatter [tilespmem:s9], [sflag:$0x8], $0x2800, $0x38;
	[tilespmem:$0x1FB80] =	vst v63  }
0x55: {  	_ =	swait.ge [sflag:s30], $0x2800  }
0x56: {  	[sflag:s30] =	ssyncset.done $0x0  }
0x57: {  	[sflag:s30] =	ssyncadd.s32 $0xFFFFD800  }
0x58: {  	[spmem:s26] =	stream.linear.scatter [tilespmem:s9], [sflag:$0x8], $0x2800, $0x38;
	[tilespmem:$0x1FB80] =	vst v63  }
0x59: {  	_ =	swait.ge [sflag:s30], $0x2800  }
0x5a: {  	[sflag:s30] =	ssyncset.done $0x0  }
0x5b: {  	s12 =	rddreg [dreg:$0x14];
	[sflag:s30] =	ssyncadd.s32 $0xFFFFD800  }
0x5c: {  	[spmem:s12] =	stream.linear.scatter [tilespmem:s9], [sflag:$0x8], $0x2800, $0x38;
	[tilespmem:$0x1FB80] =	vst v63  }
0x5d: {  	_ =	swait.ge [sflag:s30], $0x2800  }
0x5e: {  	[sflag:s30] =	ssyncset.done $0x0  }
0x5f: {  	s15 =	rddreg [dreg:$0x15];
	[sflag:s30] =	ssyncadd.s32 $0xFFFFD800  }
0x60: {  	[spmem:s15] =	stream.linear.scatter [tilespmem:s9], [sflag:$0x8], $0x2800, $0x38;
	[tilespmem:$0x1FB80] =	vst v63  }
0x61: {  	_ =	swait.ge [sflag:s30], $0x2800  }
0x62: {  	[sflag:s30] =	ssyncset.done $0x0  }
0x63: {  	s11 =	simm.s32 @!p2 $0x8300;
	s12 =	rddreg [dreg:$0x16];
	[sflag:s30] =	ssyncadd.s32 $0xFFFFD800  }
0x64: {  	[spmem:s12] =	stream.linear.scatter @!p2 [tilespmem:s11], [sflag:$0x8], $0x2800, $0x38;
	[tilespmem:$0x1FB80] =	vst v63  }
0x65: {  	s11 =	simm.s32 @!p2 $0x8  }
0x66: {  	_ =	swait.ge @!p2 [sflag:s11], $0x2800  }
0x67: {  	[sflag:s11] =	ssyncset.done @!p2 $0x0  }
0x68: {  	[sflag:s11] =	ssyncadd.s32 @!p2 $0xFFFFD800  }
0x69: {  	[bflag:$0x0] =	sbarrier.arrive $0xFFFF  }
0x6a: {  	_ =	swait.ge [sflag:s1], $0x100  }
0x6b: {  	[sflag:s1] =	ssyncset.done $0x0  }
0x6c: {  	[sflag:s1] =	ssyncadd.s32 $0xFFFFFF00  }
0x6d: {  	_ =	swait.ge [sflag:s1], $0x4000  }
0x6e: {  	p3 =	por $0x1, $0x1;
	[sflag:s1] =	ssyncset.done $0x0  }
0x6f: {  	s11 =	simm.s32 @!p3 $0x6;
	[sflag:s1] =	ssyncadd.s32 $0xFFFFC000  }
0x70: {  	[spmem:s13] =	stream.indirect.scatter.add.f32 [tilespmem:s29], [sflag:$0x4], $0x80, s2, s2, $0xb8;
	[tilespmem:$0x1FB80] =	vst v63  }
0x71: {  	s21 =	smov.u32 s17;
	_ =	swait.ge @!p3 [sflag:s11], $0x4000  }
0x72: {  	s22 =	smov.u32 s18;
	s15 =	sadd.s32 $0x0, s14;
	[sflag:s11] =	ssyncset.done @!p3 $0x0  }
0x73: {  	s18 =	sadd.s32 $0x800, s15;
	s17 =	rddreg [dreg:$0x4];
	[sflag:s11] =	ssyncadd.s32 @!p3 $0xFFFFC000  }
0x74: {  	[tilespmem:s17], [sflag:$0x3] =	stream.linear.gather [hbm4b:s18+s0], $0x100, $0x38;
	[tilespmem:$0x1FB80] =	vst v63  }
0x75: {  	s23 =	smov.u32 s19;
	s19 =	sadd.s32 $0xFFFE0000, s16  }
0x76: {  	[tilespmem:s9], [sflag:$0x3] =	stream.linear.gather [hbm4b:s19+s0], $0x4000, $0x38;
	[tilespmem:$0x1FB80] =	vst v63  }
0x77: {  	_ =	swait.ge [sflag:s3], $0x100  }
0x78: {  	[sflag:s3] =	ssyncset.done $0x0  }
0x79: {  	[sflag:s3] =	ssyncadd.s32 $0xFFFFFF00  }
0x7a: {  	_ =	swait.ge [sflag:s3], $0x4000  }
0x7b: {  	s24 =	smov.u32 s20;
	s25 =	smov.u32 s26;
	[sflag:s3] =	ssyncset.done $0x0  }
0x7c: {  	s26 =	sadd.s32 $0xFFFFFFE0, s28;
	s20 =	rddreg [dreg:$0x5];
	[sflag:s3] =	ssyncadd.s32 $0xFFFFC000  }
0x7d: {  	[spmem:s13] =	stream.indirect.scatter.add.f32 [tilespmem:s31], [sflag:$0x5], $0x80, s20, s2, $0xb8;
	[tilespmem:$0x1FB80] =	vst v63  }
0x7e: {  	p3 =	sgt.u32 s26, $0x4E1;
	_ =	swait.ge [sflag:s4], $0x4000  }
0x7f: {  	s11 =	sadd.s32 @!p3 $0x0, s14;
	[sflag:s4] =	ssyncset.done $0x0  }
0x80: {  	s12 =	simm.s32 @!p3 $0x0;
	s11 =	sadd.s32 @!p3 $0xC00, s11;
	[sflag:s4] =	ssyncadd.s32 $0xFFFFC000  }
0x81: {  	[tilespmem:s12], [sflag:$0x1] =	stream.linear.gather @!p3 [hbm4b:s11+s12], $0x100, $0x38;
	[tilespmem:$0x1FB80] =	vst v63  }
0x82: {  	s15 =	simm.s32 @!p3 $0x300;
	s11 =	sadd.s32 @!p3 $0xFFFF0000, s16  }
0x83: {  	[tilespmem:s15], [sflag:$0x1] =	stream.linear.gather @!p3 [hbm4b:s11+s12], $0x4000, $0x38;
	[tilespmem:$0x1FB80] =	vst v63  }
0x84: {  	_ =	swait.ge [sflag:s5], $0x100  }
0x85: {  	[sflag:s5] =	ssyncset.done $0x0  }
0x86: {  	[sflag:s5] =	ssyncadd.s32 $0xFFFFFF00  }
0x87: {  	_ =	swait.ge [sflag:s5], $0x4000  }
0x88: {  	[sflag:s5] =	ssyncset.done $0x0  }
0x89: {  	[sflag:s5] =	ssyncadd.s32 $0xFFFFC000  }
0x8a: {  	[spmem:s13] =	stream.indirect.scatter.add.f32 [tilespmem:s9], [sflag:$0x6], $0x80, s6, s2, $0xb8;
	[tilespmem:$0x1FB80] =	vst v63  }
0x8b: {  	p4 =	sgt.u32 s28, $0x4E1;
	s26 =	smov.u32 s16;
	_ =	swait.ge [sflag:s7], $0x4000  }
0x8c: {  	s18 =	simm.s32 @!p4 $0x0;
	s11 =	sadd.s32 @!p4 $0x0, s14;
	[sflag:s7] =	ssyncset.done $0x0  }
0x8d: {  	s12 =	simm.s32 @!p4 $0x100;
	s11 =	sadd.s32 @!p4 $0x1000, s11;
	[sflag:s7] =	ssyncadd.s32 $0xFFFFC000  }
0x8e: {  	[tilespmem:s12], [sflag:$0x2] =	stream.linear.gather @!p4 [hbm4b:s11+s18], $0x100, $0x38;
	[tilespmem:$0x1FB80] =	vst v63  }
0x8f: {  	s15 =	sadd.s32 $0x60, s28;
	s12 =	simm.s32 $0xC00;
	s11 =	smov.u32 s16  }
.LBB2_4:
0x90: {  	s19 =	simm.s32 @!p4 $0x4300  }
0x91: {  	[tilespmem:s19], [sflag:$0x2] =	stream.linear.gather @!p4 [hbm4b:s11+s18], $0x4000, $0x38;
	[tilespmem:$0x1FB80] =	vst v63  }
0x92: {  	_ =	swait.ge [sflag:s1], $0x100  }
0x93: {  	[sflag:s1] =	ssyncset.done $0x0  }
0x94: {  	[sflag:s1] =	ssyncadd.s32 $0xFFFFFF00  }
0x95: {  	s17 =	smov.u32 s12;
	_ =	swait.ge [sflag:s1], $0x4000  }
0x96: {  	p4 =	seq.s32 s17, $0x0;
	[sflag:s1] =	ssyncset.done $0x0  }
0x97: {  	s18 =	simm.s32 @!p4 $0x6;
	[sflag:s1] =	ssyncadd.s32 $0xFFFFC000  }
0x98: {  	[spmem:s13] =	stream.indirect.scatter.add.f32 [tilespmem:s29], [sflag:$0x4], $0x80, s2, s2, $0xb8;
	[tilespmem:$0x1FB80] =	vst v63  }
0x99: {  	_ =	swait.ge @!p4 [sflag:s18], $0x4000  }
0x9a: {  	s26 =	sadd.s32 $0x30000, s26;
	s19 =	sadd.s32 s17, s14;
	[sflag:s18] =	ssyncset.done @!p4 $0x0  }
0x9b: {  	s20 =	rddreg [dreg:$0x4];
	[sflag:s18] =	ssyncadd.s32 @!p4 $0xFFFFC000;
	s18 =	sadd.s32 $0x800, s19  }
0x9c: {  	[tilespmem:s20], [sflag:$0x3] =	stream.linear.gather [hbm4b:s18+s0], $0x100, $0x38;
	[tilespmem:$0x1FB80] =	vst v63  }
0x9d: {  	s19 =	sadd.s32 $0xFFFE0000, s26  }
0x9e: {  	[tilespmem:s9], [sflag:$0x3] =	stream.linear.gather [hbm4b:s19+s0], $0x4000, $0x38;
	[tilespmem:$0x1FB80] =	vst v63  }
0x9f: {  	_ =	swait.ge [sflag:s3], $0x100  }
0xa0: {  	[sflag:s3] =	ssyncset.done $0x0  }
0xa1: {  	[sflag:s3] =	ssyncadd.s32 $0xFFFFFF00  }
0xa2: {  	_ =	swait.ge [sflag:s3], $0x4000  }
0xa3: {  	[sflag:s3] =	ssyncset.done $0x0  }
0xa4: {  	s20 =	sadd.s32 $0xFFFFFFE0, s15;
	s19 =	rddreg [dreg:$0x5];
	[sflag:s3] =	ssyncadd.s32 $0xFFFFC000  }
0xa5: {  	[spmem:s13] =	stream.indirect.scatter.add.f32 [tilespmem:s31], [sflag:$0x5], $0x80, s19, s2, $0xb8;
	[tilespmem:$0x1FB80] =	vst v63  }
0xa6: {  	p4 =	sgt.u32 s20, $0x4E1;
	_ =	swait.ge [sflag:s4], $0x4000  }
0xa7: {  	s18 =	sadd.s32 @!p4 s17, s14;
	[sflag:s4] =	ssyncset.done $0x0  }
0xa8: {  	s18 =	sadd.s32 @!p4 $0xC00, s18;
	s19 =	simm.s32 @!p4 $0x0;
	[sflag:s4] =	ssyncadd.s32 $0xFFFFC000  }
0xa9: {  	[tilespmem:s19], [sflag:$0x1] =	stream.linear.gather @!p4 [hbm4b:s18+s19], $0x100, $0x38;
	[tilespmem:$0x1FB80] =	vst v63  }
0xaa: {  	s20 =	simm.s32 @!p4 $0x300;
	s18 =	sadd.s32 @!p4 $0xFFFF0000, s26  }
0xab: {  	[tilespmem:s20], [sflag:$0x1] =	stream.linear.gather @!p4 [hbm4b:s18+s19], $0x4000, $0x38;
	[tilespmem:$0x1FB80] =	vst v63  }
0xac: {  	_ =	swait.ge [sflag:s5], $0x100  }
0xad: {  	[sflag:s5] =	ssyncset.done $0x0  }
0xae: {  	[sflag:s5] =	ssyncadd.s32 $0xFFFFFF00  }
0xaf: {  	_ =	swait.ge [sflag:s5], $0x4000  }
0xb0: {  	s12 =	sadd.s32 $0xC00, s12;
	[sflag:s5] =	ssyncset.done $0x0  }
0xb1: {  	p3 =	sne.s32 s12, $0x9C00;
	[sflag:s5] =	ssyncadd.s32 $0xFFFFC000  }
0xb2: {  	[spmem:s13] =	stream.indirect.scatter.add.f32 [tilespmem:s9], [sflag:$0x6], $0x80, s6, s2, $0xb8;
	[tilespmem:$0x1FB80] =	vst v63  }
.Ltmp1:
0xb3: {  	s11 =	smov.u32 s26;
	(pc) =	sbr.rel @p3 .LBB2_4-.Ltmp1, $4  }
0xb4: {  	p4 =	sgt.u32 s15, $0x4E1;
	s15 =	sadd.s32 $0x60, s15;
	_ =	swait.ge [sflag:s7], $0x4000  }
0xb5: {  	s17 =	sadd.s32 @!p4 s17, s14;
	s19 =	simm.s32 @!p4 $0x100;
	[sflag:s7] =	ssyncset.done $0x0  }
0xb6: {  	s18 =	simm.s32 @!p4 $0x0;
	s17 =	sadd.s32 @!p4 $0x1000, s17;
	[sflag:s7] =	ssyncadd.s32 $0xFFFFC000  }
0xb7: {  	[tilespmem:s19], [sflag:$0x2] =	stream.linear.gather @!p4 [hbm4b:s17+s18], $0x100, $0x38;
	[tilespmem:$0x1FB80] =	vst v63  }
0xb8: {  	s12 =	simm.s32 @!p4 $0x4300  }
0xb9: {  	[tilespmem:s12], [sflag:$0x2] =	stream.linear.gather @!p4 [hbm4b:s11+s18], $0x4000, $0x38;
	[tilespmem:$0x1FB80] =	vst v63  }
0xba: {  	s11 =	simm.s32 @!p0 $0x1  }
0xbb: {  	_ =	swait.ge @!p0 [sflag:s11], $0x100  }
0xbc: {  	[sflag:s11] =	ssyncset.done @!p0 $0x0  }
0xbd: {  	[sflag:s11] =	ssyncadd.s32 @!p0 $0xFFFFFF00  }
0xbe: {  	_ =	swait.ge @!p0 [sflag:s11], $0x4000  }
0xbf: {  	[sflag:s11] =	ssyncset.done @!p0 $0x0  }
0xc0: {  	s12 =	simm.s32 @!p0 $0x300;
	[sflag:s11] =	ssyncadd.s32 @!p0 $0xFFFFC000;
	s11 =	simm.s32 @!p0 $0x80  }
0xc1: {  	[spmem:s13] =	stream.indirect.scatter.add.f32 @!p0 [tilespmem:s12], [sflag:$0x4], $0x80, s11, s11, $0xb8;
	[tilespmem:$0x1FB80] =	vst v63  }
0xc2: {  	s11 =	simm.s32 @!p0 $0x6  }
0xc3: {  	_ =	swait.ge @!p0 [sflag:s11], $0x4000  }
0xc4: {  	s12 =	simm.s32 @!p0 $0x4;
	[sflag:s11] =	ssyncset.done @!p0 $0x0  }
0xc5: {  	s12 =	simm.s32 @p0 $0x6;
	[sflag:s11] =	ssyncadd.s32 @!p0 $0xFFFFC000  }
0xc6: {  	_ =	swait.ge [sflag:s12], $0x4000  }
0xc7: {  	[sflag:s12] =	ssyncset.done $0x0  }
0xc8: {  	[sflag:s12] =	ssyncadd.s32 $0xFFFFC000  }
0xc9: {  	[bflag:$0x0] =	sbarrier.arrive $0xFFFF  }
0xca: {  	s19 =	rddreg [dreg:$0xf]  }
0xcb: {  	s20 =	sshrl.u32 s21, $0x3;
	s15 =	rddreg [dreg:$0x7];
	s11 =	sor.u32 $0x1C07, s19  }
0xcc: {  	[hbm:s15], [sflag:s11] =	dma.local [spmem:s20], $0x500  }
0xcd: {  	s17 =	smov.u32 s21;
	s21 =	sshrl.u32 s22, $0x3;
	s15 =	rddreg [dreg:$0x8]  }
0xce: {  	[hbm:s15], [sflag:s11] =	dma.local [spmem:s21], $0x500  }
0xcf: {  	s18 =	smov.u32 s22;
	s22 =	sshrl.u32 s23, $0x3;
	s15 =	rddreg [dreg:$0x9]  }
0xd0: {  	[hbm:s15], [sflag:s11] =	dma.local [spmem:s22], $0x500  }
0xd1: {  	s19 =	smov.u32 s23;
	s23 =	sshrl.u32 s24, $0x3;
	s15 =	rddreg [dreg:$0xa]  }
0xd2: {  	[hbm:s15], [sflag:s11] =	dma.local [spmem:s23], $0x500  }
0xd3: {  	s20 =	smov.u32 s24;
	s24 =	sshrl.u32 s25, $0x3;
	s15 =	rddreg [dreg:$0xb]  }
0xd4: {  	[hbm:s15], [sflag:s11] =	dma.local [spmem:s24], $0x500  }
0xd5: {  	s12 =	rddreg [dreg:$0x14]  }
0xd6: {  	s15 =	rddreg [dreg:$0xc];
	s12 =	sshrl.u32 s12, $0x3  }
0xd7: {  	[hbm:s15], [sflag:s11] =	dma.local [spmem:s12], $0x500  }
0xd8: {  	s12 =	rddreg [dreg:$0x15]  }
0xd9: {  	s15 =	rddreg [dreg:$0xd];
	s12 =	sshrl.u32 s12, $0x3  }
0xda: {  	[hbm:s15], [sflag:s11] =	dma.local [spmem:s12], $0x500  }
0xdb: {  	s12 =	rddreg [dreg:$0x16]  }
0xdc: {  	s15 =	rddreg [dreg:$0xe];
	s12 =	sshrl.u32 @!p2 s12, $0x3  }
0xdd: {  	[hbm:s15], [sflag:s11] =	dma.local @!p2 [spmem:s12], $0x500  }
0xde: {  	_ =	swait.ge [sflag:s8], $0x500  }
0xdf: {  	[sflag:s8] =	ssyncset.done $0x0  }
0xe0: {  	[sflag:s8] =	ssyncadd.s32 $0xFFFFFB00  }
0xe1: {  	_ =	swait.ge [sflag:s8], $0x500  }
0xe2: {  	[sflag:s8] =	ssyncset.done $0x0  }
0xe3: {  	[sflag:s8] =	ssyncadd.s32 $0xFFFFFB00  }
0xe4: {  	_ =	swait.ge [sflag:s8], $0x500  }
0xe5: {  	[sflag:s8] =	ssyncset.done $0x0  }
0xe6: {  	[sflag:s8] =	ssyncadd.s32 $0xFFFFFB00  }
0xe7: {  	_ =	swait.ge [sflag:s8], $0x500  }
0xe8: {  	[sflag:s8] =	ssyncset.done $0x0  }
0xe9: {  	[sflag:s8] =	ssyncadd.s32 $0xFFFFFB00  }
0xea: {  	_ =	swait.ge [sflag:s8], $0x500  }
0xeb: {  	[sflag:s8] =	ssyncset.done $0x0  }
0xec: {  	[sflag:s8] =	ssyncadd.s32 $0xFFFFFB00  }
0xed: {  	_ =	swait.ge [sflag:s8], $0x500  }
0xee: {  	[sflag:s8] =	ssyncset.done $0x0  }
0xef: {  	[sflag:s8] =	ssyncadd.s32 $0xFFFFFB00  }
0xf0: {  	_ =	swait.ge [sflag:s8], $0x500  }
0xf1: {  	[sflag:s8] =	ssyncset.done $0x0  }
0xf2: {  	s11 =	simm.s32 @!p1 $0x7;
	[sflag:s8] =	ssyncadd.s32 $0xFFFFFB00  }
0xf3: {  	_ =	swait.ge @!p1 [sflag:s11], $0x500  }
0xf4: {  	s26 =	smov.u32 s25;
	s10 =	sadd.s32 $0x1, s10;
	s25 =	rddreg [dreg:$0x13]  }
0xf5: {  	p3 =	sne.s32 s10, s25  }
.Ltmp2:
0xf6: {  	_ = 	snop;
	(pc) =	sbr.rel @p3 .LBB2_1-.Ltmp2, $3  }
0xf7: {  	_ =	sdelay $0x1  }
0xf8: {  	[sflag:s11] =	ssyncset.done @!p1 $0x0  }
0xf9: {  	[sflag:s11] =	ssyncadd.s32 @!p1 $0xFFFFFB00  }
0xfa: {  	_ =	sfence.sel $0x180000  }
0xfb: {  	[bflag:$0x0] =	sbarrier.arrive $0xFFFF  }
0xfc: {  	_ =	strace $0x9000004A  }
0xfd: {  	[bflag:$0x2] =	sbarrier.arrive $0xFFFF  }
0xfe: {  	s0 =	rddreg [dreg:$0x3]  }
0xff: {  	s0 =	sadd.s32 @!p0 $0x100000, s0  }
0x100: {  	[sflag:s0] =	ssyncadd.tile.s32 @!p0 $0x1;
	_ =	shalt  }
.Lfunc_end2:
_tile_overlayer_lowered:
.L_overlay_start_2:
0x101: {  	(tag) =	ssettag $0x2  }
0x102: {  	s0 =	rddreg [dreg:$0x0];
	s2 =	stileid.u32  }
0x103: {  	s1 =	rddreg [dreg:$0x1];
	p0 =	sne.s32 s2, $0x0  }
0x104: {  	s3 =	rddreg [dreg:$0x2];
	[bflag:$0x3] =	sbarrier.arrive $0xFFFF;
	s2 =	simm.s32 @!p0 $0x1C08  }
0x105: {  	[timem:s3], [sflag:s2] =	dma.local @!p0 [hbm:s0], s1  }
0x106: {  	s0 =	simm.s32 @!p0 $0x8  }
0x107: {  	_ =	swait.ge @!p0 [sflag:s0], s1  }
0x108: {  	s1 =	ssub.s32 @!p0 $0x0, s1;
	[sflag:s0] =	ssyncset.done @!p0 $0x0  }
0x109: {  	[sflag:s0] =	ssyncadd.s32 @!p0 s1  }
0x10a: {  	[bflag:$0x3] =	sbarrier.arrive $0xFFFF  }
0x10b: {  	_ =	shalt  }

// kernel: kernel.17.cloned.1.call-start
scs
__scs_entry_jumppad:
0x0: {  	(pc) =	sbr.rel $0x88, $3  }
0x1: {  	(tag) =	ssettag $0x0;
	lr =	simm.s32 $0x1  }
0x2: {  	[smem:$0x3F86] =	sst lr;
	_ =	strace $0xD0000000  }
0x3: {  	_ = 	snop  }
0x4: {  	_ = 	snop  }
0x5: {  	_ = 	snop  }
0x6: {  	_ = 	snop  }
0x7: {  	_ = 	snop  }
__scs_overlays_trampoline_lowered:
0x8: {  	[smem:$0x3F95] =	sst s0  }
0x9: {  	[smem:$0x3F96] =	sst s1  }
0xa: {  	[smem:$0x3F97] =	sst s2  }
0xb: {  	[smem:$0x3F98] =	sst s3  }
0xc: {  	[smem:$0x3F99] =	sst s4  }
0xd: {  	[smem:$0x3F9A] =	sst s5  }
0xe: {  	[smem:$0x3F9B] =	sst s6  }
0xf: {  	[smem:$0x3F9C] =	sst s7  }
0x10: {  	[smem:$0x3F9D] =	sst s8  }
0x11: {  	[smem:$0x3F9E] =	sst s9;
	s0 =	simm.s32 @!p0 $0x0  }
0x12: {  	s1 =	sld [smem:$0x3F84];
	s0 =	simm.s32 @p0 $0x1  }
0x13: {  	[smem:$0x3F9F] =	sst s0;
	s0 =	simm.s32 @!p1 $0x0  }
0x14: {  	s2 =	sld [smem:$0x3F83];
	s0 =	simm.s32 @p1 $0x1  }
0x15: {  	[smem:$0x3FA0] =	sst s0;
	s0 =	simm.s32 @!p2 $0x0  }
0x16: {  	s3 =	sld [smem:$0x3FDB];
	s0 =	simm.s32 @p2 $0x1  }
0x17: {  	s4 =	simm.s32 $0x1BF5;
	[smem:$0x3FA2] =	sst s0  }
0x18: {  	s0 =	sld [smem:$0x3F85];
	_ =	swait.ge [sflag:s4], $0x0  }
0x19: {  	s7 =	sld [smem:$0x3F86]  }
0x1a: {  	s8 =	sadd.s32 $0xFFFFE003, lr  }
0x1b: {  	s9 =	sadd.s32 $0xFFFFFEF7, lr;
	s5 =	simm.s32 $0xFFFFFFFF;
	p2 =	slt.u32 s8, $0xFFFFF086  }
0x1c: {  	p1 =	slt.u32 s9, $0xF7A;
	s5 =	simm.s32 @!p2 $0x0  }
0x1d: {  	s5 =	simm.s32 @p1 $0x1;
	p0 =	seq.s32 s7, s2  }
0x1e: {  	s7 =	smul.u32 @!p0 $0xF7A, s2;
	p2 =	seq.s32 @!p0 s5, $0x0  }
0x1f: {  	s9 =	smul.u32 $0xF7A, s1;
	s8 =	simm.s32 @!p0 $0x1BF5;
	p2 =	por !p2, p0  }
0x20: {  	[sflag:s8] =	ssyncset.s32 @!p0 $0xFFFFF086;
	s6 =	sadd.s32 @!p0 s3, s7;
	s7 =	simm.s32 @!p0 $0x108  }
0x21: {  	s3 =	sadd.s32 s3, s9;
	s6 =	sadd.s32 @!p0 $0x88, s6;
	s7 =	simm.s32 @p2 $0x1082  }
0x22: {  	[simem:s7], [sflag:s8] =	dma.local @!p0 [hbm:s6], $0xF7A  }
0x23: {  	s9 =	sor.u32 $0xD0000000, s2;
	s6 =	simm.s32 $0x108;
	_ =	swait.ge @!p0 [sflag:s8], $0x0  }
0x24: {  	s3 =	sadd.s32 $0x88, s3;
	s6 =	simm.s32 @!p1 $0x1082;
	[sflag:s4] =	ssyncset.s32 $0xFFFFF086  }
0x25: {  	[simem:s6], [sflag:s4] =	dma.local [hbm:s3], $0xF7A  }
0x26: {  	[smem:$0x3F86] =	sst s1;
	(tag) =	ssettag s2;
	_ =	strace s9  }
0x27: {  	s1 =	sld [smem:$0x3F96]  }
0x28: {  	s2 =	sld [smem:$0x3F97]  }
0x29: {  	s4 =	sld [smem:$0x3F99]  }
0x2a: {  	p0 =	seq.s32 s5, $0x0;
	s5 =	sld [smem:$0x3F9A]  }
0x2b: {  	s6 =	sld [smem:$0x3F9B]  }
0x2c: {  	s7 =	sld [smem:$0x3F9C]  }
0x2d: {  	s3 =	simm.s32 $0x108;
	s8 =	sld [smem:$0x3F9D]  }
0x2e: {  	s3 =	simm.s32 @!p0 $0x1082;
	s9 =	sld [smem:$0x3F9E]  }
0x2f: {  	lr =	sadd.s32 s0, s3;
	s0 =	sld [smem:$0x3F95]  }
0x30: {  	s3 =	sld [smem:$0x3F98]  }
0x31: {  	[smem:$0x3FA1] =	sst s10  }
0x32: {  	s10 =	sld [smem:$0x3F9F];
	_ =	sdelay $0x3  }
0x33: {  	p0 =	seq.s32 s10, $0x1;
	s10 =	sld [smem:$0x3FA1];
	_ =	sdelay $0x3  }
0x34: {  	[smem:$0x3FA1] =	sst s10  }
0x35: {  	s10 =	sld [smem:$0x3FA0];
	_ =	sdelay $0x3  }
0x36: {  	p1 =	seq.s32 s10, $0x1;
	s10 =	sld [smem:$0x3FA1];
	_ =	sdelay $0x3  }
0x37: {  	[smem:$0x3FA1] =	sst s10  }
0x38: {  	s10 =	sld [smem:$0x3FA2]  }
0x39: {  	_ = 	snop;
	(pc) =	sbr.ind lr, $3  }
0x3a: {  	_ = 	snop  }
0x3b: {  	_ = 	snop  }
0x3c: {  	p2 =	seq.s32 s10, $0x1;
	s10 =	sld [smem:$0x3FA1]  }
0x3d: {  	_ =	shalt  }
0x3e: {  	_ =	shalt  }
0x3f: {  	_ =	shalt  }
0x40: {  	_ =	shalt  }
0x41: {  	_ =	shalt  }
0x42: {  	_ =	shalt  }
0x43: {  	_ =	shalt  }
0x44: {  	_ =	shalt  }
0x45: {  	_ =	shalt  }
0x46: {  	_ =	shalt  }
0x47: {  	_ =	shalt  }
0x48: {  	_ =	shalt  }
0x49: {  	_ =	shalt  }
0x4a: {  	_ =	shalt  }
0x4b: {  	_ =	shalt  }
0x4c: {  	_ =	shalt  }
0x4d: {  	_ =	shalt  }
0x4e: {  	_ =	shalt  }
0x4f: {  	_ =	shalt  }
0x50: {  	_ =	shalt  }
0x51: {  	_ =	shalt  }
0x52: {  	_ =	shalt  }
0x53: {  	_ =	shalt  }
0x54: {  	_ =	shalt  }
0x55: {  	_ =	shalt  }
0x56: {  	_ =	shalt  }
0x57: {  	_ =	shalt  }
0x58: {  	_ =	shalt  }
0x59: {  	_ =	shalt  }
0x5a: {  	_ =	shalt  }
0x5b: {  	_ =	shalt  }
0x5c: {  	_ =	shalt  }
0x5d: {  	_ =	shalt  }
0x5e: {  	_ =	shalt  }
0x5f: {  	_ =	shalt  }
0x60: {  	_ =	shalt  }
0x61: {  	_ =	shalt  }
0x62: {  	_ =	shalt  }
0x63: {  	_ =	shalt  }
0x64: {  	_ =	shalt  }
0x65: {  	_ =	shalt  }
0x66: {  	_ =	shalt  }
0x67: {  	_ =	shalt  }
0x68: {  	_ =	shalt  }
0x69: {  	_ =	shalt  }
0x6a: {  	_ =	shalt  }
0x6b: {  	_ =	shalt  }
0x6c: {  	_ =	shalt  }
0x6d: {  	_ =	shalt  }
0x6e: {  	_ =	shalt  }
0x6f: {  	_ =	shalt  }
0x70: {  	_ =	shalt  }
0x71: {  	_ =	shalt  }
0x72: {  	_ =	shalt  }
0x73: {  	_ =	shalt  }
0x74: {  	_ =	shalt  }
0x75: {  	_ =	shalt  }
0x76: {  	_ =	shalt  }
0x77: {  	_ =	shalt  }
0x78: {  	_ =	shalt  }
0x79: {  	_ =	shalt  }
0x7a: {  	_ =	shalt  }
0x7b: {  	_ =	shalt  }
0x7c: {  	_ =	shalt  }
0x7d: {  	_ =	shalt  }
0x7e: {  	_ =	shalt  }
0x7f: {  	_ =	shalt  }
0x80: {  	_ =	shalt  }
0x81: {  	_ =	shalt  }
0x82: {  	_ =	shalt  }
0x83: {  	_ =	shalt  }
0x84: {  	_ =	shalt  }
0x85: {  	_ =	shalt  }
0x86: {  	_ =	shalt  }
0x87: {  	_ =	shalt  }
.Lfunc_end0:
.L_simem_size_0:
called_computation.2_lowered:
.L_overlay_start_0:
0x88: {  	s2 =	sld [smem:$0x3FD9]  }
0x89: {  	s3 =	sld [smem:$0x3FFE];
	_ =	sdelay $0x1  }
0x8a: {  	s1 =	srdreg.scid  }
0x8b: {  	s0 =	sand.u32 $0x1, s1  }
0x8c: {  	s14 =	sshll.u32 s0, $0xA;
	s2 =	sadd.s32 s3, s2  }
0x8d: {  	s2 =	sadd.s32 s2, s14  }
0x8e: {  	[smem:$0x3FAD] =	sst s2  }
0x8f: {  	_ = 	snop  }
0x90: {  	s2 =	sld [smem:$0x3FD0];
	_ =	sdelay $0x2  }
0x91: {  	s15 =	simm.s32 $0xA;
	s4 =	simm.s32 $0x10  }
0x92: {  	[smem:s4], [sflag:s15] =	dma.local [hbm:s2], $0x1  }
0x93: {  	_ =	swait.eq [sflag:s15], $0x1  }
0x94: {  	[sflag:s15] =	ssyncset.done $0x0  }
0x95: {  	[sflag:s15] =	ssyncadd.s32 $0xFFFFFFFF  }
0x96: {  	s16 =	sld [smem:$0x10];
	(tm) =	ssettm $0x1  }
0x97: {  	s17 =	sld [smem:$0x3FFB];
	_ =	sdelay $0x3  }
0x98: {  	_ =	strace s17  }
0x99: {  	s3 =	sld [smem:$0x3FFC];
	_ =	sdelay $0x3  }
0x9a: {  	_ =	strace s3  }
0x9b: {  	s3 =	sld [smem:$0x3FFD];
	_ =	sdelay $0x3  }
0x9c: {  	_ =	strace s3  }
0x9d: {  	_ =	strace $0x8FFFFFFF  }
0x9e: {  	s18 =	sld [smem:$0x3FDB];
	_ =	sdelay $0x1  }
0x9f: {  	s19 =	simm.s32 $_scs_section_size  }
0xa0: {  	s5 =	simm.s32 $_size__tile_overlayer_lowered;
	s6 =	simm.s32 $_tile_overlayer_lowered  }
0xa1: {  	s22 =	simm.s32 $0x1BFF;
	s21 =	sshll.u32 s6, $0x1;
	s3 =	sadd.s32 s19, s18  }
0xa2: {  	s7 =	simm.s32 $0x0;
	s20 =	sshll.u32 s5, $0x1;
	s5 =	sadd.s32 s21, s3  }
0xa3: {  	[timem:s7], [sflag:s22] =	dma.local [hbm:s5], s20  }
0xa4: {  	_ =	swait.ge [sflag:s22], s20  }
0xa5: {  	s4 =	ssub.s32 $0x0, s20;
	[sflag:s22] =	ssyncset.done $0x0  }
0xa6: {  	[sflag:s22] =	ssyncadd.s32 s4;
	_ =	sdelay $0x1  }
0xa7: {  	s23 =	simm.s32 $0x1B8B  }
0xa8: {  	_ =	swait.ge [sflag:s23], $0x1  }
0xa9: {  	[sflag:s23] =	ssyncset.done $0x0  }
0xaa: {  	s25 =	simm.s32 $0x1B8E;
	s24 =	sld [smem:$0x3FFE];
	[sflag:s23] =	ssyncadd.s32 $0xFFFFFFFF  }
0xab: {  	s26 =	simm.s32 $execute0_lowered;
	[smem:$0x3FD2] =	sst s25  }
0xac: {  	s5 =	sshll.u32 s26, $0x1;
	_ =	strace $0x8000004C;
	[dreg:$0x1] =	wrdreg $0xFFFFFFFF  }
0xad: {  	s28 =	simm.s32 $_size_execute0_lowered;
	s3 =	sadd.s32 s3, s5;
	[dreg:$0x0] =	wrdreg $0x0  }
0xae: {  	s5 =	sshll.u32 s28, $0x1;
	[dreg:$0x2] =	wrdreg s3  }
0xaf: {  	[dreg:$0x3] =	wrdreg s5  }
0xb0: {  	[dreg:$0x4] =	wrdreg $0xC0  }
0xb1: {  	_ =	task [dreg:s7], $0x5FFFF  }
0xb2: {  	[dreg:$0x1] =	wrdreg $0xFFFFFFFF  }
0xb3: {  	[dreg:$0x0] =	wrdreg $0x60  }
0xb4: {  	[dreg:$0x2] =	wrdreg s24  }
0xb5: {  	[dreg:$0x3] =	wrdreg s16  }
0xb6: {  	[dreg:$0x4] =	wrdreg $0x9  }
0xb7: {  	_ =	task.clear_ibuf [dreg:s7], $0x5FFFF;
	_ =	strace $0x9000004C  }
0xb8: {  	s29 =	simm.s32 $0x9;
	_ =	strace $0x8000004E  }
0xb9: {  	_ =	swait.ge [sflag:s29], $0x1  }
0xba: {  	[sflag:s29] =	ssyncadd.s32 $0xFFFFFFFF  }
0xbb: {  	_ =	strace $0x9000004E  }
0xbc: {  	_ =	sfence  }
0xbd: {  	s30 =	sld [smem:$0x0];
	_ =	sdelay $0x2  }
0xbe: {  	s31 =	sshll.u32 s1, $0xD;
	s1 =	sshrl.u32 s1, $0x2  }
0xbf: {  	s3 =	sand.u32 $0x4000, s31;
	s1 =	sadd.s32 s1, s30  }
0xc0: {  	s0 =	sor.u32 s3, s0;
	s1 =	sshll.u32 s1, $0x11  }
0xc1: {  	s0 =	sor.u32 s1, s0  }
0xc2: {  	s0 =	sadd.s32 $0x8F2B, s0  }
0xc3: {  	[sflag:s0] =	ssyncadd.remote.s32 $0x1  }
0xc4: {  	_ =	sfence.sel $0xFFFF  }
0xc5: {  	[dreg:$0x0] =	wrdreg $0xFFFFFFFF;
	(pc) =	sbr.abs _section_cstart, $3  }
0xc6: {  	[dreg:$0x1] =	wrdreg $0xFFFFFFFF  }
0xc7: {  	_ =	task.clear_ibuf [dreg:s7], $0x2FFFF;
	_ =	strace $0x9FFFFFFF  }
0xc8: {  	(tm) =	ssettm $0x7FFFFFFF  }
0xc9: {  	_ =	shalt  }
tec
execute0_lowered:
.L_overlay_start_1:
0x0: {  	(tag) =	ssettag $0x1  }
0x1: {  	s7 =	rddreg [dreg:$0x0]  }
0x2: {  	s1 =	rddreg [dreg:$0x1]  }
0x3: {  	s0 =	rddreg [dreg:$0x2]  }
0x4: {  	s2 =	simm.s32 $0x0;
	s3 =	srdreg.scid;
	s19 =	stileid.u32  }
0x5: {  	s12 =	simm.s32 $0x1;
	s13 =	simm.s32 $0x80;
	s14 =	simm.s32 $0x200  }
0x6: {  	s15 =	simm.s32 $0x4200;
	s16 =	simm.s32 $0x100;
	s17 =	simm.s32 $0x3  }
0x7: {  	s18 =	simm.s32 $0x8200;
	[smem:$0x7FF] =	sst s2;
	s5 =	sand.u32 $0x1, s3  }
0x8: {  	s31 =	sshll.u32 s19, $0x1;
	s4 =	sadd.s32 $0x5C00, s7;
	p0 =	sne.s32 s19, $0x0  }
.Ltmp0:
0x9: {  	s19 =	simm.s32 $0x0;
	_ =	strace $0x8000004D;
	(pc) =	sbr.rel .LBB2_1-.Ltmp0, $4  }
0xa: {  	s3 =	sor.u32 s5, s31;
	s8 =	ssub.s32 $0x2, s5;
	s5 =	sadd.s32 $0x2CE00, s7  }
0xb: {  	s7 =	sadd.s32 $0x54000, s7;
	s6 =	sshll.u32 s3, $0x5;
	s9 =	sshrl.u32 s8, $0x1  }
0xc: {  	s10 =	sor.u32 $0x60, s3;
	s6 =	sadd.s32 s1, s6;
	s11 =	ssub.s32 s8, s9  }
0xd: {  	s9 =	sor.u32 $0x40, s3;
	s8 =	sadd.s32 $0x400, s6;
	s11 =	smax.u32 s11, $0x1  }
.LBB2_9:
0xe: {  	s19 =	sadd.s32 $0x1, s19  }
0xf: {  	p1 =	sne.s32 s19, s11  }
.Ltmp1:
0x10: {  	_ = 	snop;
	(pc) =	sbr.rel @!p1 .LBB2_10-.Ltmp1, $4  }
0x11: {  	s20 =	simm.s32 @!p0 $0x6  }
0x12: {  	_ =	swait.ge @!p0 [sflag:s20], $0x4000  }
0x13: {  	[sflag:s20] =	ssyncset.done @!p0 $0x0  }
0x14: {  	[sflag:s20] =	ssyncadd.s32 @!p0 $0xFFFFC000  }
.LBB2_1:
0x15: {  	[tilespmem:s2], [sflag:$0x1] =	stream.linear.gather [hbm4b:s6+s2], $0x100, $0x38;
	[tilespmem:$0x10200] =	vst v63  }
0x16: {  	_ =	swait.ge [sflag:s12], $0x100  }
0x17: {  	[sflag:s12] =	ssyncset.done $0x0  }
0x18: {  	[sflag:s12] =	ssyncadd.s32 $0xFFFFFF00  }
0x19: {  	[tilespmem:s14], [sflag:$0x3] =	stream.indirect.gather [hbm4b:s4+s13], $0x80, s2, s13, $0xb8;
	[tilespmem:$0x10200] =	vst v63  }
.Ltmp2:
0x1a: {  	_ = 	snop;
	(pc) =	sbr.rel .LBB2_2-.Ltmp2, $4  }
0x1b: {  	_ = 	snop  }
0x1c: {  	[tilespmem:s15], [sflag:$0x3] =	stream.indirect.gather [hbm4b:s5+s13], $0x80, s13, s13, $0xb8;
	[tilespmem:$0x10200] =	vst v63  }
0x1d: {  	s20 =	simm.s32 $0x0  }
0x1e: {  	[tilespmem:s16], [sflag:$0x2] =	stream.linear.gather [hbm4b:s8+s2], $0x100, $0x38;
	[tilespmem:$0x10200] =	vst v63  }
.LBB2_8:
0x1f: {  	s20 =	sadd.s32 $0x1, s20  }
0x20: {  	p1 =	sne.s32 s20, $0x14  }
.Ltmp3:
0x21: {  	_ = 	snop;
	(pc) =	sbr.rel @!p1 .LBB2_9-.Ltmp3, $1  }
0x22: {  	_ =	sdelay $0x3  }
.LBB2_2:
0x23: {  	s22 =	sshll.u32 s20, $0x6  }
0x24: {  	s23 =	sor.u32 s22, s3  }
0x25: {  	s21 =	sor.u32 $0x20, s23  }
0x26: {  	p1 =	sgt.u32 s21, $0x4E1  }
0x27: {  	s24 =	simm.s32 @!p1 $0x2  }
0x28: {  	_ =	swait.ge @!p1 [sflag:s24], $0x100  }
0x29: {  	p2 =	seq.s32 s20, $0x0;
	[sflag:s24] =	ssyncset.done @!p1 $0x0  }
0x2a: {  	[sflag:s24] =	ssyncadd.s32 @!p1 $0xFFFFFF00;
	s24 =	simm.s32 @!p2 $0x6  }
0x2b: {  	_ =	swait.ge @!p2 [sflag:s24], $0x4000  }
0x2c: {  	s25 =	simm.s32 @!p1 $0x100;
	[sflag:s24] =	ssyncset.done @!p2 $0x0  }
0x2d: {  	s26 =	simm.s32 @!p1 $0x8200;
	[sflag:s24] =	ssyncadd.s32 @!p2 $0xFFFFC000;
	s24 =	simm.s32 @!p1 $0x80  }
0x2e: {  	[tilespmem:s26], [sflag:$0x4] =	stream.indirect.gather @!p1 [hbm4b:s4+s24], $0x80, s25, s24, $0xb8;
	[tilespmem:$0x10200] =	vst v63  }
0x2f: {  	s25 =	simm.s32 @!p1 $0x180;
	s26 =	simm.s32 @!p1 $0xC200  }
0x30: {  	[tilespmem:s26], [sflag:$0x4] =	stream.indirect.gather @!p1 [hbm4b:s5+s24], $0x80, s25, s24, $0xb8;
	[tilespmem:$0x10200] =	vst v63  }
0x31: {  	_ =	swait.ge [sflag:s17], $0x4000  }
0x32: {  	[sflag:s17] =	ssyncset.done $0x0  }
0x33: {  	s24 =	sadd.s32 s9, s22;
	[sflag:s17] =	ssyncadd.s32 $0xFFFFC000  }
0x34: {  	p2 =	sgt.u32 s24, $0x4E1;
	_ =	swait.ge [sflag:s17], $0x4000  }
0x35: {  	s25 =	sshll.u32 @!p2 s24, $0x5;
	[sflag:s17] =	ssyncset.done $0x0  }
0x36: {  	s26 =	simm.s32 @!p2 $0x0;
	s25 =	sadd.s32 @!p2 s1, s25;
	[sflag:s17] =	ssyncadd.s32 $0xFFFFC000  }
0x37: {  	[tilespmem:s26], [sflag:$0x1] =	stream.linear.gather @!p2 [hbm4b:s25+s26], $0x100, $0x38;
	[tilespmem:$0x10200] =	vst v63  }
0x38: {  	s25 =	simm.s32 $0x0  }
0x39: {  	v7 =	vld [tilespmem:s25+$0x4200]  }
0x3a: {  	v11 =	vld [tilespmem:s25+$0x4210]  }
0x3b: {  	v5 =	vld [tilespmem:s25+$0x4220]  }
0x3c: {  	v4 =	vld [tilespmem:s25+$0x4230]  }
0x3d: {  	v3 =	vld [tilespmem:s25+$0x4240]  }
0x3e: {  	v2 =	vld [tilespmem:s25+$0x4250]  }
0x3f: {  	v1 =	vld [tilespmem:s25+$0x4260]  }
0x40: {  	v0 =	vld [tilespmem:s25+$0x4270]  }
0x41: {  	v12 =	vld [tilespmem:s25+$0x200]  }
0x42: {  	v13 =	vld [tilespmem:s25+$0x210]  }
0x43: {  	v10 =	vld [tilespmem:s25+$0x220]  }
0x44: {  	v9 =	vld [tilespmem:s25+$0x230]  }
0x45: {  	v8 =	vld [tilespmem:s25+$0x240]  }
0x46: {  	v6 =	vld [tilespmem:s25+$0x250];
	v12 =	vadd.f32 v7, v12  }
0x47: {  	s26 =	simm.s32 $0x200;
	v11 =	vadd.f32 v11, v13;
	v7 =	vld [tilespmem:s25+$0x260]  }
.LBB2_3:
0x48: {  	s28 =	sshra.s32 s26, $0x2;
	p2 =	sne.s32 s26, $0xFE00;
	[tilespmem:s25+$0x200] =	vst v12;
	v5 =	vadd.f32 v5, v10;
	v10 =	vld [tilespmem:s25+$0x270]  }
0x49: {  	v12 =	vld [tilespmem:s28+$0x4200];
	[tilespmem:s25+$0x210] =	vst v11;
	v4 =	vadd.f32 v4, v9  }
0x4a: {  	v11 =	vld [tilespmem:s28+$0x4210];
	[tilespmem:s25+$0x220] =	vst v5;
	v3 =	vadd.f32 v3, v8  }
0x4b: {  	v5 =	vld [tilespmem:s28+$0x4220];
	[tilespmem:s25+$0x230] =	vst v4;
	v2 =	vadd.f32 v2, v6  }
0x4c: {  	v4 =	vld [tilespmem:s28+$0x4230];
	[tilespmem:s25+$0x240] =	vst v3;
	v1 =	vadd.f32 v1, v7  }
0x4d: {  	v3 =	vld [tilespmem:s28+$0x4240];
	[tilespmem:s25+$0x250] =	vst v2;
	v0 =	vadd.f32 v0, v10  }
0x4e: {  	v2 =	vld [tilespmem:s28+$0x4250];
	[tilespmem:s25+$0x260] =	vst v1  }
0x4f: {  	v1 =	vld [tilespmem:s28+$0x4260];
	[tilespmem:s25+$0x270] =	vst v0;
	s25 =	smov.u32 s28  }
0x50: {  	v0 =	vld [tilespmem:s25+$0x4270]  }
0x51: {  	v6 =	vld [tilespmem:s25+$0x200]  }
0x52: {  	v7 =	vld [tilespmem:s25+$0x210]  }
.Ltmp4:
0x53: {  	v10 =	vld [tilespmem:s25+$0x220];
	(pc) =	sbr.rel @p2 .LBB2_3-.Ltmp4, $4  }
0x54: {  	v9 =	vld [tilespmem:s25+$0x230]  }
0x55: {  	v8 =	vld [tilespmem:s25+$0x240]  }
0x56: {  	v12 =	vadd.f32 v12, v6;
	v6 =	vld [tilespmem:s25+$0x250]  }
0x57: {  	s26 =	sadd.s32 $0x200, s26;
	v11 =	vadd.f32 v11, v7;
	v7 =	vld [tilespmem:s25+$0x260]  }
0x58: {  	[tilespmem:s25+$0x200] =	vst v12;
	v5 =	vadd.f32 v5, v10;
	v63 =	vld [tilespmem:s25+$0x270]  }
0x59: {  	[tilespmem:s25+$0x210] =	vst v11;
	v4 =	vadd.f32 v4, v9  }
0x5a: {  	[tilespmem:s25+$0x220] =	vst v5;
	v3 =	vadd.f32 v3, v8  }
0x5b: {  	[tilespmem:s25+$0x230] =	vst v4;
	v2 =	vadd.f32 v2, v6  }
0x5c: {  	[tilespmem:s25+$0x240] =	vst v3;
	v1 =	vadd.f32 v1, v7  }
0x5d: {  	[tilespmem:s25+$0x250] =	vst v2;
	v0 =	vadd.f32 v0, v63  }
0x5e: {  	s23 =	sshll.u32 s23, $0xB;
	[tilespmem:s25+$0x260] =	vst v1  }
0x5f: {  	p2 =	slt.u32 s24, $0x4E2;
	s23 =	sadd.s32 s7, s23;
	[tilespmem:s25+$0x270] =	vst v0  }
0x60: {  	[hbm4b:s23+s2] =	stream.linear.scatter [tilespmem:s14], [sflag:$0x5], $0x4000, $0x38;
	[tilespmem:$0x10200] =	vst v63  }
0x61: {  	s23 =	simm.s32 @p2 $0x1  }
0x62: {  	_ =	swait.ge @p2 [sflag:s23], $0x100  }
0x63: {  	[sflag:s23] =	ssyncset.done @p2 $0x0  }
0x64: {  	[sflag:s23] =	ssyncadd.s32 @p2 $0xFFFFFF00;
	s23 =	simm.s32 @p2 $0x5  }
0x65: {  	_ =	swait.ge @p2 [sflag:s23], $0x4000  }
0x66: {  	s24 =	simm.s32 @p2 $0x0;
	[sflag:s23] =	ssyncset.done @p2 $0x0  }
0x67: {  	s25 =	simm.s32 @p2 $0x200;
	[sflag:s23] =	ssyncadd.s32 @p2 $0xFFFFC000;
	s23 =	simm.s32 @p2 $0x80  }
0x68: {  	[tilespmem:s25], [sflag:$0x3] =	stream.indirect.gather @p2 [hbm4b:s4+s23], $0x80, s24, s23, $0xb8;
	[tilespmem:$0x10200] =	vst v63  }
0x69: {  	s24 =	simm.s32 @p2 $0x4200  }
0x6a: {  	[tilespmem:s24], [sflag:$0x3] =	stream.indirect.gather @p2 [hbm4b:s5+s23], $0x80, s23, s23, $0xb8;
	[tilespmem:$0x10200] =	vst v63  }
0x6b: {  	s23 =	simm.s32 @!p2 $0x5  }
0x6c: {  	_ =	swait.ge @!p2 [sflag:s23], $0x4000  }
0x6d: {  	[sflag:s23] =	ssyncset.done @!p2 $0x0  }
0x6e: {  	[sflag:s23] =	ssyncadd.s32 @!p2 $0xFFFFC000;
	s23 =	simm.s32 @!p1 $0x4  }
0x6f: {  	_ =	swait.ge @!p1 [sflag:s23], $0x4000  }
0x70: {  	[sflag:s23] =	ssyncset.done @!p1 $0x0  }
.Ltmp5:
0x71: {  	s22 =	sadd.s32 s10, s22;
	[sflag:s23] =	ssyncadd.s32 @!p1 $0xFFFFC000;
	(pc) =	sbr.rel @p1 .LBB2_8-.Ltmp5, $4  }
0x72: {  	p2 =	sgt.u32 s22, $0x4E1;
	_ =	swait.ge @!p1 [sflag:s23], $0x4000  }
0x73: {  	s22 =	sshll.u32 @!p2 s22, $0x5;
	s24 =	simm.s32 @!p2 $0x100;
	[sflag:s23] =	ssyncset.done @!p1 $0x0  }
0x74: {  	s22 =	sadd.s32 @!p2 s1, s22;
	[sflag:s23] =	ssyncadd.s32 @!p1 $0xFFFFC000;
	s23 =	simm.s32 @!p2 $0x0  }
0x75: {  	[tilespmem:s24], [sflag:$0x2] =	stream.linear.gather @!p2 [hbm4b:s22+s23], $0x100, $0x38;
	[tilespmem:$0x10200] =	vst v63  }
0x76: {  	s22 =	simm.s32 $0x0  }
0x77: {  	v7 =	vld [tilespmem:s22+$0xC200]  }
0x78: {  	v11 =	vld [tilespmem:s22+$0xC210]  }
0x79: {  	v5 =	vld [tilespmem:s22+$0xC220]  }
0x7a: {  	v4 =	vld [tilespmem:s22+$0xC230]  }
0x7b: {  	v3 =	vld [tilespmem:s22+$0xC240]  }
0x7c: {  	v2 =	vld [tilespmem:s22+$0xC250]  }
0x7d: {  	v1 =	vld [tilespmem:s22+$0xC260]  }
0x7e: {  	v0 =	vld [tilespmem:s22+$0xC270]  }
0x7f: {  	v12 =	vld [tilespmem:s22+$0x8200]  }
0x80: {  	v13 =	vld [tilespmem:s22+$0x8210]  }
0x81: {  	v10 =	vld [tilespmem:s22+$0x8220]  }
0x82: {  	v9 =	vld [tilespmem:s22+$0x8230]  }
0x83: {  	v8 =	vld [tilespmem:s22+$0x8240]  }
0x84: {  	v6 =	vld [tilespmem:s22+$0x8250];
	v12 =	vadd.f32 v7, v12  }
0x85: {  	s23 =	simm.s32 $0x200;
	v11 =	vadd.f32 v11, v13;
	v7 =	vld [tilespmem:s22+$0x8260]  }
.LBB2_6:
0x86: {  	s24 =	sshra.s32 s23, $0x2;
	p1 =	sne.s32 s23, $0xFE00;
	[tilespmem:s22+$0x8200] =	vst v12;
	v5 =	vadd.f32 v5, v10;
	v10 =	vld [tilespmem:s22+$0x8270]  }
0x87: {  	v12 =	vld [tilespmem:s24+$0xC200];
	[tilespmem:s22+$0x8210] =	vst v11;
	v4 =	vadd.f32 v4, v9  }
0x88: {  	v11 =	vld [tilespmem:s24+$0xC210];
	[tilespmem:s22+$0x8220] =	vst v5;
	v3 =	vadd.f32 v3, v8  }
0x89: {  	v5 =	vld [tilespmem:s24+$0xC220];
	[tilespmem:s22+$0x8230] =	vst v4;
	v2 =	vadd.f32 v2, v6  }
0x8a: {  	v4 =	vld [tilespmem:s24+$0xC230];
	[tilespmem:s22+$0x8240] =	vst v3;
	v1 =	vadd.f32 v1, v7  }
0x8b: {  	v3 =	vld [tilespmem:s24+$0xC240];
	[tilespmem:s22+$0x8250] =	vst v2;
	v0 =	vadd.f32 v0, v10  }
0x8c: {  	v2 =	vld [tilespmem:s24+$0xC250];
	[tilespmem:s22+$0x8260] =	vst v1  }
0x8d: {  	v1 =	vld [tilespmem:s24+$0xC260];
	[tilespmem:s22+$0x8270] =	vst v0;
	s22 =	smov.u32 s24  }
0x8e: {  	v0 =	vld [tilespmem:s22+$0xC270]  }
0x8f: {  	v6 =	vld [tilespmem:s22+$0x8200]  }
0x90: {  	v7 =	vld [tilespmem:s22+$0x8210]  }
.Ltmp6:
0x91: {  	v10 =	vld [tilespmem:s22+$0x8220];
	(pc) =	sbr.rel @p1 .LBB2_6-.Ltmp6, $4  }
0x92: {  	v9 =	vld [tilespmem:s22+$0x8230]  }
0x93: {  	v8 =	vld [tilespmem:s22+$0x8240]  }
0x94: {  	v12 =	vadd.f32 v12, v6;
	v6 =	vld [tilespmem:s22+$0x8250]  }
0x95: {  	s23 =	sadd.s32 $0x200, s23;
	v11 =	vadd.f32 v11, v7;
	v7 =	vld [tilespmem:s22+$0x8260]  }
0x96: {  	[tilespmem:s22+$0x8200] =	vst v12;
	v5 =	vadd.f32 v5, v10;
	v63 =	vld [tilespmem:s22+$0x8270]  }
0x97: {  	[tilespmem:s22+$0x8210] =	vst v11;
	v4 =	vadd.f32 v4, v9  }
0x98: {  	[tilespmem:s22+$0x8220] =	vst v5;
	v3 =	vadd.f32 v3, v8  }
0x99: {  	[tilespmem:s22+$0x8230] =	vst v4;
	v2 =	vadd.f32 v2, v6  }
.Ltmp7:
0x9a: {  	[tilespmem:s22+$0x8240] =	vst v3;
	v1 =	vadd.f32 v1, v7;
	(pc) =	sbr.rel .LBB2_8-.Ltmp7, $4  }
0x9b: {  	[tilespmem:s22+$0x8250] =	vst v2;
	v0 =	vadd.f32 v0, v63  }
0x9c: {  	s21 =	sshll.u32 s21, $0xB;
	[tilespmem:s22+$0x8260] =	vst v1  }
0x9d: {  	s21 =	sadd.s32 s7, s21;
	[tilespmem:s22+$0x8270] =	vst v0  }
0x9e: {  	[hbm4b:s21+s2] =	stream.linear.scatter [tilespmem:s18], [sflag:$0x6], $0x4000, $0x38;
	[tilespmem:$0x10200] =	vst v63  }
.LBB2_10:
0x9f: {  	_ =	sfence.sel $0x180000  }
0xa0: {  	[bflag:$0x0] =	sbarrier.arrive $0xFFFF  }
0xa1: {  	_ =	strace $0x9000004D  }
0xa2: {  	s0 =	sadd.s32 @!p0 $0x100000, s0;
	[bflag:$0x2] =	sbarrier.arrive $0xFFFF  }
0xa3: {  	[sflag:s0] =	ssyncadd.tile.s32 @!p0 $0x1;
	_ =	shalt  }
.Lfunc_end2:
_tile_overlayer_lowered:
.L_overlay_start_2:
0xa4: {  	(tag) =	ssettag $0x2  }
0xa5: {  	s0 =	rddreg [dreg:$0x0];
	s2 =	stileid.u32  }
0xa6: {  	s1 =	rddreg [dreg:$0x1];
	p0 =	sne.s32 s2, $0x0  }
0xa7: {  	s3 =	rddreg [dreg:$0x2];
	[bflag:$0x3] =	sbarrier.arrive $0xFFFF;
	s2 =	simm.s32 @!p0 $0x1C07  }
0xa8: {  	[timem:s3], [sflag:s2] =	dma.local @!p0 [hbm:s0], s1  }
0xa9: {  	s0 =	simm.s32 @!p0 $0x7  }
0xaa: {  	_ =	swait.ge @!p0 [sflag:s0], s1  }
0xab: {  	s1 =	ssub.s32 @!p0 $0x0, s1;
	[sflag:s0] =	ssyncset.done @!p0 $0x0  }
0xac: {  	[sflag:s0] =	ssyncadd.s32 @!p0 s1  }
0xad: {  	[bflag:$0x3] =	sbarrier.arrive $0xFFFF  }
0xae: {  	_ =	shalt  }

// kernel: kernel.20.cloned.1.call-start
scs
__scs_entry_jumppad:
0x0: {  	(pc) =	sbr.rel $0x88, $3  }
0x1: {  	(tag) =	ssettag $0x0;
	lr =	simm.s32 $0x1  }
0x2: {  	[smem:$0x3F86] =	sst lr;
	_ =	strace $0xD0000000  }
0x3: {  	_ = 	snop  }
0x4: {  	_ = 	snop  }
0x5: {  	_ = 	snop  }
0x6: {  	_ = 	snop  }
0x7: {  	_ = 	snop  }
__scs_overlays_trampoline_lowered:
0x8: {  	[smem:$0x3F95] =	sst s0  }
0x9: {  	[smem:$0x3F96] =	sst s1  }
0xa: {  	[smem:$0x3F97] =	sst s2  }
0xb: {  	[smem:$0x3F98] =	sst s3  }
0xc: {  	[smem:$0x3F99] =	sst s4  }
0xd: {  	[smem:$0x3F9A] =	sst s5  }
0xe: {  	[smem:$0x3F9B] =	sst s6  }
0xf: {  	[smem:$0x3F9C] =	sst s7  }
0x10: {  	[smem:$0x3F9D] =	sst s8  }
0x11: {  	[smem:$0x3F9E] =	sst s9;
	s0 =	simm.s32 @!p0 $0x0  }
0x12: {  	s1 =	sld [smem:$0x3F84];
	s0 =	simm.s32 @p0 $0x1  }
0x13: {  	[smem:$0x3F9F] =	sst s0;
	s0 =	simm.s32 @!p1 $0x0  }
0x14: {  	s2 =	sld [smem:$0x3F83];
	s0 =	simm.s32 @p1 $0x1  }
0x15: {  	[smem:$0x3FA0] =	sst s0;
	s0 =	simm.s32 @!p2 $0x0  }
0x16: {  	s3 =	sld [smem:$0x3FDB];
	s0 =	simm.s32 @p2 $0x1  }
0x17: {  	s4 =	simm.s32 $0x1BF5;
	[smem:$0x3FA2] =	sst s0  }
0x18: {  	s0 =	sld [smem:$0x3F85];
	_ =	swait.ge [sflag:s4], $0x0  }
0x19: {  	s7 =	sld [smem:$0x3F86]  }
0x1a: {  	s8 =	sadd.s32 $0xFFFFE003, lr  }
0x1b: {  	s9 =	sadd.s32 $0xFFFFFEF7, lr;
	s5 =	simm.s32 $0xFFFFFFFF;
	p2 =	slt.u32 s8, $0xFFFFF086  }
0x1c: {  	p1 =	slt.u32 s9, $0xF7A;
	s5 =	simm.s32 @!p2 $0x0  }
0x1d: {  	s5 =	simm.s32 @p1 $0x1;
	p0 =	seq.s32 s7, s2  }
0x1e: {  	s7 =	smul.u32 @!p0 $0xF7A, s2;
	p2 =	seq.s32 @!p0 s5, $0x0  }
0x1f: {  	s9 =	smul.u32 $0xF7A, s1;
	s8 =	simm.s32 @!p0 $0x1BF5;
	p2 =	por !p2, p0  }
0x20: {  	[sflag:s8] =	ssyncset.s32 @!p0 $0xFFFFF086;
	s6 =	sadd.s32 @!p0 s3, s7;
	s7 =	simm.s32 @!p0 $0x108  }
0x21: {  	s3 =	sadd.s32 s3, s9;
	s6 =	sadd.s32 @!p0 $0x88, s6;
	s7 =	simm.s32 @p2 $0x1082  }
0x22: {  	[simem:s7], [sflag:s8] =	dma.local @!p0 [hbm:s6], $0xF7A  }
0x23: {  	s9 =	sor.u32 $0xD0000000, s2;
	s6 =	simm.s32 $0x108;
	_ =	swait.ge @!p0 [sflag:s8], $0x0  }
0x24: {  	s3 =	sadd.s32 $0x88, s3;
	s6 =	simm.s32 @!p1 $0x1082;
	[sflag:s4] =	ssyncset.s32 $0xFFFFF086  }
0x25: {  	[simem:s6], [sflag:s4] =	dma.local [hbm:s3], $0xF7A  }
0x26: {  	[smem:$0x3F86] =	sst s1;
	(tag) =	ssettag s2;
	_ =	strace s9  }
0x27: {  	s1 =	sld [smem:$0x3F96]  }
0x28: {  	s2 =	sld [smem:$0x3F97]  }
0x29: {  	s4 =	sld [smem:$0x3F99]  }
0x2a: {  	p0 =	seq.s32 s5, $0x0;
	s5 =	sld [smem:$0x3F9A]  }
0x2b: {  	s6 =	sld [smem:$0x3F9B]  }
0x2c: {  	s7 =	sld [smem:$0x3F9C]  }
0x2d: {  	s3 =	simm.s32 $0x108;
	s8 =	sld [smem:$0x3F9D]  }
0x2e: {  	s3 =	simm.s32 @!p0 $0x1082;
	s9 =	sld [smem:$0x3F9E]  }
0x2f: {  	lr =	sadd.s32 s0, s3;
	s0 =	sld [smem:$0x3F95]  }
0x30: {  	s3 =	sld [smem:$0x3F98]  }
0x31: {  	[smem:$0x3FA1] =	sst s10  }
0x32: {  	s10 =	sld [smem:$0x3F9F];
	_ =	sdelay $0x3  }
0x33: {  	p0 =	seq.s32 s10, $0x1;
	s10 =	sld [smem:$0x3FA1];
	_ =	sdelay $0x3  }
0x34: {  	[smem:$0x3FA1] =	sst s10  }
0x35: {  	s10 =	sld [smem:$0x3FA0];
	_ =	sdelay $0x3  }
0x36: {  	p1 =	seq.s32 s10, $0x1;
	s10 =	sld [smem:$0x3FA1];
	_ =	sdelay $0x3  }
0x37: {  	[smem:$0x3FA1] =	sst s10  }
0x38: {  	s10 =	sld [smem:$0x3FA2]  }
0x39: {  	_ = 	snop;
	(pc) =	sbr.ind lr, $3  }
0x3a: {  	_ = 	snop  }
0x3b: {  	_ = 	snop  }
0x3c: {  	p2 =	seq.s32 s10, $0x1;
	s10 =	sld [smem:$0x3FA1]  }
0x3d: {  	_ =	shalt  }
0x3e: {  	_ =	shalt  }
0x3f: {  	_ =	shalt  }
0x40: {  	_ =	shalt  }
0x41: {  	_ =	shalt  }
0x42: {  	_ =	shalt  }
0x43: {  	_ =	shalt  }
0x44: {  	_ =	shalt  }
0x45: {  	_ =	shalt  }
0x46: {  	_ =	shalt  }
0x47: {  	_ =	shalt  }
0x48: {  	_ =	shalt  }
0x49: {  	_ =	shalt  }
0x4a: {  	_ =	shalt  }
0x4b: {  	_ =	shalt  }
0x4c: {  	_ =	shalt  }
0x4d: {  	_ =	shalt  }
0x4e: {  	_ =	shalt  }
0x4f: {  	_ =	shalt  }
0x50: {  	_ =	shalt  }
0x51: {  	_ =	shalt  }
0x52: {  	_ =	shalt  }
0x53: {  	_ =	shalt  }
0x54: {  	_ =	shalt  }
0x55: {  	_ =	shalt  }
0x56: {  	_ =	shalt  }
0x57: {  	_ =	shalt  }
0x58: {  	_ =	shalt  }
0x59: {  	_ =	shalt  }
0x5a: {  	_ =	shalt  }
0x5b: {  	_ =	shalt  }
0x5c: {  	_ =	shalt  }
0x5d: {  	_ =	shalt  }
0x5e: {  	_ =	shalt  }
0x5f: {  	_ =	shalt  }
0x60: {  	_ =	shalt  }
0x61: {  	_ =	shalt  }
0x62: {  	_ =	shalt  }
0x63: {  	_ =	shalt  }
0x64: {  	_ =	shalt  }
0x65: {  	_ =	shalt  }
0x66: {  	_ =	shalt  }
0x67: {  	_ =	shalt  }
0x68: {  	_ =	shalt  }
0x69: {  	_ =	shalt  }
0x6a: {  	_ =	shalt  }
0x6b: {  	_ =	shalt  }
0x6c: {  	_ =	shalt  }
0x6d: {  	_ =	shalt  }
0x6e: {  	_ =	shalt  }
0x6f: {  	_ =	shalt  }
0x70: {  	_ =	shalt  }
0x71: {  	_ =	shalt  }
0x72: {  	_ =	shalt  }
0x73: {  	_ =	shalt  }
0x74: {  	_ =	shalt  }
0x75: {  	_ =	shalt  }
0x76: {  	_ =	shalt  }
0x77: {  	_ =	shalt  }
0x78: {  	_ =	shalt  }
0x79: {  	_ =	shalt  }
0x7a: {  	_ =	shalt  }
0x7b: {  	_ =	shalt  }
0x7c: {  	_ =	shalt  }
0x7d: {  	_ =	shalt  }
0x7e: {  	_ =	shalt  }
0x7f: {  	_ =	shalt  }
0x80: {  	_ =	shalt  }
0x81: {  	_ =	shalt  }
0x82: {  	_ =	shalt  }
0x83: {  	_ =	shalt  }
0x84: {  	_ =	shalt  }
0x85: {  	_ =	shalt  }
0x86: {  	_ =	shalt  }
0x87: {  	_ =	shalt  }
.Lfunc_end0:
.L_simem_size_0:
called_computation.3_lowered:
.L_overlay_start_0:
0x88: {  	s2 =	sld [smem:$0x3FD9]  }
0x89: {  	s3 =	sld [smem:$0x3FFE];
	_ =	sdelay $0x1  }
0x8a: {  	s1 =	srdreg.scid  }
0x8b: {  	s0 =	sand.u32 $0x1, s1  }
0x8c: {  	s14 =	sshll.u32 s0, $0xA;
	s2 =	sadd.s32 s3, s2  }
0x8d: {  	s2 =	sadd.s32 s2, s14  }
0x8e: {  	[smem:$0x3FAD] =	sst s2  }
0x8f: {  	_ = 	snop  }
0x90: {  	s2 =	sld [smem:$0x3FD0];
	_ =	sdelay $0x2  }
0x91: {  	s15 =	simm.s32 $0xA;
	s4 =	simm.s32 $0x10  }
0x92: {  	[smem:s4], [sflag:s15] =	dma.local [hbm:s2], $0x1  }
0x93: {  	_ =	swait.eq [sflag:s15], $0x1  }
0x94: {  	[sflag:s15] =	ssyncset.done $0x0  }
0x95: {  	[sflag:s15] =	ssyncadd.s32 $0xFFFFFFFF  }
0x96: {  	s16 =	sld [smem:$0x10];
	(tm) =	ssettm $0x1  }
0x97: {  	s17 =	sld [smem:$0x3FFB];
	_ =	sdelay $0x3  }
0x98: {  	_ =	strace s17  }
0x99: {  	s3 =	sld [smem:$0x3FFC];
	_ =	sdelay $0x3  }
0x9a: {  	_ =	strace s3  }
0x9b: {  	s3 =	sld [smem:$0x3FFD];
	_ =	sdelay $0x3  }
0x9c: {  	_ =	strace s3  }
0x9d: {  	_ =	strace $0x8FFFFFFF  }
0x9e: {  	s18 =	sld [smem:$0x3FDB];
	_ =	sdelay $0x1  }
0x9f: {  	s19 =	simm.s32 $_scs_section_size  }
0xa0: {  	s5 =	simm.s32 $_size__tile_overlayer_lowered;
	s6 =	simm.s32 $_tile_overlayer_lowered  }
0xa1: {  	s22 =	simm.s32 $0x1BFF;
	s21 =	sshll.u32 s6, $0x1;
	s3 =	sadd.s32 s19, s18  }
0xa2: {  	s7 =	simm.s32 $0x0;
	s20 =	sshll.u32 s5, $0x1;
	s5 =	sadd.s32 s21, s3  }
0xa3: {  	[timem:s7], [sflag:s22] =	dma.local [hbm:s5], s20  }
0xa4: {  	_ =	swait.ge [sflag:s22], s20  }
0xa5: {  	s4 =	ssub.s32 $0x0, s20;
	[sflag:s22] =	ssyncset.done $0x0  }
0xa6: {  	[sflag:s22] =	ssyncadd.s32 s4;
	_ =	sdelay $0x1  }
0xa7: {  	s23 =	simm.s32 $0x1B8B  }
0xa8: {  	_ =	swait.ge [sflag:s23], $0x1  }
0xa9: {  	[sflag:s23] =	ssyncset.done $0x0  }
0xaa: {  	s25 =	simm.s32 $0x1B8E;
	s24 =	sld [smem:$0x3FFE];
	[sflag:s23] =	ssyncadd.s32 $0xFFFFFFFF  }
0xab: {  	s26 =	simm.s32 $execute0_lowered;
	[smem:$0x3FD2] =	sst s25  }
0xac: {  	s5 =	sshll.u32 s26, $0x1;
	_ =	strace $0x8000004F;
	[dreg:$0x1] =	wrdreg $0xFFFFFFFF  }
0xad: {  	s28 =	simm.s32 $_size_execute0_lowered;
	s3 =	sadd.s32 s3, s5;
	[dreg:$0x0] =	wrdreg $0x0  }
0xae: {  	s5 =	sshll.u32 s28, $0x1;
	[dreg:$0x2] =	wrdreg s3  }
0xaf: {  	[dreg:$0x3] =	wrdreg s5  }
0xb0: {  	[dreg:$0x4] =	wrdreg $0xC0  }
0xb1: {  	_ =	task [dreg:s7], $0x5FFFF  }
0xb2: {  	[dreg:$0x1] =	wrdreg $0xFFFFFFFF  }
0xb3: {  	[dreg:$0x0] =	wrdreg $0x60  }
0xb4: {  	[dreg:$0x2] =	wrdreg s24  }
0xb5: {  	[dreg:$0x3] =	wrdreg s16  }
0xb6: {  	[dreg:$0x4] =	wrdreg $0xC3000  }
0xb7: {  	[dreg:$0x5] =	wrdreg $0x9  }
0xb8: {  	_ =	task.clear_ibuf [dreg:s7], $0x6FFFF;
	_ =	strace $0x9000004F  }
0xb9: {  	s29 =	simm.s32 $0x9;
	_ =	strace $0x80000051  }
0xba: {  	_ =	swait.ge [sflag:s29], $0x1  }
0xbb: {  	[sflag:s29] =	ssyncadd.s32 $0xFFFFFFFF  }
0xbc: {  	_ =	strace $0x90000051  }
0xbd: {  	_ =	sfence  }
0xbe: {  	s30 =	sld [smem:$0x0];
	_ =	sdelay $0x2  }
0xbf: {  	s31 =	sshll.u32 s1, $0xD;
	s1 =	sshrl.u32 s1, $0x2  }
0xc0: {  	s3 =	sand.u32 $0x4000, s31;
	s1 =	sadd.s32 s1, s30  }
0xc1: {  	s0 =	sor.u32 s3, s0;
	s1 =	sshll.u32 s1, $0x11  }
0xc2: {  	s0 =	sor.u32 s1, s0  }
0xc3: {  	s0 =	sadd.s32 $0x8F2B, s0  }
0xc4: {  	[sflag:s0] =	ssyncadd.remote.s32 $0x1  }
0xc5: {  	_ =	sfence.sel $0xFFFF  }
0xc6: {  	[dreg:$0x0] =	wrdreg $0xFFFFFFFF;
	(pc) =	sbr.abs _section_cstart, $3  }
0xc7: {  	[dreg:$0x1] =	wrdreg $0xFFFFFFFF  }
0xc8: {  	_ =	task.clear_ibuf [dreg:s7], $0x2FFFF;
	_ =	strace $0x9FFFFFFF  }
0xc9: {  	(tm) =	ssettm $0x7FFFFFFF  }
tec
execute0_lowered:
.L_overlay_start_1:
0x0: {  	(tag) =	ssettag $0x1  }
0x1: {  	s1 =	rddreg [dreg:$0x0]  }
0x2: {  	s12 =	rddreg [dreg:$0x1]  }
0x3: {  	s0 =	simm.s32 $0x0;
	s2 =	srdreg.scid;
	s29 =	simm.s32 $0x300  }
0x4: {  	s31 =	simm.s32 $0x4300;
	[smem:$0x7FF] =	sst s0;
	s4 =	sand.u32 $0x1, s2  }
0x5: {  	s30 =	simm.s32 $0x8;
	s2 =	stileid.u32;
	s14 =	smul.u32 $0x138800, s4  }
0x6: {  	s6 =	sadd.s32 $0x2C5000, s1;
	s15 =	sor.u32 $0x10, s2;
	s16 =	smul.u32 $0x2800, s2  }
0x7: {  	s13 =	sadd.s32 $0x5C00, s1;
	s7 =	sor.u32 $0x20, s2;
	s17 =	smul.u32 $0x2800, s15  }
0x8: {  	s24 =	ssub.s32 $0x2, s4;
	s8 =	sor.u32 $0x30, s2;
	s18 =	smul.u32 $0x2800, s7  }
0x9: {  	s25 =	sshll.u32 s2, $0x1;
	s9 =	sor.u32 $0x40, s2;
	s19 =	smul.u32 $0x2800, s8  }
0xa: {  	s10 =	sor.u32 $0x50, s2;
	s11 =	sor.u32 $0x60, s2;
	s20 =	smul.u32 $0x2800, s9  }
0xb: {  	p0 =	sne.s32 s2, $0x0;
	p1 =	sgt.u32 s2, $0xC;
	s21 =	smul.u32 $0x2800, s10  }
0xc: {  	s3 =	sshrl.u32 s24, $0x1;
	s1 =	sor.u32 s4, s25;
	s23 =	smul.u32 $0x2800, s11  }
0xd: {  	s8 =	smul.u32 $0xA000, s8;
	s3 =	ssub.s32 s24, s3;
	s5 =	sshll.u32 s1, $0x5  }
0xe: {  	s22 =	sor.u32 $0x20, s1;
	s16 =	sadd.s32 s14, s16;
	s28 =	sor.u32 $0x80, s1  }
0xf: {  	s5 =	sadd.s32 s12, s5;
	s17 =	sadd.s32 s14, s17;
	s18 =	sadd.s32 s14, s18  }
0x10: {  	s19 =	sadd.s32 s14, s19;
	s20 =	sadd.s32 s14, s20;
	s21 =	sadd.s32 s14, s21  }
0x11: {  	s23 =	sadd.s32 s14, s23;
	s16 =	sshrl.u32 s16, $0x3;
	s3 =	smax.u32 s3, $0x1  }
0x12: {  	[dreg:$0x6] =	wrdreg s5;
	s5 =	sor.u32 $0x70, s2;
	s17 =	sshrl.u32 s17, $0x3  }
0x13: {  	s16 =	sadd.s32 s13, s16;
	s25 =	sshrl.u32 s23, $0x3;
	s23 =	smul.u32 $0xA000, s15  }
0x14: {  	s21 =	sshrl.u32 s21, $0x3;
	s15 =	smul.u32 $0xA000, s9;
	s9 =	simm.s32 $0x8300  }
0x15: {  	s24 =	smul.u32 $0x2800, s5;
	[dreg:$0x7] =	wrdreg s16;
	s26 =	sadd.s32 s13, s17  }
0x16: {  	s17 =	sshrl.u32 s18, $0x3;
	s18 =	sshrl.u32 s19, $0x3;
	s19 =	sshrl.u32 s20, $0x3  }
0x17: {  	p2 =	sgt.u32 s5, $0x7C;
	s5 =	smul.u32 $0xA000, s5;
	[dreg:$0x8] =	wrdreg s26  }
0x18: {  	s16 =	sadd.s32 s13, s17;
	s20 =	sadd.s32 s13, s19;
	s26 =	sshll.u32 s2, $0x6  }
0x19: {  	s17 =	sshll.u32 s1, $0xB;
	s1 =	simm.s32 $0x1;
	[dreg:$0x9] =	wrdreg s16  }
0x1a: {  	s14 =	sadd.s32 s14, s24;
	s24 =	sshll.u32 s22, $0x5;
	[dreg:$0xb] =	wrdreg s20  }
0x1b: {  	s16 =	sadd.s32 s13, s18;
	[dreg:$0xf] =	wrdreg s26;
	s18 =	sshll.u32 s4, $0x5  }
0x1c: {  	s19 =	sadd.s32 s6, s17;
	s20 =	sshll.u32 s22, $0xB;
	s22 =	simm.s32 $0x200  }
0x1d: {  	s4 =	sshll.u32 s4, $0xB;
	[dreg:$0xa] =	wrdreg s16;
	s16 =	sadd.s32 s13, s21  }
0x1e: {  	s14 =	sshrl.u32 s14, $0x3;
	[dreg:$0xc] =	wrdreg s16;
	s16 =	sadd.s32 s13, s25  }
0x1f: {  	s21 =	sshll.u32 s2, $0xC;
	s13 =	sadd.s32 s13, s14;
	[dreg:$0xd] =	wrdreg s16  }
0x20: {  	s25 =	smul.u32 $0xA000, s2;
	[dreg:$0xe] =	wrdreg s13;
	s16 =	sadd.s32 s12, s24  }
0x21: {  	s12 =	sadd.s32 s26, s12;
	s13 =	rddreg [dreg:$0x2];
	s24 =	simm.s32 $0x180  }
0x22: {  	s26 =	smul.u32 $0xA000, s7;
	[dreg:$0x10] =	wrdreg s16;
	s14 =	sadd.s32 s18, s12  }
0x23: {  	s12 =	sadd.s32 s6, s20;
	_ =	strace $0x80000050;
	[dreg:$0x11] =	wrdreg s19  }
0x24: {  	s6 =	sadd.s32 s21, s6;
	s7 =	sshrl.u32 s25, $0x2;
	[dreg:$0x12] =	wrdreg s12  }
0x25: {  	s16 =	smul.u32 $0xA000, s10;
	s20 =	sshrl.u32 s8, $0x2;
	[dreg:$0x4] =	wrdreg s22  }
0x26: {  	s21 =	smul.u32 $0xA000, s11;
	s8 =	simm.s32 $0x7;
	[dreg:$0x5] =	wrdreg s24  }
0x27: {  	s10 =	simm.s32 $0x0;
	s4 =	sadd.s32 s4, s6;
	[dreg:$0x13] =	wrdreg s3  }
0x28: {  	s17 =	sadd.s32 s7, s13;
	s12 =	sshrl.u32 s23, $0x2;
	s2 =	sshrl.u32 s26, $0x2  }
0x29: {  	s7 =	sshrl.u32 s15, $0x2;
	s20 =	sadd.s32 s20, s13;
	s24 =	sshrl.u32 s5, $0x2  }
0x2a: {  	s3 =	simm.s32 $0x2;
	s5 =	simm.s32 $0x3;
	s6 =	simm.s32 $0x280  }
0x2b: {  	s18 =	sadd.s32 s12, s13;
	s19 =	sadd.s32 s2, s13;
	s26 =	sadd.s32 s7, s13  }
0x2c: {  	s22 =	sshrl.u32 s16, $0x2;
	s23 =	sshrl.u32 s21, $0x2;
	s25 =	sadd.s32 s24, s13  }
0x2d: {  	s16 =	sadd.s32 $0x40000, s4;
	s2 =	sadd.s32 s22, s13;
	[dreg:$0x16] =	wrdreg s25  }
0x2e: {  	s4 =	simm.s32 $0x4;
	[dreg:$0x14] =	wrdreg s2;
	s2 =	sadd.s32 s23, s13  }
0x2f: {  	v0 =	vimm.f32 $0.0e+00;
	s7 =	simm.s32 $0x5;
	[dreg:$0x15] =	wrdreg s2;
	s2 =	simm.s32 $0x80  }
.LBB2_1:
0x30: {  	s11 =	rddreg [dreg:$0x6]  }
0x31: {  	[tilespmem:s0], [sflag:$0x1] =	stream.linear.gather [hbm4b:s11+s0], $0x100, $0x38;
	[tilespmem:$0x1FB80] =	vst v63  }
0x32: {  	s23 =	rddreg [dreg:$0x11]  }
0x33: {  	[tilespmem:s29], [sflag:$0x1] =	stream.linear.gather [hbm4b:s23+s0], $0x4000, $0x38;
	[tilespmem:$0x1FB80] =	vst v63  }
0x34: {  	s24 =	rddreg [dreg:$0x10];
	s12 =	simm.s32 $0x100  }
0x35: {  	[tilespmem:s12], [sflag:$0x2] =	stream.linear.gather [hbm4b:s24+s0], $0x100, $0x38;
	[tilespmem:$0x1FB80] =	vst v63  }
0x36: {  	s25 =	rddreg [dreg:$0x12];
	s11 =	simm.s32 $0x0;
	s12 =	simm.s32 $0x200  }
0x37: {  	[tilespmem:s31], [sflag:$0x2] =	stream.linear.gather [hbm4b:s25+s0], $0x4000, $0x38;
	[tilespmem:$0x1FB80] =	vst v63  }
.LBB2_2:
0x38: {  	p3 =	sne.s32 s12, $0x9E00;
	[tilespmem:s11+$0x8370] =	vst v0  }
0x39: {  	[tilespmem:s11+$0x8300] =	vst v0  }
0x3a: {  	[tilespmem:s11+$0x8310] =	vst v0  }
.Ltmp0:
0x3b: {  	[tilespmem:s11+$0x8320] =	vst v0;
	(pc) =	sbr.rel @p3 .LBB2_2-.Ltmp0, $4  }
0x3c: {  	[tilespmem:s11+$0x8330] =	vst v0  }
0x3d: {  	[tilespmem:s11+$0x8340] =	vst v0  }
0x3e: {  	[tilespmem:s11+$0x8350] =	vst v0  }
0x3f: {  	[tilespmem:s11+$0x8360] =	vst v0;
	s11 =	sshra.s32 s12, $0x2;
	s12 =	sadd.s32 $0x200, s12  }
0x40: {  	[tilespmem:s11+$0x8370] =	vst v0  }
0x41: {  	[tilespmem:s11+$0x8300] =	vst v0  }
0x42: {  	[tilespmem:s11+$0x8310] =	vst v0  }
0x43: {  	[tilespmem:s11+$0x8320] =	vst v0  }
0x44: {  	[tilespmem:s11+$0x8330] =	vst v0  }
0x45: {  	[tilespmem:s11+$0x8340] =	vst v0  }
0x46: {  	[tilespmem:s11+$0x8350] =	vst v0  }
0x47: {  	[tilespmem:s11+$0x8360] =	vst v0  }
0x48: {  	[spmem:s17] =	stream.linear.scatter [tilespmem:s9], [sflag:$0x8], $0x2800, $0x38;
	[tilespmem:$0x1FB80] =	vst v63  }
0x49: {  	_ =	swait.ge [sflag:s30], $0x2800  }
0x4a: {  	[sflag:s30] =	ssyncset.done $0x0  }
0x4b: {  	[sflag:s30] =	ssyncadd.s32 $0xFFFFD800  }
0x4c: {  	[spmem:s18] =	stream.linear.scatter [tilespmem:s9], [sflag:$0x8], $0x2800, $0x38;
	[tilespmem:$0x1FB80] =	vst v63  }
0x4d: {  	_ =	swait.ge [sflag:s30], $0x2800  }
0x4e: {  	[sflag:s30] =	ssyncset.done $0x0  }
0x4f: {  	[sflag:s30] =	ssyncadd.s32 $0xFFFFD800  }
0x50: {  	[spmem:s19] =	stream.linear.scatter [tilespmem:s9], [sflag:$0x8], $0x2800, $0x38;
	[tilespmem:$0x1FB80] =	vst v63  }
0x51: {  	_ =	swait.ge [sflag:s30], $0x2800  }
0x52: {  	[sflag:s30] =	ssyncset.done $0x0  }
0x53: {  	[sflag:s30] =	ssyncadd.s32 $0xFFFFD800  }
0x54: {  	[spmem:s20] =	stream.linear.scatter [tilespmem:s9], [sflag:$0x8], $0x2800, $0x38;
	[tilespmem:$0x1FB80] =	vst v63  }
0x55: {  	_ =	swait.ge [sflag:s30], $0x2800  }
0x56: {  	[sflag:s30] =	ssyncset.done $0x0  }
0x57: {  	[sflag:s30] =	ssyncadd.s32 $0xFFFFD800  }
0x58: {  	[spmem:s26] =	stream.linear.scatter [tilespmem:s9], [sflag:$0x8], $0x2800, $0x38;
	[tilespmem:$0x1FB80] =	vst v63  }
0x59: {  	_ =	swait.ge [sflag:s30], $0x2800  }
0x5a: {  	[sflag:s30] =	ssyncset.done $0x0  }
0x5b: {  	s12 =	rddreg [dreg:$0x14];
	[sflag:s30] =	ssyncadd.s32 $0xFFFFD800  }
0x5c: {  	[spmem:s12] =	stream.linear.scatter [tilespmem:s9], [sflag:$0x8], $0x2800, $0x38;
	[tilespmem:$0x1FB80] =	vst v63  }
0x5d: {  	_ =	swait.ge [sflag:s30], $0x2800  }
0x5e: {  	[sflag:s30] =	ssyncset.done $0x0  }
0x5f: {  	s15 =	rddreg [dreg:$0x15];
	[sflag:s30] =	ssyncadd.s32 $0xFFFFD800  }
0x60: {  	[spmem:s15] =	stream.linear.scatter [tilespmem:s9], [sflag:$0x8], $0x2800, $0x38;
	[tilespmem:$0x1FB80] =	vst v63  }
0x61: {  	_ =	swait.ge [sflag:s30], $0x2800  }
0x62: {  	[sflag:s30] =	ssyncset.done $0x0  }
0x63: {  	s11 =	simm.s32 @!p2 $0x8300;
	s12 =	rddreg [dreg:$0x16];
	[sflag:s30] =	ssyncadd.s32 $0xFFFFD800  }
0x64: {  	[spmem:s12] =	stream.linear.scatter @!p2 [tilespmem:s11], [sflag:$0x8], $0x2800, $0x38;
	[tilespmem:$0x1FB80] =	vst v63  }
0x65: {  	s11 =	simm.s32 @!p2 $0x8  }
0x66: {  	_ =	swait.ge @!p2 [sflag:s11], $0x2800  }
0x67: {  	[sflag:s11] =	ssyncset.done @!p2 $0x0  }
0x68: {  	[sflag:s11] =	ssyncadd.s32 @!p2 $0xFFFFD800  }
0x69: {  	[bflag:$0x0] =	sbarrier.arrive $0xFFFF  }
0x6a: {  	_ =	swait.ge [sflag:s1], $0x100  }
0x6b: {  	[sflag:s1] =	ssyncset.done $0x0  }
0x6c: {  	[sflag:s1] =	ssyncadd.s32 $0xFFFFFF00  }
0x6d: {  	_ =	swait.ge [sflag:s1], $0x4000  }
0x6e: {  	p3 =	por $0x1, $0x1;
	[sflag:s1] =	ssyncset.done $0x0  }
0x6f: {  	s11 =	simm.s32 @!p3 $0x6;
	[sflag:s1] =	ssyncadd.s32 $0xFFFFC000  }
0x70: {  	[spmem:s13] =	stream.indirect.scatter.add.f32 [tilespmem:s29], [sflag:$0x4], $0x80, s2, s2, $0xb8;
	[tilespmem:$0x1FB80] =	vst v63  }
0x71: {  	s21 =	smov.u32 s17;
	_ =	swait.ge @!p3 [sflag:s11], $0x4000  }
0x72: {  	s22 =	smov.u32 s18;
	s15 =	sadd.s32 $0x0, s14;
	[sflag:s11] =	ssyncset.done @!p3 $0x0  }
0x73: {  	s18 =	sadd.s32 $0x800, s15;
	s17 =	rddreg [dreg:$0x4];
	[sflag:s11] =	ssyncadd.s32 @!p3 $0xFFFFC000  }
0x74: {  	[tilespmem:s17], [sflag:$0x3] =	stream.linear.gather [hbm4b:s18+s0], $0x100, $0x38;
	[tilespmem:$0x1FB80] =	vst v63  }
0x75: {  	s23 =	smov.u32 s19;
	s19 =	sadd.s32 $0xFFFE0000, s16  }
0x76: {  	[tilespmem:s9], [sflag:$0x3] =	stream.linear.gather [hbm4b:s19+s0], $0x4000, $0x38;
	[tilespmem:$0x1FB80] =	vst v63  }
0x77: {  	_ =	swait.ge [sflag:s3], $0x100  }
0x78: {  	[sflag:s3] =	ssyncset.done $0x0  }
0x79: {  	[sflag:s3] =	ssyncadd.s32 $0xFFFFFF00  }
0x7a: {  	_ =	swait.ge [sflag:s3], $0x4000  }
0x7b: {  	s24 =	smov.u32 s20;
	s25 =	smov.u32 s26;
	[sflag:s3] =	ssyncset.done $0x0  }
0x7c: {  	s26 =	sadd.s32 $0xFFFFFFE0, s28;
	s20 =	rddreg [dreg:$0x5];
	[sflag:s3] =	ssyncadd.s32 $0xFFFFC000  }
0x7d: {  	[spmem:s13] =	stream.indirect.scatter.add.f32 [tilespmem:s31], [sflag:$0x5], $0x80, s20, s2, $0xb8;
	[tilespmem:$0x1FB80] =	vst v63  }
0x7e: {  	p3 =	sgt.u32 s26, $0x4E1;
	_ =	swait.ge [sflag:s4], $0x4000  }
0x7f: {  	s11 =	sadd.s32 @!p3 $0x0, s14;
	[sflag:s4] =	ssyncset.done $0x0  }
0x80: {  	s12 =	simm.s32 @!p3 $0x0;
	s11 =	sadd.s32 @!p3 $0xC00, s11;
	[sflag:s4] =	ssyncadd.s32 $0xFFFFC000  }
0x81: {  	[tilespmem:s12], [sflag:$0x1] =	stream.linear.gather @!p3 [hbm4b:s11+s12], $0x100, $0x38;
	[tilespmem:$0x1FB80] =	vst v63  }
0x82: {  	s15 =	simm.s32 @!p3 $0x300;
	s11 =	sadd.s32 @!p3 $0xFFFF0000, s16  }
0x83: {  	[tilespmem:s15], [sflag:$0x1] =	stream.linear.gather @!p3 [hbm4b:s11+s12], $0x4000, $0x38;
	[tilespmem:$0x1FB80] =	vst v63  }
0x84: {  	_ =	swait.ge [sflag:s5], $0x100  }
0x85: {  	[sflag:s5] =	ssyncset.done $0x0  }
0x86: {  	[sflag:s5] =	ssyncadd.s32 $0xFFFFFF00  }
0x87: {  	_ =	swait.ge [sflag:s5], $0x4000  }
0x88: {  	[sflag:s5] =	ssyncset.done $0x0  }
0x89: {  	[sflag:s5] =	ssyncadd.s32 $0xFFFFC000  }
0x8a: {  	[spmem:s13] =	stream.indirect.scatter.add.f32 [tilespmem:s9], [sflag:$0x6], $0x80, s6, s2, $0xb8;
	[tilespmem:$0x1FB80] =	vst v63  }
0x8b: {  	p4 =	sgt.u32 s28, $0x4E1;
	s26 =	smov.u32 s16;
	_ =	swait.ge [sflag:s7], $0x4000  }
0x8c: {  	s18 =	simm.s32 @!p4 $0x0;
	s11 =	sadd.s32 @!p4 $0x0, s14;
	[sflag:s7] =	ssyncset.done $0x0  }
0x8d: {  	s12 =	simm.s32 @!p4 $0x100;
	s11 =	sadd.s32 @!p4 $0x1000, s11;
	[sflag:s7] =	ssyncadd.s32 $0xFFFFC000  }
0x8e: {  	[tilespmem:s12], [sflag:$0x2] =	stream.linear.gather @!p4 [hbm4b:s11+s18], $0x100, $0x38;
	[tilespmem:$0x1FB80] =	vst v63  }
0x8f: {  	s15 =	sadd.s32 $0x60, s28;
	s12 =	simm.s32 $0xC00;
	s11 =	smov.u32 s16  }
.LBB2_4:
0x90: {  	s19 =	simm.s32 @!p4 $0x4300  }
0x91: {  	[tilespmem:s19], [sflag:$0x2] =	stream.linear.gather @!p4 [hbm4b:s11+s18], $0x4000, $0x38;
	[tilespmem:$0x1FB80] =	vst v63  }
0x92: {  	_ =	swait.ge [sflag:s1], $0x100  }
0x93: {  	[sflag:s1] =	ssyncset.done $0x0  }
0x94: {  	[sflag:s1] =	ssyncadd.s32 $0xFFFFFF00  }
0x95: {  	s17 =	smov.u32 s12;
	_ =	swait.ge [sflag:s1], $0x4000  }
0x96: {  	p4 =	seq.s32 s17, $0x0;
	[sflag:s1] =	ssyncset.done $0x0  }
0x97: {  	s18 =	simm.s32 @!p4 $0x6;
	[sflag:s1] =	ssyncadd.s32 $0xFFFFC000  }
0x98: {  	[spmem:s13] =	stream.indirect.scatter.add.f32 [tilespmem:s29], [sflag:$0x4], $0x80, s2, s2, $0xb8;
	[tilespmem:$0x1FB80] =	vst v63  }
0x99: {  	_ =	swait.ge @!p4 [sflag:s18], $0x4000  }
0x9a: {  	s26 =	sadd.s32 $0x30000, s26;
	s19 =	sadd.s32 s17, s14;
	[sflag:s18] =	ssyncset.done @!p4 $0x0  }
0x9b: {  	s20 =	rddreg [dreg:$0x4];
	[sflag:s18] =	ssyncadd.s32 @!p4 $0xFFFFC000;
	s18 =	sadd.s32 $0x800, s19  }
0x9c: {  	[tilespmem:s20], [sflag:$0x3] =	stream.linear.gather [hbm4b:s18+s0], $0x100, $0x38;
	[tilespmem:$0x1FB80] =	vst v63  }
0x9d: {  	s19 =	sadd.s32 $0xFFFE0000, s26  }
0x9e: {  	[tilespmem:s9], [sflag:$0x3] =	stream.linear.gather [hbm4b:s19+s0], $0x4000, $0x38;
	[tilespmem:$0x1FB80] =	vst v63  }
0x9f: {  	_ =	swait.ge [sflag:s3], $0x100  }
0xa0: {  	[sflag:s3] =	ssyncset.done $0x0  }
0xa1: {  	[sflag:s3] =	ssyncadd.s32 $0xFFFFFF00  }
0xa2: {  	_ =	swait.ge [sflag:s3], $0x4000  }
0xa3: {  	[sflag:s3] =	ssyncset.done $0x0  }
0xa4: {  	s20 =	sadd.s32 $0xFFFFFFE0, s15;
	s19 =	rddreg [dreg:$0x5];
	[sflag:s3] =	ssyncadd.s32 $0xFFFFC000  }
0xa5: {  	[spmem:s13] =	stream.indirect.scatter.add.f32 [tilespmem:s31], [sflag:$0x5], $0x80, s19, s2, $0xb8;
	[tilespmem:$0x1FB80] =	vst v63  }
0xa6: {  	p4 =	sgt.u32 s20, $0x4E1;
	_ =	swait.ge [sflag:s4], $0x4000  }
0xa7: {  	s18 =	sadd.s32 @!p4 s17, s14;
	[sflag:s4] =	ssyncset.done $0x0  }
0xa8: {  	s18 =	sadd.s32 @!p4 $0xC00, s18;
	s19 =	simm.s32 @!p4 $0x0;
	[sflag:s4] =	ssyncadd.s32 $0xFFFFC000  }
0xa9: {  	[tilespmem:s19], [sflag:$0x1] =	stream.linear.gather @!p4 [hbm4b:s18+s19], $0x100, $0x38;
	[tilespmem:$0x1FB80] =	vst v63  }
0xaa: {  	s20 =	simm.s32 @!p4 $0x300;
	s18 =	sadd.s32 @!p4 $0xFFFF0000, s26  }
0xab: {  	[tilespmem:s20], [sflag:$0x1] =	stream.linear.gather @!p4 [hbm4b:s18+s19], $0x4000, $0x38;
	[tilespmem:$0x1FB80] =	vst v63  }
0xac: {  	_ =	swait.ge [sflag:s5], $0x100  }
0xad: {  	[sflag:s5] =	ssyncset.done $0x0  }
0xae: {  	[sflag:s5] =	ssyncadd.s32 $0xFFFFFF00  }
0xaf: {  	_ =	swait.ge [sflag:s5], $0x4000  }
0xb0: {  	s12 =	sadd.s32 $0xC00, s12;
	[sflag:s5] =	ssyncset.done $0x0  }
0xb1: {  	p3 =	sne.s32 s12, $0x9C00;
	[sflag:s5] =	ssyncadd.s32 $0xFFFFC000  }
0xb2: {  	[spmem:s13] =	stream.indirect.scatter.add.f32 [tilespmem:s9], [sflag:$0x6], $0x80, s6, s2, $0xb8;
	[tilespmem:$0x1FB80] =	vst v63  }
.Ltmp1:
0xb3: {  	s11 =	smov.u32 s26;
	(pc) =	sbr.rel @p3 .LBB2_4-.Ltmp1, $4  }
0xb4: {  	p4 =	sgt.u32 s15, $0x4E1;
	s15 =	sadd.s32 $0x60, s15;
	_ =	swait.ge [sflag:s7], $0x4000  }
0xb5: {  	s17 =	sadd.s32 @!p4 s17, s14;
	s19 =	simm.s32 @!p4 $0x100;
	[sflag:s7] =	ssyncset.done $0x0  }
0xb6: {  	s18 =	simm.s32 @!p4 $0x0;
	s17 =	sadd.s32 @!p4 $0x1000, s17;
	[sflag:s7] =	ssyncadd.s32 $0xFFFFC000  }
0xb7: {  	[tilespmem:s19], [sflag:$0x2] =	stream.linear.gather @!p4 [hbm4b:s17+s18], $0x100, $0x38;
	[tilespmem:$0x1FB80] =	vst v63  }
0xb8: {  	s12 =	simm.s32 @!p4 $0x4300  }
0xb9: {  	[tilespmem:s12], [sflag:$0x2] =	stream.linear.gather @!p4 [hbm4b:s11+s18], $0x4000, $0x38;
	[tilespmem:$0x1FB80] =	vst v63  }
0xba: {  	s11 =	simm.s32 @!p0 $0x1  }
0xbb: {  	_ =	swait.ge @!p0 [sflag:s11], $0x100  }
0xbc: {  	[sflag:s11] =	ssyncset.done @!p0 $0x0  }
0xbd: {  	[sflag:s11] =	ssyncadd.s32 @!p0 $0xFFFFFF00  }
0xbe: {  	_ =	swait.ge @!p0 [sflag:s11], $0x4000  }
0xbf: {  	[sflag:s11] =	ssyncset.done @!p0 $0x0  }
0xc0: {  	s12 =	simm.s32 @!p0 $0x300;
	[sflag:s11] =	ssyncadd.s32 @!p0 $0xFFFFC000;
	s11 =	simm.s32 @!p0 $0x80  }
0xc1: {  	[spmem:s13] =	stream.indirect.scatter.add.f32 @!p0 [tilespmem:s12], [sflag:$0x4], $0x80, s11, s11, $0xb8;
	[tilespmem:$0x1FB80] =	vst v63  }
0xc2: {  	s11 =	simm.s32 @!p0 $0x6  }
0xc3: {  	_ =	swait.ge @!p0 [sflag:s11], $0x4000  }
0xc4: {  	s12 =	simm.s32 @!p0 $0x4;
	[sflag:s11] =	ssyncset.done @!p0 $0x0  }
0xc5: {  	s12 =	simm.s32 @p0 $0x6;
	[sflag:s11] =	ssyncadd.s32 @!p0 $0xFFFFC000  }
0xc6: {  	_ =	swait.ge [sflag:s12], $0x4000  }
0xc7: {  	[sflag:s12] =	ssyncset.done $0x0  }
0xc8: {  	[sflag:s12] =	ssyncadd.s32 $0xFFFFC000  }
0xc9: {  	[bflag:$0x0] =	sbarrier.arrive $0xFFFF  }
0xca: {  	s19 =	rddreg [dreg:$0xf]  }
0xcb: {  	s20 =	sshrl.u32 s21, $0x3;
	s15 =	rddreg [dreg:$0x7];
	s11 =	sor.u32 $0x1C07, s19  }
0xcc: {  	[hbm:s15], [sflag:s11] =	dma.local [spmem:s20], $0x500  }
0xcd: {  	s17 =	smov.u32 s21;
	s21 =	sshrl.u32 s22, $0x3;
	s15 =	rddreg [dreg:$0x8]  }
0xce: {  	[hbm:s15], [sflag:s11] =	dma.local [spmem:s21], $0x500  }
0xcf: {  	s18 =	smov.u32 s22;
	s22 =	sshrl.u32 s23, $0x3;
	s15 =	rddreg [dreg:$0x9]  }
0xd0: {  	[hbm:s15], [sflag:s11] =	dma.local [spmem:s22], $0x500  }
0xd1: {  	s19 =	smov.u32 s23;
	s23 =	sshrl.u32 s24, $0x3;
	s15 =	rddreg [dreg:$0xa]  }
0xd2: {  	[hbm:s15], [sflag:s11] =	dma.local [spmem:s23], $0x500  }
0xd3: {  	s20 =	smov.u32 s24;
	s24 =	sshrl.u32 s25, $0x3;
	s15 =	rddreg [dreg:$0xb]  }
0xd4: {  	[hbm:s15], [sflag:s11] =	dma.local [spmem:s24], $0x500  }
0xd5: {  	s12 =	rddreg [dreg:$0x14]  }
0xd6: {  	s15 =	rddreg [dreg:$0xc];
	s12 =	sshrl.u32 s12, $0x3  }
0xd7: {  	[hbm:s15], [sflag:s11] =	dma.local [spmem:s12], $0x500  }
0xd8: {  	s12 =	rddreg [dreg:$0x15]  }
0xd9: {  	s15 =	rddreg [dreg:$0xd];
	s12 =	sshrl.u32 s12, $0x3  }
0xda: {  	[hbm:s15], [sflag:s11] =	dma.local [spmem:s12], $0x500  }
0xdb: {  	s12 =	rddreg [dreg:$0x16]  }
0xdc: {  	s15 =	rddreg [dreg:$0xe];
	s12 =	sshrl.u32 @!p2 s12, $0x3  }
0xdd: {  	[hbm:s15], [sflag:s11] =	dma.local @!p2 [spmem:s12], $0x500  }
0xde: {  	_ =	swait.ge [sflag:s8], $0x500  }
0xdf: {  	[sflag:s8] =	ssyncset.done $0x0  }
0xe0: {  	[sflag:s8] =	ssyncadd.s32 $0xFFFFFB00  }
0xe1: {  	_ =	swait.ge [sflag:s8], $0x500  }
0xe2: {  	[sflag:s8] =	ssyncset.done $0x0  }
0xe3: {  	[sflag:s8] =	ssyncadd.s32 $0xFFFFFB00  }
0xe4: {  	_ =	swait.ge [sflag:s8], $0x500  }
0xe5: {  	[sflag:s8] =	ssyncset.done $0x0  }
0xe6: {  	[sflag:s8] =	ssyncadd.s32 $0xFFFFFB00  }
0xe7: {  	_ =	swait.ge [sflag:s8], $0x500  }
0xe8: {  	[sflag:s8] =	ssyncset.done $0x0  }
0xe9: {  	[sflag:s8] =	ssyncadd.s32 $0xFFFFFB00  }
0xea: {  	_ =	swait.ge [sflag:s8], $0x500  }
0xeb: {  	[sflag:s8] =	ssyncset.done $0x0  }
0xec: {  	[sflag:s8] =	ssyncadd.s32 $0xFFFFFB00  }
0xed: {  	_ =	swait.ge [sflag:s8], $0x500  }
0xee: {  	[sflag:s8] =	ssyncset.done $0x0  }
0xef: {  	[sflag:s8] =	ssyncadd.s32 $0xFFFFFB00  }
0xf0: {  	_ =	swait.ge [sflag:s8], $0x500  }
0xf1: {  	[sflag:s8] =	ssyncset.done $0x0  }
0xf2: {  	s11 =	simm.s32 @!p1 $0x7;
	[sflag:s8] =	ssyncadd.s32 $0xFFFFFB00  }
0xf3: {  	_ =	swait.ge @!p1 [sflag:s11], $0x500  }
0xf4: {  	s26 =	smov.u32 s25;
	s10 =	sadd.s32 $0x1, s10;
	s25 =	rddreg [dreg:$0x13]  }
0xf5: {  	p3 =	sne.s32 s10, s25  }
.Ltmp2:
0xf6: {  	_ = 	snop;
	(pc) =	sbr.rel @p3 .LBB2_1-.Ltmp2, $3  }
0xf7: {  	_ =	sdelay $0x1  }
0xf8: {  	[sflag:s11] =	ssyncset.done @!p1 $0x0  }
0xf9: {  	[sflag:s11] =	ssyncadd.s32 @!p1 $0xFFFFFB00  }
0xfa: {  	_ =	sfence.sel $0x180000  }
0xfb: {  	[bflag:$0x0] =	sbarrier.arrive $0xFFFF  }
0xfc: {  	_ =	strace $0x90000050  }
0xfd: {  	[bflag:$0x2] =	sbarrier.arrive $0xFFFF  }
0xfe: {  	s0 =	rddreg [dreg:$0x3]  }
0xff: {  	s0 =	sadd.s32 @!p0 $0x100000, s0  }
0x100: {  	[sflag:s0] =	ssyncadd.tile.s32 @!p0 $0x1;
	_ =	shalt  }
.Lfunc_end2:
_tile_overlayer_lowered:
.L_overlay_start_2:
0x101: {  	(tag) =	ssettag $0x2  }
0x102: {  	s0 =	rddreg [dreg:$0x0];
	s2 =	stileid.u32  }
0x103: {  	s1 =	rddreg [dreg:$0x1];
	p0 =	sne.s32 s2, $0x0  }
0x104: {  	s3 =	rddreg [dreg:$0x2];
	[bflag:$0x3] =	sbarrier.arrive $0xFFFF;
	s2 =	simm.s32 @!p0 $0x1C08  }
0x105: {  	[timem:s3], [sflag:s2] =	dma.local @!p0 [hbm:s0], s1  }
0x106: {  	s0 =	simm.s32 @!p0 $0x8  }
0x107: {  	_ =	swait.ge @!p0 [sflag:s0], s1  }
0x108: {  	s1 =	ssub.s32 @!p0 $0x0, s1;
	[sflag:s0] =	ssyncset.done @!p0 $0x0  }
0x109: {  	[sflag:s0] =	ssyncadd.s32 @!p0 s1  }
0x10a: {  	[bflag:$0x3] =	sbarrier.arrive $0xFFFF  }
0x10b: {  	_ =	shalt  }

</sc_bundles>
